<compile_context>
chip_gen: v7x
topology: tpu7x:2x2x1
jax: 0.10.2.dev20260603
libtpu: 0.0.44.dev20260713+nightly
codegen_flags: <defaults>
</compile_context>

<pallas_src>
import functools

import jax
import jax.numpy as jnp
from jax import lax
from jax.experimental import pallas as pl
from jax.experimental.pallas import tpu as pltpu
from jax.experimental.pallas import tpu_sc as plsc

D_MODEL = 768
LANES = 16
NVEC = D_MODEL // LANES
N_WORKERS = 32
CHUNK = 16
NBUF = 4


def _rsqrt(x):
    xi = lax.bitcast_convert_type(x, jnp.int32)
    yi = jnp.full((LANES,), 0x5F3759DF, jnp.int32) - (xi >> 1)
    y = lax.bitcast_convert_type(yi, jnp.float32)
    for _ in range(3):
        y = y * (1.5 - 0.5 * x * y * y)
    return y


_GATHER_DNUMS = lax.GatherDimensionNumbers(
    offset_dims=(), collapsed_slice_dims=(0,), start_index_map=(0,))


def _permute(v, idx):
    return lax.gather(v, idx[:, None], _GATHER_DNUMS, slice_sizes=(1,),
                      mode=lax.GatherScatterMode.PROMISE_IN_BOUNDS)


def _lane_sum(v, perms):
    for idx in perms:
        v = v + _permute(v, idx)
    return v


def _make_sc_kernel(batch, seq):
    n_tokens = batch * seq
    sblock = seq // N_WORKERS
    nq = sblock // CHUNK
    mesh = plsc.VectorSubcoreMesh(core_axis_name="c", subcore_axis_name="s")

    @functools.partial(
        pl.kernel,
        mesh=mesh,
        out_type=jax.ShapeDtypeStruct((n_tokens, D_MODEL), jnp.float32),
        scratch_types=[
            pltpu.VMEM((batch, nq, CHUNK), jnp.int32),
            pltpu.VMEM((NBUF, CHUNK, D_MODEL), jnp.float32),
            pltpu.VMEM((sblock, D_MODEL), jnp.float32),
            pltpu.VMEM((D_MODEL,), jnp.float32),
            pltpu.VMEM((D_MODEL,), jnp.float32),
            pltpu.VMEM((CHUNK, LANES), jnp.float32),
            pltpu.VMEM((CHUNK, LANES), jnp.float32),
            pltpu.SemaphoreType.DMA((NBUF,)),
            pltpu.SemaphoreType.DMA((NBUF,)),
            pltpu.SemaphoreType.DMA,
        ],
    )
    def k(ids_hbm, w_hbm, pos_hbm, gamma_hbm, beta_hbm, out_hbm,
          idx_v, rows_v, pos_v, g_v, b_v, mean_v, inv_v, sg, so, sp):
        nc = 2
        wid = lax.axis_index("s") * nc + lax.axis_index("c")
        sbase = wid * sblock

        pltpu.sync_copy(ids_hbm.at[wid], idx_v)

        def gather(b, q, buf):
            return pltpu.async_copy(
                w_hbm.at[idx_v.at[b, q]], rows_v.at[buf], sg.at[buf])

        def out_copy(b, q, buf):
            tok = b * seq + sbase + q * CHUNK
            return pltpu.async_copy(
                rows_v.at[buf], out_hbm.at[pl.ds(tok, CHUNK)], so.at[buf])

        perms = [lax.iota(jnp.int32, LANES) ^ s for s in (8, 4, 2, 1)]

        def make_stats_body(buf, poff):
            def stats_body(r):
                def sum_range(lo, hi):
                    if hi - lo == 1:
                        sl = pl.ds(lo * LANES, LANES)
                        e = rows_v[buf, r, sl] + pos_v[poff + r, sl]
                        rows_v[buf, r, sl] = e
                        return e, e * e
                    mid = (lo + hi) // 2
                    a1, a2 = sum_range(lo, mid)
                    b1, b2 = sum_range(mid, hi)
                    return a1 + b1, a2 + b2

                BLK = 8
                s1, s2 = sum_range(0, BLK)
                for blk in range(1, NVEC // BLK):
                    t1, t2 = sum_range(blk * BLK, (blk + 1) * BLK)
                    s1 = s1 + t1
                    s2 = s2 + t2
                mean = _lane_sum(s1, perms) * (1.0 / D_MODEL)
                m2 = _lane_sum(s2, perms) * (1.0 / D_MODEL)
                var = jnp.maximum(m2 - mean * mean, 0.0)
                mean_v[r, :] = mean
                inv_v[r, :] = _rsqrt(var + 1e-12)
            return stats_body

        NJB = 4
        jblk = NVEC // NJB

        def make_norm_body(buf, jb, gregs, bregs):
            def norm_body(r):
                mean = mean_v[r, :]
                inv = inv_v[r, :]
                for j in range(jblk):
                    sl = pl.ds((jb * jblk + j) * LANES, LANES)
                    e = rows_v[buf, r, sl]
                    rows_v[buf, r, sl] = (e - mean) * inv * gregs[j] + bregs[j]
            return norm_body

        def compute(buf, poff):
            plsc.parallel_loop(0, CHUNK, unroll=2)(make_stats_body(buf, poff))
            for jb in range(NJB):
                gregs = [g_v[pl.ds((jb * jblk + j) * LANES, LANES)]
                         for j in range(jblk)]
                bregs = [b_v[pl.ds((jb * jblk + j) * LANES, LANES)]
                         for j in range(jblk)]
                plsc.parallel_loop(0, CHUNK, unroll=1)(
                    make_norm_body(buf, jb, gregs, bregs))

        n_chunks = batch * nq

        gather(0, 0, 0)
        gather(0, 1, 1)
        half = sblock // 2
        pltpu.async_copy(pos_hbm.at[pl.ds(sbase + half, half)],
                         pos_v.at[pl.ds(half, half)], sp)
        pltpu.sync_copy(pos_hbm.at[pl.ds(sbase, half)],
                        pos_v.at[pl.ds(0, half)])
        pltpu.sync_copy(gamma_hbm, g_v)
        pltpu.sync_copy(beta_hbm, b_v)

        DIST = 2

        def chunk_body(p, _):
            b = p // nq
            q = p % nq
            buf = p % NBUF
            pltpu.make_async_copy(
                w_hbm.at[idx_v.at[b, q]], rows_v.at[buf], sg.at[buf]).wait()

            @pl.when(p == nq // 2)
            def _():
                half = sblock // 2
                pltpu.make_async_copy(
                    pos_hbm.at[pl.ds(sbase + half, half)],
                    pos_v.at[pl.ds(half, half)], sp).wait()
            compute(buf, q * CHUNK)
            out_copy(b, q, buf)

            p2 = p + DIST
            b2 = p2 // nq
            q2 = p2 % nq
            buf2 = p2 % NBUF

            @pl.when(jnp.logical_and(p2 < n_chunks, p >= NBUF - DIST))
            def _():
                pltpu.make_async_copy(
                    rows_v.at[buf2],
                    out_hbm.at[pl.ds(q2 * CHUNK, CHUNK)],
                    so.at[buf2]).wait()
                gather(b2, q2, buf2)

            @pl.when(jnp.logical_and(p2 < n_chunks, p < NBUF - DIST))
            def _():
                gather(b2, q2, buf2)
            return 0

        lax.fori_loop(0, n_chunks, chunk_body, 0)
        for k in range(NBUF):
            pltpu.make_async_copy(
                rows_v.at[k],
                out_hbm.at[pl.ds(0, CHUNK)], so.at[k]).wait()

    return k


@jax.jit
def kernel(input_ids, W, pos, gamma, beta):
    batch, seq = input_ids.shape
    sblock = seq // N_WORKERS
    nq = sblock // CHUNK
    ids = input_ids.reshape(batch, N_WORKERS, nq, CHUNK)
    ids = ids.transpose(1, 0, 2, 3).astype(jnp.int32)
    sc = _make_sc_kernel(batch, seq)
    out = sc(ids, W, pos[0, :seq], gamma, beta)
    return out.reshape(batch, seq, D_MODEL)

# --- scband reference (transcript-rebuilt; emitter-appended) ---
"""Pipeline reference for scband-embeddings-43550968381743 (READ-ONLY COPY).

The authoritative reference and input builder live on the scoring server;
editing this copy changes nothing except your own understanding.
"""

import jax, jax.numpy as jnp
import numpy as np

VOCAB = 100000
D_MODEL = 768
MAX_LEN = 2048
BATCH = 4
SEQ = 2048

def setup_inputs(seed: int = 0) -> dict:
    key = jax.random.key(seed)
    k1, k2, k3 = jax.random.split(key, 3)
    input_ids = jax.random.randint(k1, (BATCH, SEQ), 0, VOCAB)
    W = jax.random.normal(k2, (VOCAB, D_MODEL), dtype=jnp.float32) * 0.02
    # padding_idx=1: torch zeros this row
    W = W.at[1].set(0.0)
    pos = 0.02 * jax.random.normal(k3, (1, MAX_LEN, D_MODEL), dtype=jnp.float32)
    gamma = jnp.ones((D_MODEL,), dtype=jnp.float32)
    beta = jnp.zeros((D_MODEL,), dtype=jnp.float32)
    return {"input_ids": input_ids, "W": W, "pos": pos, "gamma": gamma, "beta": beta}

def reference(input_ids, W, pos, gamma, beta):
    seq_length = input_ids.shape[1]
    # word embedding lookup (gather)
    word_emb = jnp.take(W, input_ids, axis=0)
    # positional encoding (dropout=0 -> identity)
    emb = word_emb + pos[:, :seq_length]
    # LayerNorm eps=1e-12 (torch uses biased variance)
    mean = jnp.mean(emb, axis=-1, keepdims=True)
    var = jnp.mean((emb - mean) ** 2, axis=-1, keepdims=True)
    out = (emb - mean) / jnp.sqrt(var + 1e-12) * gamma + beta
    return out

if __name__ == "__main__":
    import jax
    _d = setup_inputs()
    print(jax.jit(kernel)(*tuple(_d.values())))

</pallas_src>

<mosaic_0001>
#map = affine_map<(d0, d1) -> (0, 0, 0, 0)>
#map1 = affine_map<(d0, d1) -> (0, 0)>
#map2 = affine_map<(d0, d1) -> (0)>
module attributes {stable_mosaic.version = 14 : i64} {
  func.func @k(%arg0: i32, %arg1: i32, %arg2: memref<32x4x4x16xi32, #tpu.memory_space<hbm>>, %arg3: memref<100000x768xf32, #tpu.memory_space<hbm>>, %arg4: memref<2048x768xf32, #tpu.memory_space<hbm>>, %arg5: memref<768xf32, #tpu.memory_space<hbm>>, %arg6: memref<768xf32, #tpu.memory_space<hbm>>, %arg7: memref<8192x768xf32, #tpu.memory_space<hbm>>, %arg8: memref<4x4x16xi32, #tpu.memory_space<vmem>>, %arg9: memref<4x16x768xf32, #tpu.memory_space<vmem>>, %arg10: memref<64x768xf32, #tpu.memory_space<vmem>>, %arg11: memref<768xf32, #tpu.memory_space<vmem>>, %arg12: memref<768xf32, #tpu.memory_space<vmem>>, %arg13: memref<16x16xf32, #tpu.memory_space<vmem>>, %arg14: memref<16x16xf32, #tpu.memory_space<vmem>>, %arg15: memref<4x!tpu.dma_semaphore, #tpu.memory_space<semaphore_mem>>, %arg16: memref<4x!tpu.dma_semaphore, #tpu.memory_space<semaphore_mem>>, %arg17: memref<!tpu.dma_semaphore, #tpu.memory_space<semaphore_mem>>) attributes {dimension_semantics = [#tpu.dimension_semantics<core_parallel>, #tpu.dimension_semantics<subcore_parallel>], iteration_bounds = array<i64: 2, 16>, scalar_prefetch = 0 : i64, scratch_operands = 10 : i64, tpu.core_type = #tpu.core_type<sc_vector_subcore>, window_params = [{transform_indices = #map}, {transform_indices = #map1}, {transform_indices = #map1}, {transform_indices = #map2}, {transform_indices = #map2}, {transform_indices = #map1}]} {
    %mul3A = arith.constant 2 : i32
    %mul3A_0 = arith.muli %arg1, %mul3A : i32
    %add3A = arith.addi %mul3A_0, %arg0 : i32
    %mul3A_1 = arith.constant 64 : i32
    %mul3A_2 = arith.muli %add3A, %mul3A_1 : i32
    "tpu.region"() ({
      %run_scoped3A = tpu.sem_alloc : memref<!tpu.dma_semaphore, #tpu.memory_space<semaphore_mem>>
      %dma_start3A_137 = arith.constant 0 : i32
      %dma_start3A_138 = arith.constant 0 : i32
      %dma_start3A_139 = arith.constant 0 : i32
      %dma_start3A_140 = tpu.memref_slice %arg2[%add3A, %dma_start3A_137, %dma_start3A_138, %dma_start3A_139] : memref<32x4x4x16xi32, #tpu.memory_space<hbm>> -> memref<1x4x4x16xi32, #tpu.memory_space<hbm>>
      %dma_start3A_141 = tpu.memref_squeeze %dma_start3A_140 : memref<1x4x4x16xi32, #tpu.memory_space<hbm>> -> memref<4x4x16xi32, #tpu.memory_space<hbm>>
      %dma_start3A_142 = arith.constant 0 : i32
      %dma_start3A_143 = arith.constant 0 : i32
      %dma_start3A_144 = arith.constant 0 : i32
      %dma_start3A_145 = tpu.memref_slice %arg2[%add3A, %dma_start3A_142, %dma_start3A_143, %dma_start3A_144] : memref<32x4x4x16xi32, #tpu.memory_space<hbm>> -> memref<1x4x4x16xi32, #tpu.memory_space<hbm>>
      %dma_start3A_146 = tpu.memref_squeeze %dma_start3A_145 : memref<1x4x4x16xi32, #tpu.memory_space<hbm>> -> memref<4x4x16xi32, #tpu.memory_space<hbm>>
      tpu.enqueue_dma source(%dma_start3A_146 : memref<4x4x16xi32, #tpu.memory_space<hbm>>) target(%arg8 : memref<4x4x16xi32, #tpu.memory_space<vmem>>) target_semaphore(%run_scoped3A : memref<!tpu.dma_semaphore, #tpu.memory_space<semaphore_mem>>)
      %dma_wait3A_147 = arith.constant 0 : i32
      %dma_wait3A_148 = arith.constant 0 : i32
      %dma_wait3A_149 = arith.constant 0 : i32
      %dma_wait3A_150 = tpu.memref_slice %arg2[%add3A, %dma_wait3A_147, %dma_wait3A_148, %dma_wait3A_149] : memref<32x4x4x16xi32, #tpu.memory_space<hbm>> -> memref<1x4x4x16xi32, #tpu.memory_space<hbm>>
      %dma_wait3A_151 = tpu.memref_squeeze %dma_wait3A_150 : memref<1x4x4x16xi32, #tpu.memory_space<hbm>> -> memref<4x4x16xi32, #tpu.memory_space<hbm>>
      %dma_wait3A_152 = arith.constant 0 : i32
      %dma_wait3A_153 = arith.constant 0 : i32
      %dma_wait3A_154 = arith.constant 0 : i32
      %dma_wait3A_155 = tpu.memref_slice %arg2[%add3A, %dma_wait3A_152, %dma_wait3A_153, %dma_wait3A_154] : memref<32x4x4x16xi32, #tpu.memory_space<hbm>> -> memref<1x4x4x16xi32, #tpu.memory_space<hbm>>
      %dma_wait3A_156 = tpu.memref_squeeze %dma_wait3A_155 : memref<1x4x4x16xi32, #tpu.memory_space<hbm>> -> memref<4x4x16xi32, #tpu.memory_space<hbm>>
      tpu.wait_dma2 semaphore(%run_scoped3A : memref<!tpu.dma_semaphore, #tpu.memory_space<semaphore_mem>>) src(%dma_wait3A_156 : memref<4x4x16xi32, #tpu.memory_space<hbm>>) dst(%arg8 : memref<4x4x16xi32, #tpu.memory_space<vmem>>)
      tpu.yield
    }) : () -> ()
    %iota3A = tpu.iota {dimensions = array<i32: 0>} : vector<16xi32>
    %xor3A = arith.constant 8 : i32
    %xor3A_3 = vector.broadcast %xor3A : i32 to vector<16xi32>
    %xor3A_4 = arith.xori %iota3A, %xor3A_3 : vector<16xi32>
    %iota3A_5 = tpu.iota {dimensions = array<i32: 0>} : vector<16xi32>
    %xor3A_6 = arith.constant 4 : i32
    %xor3A_7 = vector.broadcast %xor3A_6 : i32 to vector<16xi32>
    %xor3A_8 = arith.xori %iota3A_5, %xor3A_7 : vector<16xi32>
    %iota3A_9 = tpu.iota {dimensions = array<i32: 0>} : vector<16xi32>
    %xor3A_10 = arith.constant 2 : i32
    %xor3A_11 = vector.broadcast %xor3A_10 : i32 to vector<16xi32>
    %xor3A_12 = arith.xori %iota3A_9, %xor3A_11 : vector<16xi32>
    %iota3A_13 = tpu.iota {dimensions = array<i32: 0>} : vector<16xi32>
    %xor3A_14 = arith.constant 1 : i32
    %xor3A_15 = vector.broadcast %xor3A_14 : i32 to vector<16xi32>
    %xor3A_16 = arith.xori %iota3A_13, %xor3A_15 : vector<16xi32>
    %dma_start3A = arith.constant 0 : i32
    %dma_start3A_17 = arith.constant 0 : i32
    %dma_start3A_18 = arith.constant 0 : i32
    %dma_start3A_19 = arith.constant 0 : i32
    %dma_start3A_20 = arith.constant 0 : i32
    %dma_start3A_21 = arith.constant 0 : i32
    %dma_start3A_22 = tpu.memref_slice %arg9[%dma_start3A_18, %dma_start3A_20, %dma_start3A_21] : memref<4x16x768xf32, #tpu.memory_space<vmem>> -> memref<1x16x768xf32, #tpu.memory_space<vmem>>
    %dma_start3A_23 = tpu.memref_squeeze %dma_start3A_22 : memref<1x16x768xf32, #tpu.memory_space<vmem>> -> memref<16x768xf32, #tpu.memory_space<vmem>>
    %dma_start3A_24 = arith.constant 0 : i32
    %dma_start3A_25 = tpu.memref_slice %arg8[%dma_start3A, %dma_start3A_17, %dma_start3A_24] : memref<4x4x16xi32, #tpu.memory_space<vmem>> -> memref<1x1x16xi32, #tpu.memory_space<vmem>>
    %dma_start3A_26 = tpu.memref_squeeze %dma_start3A_25 : memref<1x1x16xi32, #tpu.memory_space<vmem>> -> memref<16xi32, #tpu.memory_space<vmem>>
    %dma_start3A_27 = arith.constant 0 : i32
    %dma_start3A_28 = arith.constant 0 : i32
    %dma_start3A_29 = tpu.memref_slice %arg3[%dma_start3A_27, %dma_start3A_28] : memref<100000x768xf32, #tpu.memory_space<hbm>> -> memref<100000x768xf32, #tpu.memory_space<hbm>>
    %dma_start3A_30 = tpu.memref_slice %arg15[%dma_start3A_19] : memref<4x!tpu.dma_semaphore, #tpu.memory_space<semaphore_mem>> -> memref<1x!tpu.dma_semaphore, #tpu.memory_space<semaphore_mem>>
    %dma_start3A_31 = tpu.memref_squeeze %dma_start3A_30 : memref<1x!tpu.dma_semaphore, #tpu.memory_space<semaphore_mem>> -> memref<!tpu.dma_semaphore, #tpu.memory_space<semaphore_mem>>
    tpu.enqueue_indirect_dma source(%dma_start3A_29 : memref<100000x768xf32, #tpu.memory_space<hbm>>) target(%dma_start3A_23 : memref<16x768xf32, #tpu.memory_space<vmem>>) offsets(%dma_start3A_26 : memref<16xi32, #tpu.memory_space<vmem>>) semaphore(%dma_start3A_31 : memref<!tpu.dma_semaphore, #tpu.memory_space<semaphore_mem>>)
    %dma_start3A_32 = arith.constant 0 : i32
    %dma_start3A_33 = arith.constant 1 : i32
    %dma_start3A_34 = arith.constant 1 : i32
    %dma_start3A_35 = arith.constant 1 : i32
    %dma_start3A_36 = arith.constant 0 : i32
    %dma_start3A_37 = arith.constant 0 : i32
    %dma_start3A_38 = tpu.memref_slice %arg9[%dma_start3A_34, %dma_start3A_36, %dma_start3A_37] : memref<4x16x768xf32, #tpu.memory_space<vmem>> -> memref<1x16x768xf32, #tpu.memory_space<vmem>>
    %dma_start3A_39 = tpu.memref_squeeze %dma_start3A_38 : memref<1x16x768xf32, #tpu.memory_space<vmem>> -> memref<16x768xf32, #tpu.memory_space<vmem>>
    %dma_start3A_40 = arith.constant 0 : i32
    %dma_start3A_41 = tpu.memref_slice %arg8[%dma_start3A_32, %dma_start3A_33, %dma_start3A_40] : memref<4x4x16xi32, #tpu.memory_space<vmem>> -> memref<1x1x16xi32, #tpu.memory_space<vmem>>
    %dma_start3A_42 = tpu.memref_squeeze %dma_start3A_41 : memref<1x1x16xi32, #tpu.memory_space<vmem>> -> memref<16xi32, #tpu.memory_space<vmem>>
    %dma_start3A_43 = arith.constant 0 : i32
    %dma_start3A_44 = arith.constant 0 : i32
    %dma_start3A_45 = tpu.memref_slice %arg3[%dma_start3A_43, %dma_start3A_44] : memref<100000x768xf32, #tpu.memory_space<hbm>> -> memref<100000x768xf32, #tpu.memory_space<hbm>>
    %dma_start3A_46 = tpu.memref_slice %arg15[%dma_start3A_35] : memref<4x!tpu.dma_semaphore, #tpu.memory_space<semaphore_mem>> -> memref<1x!tpu.dma_semaphore, #tpu.memory_space<semaphore_mem>>
    %dma_start3A_47 = tpu.memref_squeeze %dma_start3A_46 : memref<1x!tpu.dma_semaphore, #tpu.memory_space<semaphore_mem>> -> memref<!tpu.dma_semaphore, #tpu.memory_space<semaphore_mem>>
    tpu.enqueue_indirect_dma source(%dma_start3A_45 : memref<100000x768xf32, #tpu.memory_space<hbm>>) target(%dma_start3A_39 : memref<16x768xf32, #tpu.memory_space<vmem>>) offsets(%dma_start3A_42 : memref<16xi32, #tpu.memory_space<vmem>>) semaphore(%dma_start3A_47 : memref<!tpu.dma_semaphore, #tpu.memory_space<semaphore_mem>>)
    %add3A_48 = arith.constant 32 : i32
    %add3A_49 = arith.addi %mul3A_2, %add3A_48 : i32
    %dma_start3A_50 = arith.constant 32 : i32
    %dma_start3A_51 = arith.constant 0 : i32
    %dma_start3A_52 = tpu.memref_slice %arg10[%dma_start3A_50, %dma_start3A_51] : memref<64x768xf32, #tpu.memory_space<vmem>> -> memref<32x768xf32, #tpu.memory_space<vmem>>
    %dma_start3A_53 = arith.constant 0 : i32
    %dma_start3A_54 = tpu.memref_slice %arg4[%add3A_49, %dma_start3A_53] : memref<2048x768xf32, #tpu.memory_space<hbm>> -> memref<32x768xf32, #tpu.memory_space<hbm>>
    %dma_start3A_55 = arith.constant 32 : i32
    %dma_start3A_56 = arith.constant 0 : i32
    %dma_start3A_57 = tpu.memref_slice %arg10[%dma_start3A_55, %dma_start3A_56] : memref<64x768xf32, #tpu.memory_space<vmem>> -> memref<32x768xf32, #tpu.memory_space<vmem>>
    %dma_start3A_58 = arith.constant 0 : i32
    %dma_start3A_59 = tpu.memref_slice %arg4[%add3A_49, %dma_start3A_58] : memref<2048x768xf32, #tpu.memory_space<hbm>> -> memref<32x768xf32, #tpu.memory_space<hbm>>
    tpu.enqueue_dma source(%dma_start3A_59 : memref<32x768xf32, #tpu.memory_space<hbm>>) target(%dma_start3A_57 : memref<32x768xf32, #tpu.memory_space<vmem>>) target_semaphore(%arg17 : memref<!tpu.dma_semaphore, #tpu.memory_space<semaphore_mem>>)
    "tpu.region"() ({
      %run_scoped3A = tpu.sem_alloc : memref<!tpu.dma_semaphore, #tpu.memory_space<semaphore_mem>>
      %dma_start3A_137 = arith.constant 0 : i32
      %dma_start3A_138 = arith.constant 0 : i32
      %dma_start3A_139 = tpu.memref_slice %arg10[%dma_start3A_137, %dma_start3A_138] : memref<64x768xf32, #tpu.memory_space<vmem>> -> memref<32x768xf32, #tpu.memory_space<vmem>>
      %dma_start3A_140 = arith.constant 0 : i32
      %dma_start3A_141 = tpu.memref_slice %arg4[%mul3A_2, %dma_start3A_140] : memref<2048x768xf32, #tpu.memory_space<hbm>> -> memref<32x768xf32, #tpu.memory_space<hbm>>
      %dma_start3A_142 = arith.constant 0 : i32
      %dma_start3A_143 = arith.constant 0 : i32
      %dma_start3A_144 = tpu.memref_slice %arg10[%dma_start3A_142, %dma_start3A_143] : memref<64x768xf32, #tpu.memory_space<vmem>> -> memref<32x768xf32, #tpu.memory_space<vmem>>
      %dma_start3A_145 = arith.constant 0 : i32
      %dma_start3A_146 = tpu.memref_slice %arg4[%mul3A_2, %dma_start3A_145] : memref<2048x768xf32, #tpu.memory_space<hbm>> -> memref<32x768xf32, #tpu.memory_space<hbm>>
      tpu.enqueue_dma source(%dma_start3A_146 : memref<32x768xf32, #tpu.memory_space<hbm>>) target(%dma_start3A_144 : memref<32x768xf32, #tpu.memory_space<vmem>>) target_semaphore(%run_scoped3A : memref<!tpu.dma_semaphore, #tpu.memory_space<semaphore_mem>>)
      %dma_wait3A_147 = arith.constant 0 : i32
      %dma_wait3A_148 = arith.constant 0 : i32
      %dma_wait3A_149 = tpu.memref_slice %arg10[%dma_wait3A_147, %dma_wait3A_148] : memref<64x768xf32, #tpu.memory_space<vmem>> -> memref<32x768xf32, #tpu.memory_space<vmem>>
      %dma_wait3A_150 = arith.constant 0 : i32
      %dma_wait3A_151 = tpu.memref_slice %arg4[%mul3A_2, %dma_wait3A_150] : memref<2048x768xf32, #tpu.memory_space<hbm>> -> memref<32x768xf32, #tpu.memory_space<hbm>>
      %dma_wait3A_152 = arith.constant 0 : i32
      %dma_wait3A_153 = arith.constant 0 : i32
      %dma_wait3A_154 = tpu.memref_slice %arg10[%dma_wait3A_152, %dma_wait3A_153] : memref<64x768xf32, #tpu.memory_space<vmem>> -> memref<32x768xf32, #tpu.memory_space<vmem>>
      %dma_wait3A_155 = arith.constant 0 : i32
      %dma_wait3A_156 = tpu.memref_slice %arg4[%mul3A_2, %dma_wait3A_155] : memref<2048x768xf32, #tpu.memory_space<hbm>> -> memref<32x768xf32, #tpu.memory_space<hbm>>
      tpu.wait_dma2 semaphore(%run_scoped3A : memref<!tpu.dma_semaphore, #tpu.memory_space<semaphore_mem>>) src(%dma_wait3A_156 : memref<32x768xf32, #tpu.memory_space<hbm>>) dst(%dma_wait3A_154 : memref<32x768xf32, #tpu.memory_space<vmem>>)
      tpu.yield
    }) : () -> ()
    "tpu.region"() ({
      %run_scoped3A = tpu.sem_alloc : memref<!tpu.dma_semaphore, #tpu.memory_space<semaphore_mem>>
      tpu.enqueue_dma source(%arg5 : memref<768xf32, #tpu.memory_space<hbm>>) target(%arg11 : memref<768xf32, #tpu.memory_space<vmem>>) target_semaphore(%run_scoped3A : memref<!tpu.dma_semaphore, #tpu.memory_space<semaphore_mem>>)
      tpu.wait_dma2 semaphore(%run_scoped3A : memref<!tpu.dma_semaphore, #tpu.memory_space<semaphore_mem>>) src(%arg5 : memref<768xf32, #tpu.memory_space<hbm>>) dst(%arg11 : memref<768xf32, #tpu.memory_space<vmem>>)
      tpu.yield
    }) : () -> ()
    "tpu.region"() ({
      %run_scoped3A = tpu.sem_alloc : memref<!tpu.dma_semaphore, #tpu.memory_space<semaphore_mem>>
      tpu.enqueue_dma source(%arg6 : memref<768xf32, #tpu.memory_space<hbm>>) target(%arg12 : memref<768xf32, #tpu.memory_space<vmem>>) target_semaphore(%run_scoped3A : memref<!tpu.dma_semaphore, #tpu.memory_space<semaphore_mem>>)
      tpu.wait_dma2 semaphore(%run_scoped3A : memref<!tpu.dma_semaphore, #tpu.memory_space<semaphore_mem>>) src(%arg6 : memref<768xf32, #tpu.memory_space<hbm>>) dst(%arg12 : memref<768xf32, #tpu.memory_space<vmem>>)
      tpu.yield
    }) : () -> ()
    %scan3A = arith.constant 0 : i32
    %scan3A_60 = arith.constant 0 : i32
    %scan3A_61 = arith.constant 16 : i32
    %scan3A_62 = arith.addi %scan3A_60, %scan3A_61 : i32
    %scan3A_63 = arith.constant 1 : i32
    %scan3A_64 = scf.for %scan3A_137 = %scan3A_60 to %scan3A_62 step %scan3A_63 iter_args(%scan3A_138 = %scan3A) -> (i32)  : i32 {
      %jit3A = arith.constant 4 : i32
      %div3A = arith.divsi %scan3A_137, %jit3A : i32
      %sign3A = arith.constant 0 : i32
      %sign3A_139 = arith.cmpi sgt, %scan3A_137, %sign3A : i32
      %sign3A_140 = arith.extui %sign3A_139 : i1 to i32
      %sign3A_141 = arith.constant 0 : i32
      %sign3A_142 = arith.cmpi slt, %scan3A_137, %sign3A_141 : i32
      %sign3A_143 = arith.extui %sign3A_142 : i1 to i32
      %sign3A_144 = arith.subi %sign3A_140, %sign3A_143 : i32
      %sign3A_145 = arith.constant 0 : i32
      %sign3A_146 = arith.cmpi sgt, %jit3A, %sign3A_145 : i32
      %sign3A_147 = arith.extui %sign3A_146 : i1 to i32
      %sign3A_148 = arith.constant 0 : i32
      %sign3A_149 = arith.cmpi slt, %jit3A, %sign3A_148 : i32
      %sign3A_150 = arith.extui %sign3A_149 : i1 to i32
      %sign3A_151 = arith.subi %sign3A_147, %sign3A_150 : i32
      %ne3A = arith.cmpi ne, %sign3A_144, %sign3A_151 : i32
      %rem3A = arith.remsi %scan3A_137, %jit3A : i32
      %ne3A_152 = arith.constant 0 : i32
      %ne3A_153 = arith.cmpi ne, %rem3A, %ne3A_152 : i32
      %and3A = arith.andi %ne3A, %ne3A_153 : i1
      %sub3A = arith.constant 1 : i32
      %sub3A_154 = arith.subi %div3A, %sub3A : i32
      %select_n3A = arith.select %and3A, %sub3A_154, %div3A : i32
      %jit3A_155 = arith.constant 4 : i32
      %eq3A = arith.constant 0 : i32
      %eq3A_156 = arith.cmpi eq, %jit3A_155, %eq3A : i32
      %jit3A_157 = arith.constant 1 : i32
      %select_n3A_158 = arith.select %eq3A_156, %jit3A_157, %jit3A_155 : i32
      %rem3A_159 = arith.remsi %scan3A_137, %select_n3A_158 : i32
      %ne3A_160 = arith.constant 0 : i32
      %ne3A_161 = arith.cmpi ne, %rem3A_159, %ne3A_160 : i32
      %lt3A = arith.constant 0 : i32
      %lt3A_162 = arith.cmpi slt, %rem3A_159, %lt3A : i32
      %lt3A_163 = arith.constant 0 : i32
      %lt3A_164 = arith.cmpi slt, %select_n3A_158, %lt3A_163 : i32
      %ne3A_165 = arith.xori %lt3A_162, %lt3A_164 : i1
      %and3A_166 = arith.andi %ne3A_165, %ne3A_161 : i1
      %add3A_167 = arith.addi %rem3A_159, %select_n3A_158 : i32
      %select_n3A_168 = arith.select %and3A_166, %add3A_167, %rem3A_159 : i32
      %jit3A_169 = arith.constant 4 : i32
      %eq3A_170 = arith.constant 0 : i32
      %eq3A_171 = arith.cmpi eq, %jit3A_169, %eq3A_170 : i32
      %jit3A_172 = arith.constant 1 : i32
      %select_n3A_173 = arith.select %eq3A_171, %jit3A_172, %jit3A_169 : i32
      %rem3A_174 = arith.remsi %scan3A_137, %select_n3A_173 : i32
      %ne3A_175 = arith.constant 0 : i32
      %ne3A_176 = arith.cmpi ne, %rem3A_174, %ne3A_175 : i32
      %lt3A_177 = arith.constant 0 : i32
      %lt3A_178 = arith.cmpi slt, %rem3A_174, %lt3A_177 : i32
      %lt3A_179 = arith.constant 0 : i32
      %lt3A_180 = arith.cmpi slt, %select_n3A_173, %lt3A_179 : i32
      %ne3A_181 = arith.xori %lt3A_178, %lt3A_180 : i1
      %and3A_182 = arith.andi %ne3A_181, %ne3A_176 : i1
      %add3A_183 = arith.addi %rem3A_174, %select_n3A_173 : i32
      %select_n3A_184 = arith.select %and3A_182, %add3A_183, %rem3A_174 : i32
      %dma_wait3A_185 = arith.constant 0 : i32
      %dma_wait3A_186 = arith.constant 0 : i32
      %dma_wait3A_187 = tpu.memref_slice %arg9[%select_n3A_184, %dma_wait3A_185, %dma_wait3A_186] : memref<4x16x768xf32, #tpu.memory_space<vmem>> -> memref<1x16x768xf32, #tpu.memory_space<vmem>>
      %dma_wait3A_188 = tpu.memref_squeeze %dma_wait3A_187 : memref<1x16x768xf32, #tpu.memory_space<vmem>> -> memref<16x768xf32, #tpu.memory_space<vmem>>
      %dma_wait3A_189 = arith.constant 0 : i32
      %dma_wait3A_190 = tpu.memref_slice %arg8[%select_n3A, %select_n3A_168, %dma_wait3A_189] : memref<4x4x16xi32, #tpu.memory_space<vmem>> -> memref<1x1x16xi32, #tpu.memory_space<vmem>>
      %dma_wait3A_191 = tpu.memref_squeeze %dma_wait3A_190 : memref<1x1x16xi32, #tpu.memory_space<vmem>> -> memref<16xi32, #tpu.memory_space<vmem>>
      %dma_wait3A_192 = arith.constant 0 : i32
      %dma_wait3A_193 = arith.constant 0 : i32
      %dma_wait3A_194 = tpu.memref_slice %arg3[%dma_wait3A_192, %dma_wait3A_193] : memref<100000x768xf32, #tpu.memory_space<hbm>> -> memref<100000x768xf32, #tpu.memory_space<hbm>>
      %dma_wait3A_195 = tpu.memref_slice %arg15[%select_n3A_184] : memref<4x!tpu.dma_semaphore, #tpu.memory_space<semaphore_mem>> -> memref<1x!tpu.dma_semaphore, #tpu.memory_space<semaphore_mem>>
      %dma_wait3A_196 = tpu.memref_squeeze %dma_wait3A_195 : memref<1x!tpu.dma_semaphore, #tpu.memory_space<semaphore_mem>> -> memref<!tpu.dma_semaphore, #tpu.memory_space<semaphore_mem>>
      tpu.wait_indirect_dma semaphore(%dma_wait3A_196 : memref<!tpu.dma_semaphore, #tpu.memory_space<semaphore_mem>>) src(%dma_wait3A_194 : memref<100000x768xf32, #tpu.memory_space<hbm>>) dst(%dma_wait3A_188 : memref<16x768xf32, #tpu.memory_space<vmem>>)
      %eq3A_197 = arith.constant 2 : i32
      %eq3A_198 = arith.cmpi eq, %scan3A_137, %eq3A_197 : i32
      %convert_element_type3A = arith.extui %eq3A_198 : i1 to i32
      %cond3A = arith.constant 0 : i32
      %cond3A_199 = arith.cmpi ne, %convert_element_type3A, %cond3A : i32
      scf.if %cond3A_199 {
        %add3A_597 = arith.constant 32 : i32
        %add3A_598 = arith.addi %mul3A_2, %add3A_597 : i32
        %dma_wait3A_599 = arith.constant 32 : i32
        %dma_wait3A_600 = arith.constant 0 : i32
        %dma_wait3A_601 = tpu.memref_slice %arg10[%dma_wait3A_599, %dma_wait3A_600] : memref<64x768xf32, #tpu.memory_space<vmem>> -> memref<32x768xf32, #tpu.memory_space<vmem>>
        %dma_wait3A_602 = arith.constant 0 : i32
        %dma_wait3A_603 = tpu.memref_slice %arg4[%add3A_598, %dma_wait3A_602] : memref<2048x768xf32, #tpu.memory_space<hbm>> -> memref<32x768xf32, #tpu.memory_space<hbm>>
        %dma_wait3A_604 = arith.constant 32 : i32
        %dma_wait3A_605 = arith.constant 0 : i32
        %dma_wait3A_606 = tpu.memref_slice %arg10[%dma_wait3A_604, %dma_wait3A_605] : memref<64x768xf32, #tpu.memory_space<vmem>> -> memref<32x768xf32, #tpu.memory_space<vmem>>
        %dma_wait3A_607 = arith.constant 0 : i32
        %dma_wait3A_608 = tpu.memref_slice %arg4[%add3A_598, %dma_wait3A_607] : memref<2048x768xf32, #tpu.memory_space<hbm>> -> memref<32x768xf32, #tpu.memory_space<hbm>>
        tpu.wait_dma2 semaphore(%arg17 : memref<!tpu.dma_semaphore, #tpu.memory_space<semaphore_mem>>) src(%dma_wait3A_608 : memref<32x768xf32, #tpu.memory_space<hbm>>) dst(%dma_wait3A_606 : memref<32x768xf32, #tpu.memory_space<vmem>>)
      } else {
      }
      %mul3A_200 = arith.constant 16 : i32
      %mul3A_201 = arith.muli %select_n3A_168, %mul3A_200 : i32
      %parallel_loop3A = arith.constant 0 : i32
      %parallel_loop3A_202 = arith.constant 16 : i32
      %parallel_loop3A_203 = arith.constant 1 : i32
      scf.for %parallel_loop3A_597 = %parallel_loop3A to %parallel_loop3A_202 step %parallel_loop3A_203  : i32 {
        %parallel_loop3A_598 = arith.index_cast %select_n3A_184 : i32 to index
        %parallel_loop3A_599 = arith.index_cast %parallel_loop3A_597 : i32 to index
        %parallel_loop3A_600 = arith.constant 0 : index
        %parallel_loop3A_601 = tpu.vector_load %arg9[%parallel_loop3A_598, %parallel_loop3A_599, %parallel_loop3A_600] {strides = array<i32>} : memref<4x16x768xf32, #tpu.memory_space<vmem>>, vector<1x1x16xf32>,
        %parallel_loop3A_602 = vector.shape_cast %parallel_loop3A_601 : vector<1x1x16xf32> to vector<16xf32>
        %parallel_loop3A_603 = arith.addi %mul3A_201, %parallel_loop3A_597 : i32
        %parallel_loop3A_604 = arith.index_cast %parallel_loop3A_603 : i32 to index
        %parallel_loop3A_605 = arith.constant 0 : index
        %parallel_loop3A_606 = tpu.vector_load %arg10[%parallel_loop3A_604, %parallel_loop3A_605] {strides = array<i32>} : memref<64x768xf32, #tpu.memory_space<vmem>>, vector<1x16xf32>,
        %parallel_loop3A_607 = vector.shape_cast %parallel_loop3A_606 : vector<1x16xf32> to vector<16xf32>
        %parallel_loop3A_608 = arith.addf %parallel_loop3A_602, %parallel_loop3A_607 : vector<16xf32>
        %parallel_loop3A_609 = arith.index_cast %select_n3A_184 : i32 to index
        %parallel_loop3A_610 = arith.index_cast %parallel_loop3A_597 : i32 to index
        %parallel_loop3A_611 = arith.constant 0 : index
        %parallel_loop3A_612 = tpu.vector_load %arg9[%parallel_loop3A_609, %parallel_loop3A_610, %parallel_loop3A_611] {strides = array<i32>} : memref<4x16x768xf32, #tpu.memory_space<vmem>>, vector<1x1x16xf32>,
        %parallel_loop3A_613 = vector.shape_cast %parallel_loop3A_612 : vector<1x1x16xf32> to vector<16xf32>
        %parallel_loop3A_614 = vector.shape_cast %parallel_loop3A_608 : vector<16xf32> to vector<1x1x16xf32>
        tpu.vector_store %arg9[%parallel_loop3A_609, %parallel_loop3A_610, %parallel_loop3A_611], %parallel_loop3A_614 {strides = array<i32>} : memref<4x16x768xf32, #tpu.memory_space<vmem>>, vector<1x1x16xf32>,
        %parallel_loop3A_615 = arith.mulf %parallel_loop3A_608, %parallel_loop3A_608 : vector<16xf32>
        %parallel_loop3A_616 = arith.index_cast %select_n3A_184 : i32 to index
        %parallel_loop3A_617 = arith.index_cast %parallel_loop3A_597 : i32 to index
        %parallel_loop3A_618 = arith.constant 16 : index
        %parallel_loop3A_619 = tpu.vector_load %arg9[%parallel_loop3A_616, %parallel_loop3A_617, %parallel_loop3A_618] {strides = array<i32>} : memref<4x16x768xf32, #tpu.memory_space<vmem>>, vector<1x1x16xf32>,
        %parallel_loop3A_620 = vector.shape_cast %parallel_loop3A_619 : vector<1x1x16xf32> to vector<16xf32>
        %parallel_loop3A_621 = arith.addi %mul3A_201, %parallel_loop3A_597 : i32
        %parallel_loop3A_622 = arith.index_cast %parallel_loop3A_621 : i32 to index
        %parallel_loop3A_623 = arith.constant 16 : index
        %parallel_loop3A_624 = tpu.vector_load %arg10[%parallel_loop3A_622, %parallel_loop3A_623] {strides = array<i32>} : memref<64x768xf32, #tpu.memory_space<vmem>>, vector<1x16xf32>,
        %parallel_loop3A_625 = vector.shape_cast %parallel_loop3A_624 : vector<1x16xf32> to vector<16xf32>
        %parallel_loop3A_626 = arith.addf %parallel_loop3A_620, %parallel_loop3A_625 : vector<16xf32>
        %parallel_loop3A_627 = arith.index_cast %select_n3A_184 : i32 to index
        %parallel_loop3A_628 = arith.index_cast %parallel_loop3A_597 : i32 to index
        %parallel_loop3A_629 = arith.constant 16 : index
        %parallel_loop3A_630 = tpu.vector_load %arg9[%parallel_loop3A_627, %parallel_loop3A_628, %parallel_loop3A_629] {strides = array<i32>} : memref<4x16x768xf32, #tpu.memory_space<vmem>>, vector<1x1x16xf32>,
        %parallel_loop3A_631 = vector.shape_cast %parallel_loop3A_630 : vector<1x1x16xf32> to vector<16xf32>
        %parallel_loop3A_632 = vector.shape_cast %parallel_loop3A_626 : vector<16xf32> to vector<1x1x16xf32>
        tpu.vector_store %arg9[%parallel_loop3A_627, %parallel_loop3A_628, %parallel_loop3A_629], %parallel_loop3A_632 {strides = array<i32>} : memref<4x16x768xf32, #tpu.memory_space<vmem>>, vector<1x1x16xf32>,
        %parallel_loop3A_633 = arith.mulf %parallel_loop3A_626, %parallel_loop3A_626 : vector<16xf32>
        %parallel_loop3A_634 = arith.addf %parallel_loop3A_608, %parallel_loop3A_626 : vector<16xf32>
        %parallel_loop3A_635 = arith.addf %parallel_loop3A_615, %parallel_loop3A_633 : vector<16xf32>
        %parallel_loop3A_636 = arith.index_cast %select_n3A_184 : i32 to index
        %parallel_loop3A_637 = arith.index_cast %parallel_loop3A_597 : i32 to index
        %parallel_loop3A_638 = arith.constant 32 : index
        %parallel_loop3A_639 = tpu.vector_load %arg9[%parallel_loop3A_636, %parallel_loop3A_637, %parallel_loop3A_638] {strides = array<i32>} : memref<4x16x768xf32, #tpu.memory_space<vmem>>, vector<1x1x16xf32>,
        %parallel_loop3A_640 = vector.shape_cast %parallel_loop3A_639 : vector<1x1x16xf32> to vector<16xf32>
        %parallel_loop3A_641 = arith.addi %mul3A_201, %parallel_loop3A_597 : i32
        %parallel_loop3A_642 = arith.index_cast %parallel_loop3A_641 : i32 to index
        %parallel_loop3A_643 = arith.constant 32 : index
        %parallel_loop3A_644 = tpu.vector_load %arg10[%parallel_loop3A_642, %parallel_loop3A_643] {strides = array<i32>} : memref<64x768xf32, #tpu.memory_space<vmem>>, vector<1x16xf32>,
        %parallel_loop3A_645 = vector.shape_cast %parallel_loop3A_644 : vector<1x16xf32> to vector<16xf32>
        %parallel_loop3A_646 = arith.addf %parallel_loop3A_640, %parallel_loop3A_645 : vector<16xf32>
        %parallel_loop3A_647 = arith.index_cast %select_n3A_184 : i32 to index
        %parallel_loop3A_648 = arith.index_cast %parallel_loop3A_597 : i32 to index
        %parallel_loop3A_649 = arith.constant 32 : index
        %parallel_loop3A_650 = tpu.vector_load %arg9[%parallel_loop3A_647, %parallel_loop3A_648, %parallel_loop3A_649] {strides = array<i32>} : memref<4x16x768xf32, #tpu.memory_space<vmem>>, vector<1x1x16xf32>,
        %parallel_loop3A_651 = vector.shape_cast %parallel_loop3A_650 : vector<1x1x16xf32> to vector<16xf32>
        %parallel_loop3A_652 = vector.shape_cast %parallel_loop3A_646 : vector<16xf32> to vector<1x1x16xf32>
        tpu.vector_store %arg9[%parallel_loop3A_647, %parallel_loop3A_648, %parallel_loop3A_649], %parallel_loop3A_652 {strides = array<i32>} : memref<4x16x768xf32, #tpu.memory_space<vmem>>, vector<1x1x16xf32>,
        %parallel_loop3A_653 = arith.mulf %parallel_loop3A_646, %parallel_loop3A_646 : vector<16xf32>
        %parallel_loop3A_654 = arith.index_cast %select_n3A_184 : i32 to index
        %parallel_loop3A_655 = arith.index_cast %parallel_loop3A_597 : i32 to index
        %parallel_loop3A_656 = arith.constant 48 : index
        %parallel_loop3A_657 = tpu.vector_load %arg9[%parallel_loop3A_654, %parallel_loop3A_655, %parallel_loop3A_656] {strides = array<i32>} : memref<4x16x768xf32, #tpu.memory_space<vmem>>, vector<1x1x16xf32>,
        %parallel_loop3A_658 = vector.shape_cast %parallel_loop3A_657 : vector<1x1x16xf32> to vector<16xf32>
        %parallel_loop3A_659 = arith.addi %mul3A_201, %parallel_loop3A_597 : i32
        %parallel_loop3A_660 = arith.index_cast %parallel_loop3A_659 : i32 to index
        %parallel_loop3A_661 = arith.constant 48 : index
        %parallel_loop3A_662 = tpu.vector_load %arg10[%parallel_loop3A_660, %parallel_loop3A_661] {strides = array<i32>} : memref<64x768xf32, #tpu.memory_space<vmem>>, vector<1x16xf32>,
        %parallel_loop3A_663 = vector.shape_cast %parallel_loop3A_662 : vector<1x16xf32> to vector<16xf32>
        %parallel_loop3A_664 = arith.addf %parallel_loop3A_658, %parallel_loop3A_663 : vector<16xf32>
        %parallel_loop3A_665 = arith.index_cast %select_n3A_184 : i32 to index
        %parallel_loop3A_666 = arith.index_cast %parallel_loop3A_597 : i32 to index
        %parallel_loop3A_667 = arith.constant 48 : index
        %parallel_loop3A_668 = tpu.vector_load %arg9[%parallel_loop3A_665, %parallel_loop3A_666, %parallel_loop3A_667] {strides = array<i32>} : memref<4x16x768xf32, #tpu.memory_space<vmem>>, vector<1x1x16xf32>,
        %parallel_loop3A_669 = vector.shape_cast %parallel_loop3A_668 : vector<1x1x16xf32> to vector<16xf32>
        %parallel_loop3A_670 = vector.shape_cast %parallel_loop3A_664 : vector<16xf32> to vector<1x1x16xf32>
        tpu.vector_store %arg9[%parallel_loop3A_665, %parallel_loop3A_666, %parallel_loop3A_667], %parallel_loop3A_670 {strides = array<i32>} : memref<4x16x768xf32, #tpu.memory_space<vmem>>, vector<1x1x16xf32>,
        %parallel_loop3A_671 = arith.mulf %parallel_loop3A_664, %parallel_loop3A_664 : vector<16xf32>
        %parallel_loop3A_672 = arith.addf %parallel_loop3A_646, %parallel_loop3A_664 : vector<16xf32>
        %parallel_loop3A_673 = arith.addf %parallel_loop3A_653, %parallel_loop3A_671 : vector<16xf32>
        %parallel_loop3A_674 = arith.addf %parallel_loop3A_634, %parallel_loop3A_672 : vector<16xf32>
        %parallel_loop3A_675 = arith.addf %parallel_loop3A_635, %parallel_loop3A_673 : vector<16xf32>
        %parallel_loop3A_676 = arith.index_cast %select_n3A_184 : i32 to index
        %parallel_loop3A_677 = arith.index_cast %parallel_loop3A_597 : i32 to index
        %parallel_loop3A_678 = arith.constant 64 : index
        %parallel_loop3A_679 = tpu.vector_load %arg9[%parallel_loop3A_676, %parallel_loop3A_677, %parallel_loop3A_678] {strides = array<i32>} : memref<4x16x768xf32, #tpu.memory_space<vmem>>, vector<1x1x16xf32>,
        %parallel_loop3A_680 = vector.shape_cast %parallel_loop3A_679 : vector<1x1x16xf32> to vector<16xf32>
        %parallel_loop3A_681 = arith.addi %mul3A_201, %parallel_loop3A_597 : i32
        %parallel_loop3A_682 = arith.index_cast %parallel_loop3A_681 : i32 to index
        %parallel_loop3A_683 = arith.constant 64 : index
        %parallel_loop3A_684 = tpu.vector_load %arg10[%parallel_loop3A_682, %parallel_loop3A_683] {strides = array<i32>} : memref<64x768xf32, #tpu.memory_space<vmem>>, vector<1x16xf32>,
        %parallel_loop3A_685 = vector.shape_cast %parallel_loop3A_684 : vector<1x16xf32> to vector<16xf32>
        %parallel_loop3A_686 = arith.addf %parallel_loop3A_680, %parallel_loop3A_685 : vector<16xf32>
        %parallel_loop3A_687 = arith.index_cast %select_n3A_184 : i32 to index
        %parallel_loop3A_688 = arith.index_cast %parallel_loop3A_597 : i32 to index
        %parallel_loop3A_689 = arith.constant 64 : index
        %parallel_loop3A_690 = tpu.vector_load %arg9[%parallel_loop3A_687, %parallel_loop3A_688, %parallel_loop3A_689] {strides = array<i32>} : memref<4x16x768xf32, #tpu.memory_space<vmem>>, vector<1x1x16xf32>,
        %parallel_loop3A_691 = vector.shape_cast %parallel_loop3A_690 : vector<1x1x16xf32> to vector<16xf32>
        %parallel_loop3A_692 = vector.shape_cast %parallel_loop3A_686 : vector<16xf32> to vector<1x1x16xf32>
        tpu.vector_store %arg9[%parallel_loop3A_687, %parallel_loop3A_688, %parallel_loop3A_689], %parallel_loop3A_692 {strides = array<i32>} : memref<4x16x768xf32, #tpu.memory_space<vmem>>, vector<1x1x16xf32>,
        %parallel_loop3A_693 = arith.mulf %parallel_loop3A_686, %parallel_loop3A_686 : vector<16xf32>
        %parallel_loop3A_694 = arith.index_cast %select_n3A_184 : i32 to index
        %parallel_loop3A_695 = arith.index_cast %parallel_loop3A_597 : i32 to index
        %parallel_loop3A_696 = arith.constant 80 : index
        %parallel_loop3A_697 = tpu.vector_load %arg9[%parallel_loop3A_694, %parallel_loop3A_695, %parallel_loop3A_696] {strides = array<i32>} : memref<4x16x768xf32, #tpu.memory_space<vmem>>, vector<1x1x16xf32>,
        %parallel_loop3A_698 = vector.shape_cast %parallel_loop3A_697 : vector<1x1x16xf32> to vector<16xf32>
        %parallel_loop3A_699 = arith.addi %mul3A_201, %parallel_loop3A_597 : i32
        %parallel_loop3A_700 = arith.index_cast %parallel_loop3A_699 : i32 to index
        %parallel_loop3A_701 = arith.constant 80 : index
        %parallel_loop3A_702 = tpu.vector_load %arg10[%parallel_loop3A_700, %parallel_loop3A_701] {strides = array<i32>} : memref<64x768xf32, #tpu.memory_space<vmem>>, vector<1x16xf32>,
        %parallel_loop3A_703 = vector.shape_cast %parallel_loop3A_702 : vector<1x16xf32> to vector<16xf32>
        %parallel_loop3A_704 = arith.addf %parallel_loop3A_698, %parallel_loop3A_703 : vector<16xf32>
        %parallel_loop3A_705 = arith.index_cast %select_n3A_184 : i32 to index
        %parallel_loop3A_706 = arith.index_cast %parallel_loop3A_597 : i32 to index
        %parallel_loop3A_707 = arith.constant 80 : index
        %parallel_loop3A_708 = tpu.vector_load %arg9[%parallel_loop3A_705, %parallel_loop3A_706, %parallel_loop3A_707] {strides = array<i32>} : memref<4x16x768xf32, #tpu.memory_space<vmem>>, vector<1x1x16xf32>,
        %parallel_loop3A_709 = vector.shape_cast %parallel_loop3A_708 : vector<1x1x16xf32> to vector<16xf32>
        %parallel_loop3A_710 = vector.shape_cast %parallel_loop3A_704 : vector<16xf32> to vector<1x1x16xf32>
        tpu.vector_store %arg9[%parallel_loop3A_705, %parallel_loop3A_706, %parallel_loop3A_707], %parallel_loop3A_710 {strides = array<i32>} : memref<4x16x768xf32, #tpu.memory_space<vmem>>, vector<1x1x16xf32>,
        %parallel_loop3A_711 = arith.mulf %parallel_loop3A_704, %parallel_loop3A_704 : vector<16xf32>
        %parallel_loop3A_712 = arith.addf %parallel_loop3A_686, %parallel_loop3A_704 : vector<16xf32>
        %parallel_loop3A_713 = arith.addf %parallel_loop3A_693, %parallel_loop3A_711 : vector<16xf32>
        %parallel_loop3A_714 = arith.index_cast %select_n3A_184 : i32 to index
        %parallel_loop3A_715 = arith.index_cast %parallel_loop3A_597 : i32 to index
        %parallel_loop3A_716 = arith.constant 96 : index
        %parallel_loop3A_717 = tpu.vector_load %arg9[%parallel_loop3A_714, %parallel_loop3A_715, %parallel_loop3A_716] {strides = array<i32>} : memref<4x16x768xf32, #tpu.memory_space<vmem>>, vector<1x1x16xf32>,
        %parallel_loop3A_718 = vector.shape_cast %parallel_loop3A_717 : vector<1x1x16xf32> to vector<16xf32>
        %parallel_loop3A_719 = arith.addi %mul3A_201, %parallel_loop3A_597 : i32
        %parallel_loop3A_720 = arith.index_cast %parallel_loop3A_719 : i32 to index
        %parallel_loop3A_721 = arith.constant 96 : index
        %parallel_loop3A_722 = tpu.vector_load %arg10[%parallel_loop3A_720, %parallel_loop3A_721] {strides = array<i32>} : memref<64x768xf32, #tpu.memory_space<vmem>>, vector<1x16xf32>,
        %parallel_loop3A_723 = vector.shape_cast %parallel_loop3A_722 : vector<1x16xf32> to vector<16xf32>
        %parallel_loop3A_724 = arith.addf %parallel_loop3A_718, %parallel_loop3A_723 : vector<16xf32>
        %parallel_loop3A_725 = arith.index_cast %select_n3A_184 : i32 to index
        %parallel_loop3A_726 = arith.index_cast %parallel_loop3A_597 : i32 to index
        %parallel_loop3A_727 = arith.constant 96 : index
        %parallel_loop3A_728 = tpu.vector_load %arg9[%parallel_loop3A_725, %parallel_loop3A_726, %parallel_loop3A_727] {strides = array<i32>} : memref<4x16x768xf32, #tpu.memory_space<vmem>>, vector<1x1x16xf32>,
        %parallel_loop3A_729 = vector.shape_cast %parallel_loop3A_728 : vector<1x1x16xf32> to vector<16xf32>
        %parallel_loop3A_730 = vector.shape_cast %parallel_loop3A_724 : vector<16xf32> to vector<1x1x16xf32>
        tpu.vector_store %arg9[%parallel_loop3A_725, %parallel_loop3A_726, %parallel_loop3A_727], %parallel_loop3A_730 {strides = array<i32>} : memref<4x16x768xf32, #tpu.memory_space<vmem>>, vector<1x1x16xf32>,
        %parallel_loop3A_731 = arith.mulf %parallel_loop3A_724, %parallel_loop3A_724 : vector<16xf32>
        %parallel_loop3A_732 = arith.index_cast %select_n3A_184 : i32 to index
        %parallel_loop3A_733 = arith.index_cast %parallel_loop3A_597 : i32 to index
        %parallel_loop3A_734 = arith.constant 112 : index
        %parallel_loop3A_735 = tpu.vector_load %arg9[%parallel_loop3A_732, %parallel_loop3A_733, %parallel_loop3A_734] {strides = array<i32>} : memref<4x16x768xf32, #tpu.memory_space<vmem>>, vector<1x1x16xf32>,
        %parallel_loop3A_736 = vector.shape_cast %parallel_loop3A_735 : vector<1x1x16xf32> to vector<16xf32>
        %parallel_loop3A_737 = arith.addi %mul3A_201, %parallel_loop3A_597 : i32
        %parallel_loop3A_738 = arith.index_cast %parallel_loop3A_737 : i32 to index
        %parallel_loop3A_739 = arith.constant 112 : index
        %parallel_loop3A_740 = tpu.vector_load %arg10[%parallel_loop3A_738, %parallel_loop3A_739] {strides = array<i32>} : memref<64x768xf32, #tpu.memory_space<vmem>>, vector<1x16xf32>,
        %parallel_loop3A_741 = vector.shape_cast %parallel_loop3A_740 : vector<1x16xf32> to vector<16xf32>
        %parallel_loop3A_742 = arith.addf %parallel_loop3A_736, %parallel_loop3A_741 : vector<16xf32>
        %parallel_loop3A_743 = arith.index_cast %select_n3A_184 : i32 to index
        %parallel_loop3A_744 = arith.index_cast %parallel_loop3A_597 : i32 to index
        %parallel_loop3A_745 = arith.constant 112 : index
        %parallel_loop3A_746 = tpu.vector_load %arg9[%parallel_loop3A_743, %parallel_loop3A_744, %parallel_loop3A_745] {strides = array<i32>} : memref<4x16x768xf32, #tpu.memory_space<vmem>>, vector<1x1x16xf32>,
        %parallel_loop3A_747 = vector.shape_cast %parallel_loop3A_746 : vector<1x1x16xf32> to vector<16xf32>
        %parallel_loop3A_748 = vector.shape_cast %parallel_loop3A_742 : vector<16xf32> to vector<1x1x16xf32>
        tpu.vector_store %arg9[%parallel_loop3A_743, %parallel_loop3A_744, %parallel_loop3A_745], %parallel_loop3A_748 {strides = array<i32>} : memref<4x16x768xf32, #tpu.memory_space<vmem>>, vector<1x1x16xf32>,
        %parallel_loop3A_749 = arith.mulf %parallel_loop3A_742, %parallel_loop3A_742 : vector<16xf32>
        %parallel_loop3A_750 = arith.addf %parallel_loop3A_724, %parallel_loop3A_742 : vector<16xf32>
        %parallel_loop3A_751 = arith.addf %parallel_loop3A_731, %parallel_loop3A_749 : vector<16xf32>
        %parallel_loop3A_752 = arith.addf %parallel_loop3A_712, %parallel_loop3A_750 : vector<16xf32>
        %parallel_loop3A_753 = arith.addf %parallel_loop3A_713, %parallel_loop3A_751 : vector<16xf32>
        %parallel_loop3A_754 = arith.addf %parallel_loop3A_674, %parallel_loop3A_752 : vector<16xf32>
        %parallel_loop3A_755 = arith.addf %parallel_loop3A_675, %parallel_loop3A_753 : vector<16xf32>
        %parallel_loop3A_756 = arith.index_cast %select_n3A_184 : i32 to index
        %parallel_loop3A_757 = arith.index_cast %parallel_loop3A_597 : i32 to index
        %parallel_loop3A_758 = arith.constant 128 : index
        %parallel_loop3A_759 = tpu.vector_load %arg9[%parallel_loop3A_756, %parallel_loop3A_757, %parallel_loop3A_758] {strides = array<i32>} : memref<4x16x768xf32, #tpu.memory_space<vmem>>, vector<1x1x16xf32>,
        %parallel_loop3A_760 = vector.shape_cast %parallel_loop3A_759 : vector<1x1x16xf32> to vector<16xf32>
        %parallel_loop3A_761 = arith.addi %mul3A_201, %parallel_loop3A_597 : i32
        %parallel_loop3A_762 = arith.index_cast %parallel_loop3A_761 : i32 to index
        %parallel_loop3A_763 = arith.constant 128 : index
        %parallel_loop3A_764 = tpu.vector_load %arg10[%parallel_loop3A_762, %parallel_loop3A_763] {strides = array<i32>} : memref<64x768xf32, #tpu.memory_space<vmem>>, vector<1x16xf32>,
        %parallel_loop3A_765 = vector.shape_cast %parallel_loop3A_764 : vector<1x16xf32> to vector<16xf32>
        %parallel_loop3A_766 = arith.addf %parallel_loop3A_760, %parallel_loop3A_765 : vector<16xf32>
        %parallel_loop3A_767 = arith.index_cast %select_n3A_184 : i32 to index
        %parallel_loop3A_768 = arith.index_cast %parallel_loop3A_597 : i32 to index
        %parallel_loop3A_769 = arith.constant 128 : index
        %parallel_loop3A_770 = tpu.vector_load %arg9[%parallel_loop3A_767, %parallel_loop3A_768, %parallel_loop3A_769] {strides = array<i32>} : memref<4x16x768xf32, #tpu.memory_space<vmem>>, vector<1x1x16xf32>,
        %parallel_loop3A_771 = vector.shape_cast %parallel_loop3A_770 : vector<1x1x16xf32> to vector<16xf32>
        %parallel_loop3A_772 = vector.shape_cast %parallel_loop3A_766 : vector<16xf32> to vector<1x1x16xf32>
        tpu.vector_store %arg9[%parallel_loop3A_767, %parallel_loop3A_768, %parallel_loop3A_769], %parallel_loop3A_772 {strides = array<i32>} : memref<4x16x768xf32, #tpu.memory_space<vmem>>, vector<1x1x16xf32>,
        %parallel_loop3A_773 = arith.mulf %parallel_loop3A_766, %parallel_loop3A_766 : vector<16xf32>
        %parallel_loop3A_774 = arith.index_cast %select_n3A_184 : i32 to index
        %parallel_loop3A_775 = arith.index_cast %parallel_loop3A_597 : i32 to index
        %parallel_loop3A_776 = arith.constant 144 : index
        %parallel_loop3A_777 = tpu.vector_load %arg9[%parallel_loop3A_774, %parallel_loop3A_775, %parallel_loop3A_776] {strides = array<i32>} : memref<4x16x768xf32, #tpu.memory_space<vmem>>, vector<1x1x16xf32>,
        %parallel_loop3A_778 = vector.shape_cast %parallel_loop3A_777 : vector<1x1x16xf32> to vector<16xf32>
        %parallel_loop3A_779 = arith.addi %mul3A_201, %parallel_loop3A_597 : i32
        %parallel_loop3A_780 = arith.index_cast %parallel_loop3A_779 : i32 to index
        %parallel_loop3A_781 = arith.constant 144 : index
        %parallel_loop3A_782 = tpu.vector_load %arg10[%parallel_loop3A_780, %parallel_loop3A_781] {strides = array<i32>} : memref<64x768xf32, #tpu.memory_space<vmem>>, vector<1x16xf32>,
        %parallel_loop3A_783 = vector.shape_cast %parallel_loop3A_782 : vector<1x16xf32> to vector<16xf32>
        %parallel_loop3A_784 = arith.addf %parallel_loop3A_778, %parallel_loop3A_783 : vector<16xf32>
        %parallel_loop3A_785 = arith.index_cast %select_n3A_184 : i32 to index
        %parallel_loop3A_786 = arith.index_cast %parallel_loop3A_597 : i32 to index
        %parallel_loop3A_787 = arith.constant 144 : index
        %parallel_loop3A_788 = tpu.vector_load %arg9[%parallel_loop3A_785, %parallel_loop3A_786, %parallel_loop3A_787] {strides = array<i32>} : memref<4x16x768xf32, #tpu.memory_space<vmem>>, vector<1x1x16xf32>,
        %parallel_loop3A_789 = vector.shape_cast %parallel_loop3A_788 : vector<1x1x16xf32> to vector<16xf32>
        %parallel_loop3A_790 = vector.shape_cast %parallel_loop3A_784 : vector<16xf32> to vector<1x1x16xf32>
        tpu.vector_store %arg9[%parallel_loop3A_785, %parallel_loop3A_786, %parallel_loop3A_787], %parallel_loop3A_790 {strides = array<i32>} : memref<4x16x768xf32, #tpu.memory_space<vmem>>, vector<1x1x16xf32>,
        %parallel_loop3A_791 = arith.mulf %parallel_loop3A_784, %parallel_loop3A_784 : vector<16xf32>
        %parallel_loop3A_792 = arith.addf %parallel_loop3A_766, %parallel_loop3A_784 : vector<16xf32>
        %parallel_loop3A_793 = arith.addf %parallel_loop3A_773, %parallel_loop3A_791 : vector<16xf32>
        %parallel_loop3A_794 = arith.index_cast %select_n3A_184 : i32 to index
        %parallel_loop3A_795 = arith.index_cast %parallel_loop3A_597 : i32 to index
        %parallel_loop3A_796 = arith.constant 160 : index
        %parallel_loop3A_797 = tpu.vector_load %arg9[%parallel_loop3A_794, %parallel_loop3A_795, %parallel_loop3A_796] {strides = array<i32>} : memref<4x16x768xf32, #tpu.memory_space<vmem>>, vector<1x1x16xf32>,
        %parallel_loop3A_798 = vector.shape_cast %parallel_loop3A_797 : vector<1x1x16xf32> to vector<16xf32>
        %parallel_loop3A_799 = arith.addi %mul3A_201, %parallel_loop3A_597 : i32
        %parallel_loop3A_800 = arith.index_cast %parallel_loop3A_799 : i32 to index
        %parallel_loop3A_801 = arith.constant 160 : index
        %parallel_loop3A_802 = tpu.vector_load %arg10[%parallel_loop3A_800, %parallel_loop3A_801] {strides = array<i32>} : memref<64x768xf32, #tpu.memory_space<vmem>>, vector<1x16xf32>,
        %parallel_loop3A_803 = vector.shape_cast %parallel_loop3A_802 : vector<1x16xf32> to vector<16xf32>
        %parallel_loop3A_804 = arith.addf %parallel_loop3A_798, %parallel_loop3A_803 : vector<16xf32>
        %parallel_loop3A_805 = arith.index_cast %select_n3A_184 : i32 to index
        %parallel_loop3A_806 = arith.index_cast %parallel_loop3A_597 : i32 to index
        %parallel_loop3A_807 = arith.constant 160 : index
        %parallel_loop3A_808 = tpu.vector_load %arg9[%parallel_loop3A_805, %parallel_loop3A_806, %parallel_loop3A_807] {strides = array<i32>} : memref<4x16x768xf32, #tpu.memory_space<vmem>>, vector<1x1x16xf32>,
        %parallel_loop3A_809 = vector.shape_cast %parallel_loop3A_808 : vector<1x1x16xf32> to vector<16xf32>
        %parallel_loop3A_810 = vector.shape_cast %parallel_loop3A_804 : vector<16xf32> to vector<1x1x16xf32>
        tpu.vector_store %arg9[%parallel_loop3A_805, %parallel_loop3A_806, %parallel_loop3A_807], %parallel_loop3A_810 {strides = array<i32>} : memref<4x16x768xf32, #tpu.memory_space<vmem>>, vector<1x1x16xf32>,
        %parallel_loop3A_811 = arith.mulf %parallel_loop3A_804, %parallel_loop3A_804 : vector<16xf32>
        %parallel_loop3A_812 = arith.index_cast %select_n3A_184 : i32 to index
        %parallel_loop3A_813 = arith.index_cast %parallel_loop3A_597 : i32 to index
        %parallel_loop3A_814 = arith.constant 176 : index
        %parallel_loop3A_815 = tpu.vector_load %arg9[%parallel_loop3A_812, %parallel_loop3A_813, %parallel_loop3A_814] {strides = array<i32>} : memref<4x16x768xf32, #tpu.memory_space<vmem>>, vector<1x1x16xf32>,
        %parallel_loop3A_816 = vector.shape_cast %parallel_loop3A_815 : vector<1x1x16xf32> to vector<16xf32>
        %parallel_loop3A_817 = arith.addi %mul3A_201, %parallel_loop3A_597 : i32
        %parallel_loop3A_818 = arith.index_cast %parallel_loop3A_817 : i32 to index
        %parallel_loop3A_819 = arith.constant 176 : index
        %parallel_loop3A_820 = tpu.vector_load %arg10[%parallel_loop3A_818, %parallel_loop3A_819] {strides = array<i32>} : memref<64x768xf32, #tpu.memory_space<vmem>>, vector<1x16xf32>,
        %parallel_loop3A_821 = vector.shape_cast %parallel_loop3A_820 : vector<1x16xf32> to vector<16xf32>
        %parallel_loop3A_822 = arith.addf %parallel_loop3A_816, %parallel_loop3A_821 : vector<16xf32>
        %parallel_loop3A_823 = arith.index_cast %select_n3A_184 : i32 to index
        %parallel_loop3A_824 = arith.index_cast %parallel_loop3A_597 : i32 to index
        %parallel_loop3A_825 = arith.constant 176 : index
        %parallel_loop3A_826 = tpu.vector_load %arg9[%parallel_loop3A_823, %parallel_loop3A_824, %parallel_loop3A_825] {strides = array<i32>} : memref<4x16x768xf32, #tpu.memory_space<vmem>>, vector<1x1x16xf32>,
        %parallel_loop3A_827 = vector.shape_cast %parallel_loop3A_826 : vector<1x1x16xf32> to vector<16xf32>
        %parallel_loop3A_828 = vector.shape_cast %parallel_loop3A_822 : vector<16xf32> to vector<1x1x16xf32>
        tpu.vector_store %arg9[%parallel_loop3A_823, %parallel_loop3A_824, %parallel_loop3A_825], %parallel_loop3A_828 {strides = array<i32>} : memref<4x16x768xf32, #tpu.memory_space<vmem>>, vector<1x1x16xf32>,
        %parallel_loop3A_829 = arith.mulf %parallel_loop3A_822, %parallel_loop3A_822 : vector<16xf32>
        %parallel_loop3A_830 = arith.addf %parallel_loop3A_804, %parallel_loop3A_822 : vector<16xf32>
        %parallel_loop3A_831 = arith.addf %parallel_loop3A_811, %parallel_loop3A_829 : vector<16xf32>
        %parallel_loop3A_832 = arith.addf %parallel_loop3A_792, %parallel_loop3A_830 : vector<16xf32>
        %parallel_loop3A_833 = arith.addf %parallel_loop3A_793, %parallel_loop3A_831 : vector<16xf32>
        %parallel_loop3A_834 = arith.index_cast %select_n3A_184 : i32 to index
        %parallel_loop3A_835 = arith.index_cast %parallel_loop3A_597 : i32 to index
        %parallel_loop3A_836 = arith.constant 192 : index
        %parallel_loop3A_837 = tpu.vector_load %arg9[%parallel_loop3A_834, %parallel_loop3A_835, %parallel_loop3A_836] {strides = array<i32>} : memref<4x16x768xf32, #tpu.memory_space<vmem>>, vector<1x1x16xf32>,
        %parallel_loop3A_838 = vector.shape_cast %parallel_loop3A_837 : vector<1x1x16xf32> to vector<16xf32>
        %parallel_loop3A_839 = arith.addi %mul3A_201, %parallel_loop3A_597 : i32
        %parallel_loop3A_840 = arith.index_cast %parallel_loop3A_839 : i32 to index
        %parallel_loop3A_841 = arith.constant 192 : index
        %parallel_loop3A_842 = tpu.vector_load %arg10[%parallel_loop3A_840, %parallel_loop3A_841] {strides = array<i32>} : memref<64x768xf32, #tpu.memory_space<vmem>>, vector<1x16xf32>,
        %parallel_loop3A_843 = vector.shape_cast %parallel_loop3A_842 : vector<1x16xf32> to vector<16xf32>
        %parallel_loop3A_844 = arith.addf %parallel_loop3A_838, %parallel_loop3A_843 : vector<16xf32>
        %parallel_loop3A_845 = arith.index_cast %select_n3A_184 : i32 to index
        %parallel_loop3A_846 = arith.index_cast %parallel_loop3A_597 : i32 to index
        %parallel_loop3A_847 = arith.constant 192 : index
        %parallel_loop3A_848 = tpu.vector_load %arg9[%parallel_loop3A_845, %parallel_loop3A_846, %parallel_loop3A_847] {strides = array<i32>} : memref<4x16x768xf32, #tpu.memory_space<vmem>>, vector<1x1x16xf32>,
        %parallel_loop3A_849 = vector.shape_cast %parallel_loop3A_848 : vector<1x1x16xf32> to vector<16xf32>
        %parallel_loop3A_850 = vector.shape_cast %parallel_loop3A_844 : vector<16xf32> to vector<1x1x16xf32>
        tpu.vector_store %arg9[%parallel_loop3A_845, %parallel_loop3A_846, %parallel_loop3A_847], %parallel_loop3A_850 {strides = array<i32>} : memref<4x16x768xf32, #tpu.memory_space<vmem>>, vector<1x1x16xf32>,
        %parallel_loop3A_851 = arith.mulf %parallel_loop3A_844, %parallel_loop3A_844 : vector<16xf32>
        %parallel_loop3A_852 = arith.index_cast %select_n3A_184 : i32 to index
        %parallel_loop3A_853 = arith.index_cast %parallel_loop3A_597 : i32 to index
        %parallel_loop3A_854 = arith.constant 208 : index
        %parallel_loop3A_855 = tpu.vector_load %arg9[%parallel_loop3A_852, %parallel_loop3A_853, %parallel_loop3A_854] {strides = array<i32>} : memref<4x16x768xf32, #tpu.memory_space<vmem>>, vector<1x1x16xf32>,
        %parallel_loop3A_856 = vector.shape_cast %parallel_loop3A_855 : vector<1x1x16xf32> to vector<16xf32>
        %parallel_loop3A_857 = arith.addi %mul3A_201, %parallel_loop3A_597 : i32
        %parallel_loop3A_858 = arith.index_cast %parallel_loop3A_857 : i32 to index
        %parallel_loop3A_859 = arith.constant 208 : index
        %parallel_loop3A_860 = tpu.vector_load %arg10[%parallel_loop3A_858, %parallel_loop3A_859] {strides = array<i32>} : memref<64x768xf32, #tpu.memory_space<vmem>>, vector<1x16xf32>,
        %parallel_loop3A_861 = vector.shape_cast %parallel_loop3A_860 : vector<1x16xf32> to vector<16xf32>
        %parallel_loop3A_862 = arith.addf %parallel_loop3A_856, %parallel_loop3A_861 : vector<16xf32>
        %parallel_loop3A_863 = arith.index_cast %select_n3A_184 : i32 to index
        %parallel_loop3A_864 = arith.index_cast %parallel_loop3A_597 : i32 to index
        %parallel_loop3A_865 = arith.constant 208 : index
        %parallel_loop3A_866 = tpu.vector_load %arg9[%parallel_loop3A_863, %parallel_loop3A_864, %parallel_loop3A_865] {strides = array<i32>} : memref<4x16x768xf32, #tpu.memory_space<vmem>>, vector<1x1x16xf32>,
        %parallel_loop3A_867 = vector.shape_cast %parallel_loop3A_866 : vector<1x1x16xf32> to vector<16xf32>
        %parallel_loop3A_868 = vector.shape_cast %parallel_loop3A_862 : vector<16xf32> to vector<1x1x16xf32>
        tpu.vector_store %arg9[%parallel_loop3A_863, %parallel_loop3A_864, %parallel_loop3A_865], %parallel_loop3A_868 {strides = array<i32>} : memref<4x16x768xf32, #tpu.memory_space<vmem>>, vector<1x1x16xf32>,
        %parallel_loop3A_869 = arith.mulf %parallel_loop3A_862, %parallel_loop3A_862 : vector<16xf32>
        %parallel_loop3A_870 = arith.addf %parallel_loop3A_844, %parallel_loop3A_862 : vector<16xf32>
        %parallel_loop3A_871 = arith.addf %parallel_loop3A_851, %parallel_loop3A_869 : vector<16xf32>
        %parallel_loop3A_872 = arith.index_cast %select_n3A_184 : i32 to index
        %parallel_loop3A_873 = arith.index_cast %parallel_loop3A_597 : i32 to index
        %parallel_loop3A_874 = arith.constant 224 : index
        %parallel_loop3A_875 = tpu.vector_load %arg9[%parallel_loop3A_872, %parallel_loop3A_873, %parallel_loop3A_874] {strides = array<i32>} : memref<4x16x768xf32, #tpu.memory_space<vmem>>, vector<1x1x16xf32>,
        %parallel_loop3A_876 = vector.shape_cast %parallel_loop3A_875 : vector<1x1x16xf32> to vector<16xf32>
        %parallel_loop3A_877 = arith.addi %mul3A_201, %parallel_loop3A_597 : i32
        %parallel_loop3A_878 = arith.index_cast %parallel_loop3A_877 : i32 to index
        %parallel_loop3A_879 = arith.constant 224 : index
        %parallel_loop3A_880 = tpu.vector_load %arg10[%parallel_loop3A_878, %parallel_loop3A_879] {strides = array<i32>} : memref<64x768xf32, #tpu.memory_space<vmem>>, vector<1x16xf32>,
        %parallel_loop3A_881 = vector.shape_cast %parallel_loop3A_880 : vector<1x16xf32> to vector<16xf32>
        %parallel_loop3A_882 = arith.addf %parallel_loop3A_876, %parallel_loop3A_881 : vector<16xf32>
        %parallel_loop3A_883 = arith.index_cast %select_n3A_184 : i32 to index
        %parallel_loop3A_884 = arith.index_cast %parallel_loop3A_597 : i32 to index
        %parallel_loop3A_885 = arith.constant 224 : index
        %parallel_loop3A_886 = tpu.vector_load %arg9[%parallel_loop3A_883, %parallel_loop3A_884, %parallel_loop3A_885] {strides = array<i32>} : memref<4x16x768xf32, #tpu.memory_space<vmem>>, vector<1x1x16xf32>,
        %parallel_loop3A_887 = vector.shape_cast %parallel_loop3A_886 : vector<1x1x16xf32> to vector<16xf32>
        %parallel_loop3A_888 = vector.shape_cast %parallel_loop3A_882 : vector<16xf32> to vector<1x1x16xf32>
        tpu.vector_store %arg9[%parallel_loop3A_883, %parallel_loop3A_884, %parallel_loop3A_885], %parallel_loop3A_888 {strides = array<i32>} : memref<4x16x768xf32, #tpu.memory_space<vmem>>, vector<1x1x16xf32>,
        %parallel_loop3A_889 = arith.mulf %parallel_loop3A_882, %parallel_loop3A_882 : vector<16xf32>
        %parallel_loop3A_890 = arith.index_cast %select_n3A_184 : i32 to index
        %parallel_loop3A_891 = arith.index_cast %parallel_loop3A_597 : i32 to index
        %parallel_loop3A_892 = arith.constant 240 : index
        %parallel_loop3A_893 = tpu.vector_load %arg9[%parallel_loop3A_890, %parallel_loop3A_891, %parallel_loop3A_892] {strides = array<i32>} : memref<4x16x768xf32, #tpu.memory_space<vmem>>, vector<1x1x16xf32>,
        %parallel_loop3A_894 = vector.shape_cast %parallel_loop3A_893 : vector<1x1x16xf32> to vector<16xf32>
        %parallel_loop3A_895 = arith.addi %mul3A_201, %parallel_loop3A_597 : i32
        %parallel_loop3A_896 = arith.index_cast %parallel_loop3A_895 : i32 to index
        %parallel_loop3A_897 = arith.constant 240 : index
        %parallel_loop3A_898 = tpu.vector_load %arg10[%parallel_loop3A_896, %parallel_loop3A_897] {strides = array<i32>} : memref<64x768xf32, #tpu.memory_space<vmem>>, vector<1x16xf32>,
        %parallel_loop3A_899 = vector.shape_cast %parallel_loop3A_898 : vector<1x16xf32> to vector<16xf32>
        %parallel_loop3A_900 = arith.addf %parallel_loop3A_894, %parallel_loop3A_899 : vector<16xf32>
        %parallel_loop3A_901 = arith.index_cast %select_n3A_184 : i32 to index
        %parallel_loop3A_902 = arith.index_cast %parallel_loop3A_597 : i32 to index
        %parallel_loop3A_903 = arith.constant 240 : index
        %parallel_loop3A_904 = tpu.vector_load %arg9[%parallel_loop3A_901, %parallel_loop3A_902, %parallel_loop3A_903] {strides = array<i32>} : memref<4x16x768xf32, #tpu.memory_space<vmem>>, vector<1x1x16xf32>,
        %parallel_loop3A_905 = vector.shape_cast %parallel_loop3A_904 : vector<1x1x16xf32> to vector<16xf32>
        %parallel_loop3A_906 = vector.shape_cast %parallel_loop3A_900 : vector<16xf32> to vector<1x1x16xf32>
        tpu.vector_store %arg9[%parallel_loop3A_901, %parallel_loop3A_902, %parallel_loop3A_903], %parallel_loop3A_906 {strides = array<i32>} : memref<4x16x768xf32, #tpu.memory_space<vmem>>, vector<1x1x16xf32>,
        %parallel_loop3A_907 = arith.mulf %parallel_loop3A_900, %parallel_loop3A_900 : vector<16xf32>
        %parallel_loop3A_908 = arith.addf %parallel_loop3A_882, %parallel_loop3A_900 : vector<16xf32>
        %parallel_loop3A_909 = arith.addf %parallel_loop3A_889, %parallel_loop3A_907 : vector<16xf32>
        %parallel_loop3A_910 = arith.addf %parallel_loop3A_870, %parallel_loop3A_908 : vector<16xf32>
        %parallel_loop3A_911 = arith.addf %parallel_loop3A_871, %parallel_loop3A_909 : vector<16xf32>
        %parallel_loop3A_912 = arith.addf %parallel_loop3A_832, %parallel_loop3A_910 : vector<16xf32>
        %parallel_loop3A_913 = arith.addf %parallel_loop3A_833, %parallel_loop3A_911 : vector<16xf32>
        %parallel_loop3A_914 = arith.addf %parallel_loop3A_754, %parallel_loop3A_912 : vector<16xf32>
        %parallel_loop3A_915 = arith.addf %parallel_loop3A_755, %parallel_loop3A_913 : vector<16xf32>
        %parallel_loop3A_916 = arith.index_cast %select_n3A_184 : i32 to index
        %parallel_loop3A_917 = arith.index_cast %parallel_loop3A_597 : i32 to index
        %parallel_loop3A_918 = arith.constant 256 : index
        %parallel_loop3A_919 = tpu.vector_load %arg9[%parallel_loop3A_916, %parallel_loop3A_917, %parallel_loop3A_918] {strides = array<i32>} : memref<4x16x768xf32, #tpu.memory_space<vmem>>, vector<1x1x16xf32>,
        %parallel_loop3A_920 = vector.shape_cast %parallel_loop3A_919 : vector<1x1x16xf32> to vector<16xf32>
        %parallel_loop3A_921 = arith.addi %mul3A_201, %parallel_loop3A_597 : i32
        %parallel_loop3A_922 = arith.index_cast %parallel_loop3A_921 : i32 to index
        %parallel_loop3A_923 = arith.constant 256 : index
        %parallel_loop3A_924 = tpu.vector_load %arg10[%parallel_loop3A_922, %parallel_loop3A_923] {strides = array<i32>} : memref<64x768xf32, #tpu.memory_space<vmem>>, vector<1x16xf32>,
        %parallel_loop3A_925 = vector.shape_cast %parallel_loop3A_924 : vector<1x16xf32> to vector<16xf32>
        %parallel_loop3A_926 = arith.addf %parallel_loop3A_920, %parallel_loop3A_925 : vector<16xf32>
        %parallel_loop3A_927 = arith.index_cast %select_n3A_184 : i32 to index
        %parallel_loop3A_928 = arith.index_cast %parallel_loop3A_597 : i32 to index
        %parallel_loop3A_929 = arith.constant 256 : index
        %parallel_loop3A_930 = tpu.vector_load %arg9[%parallel_loop3A_927, %parallel_loop3A_928, %parallel_loop3A_929] {strides = array<i32>} : memref<4x16x768xf32, #tpu.memory_space<vmem>>, vector<1x1x16xf32>,
        %parallel_loop3A_931 = vector.shape_cast %parallel_loop3A_930 : vector<1x1x16xf32> to vector<16xf32>
        %parallel_loop3A_932 = vector.shape_cast %parallel_loop3A_926 : vector<16xf32> to vector<1x1x16xf32>
        tpu.vector_store %arg9[%parallel_loop3A_927, %parallel_loop3A_928, %parallel_loop3A_929], %parallel_loop3A_932 {strides = array<i32>} : memref<4x16x768xf32, #tpu.memory_space<vmem>>, vector<1x1x16xf32>,
        %parallel_loop3A_933 = arith.mulf %parallel_loop3A_926, %parallel_loop3A_926 : vector<16xf32>
        %parallel_loop3A_934 = arith.index_cast %select_n3A_184 : i32 to index
        %parallel_loop3A_935 = arith.index_cast %parallel_loop3A_597 : i32 to index
        %parallel_loop3A_936 = arith.constant 272 : index
        %parallel_loop3A_937 = tpu.vector_load %arg9[%parallel_loop3A_934, %parallel_loop3A_935, %parallel_loop3A_936] {strides = array<i32>} : memref<4x16x768xf32, #tpu.memory_space<vmem>>, vector<1x1x16xf32>,
        %parallel_loop3A_938 = vector.shape_cast %parallel_loop3A_937 : vector<1x1x16xf32> to vector<16xf32>
        %parallel_loop3A_939 = arith.addi %mul3A_201, %parallel_loop3A_597 : i32
        %parallel_loop3A_940 = arith.index_cast %parallel_loop3A_939 : i32 to index
        %parallel_loop3A_941 = arith.constant 272 : index
        %parallel_loop3A_942 = tpu.vector_load %arg10[%parallel_loop3A_940, %parallel_loop3A_941] {strides = array<i32>} : memref<64x768xf32, #tpu.memory_space<vmem>>, vector<1x16xf32>,
        %parallel_loop3A_943 = vector.shape_cast %parallel_loop3A_942 : vector<1x16xf32> to vector<16xf32>
        %parallel_loop3A_944 = arith.addf %parallel_loop3A_938, %parallel_loop3A_943 : vector<16xf32>
        %parallel_loop3A_945 = arith.index_cast %select_n3A_184 : i32 to index
        %parallel_loop3A_946 = arith.index_cast %parallel_loop3A_597 : i32 to index
        %parallel_loop3A_947 = arith.constant 272 : index
        %parallel_loop3A_948 = tpu.vector_load %arg9[%parallel_loop3A_945, %parallel_loop3A_946, %parallel_loop3A_947] {strides = array<i32>} : memref<4x16x768xf32, #tpu.memory_space<vmem>>, vector<1x1x16xf32>,
        %parallel_loop3A_949 = vector.shape_cast %parallel_loop3A_948 : vector<1x1x16xf32> to vector<16xf32>
        %parallel_loop3A_950 = vector.shape_cast %parallel_loop3A_944 : vector<16xf32> to vector<1x1x16xf32>
        tpu.vector_store %arg9[%parallel_loop3A_945, %parallel_loop3A_946, %parallel_loop3A_947], %parallel_loop3A_950 {strides = array<i32>} : memref<4x16x768xf32, #tpu.memory_space<vmem>>, vector<1x1x16xf32>,
        %parallel_loop3A_951 = arith.mulf %parallel_loop3A_944, %parallel_loop3A_944 : vector<16xf32>
        %parallel_loop3A_952 = arith.addf %parallel_loop3A_926, %parallel_loop3A_944 : vector<16xf32>
        %parallel_loop3A_953 = arith.addf %parallel_loop3A_933, %parallel_loop3A_951 : vector<16xf32>
        %parallel_loop3A_954 = arith.index_cast %select_n3A_184 : i32 to index
        %parallel_loop3A_955 = arith.index_cast %parallel_loop3A_597 : i32 to index
        %parallel_loop3A_956 = arith.constant 288 : index
        %parallel_loop3A_957 = tpu.vector_load %arg9[%parallel_loop3A_954, %parallel_loop3A_955, %parallel_loop3A_956] {strides = array<i32>} : memref<4x16x768xf32, #tpu.memory_space<vmem>>, vector<1x1x16xf32>,
        %parallel_loop3A_958 = vector.shape_cast %parallel_loop3A_957 : vector<1x1x16xf32> to vector<16xf32>
        %parallel_loop3A_959 = arith.addi %mul3A_201, %parallel_loop3A_597 : i32
        %parallel_loop3A_960 = arith.index_cast %parallel_loop3A_959 : i32 to index
        %parallel_loop3A_961 = arith.constant 288 : index
        %parallel_loop3A_962 = tpu.vector_load %arg10[%parallel_loop3A_960, %parallel_loop3A_961] {strides = array<i32>} : memref<64x768xf32, #tpu.memory_space<vmem>>, vector<1x16xf32>,
        %parallel_loop3A_963 = vector.shape_cast %parallel_loop3A_962 : vector<1x16xf32> to vector<16xf32>
        %parallel_loop3A_964 = arith.addf %parallel_loop3A_958, %parallel_loop3A_963 : vector<16xf32>
        %parallel_loop3A_965 = arith.index_cast %select_n3A_184 : i32 to index
        %parallel_loop3A_966 = arith.index_cast %parallel_loop3A_597 : i32 to index
        %parallel_loop3A_967 = arith.constant 288 : index
        %parallel_loop3A_968 = tpu.vector_load %arg9[%parallel_loop3A_965, %parallel_loop3A_966, %parallel_loop3A_967] {strides = array<i32>} : memref<4x16x768xf32, #tpu.memory_space<vmem>>, vector<1x1x16xf32>,
        %parallel_loop3A_969 = vector.shape_cast %parallel_loop3A_968 : vector<1x1x16xf32> to vector<16xf32>
        %parallel_loop3A_970 = vector.shape_cast %parallel_loop3A_964 : vector<16xf32> to vector<1x1x16xf32>
        tpu.vector_store %arg9[%parallel_loop3A_965, %parallel_loop3A_966, %parallel_loop3A_967], %parallel_loop3A_970 {strides = array<i32>} : memref<4x16x768xf32, #tpu.memory_space<vmem>>, vector<1x1x16xf32>,
        %parallel_loop3A_971 = arith.mulf %parallel_loop3A_964, %parallel_loop3A_964 : vector<16xf32>
        %parallel_loop3A_972 = arith.index_cast %select_n3A_184 : i32 to index
        %parallel_loop3A_973 = arith.index_cast %parallel_loop3A_597 : i32 to index
        %parallel_loop3A_974 = arith.constant 304 : index
        %parallel_loop3A_975 = tpu.vector_load %arg9[%parallel_loop3A_972, %parallel_loop3A_973, %parallel_loop3A_974] {strides = array<i32>} : memref<4x16x768xf32, #tpu.memory_space<vmem>>, vector<1x1x16xf32>,
        %parallel_loop3A_976 = vector.shape_cast %parallel_loop3A_975 : vector<1x1x16xf32> to vector<16xf32>
        %parallel_loop3A_977 = arith.addi %mul3A_201, %parallel_loop3A_597 : i32
        %parallel_loop3A_978 = arith.index_cast %parallel_loop3A_977 : i32 to index
        %parallel_loop3A_979 = arith.constant 304 : index
        %parallel_loop3A_980 = tpu.vector_load %arg10[%parallel_loop3A_978, %parallel_loop3A_979] {strides = array<i32>} : memref<64x768xf32, #tpu.memory_space<vmem>>, vector<1x16xf32>,
        %parallel_loop3A_981 = vector.shape_cast %parallel_loop3A_980 : vector<1x16xf32> to vector<16xf32>
        %parallel_loop3A_982 = arith.addf %parallel_loop3A_976, %parallel_loop3A_981 : vector<16xf32>
        %parallel_loop3A_983 = arith.index_cast %select_n3A_184 : i32 to index
        %parallel_loop3A_984 = arith.index_cast %parallel_loop3A_597 : i32 to index
        %parallel_loop3A_985 = arith.constant 304 : index
        %parallel_loop3A_986 = tpu.vector_load %arg9[%parallel_loop3A_983, %parallel_loop3A_984, %parallel_loop3A_985] {strides = array<i32>} : memref<4x16x768xf32, #tpu.memory_space<vmem>>, vector<1x1x16xf32>,
        %parallel_loop3A_987 = vector.shape_cast %parallel_loop3A_986 : vector<1x1x16xf32> to vector<16xf32>
        %parallel_loop3A_988 = vector.shape_cast %parallel_loop3A_982 : vector<16xf32> to vector<1x1x16xf32>
        tpu.vector_store %arg9[%parallel_loop3A_983, %parallel_loop3A_984, %parallel_loop3A_985], %parallel_loop3A_988 {strides = array<i32>} : memref<4x16x768xf32, #tpu.memory_space<vmem>>, vector<1x1x16xf32>,
        %parallel_loop3A_989 = arith.mulf %parallel_loop3A_982, %parallel_loop3A_982 : vector<16xf32>
        %parallel_loop3A_990 = arith.addf %parallel_loop3A_964, %parallel_loop3A_982 : vector<16xf32>
        %parallel_loop3A_991 = arith.addf %parallel_loop3A_971, %parallel_loop3A_989 : vector<16xf32>
        %parallel_loop3A_992 = arith.addf %parallel_loop3A_952, %parallel_loop3A_990 : vector<16xf32>
        %parallel_loop3A_993 = arith.addf %parallel_loop3A_953, %parallel_loop3A_991 : vector<16xf32>
        %parallel_loop3A_994 = arith.index_cast %select_n3A_184 : i32 to index
        %parallel_loop3A_995 = arith.index_cast %parallel_loop3A_597 : i32 to index
        %parallel_loop3A_996 = arith.constant 320 : index
        %parallel_loop3A_997 = tpu.vector_load %arg9[%parallel_loop3A_994, %parallel_loop3A_995, %parallel_loop3A_996] {strides = array<i32>} : memref<4x16x768xf32, #tpu.memory_space<vmem>>, vector<1x1x16xf32>,
        %parallel_loop3A_998 = vector.shape_cast %parallel_loop3A_997 : vector<1x1x16xf32> to vector<16xf32>
        %parallel_loop3A_999 = arith.addi %mul3A_201, %parallel_loop3A_597 : i32
        %parallel_loop3A_1000 = arith.index_cast %parallel_loop3A_999 : i32 to index
        %parallel_loop3A_1001 = arith.constant 320 : index
        %parallel_loop3A_1002 = tpu.vector_load %arg10[%parallel_loop3A_1000, %parallel_loop3A_1001] {strides = array<i32>} : memref<64x768xf32, #tpu.memory_space<vmem>>, vector<1x16xf32>,
        %parallel_loop3A_1003 = vector.shape_cast %parallel_loop3A_1002 : vector<1x16xf32> to vector<16xf32>
        %parallel_loop3A_1004 = arith.addf %parallel_loop3A_998, %parallel_loop3A_1003 : vector<16xf32>
        %parallel_loop3A_1005 = arith.index_cast %select_n3A_184 : i32 to index
        %parallel_loop3A_1006 = arith.index_cast %parallel_loop3A_597 : i32 to index
        %parallel_loop3A_1007 = arith.constant 320 : index
        %parallel_loop3A_1008 = tpu.vector_load %arg9[%parallel_loop3A_1005, %parallel_loop3A_1006, %parallel_loop3A_1007] {strides = array<i32>} : memref<4x16x768xf32, #tpu.memory_space<vmem>>, vector<1x1x16xf32>,
        %parallel_loop3A_1009 = vector.shape_cast %parallel_loop3A_1008 : vector<1x1x16xf32> to vector<16xf32>
        %parallel_loop3A_1010 = vector.shape_cast %parallel_loop3A_1004 : vector<16xf32> to vector<1x1x16xf32>
        tpu.vector_store %arg9[%parallel_loop3A_1005, %parallel_loop3A_1006, %parallel_loop3A_1007], %parallel_loop3A_1010 {strides = array<i32>} : memref<4x16x768xf32, #tpu.memory_space<vmem>>, vector<1x1x16xf32>,
        %parallel_loop3A_1011 = arith.mulf %parallel_loop3A_1004, %parallel_loop3A_1004 : vector<16xf32>
        %parallel_loop3A_1012 = arith.index_cast %select_n3A_184 : i32 to index
        %parallel_loop3A_1013 = arith.index_cast %parallel_loop3A_597 : i32 to index
        %parallel_loop3A_1014 = arith.constant 336 : index
        %parallel_loop3A_1015 = tpu.vector_load %arg9[%parallel_loop3A_1012, %parallel_loop3A_1013, %parallel_loop3A_1014] {strides = array<i32>} : memref<4x16x768xf32, #tpu.memory_space<vmem>>, vector<1x1x16xf32>,
        %parallel_loop3A_1016 = vector.shape_cast %parallel_loop3A_1015 : vector<1x1x16xf32> to vector<16xf32>
        %parallel_loop3A_1017 = arith.addi %mul3A_201, %parallel_loop3A_597 : i32
        %parallel_loop3A_1018 = arith.index_cast %parallel_loop3A_1017 : i32 to index
        %parallel_loop3A_1019 = arith.constant 336 : index
        %parallel_loop3A_1020 = tpu.vector_load %arg10[%parallel_loop3A_1018, %parallel_loop3A_1019] {strides = array<i32>} : memref<64x768xf32, #tpu.memory_space<vmem>>, vector<1x16xf32>,
        %parallel_loop3A_1021 = vector.shape_cast %parallel_loop3A_1020 : vector<1x16xf32> to vector<16xf32>
        %parallel_loop3A_1022 = arith.addf %parallel_loop3A_1016, %parallel_loop3A_1021 : vector<16xf32>
        %parallel_loop3A_1023 = arith.index_cast %select_n3A_184 : i32 to index
        %parallel_loop3A_1024 = arith.index_cast %parallel_loop3A_597 : i32 to index
        %parallel_loop3A_1025 = arith.constant 336 : index
        %parallel_loop3A_1026 = tpu.vector_load %arg9[%parallel_loop3A_1023, %parallel_loop3A_1024, %parallel_loop3A_1025] {strides = array<i32>} : memref<4x16x768xf32, #tpu.memory_space<vmem>>, vector<1x1x16xf32>,
        %parallel_loop3A_1027 = vector.shape_cast %parallel_loop3A_1026 : vector<1x1x16xf32> to vector<16xf32>
        %parallel_loop3A_1028 = vector.shape_cast %parallel_loop3A_1022 : vector<16xf32> to vector<1x1x16xf32>
        tpu.vector_store %arg9[%parallel_loop3A_1023, %parallel_loop3A_1024, %parallel_loop3A_1025], %parallel_loop3A_1028 {strides = array<i32>} : memref<4x16x768xf32, #tpu.memory_space<vmem>>, vector<1x1x16xf32>,
        %parallel_loop3A_1029 = arith.mulf %parallel_loop3A_1022, %parallel_loop3A_1022 : vector<16xf32>
        %parallel_loop3A_1030 = arith.addf %parallel_loop3A_1004, %parallel_loop3A_1022 : vector<16xf32>
        %parallel_loop3A_1031 = arith.addf %parallel_loop3A_1011, %parallel_loop3A_1029 : vector<16xf32>
        %parallel_loop3A_1032 = arith.index_cast %select_n3A_184 : i32 to index
        %parallel_loop3A_1033 = arith.index_cast %parallel_loop3A_597 : i32 to index
        %parallel_loop3A_1034 = arith.constant 352 : index
        %parallel_loop3A_1035 = tpu.vector_load %arg9[%parallel_loop3A_1032, %parallel_loop3A_1033, %parallel_loop3A_1034] {strides = array<i32>} : memref<4x16x768xf32, #tpu.memory_space<vmem>>, vector<1x1x16xf32>,
        %parallel_loop3A_1036 = vector.shape_cast %parallel_loop3A_1035 : vector<1x1x16xf32> to vector<16xf32>
        %parallel_loop3A_1037 = arith.addi %mul3A_201, %parallel_loop3A_597 : i32
        %parallel_loop3A_1038 = arith.index_cast %parallel_loop3A_1037 : i32 to index
        %parallel_loop3A_1039 = arith.constant 352 : index
        %parallel_loop3A_1040 = tpu.vector_load %arg10[%parallel_loop3A_1038, %parallel_loop3A_1039] {strides = array<i32>} : memref<64x768xf32, #tpu.memory_space<vmem>>, vector<1x16xf32>,
        %parallel_loop3A_1041 = vector.shape_cast %parallel_loop3A_1040 : vector<1x16xf32> to vector<16xf32>
        %parallel_loop3A_1042 = arith.addf %parallel_loop3A_1036, %parallel_loop3A_1041 : vector<16xf32>
        %parallel_loop3A_1043 = arith.index_cast %select_n3A_184 : i32 to index
        %parallel_loop3A_1044 = arith.index_cast %parallel_loop3A_597 : i32 to index
        %parallel_loop3A_1045 = arith.constant 352 : index
        %parallel_loop3A_1046 = tpu.vector_load %arg9[%parallel_loop3A_1043, %parallel_loop3A_1044, %parallel_loop3A_1045] {strides = array<i32>} : memref<4x16x768xf32, #tpu.memory_space<vmem>>, vector<1x1x16xf32>,
        %parallel_loop3A_1047 = vector.shape_cast %parallel_loop3A_1046 : vector<1x1x16xf32> to vector<16xf32>
        %parallel_loop3A_1048 = vector.shape_cast %parallel_loop3A_1042 : vector<16xf32> to vector<1x1x16xf32>
        tpu.vector_store %arg9[%parallel_loop3A_1043, %parallel_loop3A_1044, %parallel_loop3A_1045], %parallel_loop3A_1048 {strides = array<i32>} : memref<4x16x768xf32, #tpu.memory_space<vmem>>, vector<1x1x16xf32>,
        %parallel_loop3A_1049 = arith.mulf %parallel_loop3A_1042, %parallel_loop3A_1042 : vector<16xf32>
        %parallel_loop3A_1050 = arith.index_cast %select_n3A_184 : i32 to index
        %parallel_loop3A_1051 = arith.index_cast %parallel_loop3A_597 : i32 to index
        %parallel_loop3A_1052 = arith.constant 368 : index
        %parallel_loop3A_1053 = tpu.vector_load %arg9[%parallel_loop3A_1050, %parallel_loop3A_1051, %parallel_loop3A_1052] {strides = array<i32>} : memref<4x16x768xf32, #tpu.memory_space<vmem>>, vector<1x1x16xf32>,
        %parallel_loop3A_1054 = vector.shape_cast %parallel_loop3A_1053 : vector<1x1x16xf32> to vector<16xf32>
        %parallel_loop3A_1055 = arith.addi %mul3A_201, %parallel_loop3A_597 : i32
        %parallel_loop3A_1056 = arith.index_cast %parallel_loop3A_1055 : i32 to index
        %parallel_loop3A_1057 = arith.constant 368 : index
        %parallel_loop3A_1058 = tpu.vector_load %arg10[%parallel_loop3A_1056, %parallel_loop3A_1057] {strides = array<i32>} : memref<64x768xf32, #tpu.memory_space<vmem>>, vector<1x16xf32>,
        %parallel_loop3A_1059 = vector.shape_cast %parallel_loop3A_1058 : vector<1x16xf32> to vector<16xf32>
        %parallel_loop3A_1060 = arith.addf %parallel_loop3A_1054, %parallel_loop3A_1059 : vector<16xf32>
        %parallel_loop3A_1061 = arith.index_cast %select_n3A_184 : i32 to index
        %parallel_loop3A_1062 = arith.index_cast %parallel_loop3A_597 : i32 to index
        %parallel_loop3A_1063 = arith.constant 368 : index
        %parallel_loop3A_1064 = tpu.vector_load %arg9[%parallel_loop3A_1061, %parallel_loop3A_1062, %parallel_loop3A_1063] {strides = array<i32>} : memref<4x16x768xf32, #tpu.memory_space<vmem>>, vector<1x1x16xf32>,
        %parallel_loop3A_1065 = vector.shape_cast %parallel_loop3A_1064 : vector<1x1x16xf32> to vector<16xf32>
        %parallel_loop3A_1066 = vector.shape_cast %parallel_loop3A_1060 : vector<16xf32> to vector<1x1x16xf32>
        tpu.vector_store %arg9[%parallel_loop3A_1061, %parallel_loop3A_1062, %parallel_loop3A_1063], %parallel_loop3A_1066 {strides = array<i32>} : memref<4x16x768xf32, #tpu.memory_space<vmem>>, vector<1x1x16xf32>,
        %parallel_loop3A_1067 = arith.mulf %parallel_loop3A_1060, %parallel_loop3A_1060 : vector<16xf32>
        %parallel_loop3A_1068 = arith.addf %parallel_loop3A_1042, %parallel_loop3A_1060 : vector<16xf32>
        %parallel_loop3A_1069 = arith.addf %parallel_loop3A_1049, %parallel_loop3A_1067 : vector<16xf32>
        %parallel_loop3A_1070 = arith.addf %parallel_loop3A_1030, %parallel_loop3A_1068 : vector<16xf32>
        %parallel_loop3A_1071 = arith.addf %parallel_loop3A_1031, %parallel_loop3A_1069 : vector<16xf32>
        %parallel_loop3A_1072 = arith.addf %parallel_loop3A_992, %parallel_loop3A_1070 : vector<16xf32>
        %parallel_loop3A_1073 = arith.addf %parallel_loop3A_993, %parallel_loop3A_1071 : vector<16xf32>
        %parallel_loop3A_1074 = arith.addf %parallel_loop3A_914, %parallel_loop3A_1072 : vector<16xf32>
        %parallel_loop3A_1075 = arith.addf %parallel_loop3A_915, %parallel_loop3A_1073 : vector<16xf32>
        %parallel_loop3A_1076 = arith.index_cast %select_n3A_184 : i32 to index
        %parallel_loop3A_1077 = arith.index_cast %parallel_loop3A_597 : i32 to index
        %parallel_loop3A_1078 = arith.constant 384 : index
        %parallel_loop3A_1079 = tpu.vector_load %arg9[%parallel_loop3A_1076, %parallel_loop3A_1077, %parallel_loop3A_1078] {strides = array<i32>} : memref<4x16x768xf32, #tpu.memory_space<vmem>>, vector<1x1x16xf32>,
        %parallel_loop3A_1080 = vector.shape_cast %parallel_loop3A_1079 : vector<1x1x16xf32> to vector<16xf32>
        %parallel_loop3A_1081 = arith.addi %mul3A_201, %parallel_loop3A_597 : i32
        %parallel_loop3A_1082 = arith.index_cast %parallel_loop3A_1081 : i32 to index
        %parallel_loop3A_1083 = arith.constant 384 : index
        %parallel_loop3A_1084 = tpu.vector_load %arg10[%parallel_loop3A_1082, %parallel_loop3A_1083] {strides = array<i32>} : memref<64x768xf32, #tpu.memory_space<vmem>>, vector<1x16xf32>,
        %parallel_loop3A_1085 = vector.shape_cast %parallel_loop3A_1084 : vector<1x16xf32> to vector<16xf32>
        %parallel_loop3A_1086 = arith.addf %parallel_loop3A_1080, %parallel_loop3A_1085 : vector<16xf32>
        %parallel_loop3A_1087 = arith.index_cast %select_n3A_184 : i32 to index
        %parallel_loop3A_1088 = arith.index_cast %parallel_loop3A_597 : i32 to index
        %parallel_loop3A_1089 = arith.constant 384 : index
        %parallel_loop3A_1090 = tpu.vector_load %arg9[%parallel_loop3A_1087, %parallel_loop3A_1088, %parallel_loop3A_1089] {strides = array<i32>} : memref<4x16x768xf32, #tpu.memory_space<vmem>>, vector<1x1x16xf32>,
        %parallel_loop3A_1091 = vector.shape_cast %parallel_loop3A_1090 : vector<1x1x16xf32> to vector<16xf32>
        %parallel_loop3A_1092 = vector.shape_cast %parallel_loop3A_1086 : vector<16xf32> to vector<1x1x16xf32>
        tpu.vector_store %arg9[%parallel_loop3A_1087, %parallel_loop3A_1088, %parallel_loop3A_1089], %parallel_loop3A_1092 {strides = array<i32>} : memref<4x16x768xf32, #tpu.memory_space<vmem>>, vector<1x1x16xf32>,
        %parallel_loop3A_1093 = arith.mulf %parallel_loop3A_1086, %parallel_loop3A_1086 : vector<16xf32>
        %parallel_loop3A_1094 = arith.index_cast %select_n3A_184 : i32 to index
        %parallel_loop3A_1095 = arith.index_cast %parallel_loop3A_597 : i32 to index
        %parallel_loop3A_1096 = arith.constant 400 : index
        %parallel_loop3A_1097 = tpu.vector_load %arg9[%parallel_loop3A_1094, %parallel_loop3A_1095, %parallel_loop3A_1096] {strides = array<i32>} : memref<4x16x768xf32, #tpu.memory_space<vmem>>, vector<1x1x16xf32>,
        %parallel_loop3A_1098 = vector.shape_cast %parallel_loop3A_1097 : vector<1x1x16xf32> to vector<16xf32>
        %parallel_loop3A_1099 = arith.addi %mul3A_201, %parallel_loop3A_597 : i32
        %parallel_loop3A_1100 = arith.index_cast %parallel_loop3A_1099 : i32 to index
        %parallel_loop3A_1101 = arith.constant 400 : index
        %parallel_loop3A_1102 = tpu.vector_load %arg10[%parallel_loop3A_1100, %parallel_loop3A_1101] {strides = array<i32>} : memref<64x768xf32, #tpu.memory_space<vmem>>, vector<1x16xf32>,
        %parallel_loop3A_1103 = vector.shape_cast %parallel_loop3A_1102 : vector<1x16xf32> to vector<16xf32>
        %parallel_loop3A_1104 = arith.addf %parallel_loop3A_1098, %parallel_loop3A_1103 : vector<16xf32>
        %parallel_loop3A_1105 = arith.index_cast %select_n3A_184 : i32 to index
        %parallel_loop3A_1106 = arith.index_cast %parallel_loop3A_597 : i32 to index
        %parallel_loop3A_1107 = arith.constant 400 : index
        %parallel_loop3A_1108 = tpu.vector_load %arg9[%parallel_loop3A_1105, %parallel_loop3A_1106, %parallel_loop3A_1107] {strides = array<i32>} : memref<4x16x768xf32, #tpu.memory_space<vmem>>, vector<1x1x16xf32>,
        %parallel_loop3A_1109 = vector.shape_cast %parallel_loop3A_1108 : vector<1x1x16xf32> to vector<16xf32>
        %parallel_loop3A_1110 = vector.shape_cast %parallel_loop3A_1104 : vector<16xf32> to vector<1x1x16xf32>
        tpu.vector_store %arg9[%parallel_loop3A_1105, %parallel_loop3A_1106, %parallel_loop3A_1107], %parallel_loop3A_1110 {strides = array<i32>} : memref<4x16x768xf32, #tpu.memory_space<vmem>>, vector<1x1x16xf32>,
        %parallel_loop3A_1111 = arith.mulf %parallel_loop3A_1104, %parallel_loop3A_1104 : vector<16xf32>
        %parallel_loop3A_1112 = arith.addf %parallel_loop3A_1086, %parallel_loop3A_1104 : vector<16xf32>
        %parallel_loop3A_1113 = arith.addf %parallel_loop3A_1093, %parallel_loop3A_1111 : vector<16xf32>
        %parallel_loop3A_1114 = arith.index_cast %select_n3A_184 : i32 to index
        %parallel_loop3A_1115 = arith.index_cast %parallel_loop3A_597 : i32 to index
        %parallel_loop3A_1116 = arith.constant 416 : index
        %parallel_loop3A_1117 = tpu.vector_load %arg9[%parallel_loop3A_1114, %parallel_loop3A_1115, %parallel_loop3A_1116] {strides = array<i32>} : memref<4x16x768xf32, #tpu.memory_space<vmem>>, vector<1x1x16xf32>,
        %parallel_loop3A_1118 = vector.shape_cast %parallel_loop3A_1117 : vector<1x1x16xf32> to vector<16xf32>
        %parallel_loop3A_1119 = arith.addi %mul3A_201, %parallel_loop3A_597 : i32
        %parallel_loop3A_1120 = arith.index_cast %parallel_loop3A_1119 : i32 to index
        %parallel_loop3A_1121 = arith.constant 416 : index
        %parallel_loop3A_1122 = tpu.vector_load %arg10[%parallel_loop3A_1120, %parallel_loop3A_1121] {strides = array<i32>} : memref<64x768xf32, #tpu.memory_space<vmem>>, vector<1x16xf32>,
        %parallel_loop3A_1123 = vector.shape_cast %parallel_loop3A_1122 : vector<1x16xf32> to vector<16xf32>
        %parallel_loop3A_1124 = arith.addf %parallel_loop3A_1118, %parallel_loop3A_1123 : vector<16xf32>
        %parallel_loop3A_1125 = arith.index_cast %select_n3A_184 : i32 to index
        %parallel_loop3A_1126 = arith.index_cast %parallel_loop3A_597 : i32 to index
        %parallel_loop3A_1127 = arith.constant 416 : index
        %parallel_loop3A_1128 = tpu.vector_load %arg9[%parallel_loop3A_1125, %parallel_loop3A_1126, %parallel_loop3A_1127] {strides = array<i32>} : memref<4x16x768xf32, #tpu.memory_space<vmem>>, vector<1x1x16xf32>,
        %parallel_loop3A_1129 = vector.shape_cast %parallel_loop3A_1128 : vector<1x1x16xf32> to vector<16xf32>
        %parallel_loop3A_1130 = vector.shape_cast %parallel_loop3A_1124 : vector<16xf32> to vector<1x1x16xf32>
        tpu.vector_store %arg9[%parallel_loop3A_1125, %parallel_loop3A_1126, %parallel_loop3A_1127], %parallel_loop3A_1130 {strides = array<i32>} : memref<4x16x768xf32, #tpu.memory_space<vmem>>, vector<1x1x16xf32>,
        %parallel_loop3A_1131 = arith.mulf %parallel_loop3A_1124, %parallel_loop3A_1124 : vector<16xf32>
        %parallel_loop3A_1132 = arith.index_cast %select_n3A_184 : i32 to index
        %parallel_loop3A_1133 = arith.index_cast %parallel_loop3A_597 : i32 to index
        %parallel_loop3A_1134 = arith.constant 432 : index
        %parallel_loop3A_1135 = tpu.vector_load %arg9[%parallel_loop3A_1132, %parallel_loop3A_1133, %parallel_loop3A_1134] {strides = array<i32>} : memref<4x16x768xf32, #tpu.memory_space<vmem>>, vector<1x1x16xf32>,
        %parallel_loop3A_1136 = vector.shape_cast %parallel_loop3A_1135 : vector<1x1x16xf32> to vector<16xf32>
        %parallel_loop3A_1137 = arith.addi %mul3A_201, %parallel_loop3A_597 : i32
        %parallel_loop3A_1138 = arith.index_cast %parallel_loop3A_1137 : i32 to index
        %parallel_loop3A_1139 = arith.constant 432 : index
        %parallel_loop3A_1140 = tpu.vector_load %arg10[%parallel_loop3A_1138, %parallel_loop3A_1139] {strides = array<i32>} : memref<64x768xf32, #tpu.memory_space<vmem>>, vector<1x16xf32>,
        %parallel_loop3A_1141 = vector.shape_cast %parallel_loop3A_1140 : vector<1x16xf32> to vector<16xf32>
        %parallel_loop3A_1142 = arith.addf %parallel_loop3A_1136, %parallel_loop3A_1141 : vector<16xf32>
        %parallel_loop3A_1143 = arith.index_cast %select_n3A_184 : i32 to index
        %parallel_loop3A_1144 = arith.index_cast %parallel_loop3A_597 : i32 to index
        %parallel_loop3A_1145 = arith.constant 432 : index
        %parallel_loop3A_1146 = tpu.vector_load %arg9[%parallel_loop3A_1143, %parallel_loop3A_1144, %parallel_loop3A_1145] {strides = array<i32>} : memref<4x16x768xf32, #tpu.memory_space<vmem>>, vector<1x1x16xf32>,
        %parallel_loop3A_1147 = vector.shape_cast %parallel_loop3A_1146 : vector<1x1x16xf32> to vector<16xf32>
        %parallel_loop3A_1148 = vector.shape_cast %parallel_loop3A_1142 : vector<16xf32> to vector<1x1x16xf32>
        tpu.vector_store %arg9[%parallel_loop3A_1143, %parallel_loop3A_1144, %parallel_loop3A_1145], %parallel_loop3A_1148 {strides = array<i32>} : memref<4x16x768xf32, #tpu.memory_space<vmem>>, vector<1x1x16xf32>,
        %parallel_loop3A_1149 = arith.mulf %parallel_loop3A_1142, %parallel_loop3A_1142 : vector<16xf32>
        %parallel_loop3A_1150 = arith.addf %parallel_loop3A_1124, %parallel_loop3A_1142 : vector<16xf32>
        %parallel_loop3A_1151 = arith.addf %parallel_loop3A_1131, %parallel_loop3A_1149 : vector<16xf32>
        %parallel_loop3A_1152 = arith.addf %parallel_loop3A_1112, %parallel_loop3A_1150 : vector<16xf32>
        %parallel_loop3A_1153 = arith.addf %parallel_loop3A_1113, %parallel_loop3A_1151 : vector<16xf32>
        %parallel_loop3A_1154 = arith.index_cast %select_n3A_184 : i32 to index
        %parallel_loop3A_1155 = arith.index_cast %parallel_loop3A_597 : i32 to index
        %parallel_loop3A_1156 = arith.constant 448 : index
        %parallel_loop3A_1157 = tpu.vector_load %arg9[%parallel_loop3A_1154, %parallel_loop3A_1155, %parallel_loop3A_1156] {strides = array<i32>} : memref<4x16x768xf32, #tpu.memory_space<vmem>>, vector<1x1x16xf32>,
        %parallel_loop3A_1158 = vector.shape_cast %parallel_loop3A_1157 : vector<1x1x16xf32> to vector<16xf32>
        %parallel_loop3A_1159 = arith.addi %mul3A_201, %parallel_loop3A_597 : i32
        %parallel_loop3A_1160 = arith.index_cast %parallel_loop3A_1159 : i32 to index
        %parallel_loop3A_1161 = arith.constant 448 : index
        %parallel_loop3A_1162 = tpu.vector_load %arg10[%parallel_loop3A_1160, %parallel_loop3A_1161] {strides = array<i32>} : memref<64x768xf32, #tpu.memory_space<vmem>>, vector<1x16xf32>,
        %parallel_loop3A_1163 = vector.shape_cast %parallel_loop3A_1162 : vector<1x16xf32> to vector<16xf32>
        %parallel_loop3A_1164 = arith.addf %parallel_loop3A_1158, %parallel_loop3A_1163 : vector<16xf32>
        %parallel_loop3A_1165 = arith.index_cast %select_n3A_184 : i32 to index
        %parallel_loop3A_1166 = arith.index_cast %parallel_loop3A_597 : i32 to index
        %parallel_loop3A_1167 = arith.constant 448 : index
        %parallel_loop3A_1168 = tpu.vector_load %arg9[%parallel_loop3A_1165, %parallel_loop3A_1166, %parallel_loop3A_1167] {strides = array<i32>} : memref<4x16x768xf32, #tpu.memory_space<vmem>>, vector<1x1x16xf32>,
        %parallel_loop3A_1169 = vector.shape_cast %parallel_loop3A_1168 : vector<1x1x16xf32> to vector<16xf32>
        %parallel_loop3A_1170 = vector.shape_cast %parallel_loop3A_1164 : vector<16xf32> to vector<1x1x16xf32>
        tpu.vector_store %arg9[%parallel_loop3A_1165, %parallel_loop3A_1166, %parallel_loop3A_1167], %parallel_loop3A_1170 {strides = array<i32>} : memref<4x16x768xf32, #tpu.memory_space<vmem>>, vector<1x1x16xf32>,
        %parallel_loop3A_1171 = arith.mulf %parallel_loop3A_1164, %parallel_loop3A_1164 : vector<16xf32>
        %parallel_loop3A_1172 = arith.index_cast %select_n3A_184 : i32 to index
        %parallel_loop3A_1173 = arith.index_cast %parallel_loop3A_597 : i32 to index
        %parallel_loop3A_1174 = arith.constant 464 : index
        %parallel_loop3A_1175 = tpu.vector_load %arg9[%parallel_loop3A_1172, %parallel_loop3A_1173, %parallel_loop3A_1174] {strides = array<i32>} : memref<4x16x768xf32, #tpu.memory_space<vmem>>, vector<1x1x16xf32>,
        %parallel_loop3A_1176 = vector.shape_cast %parallel_loop3A_1175 : vector<1x1x16xf32> to vector<16xf32>
        %parallel_loop3A_1177 = arith.addi %mul3A_201, %parallel_loop3A_597 : i32
        %parallel_loop3A_1178 = arith.index_cast %parallel_loop3A_1177 : i32 to index
        %parallel_loop3A_1179 = arith.constant 464 : index
        %parallel_loop3A_1180 = tpu.vector_load %arg10[%parallel_loop3A_1178, %parallel_loop3A_1179] {strides = array<i32>} : memref<64x768xf32, #tpu.memory_space<vmem>>, vector<1x16xf32>,
        %parallel_loop3A_1181 = vector.shape_cast %parallel_loop3A_1180 : vector<1x16xf32> to vector<16xf32>
        %parallel_loop3A_1182 = arith.addf %parallel_loop3A_1176, %parallel_loop3A_1181 : vector<16xf32>
        %parallel_loop3A_1183 = arith.index_cast %select_n3A_184 : i32 to index
        %parallel_loop3A_1184 = arith.index_cast %parallel_loop3A_597 : i32 to index
        %parallel_loop3A_1185 = arith.constant 464 : index
        %parallel_loop3A_1186 = tpu.vector_load %arg9[%parallel_loop3A_1183, %parallel_loop3A_1184, %parallel_loop3A_1185] {strides = array<i32>} : memref<4x16x768xf32, #tpu.memory_space<vmem>>, vector<1x1x16xf32>,
        %parallel_loop3A_1187 = vector.shape_cast %parallel_loop3A_1186 : vector<1x1x16xf32> to vector<16xf32>
        %parallel_loop3A_1188 = vector.shape_cast %parallel_loop3A_1182 : vector<16xf32> to vector<1x1x16xf32>
        tpu.vector_store %arg9[%parallel_loop3A_1183, %parallel_loop3A_1184, %parallel_loop3A_1185], %parallel_loop3A_1188 {strides = array<i32>} : memref<4x16x768xf32, #tpu.memory_space<vmem>>, vector<1x1x16xf32>,
        %parallel_loop3A_1189 = arith.mulf %parallel_loop3A_1182, %parallel_loop3A_1182 : vector<16xf32>
        %parallel_loop3A_1190 = arith.addf %parallel_loop3A_1164, %parallel_loop3A_1182 : vector<16xf32>
        %parallel_loop3A_1191 = arith.addf %parallel_loop3A_1171, %parallel_loop3A_1189 : vector<16xf32>
        %parallel_loop3A_1192 = arith.index_cast %select_n3A_184 : i32 to index
        %parallel_loop3A_1193 = arith.index_cast %parallel_loop3A_597 : i32 to index
        %parallel_loop3A_1194 = arith.constant 480 : index
        %parallel_loop3A_1195 = tpu.vector_load %arg9[%parallel_loop3A_1192, %parallel_loop3A_1193, %parallel_loop3A_1194] {strides = array<i32>} : memref<4x16x768xf32, #tpu.memory_space<vmem>>, vector<1x1x16xf32>,
        %parallel_loop3A_1196 = vector.shape_cast %parallel_loop3A_1195 : vector<1x1x16xf32> to vector<16xf32>
        %parallel_loop3A_1197 = arith.addi %mul3A_201, %parallel_loop3A_597 : i32
        %parallel_loop3A_1198 = arith.index_cast %parallel_loop3A_1197 : i32 to index
        %parallel_loop3A_1199 = arith.constant 480 : index
        %parallel_loop3A_1200 = tpu.vector_load %arg10[%parallel_loop3A_1198, %parallel_loop3A_1199] {strides = array<i32>} : memref<64x768xf32, #tpu.memory_space<vmem>>, vector<1x16xf32>,
        %parallel_loop3A_1201 = vector.shape_cast %parallel_loop3A_1200 : vector<1x16xf32> to vector<16xf32>
        %parallel_loop3A_1202 = arith.addf %parallel_loop3A_1196, %parallel_loop3A_1201 : vector<16xf32>
        %parallel_loop3A_1203 = arith.index_cast %select_n3A_184 : i32 to index
        %parallel_loop3A_1204 = arith.index_cast %parallel_loop3A_597 : i32 to index
        %parallel_loop3A_1205 = arith.constant 480 : index
        %parallel_loop3A_1206 = tpu.vector_load %arg9[%parallel_loop3A_1203, %parallel_loop3A_1204, %parallel_loop3A_1205] {strides = array<i32>} : memref<4x16x768xf32, #tpu.memory_space<vmem>>, vector<1x1x16xf32>,
        %parallel_loop3A_1207 = vector.shape_cast %parallel_loop3A_1206 : vector<1x1x16xf32> to vector<16xf32>
        %parallel_loop3A_1208 = vector.shape_cast %parallel_loop3A_1202 : vector<16xf32> to vector<1x1x16xf32>
        tpu.vector_store %arg9[%parallel_loop3A_1203, %parallel_loop3A_1204, %parallel_loop3A_1205], %parallel_loop3A_1208 {strides = array<i32>} : memref<4x16x768xf32, #tpu.memory_space<vmem>>, vector<1x1x16xf32>,
        %parallel_loop3A_1209 = arith.mulf %parallel_loop3A_1202, %parallel_loop3A_1202 : vector<16xf32>
        %parallel_loop3A_1210 = arith.index_cast %select_n3A_184 : i32 to index
        %parallel_loop3A_1211 = arith.index_cast %parallel_loop3A_597 : i32 to index
        %parallel_loop3A_1212 = arith.constant 496 : index
        %parallel_loop3A_1213 = tpu.vector_load %arg9[%parallel_loop3A_1210, %parallel_loop3A_1211, %parallel_loop3A_1212] {strides = array<i32>} : memref<4x16x768xf32, #tpu.memory_space<vmem>>, vector<1x1x16xf32>,
        %parallel_loop3A_1214 = vector.shape_cast %parallel_loop3A_1213 : vector<1x1x16xf32> to vector<16xf32>
        %parallel_loop3A_1215 = arith.addi %mul3A_201, %parallel_loop3A_597 : i32
        %parallel_loop3A_1216 = arith.index_cast %parallel_loop3A_1215 : i32 to index
        %parallel_loop3A_1217 = arith.constant 496 : index
        %parallel_loop3A_1218 = tpu.vector_load %arg10[%parallel_loop3A_1216, %parallel_loop3A_1217] {strides = array<i32>} : memref<64x768xf32, #tpu.memory_space<vmem>>, vector<1x16xf32>,
        %parallel_loop3A_1219 = vector.shape_cast %parallel_loop3A_1218 : vector<1x16xf32> to vector<16xf32>
        %parallel_loop3A_1220 = arith.addf %parallel_loop3A_1214, %parallel_loop3A_1219 : vector<16xf32>
        %parallel_loop3A_1221 = arith.index_cast %select_n3A_184 : i32 to index
        %parallel_loop3A_1222 = arith.index_cast %parallel_loop3A_597 : i32 to index
        %parallel_loop3A_1223 = arith.constant 496 : index
        %parallel_loop3A_1224 = tpu.vector_load %arg9[%parallel_loop3A_1221, %parallel_loop3A_1222, %parallel_loop3A_1223] {strides = array<i32>} : memref<4x16x768xf32, #tpu.memory_space<vmem>>, vector<1x1x16xf32>,
        %parallel_loop3A_1225 = vector.shape_cast %parallel_loop3A_1224 : vector<1x1x16xf32> to vector<16xf32>
        %parallel_loop3A_1226 = vector.shape_cast %parallel_loop3A_1220 : vector<16xf32> to vector<1x1x16xf32>
        tpu.vector_store %arg9[%parallel_loop3A_1221, %parallel_loop3A_1222, %parallel_loop3A_1223], %parallel_loop3A_1226 {strides = array<i32>} : memref<4x16x768xf32, #tpu.memory_space<vmem>>, vector<1x1x16xf32>,
        %parallel_loop3A_1227 = arith.mulf %parallel_loop3A_1220, %parallel_loop3A_1220 : vector<16xf32>
        %parallel_loop3A_1228 = arith.addf %parallel_loop3A_1202, %parallel_loop3A_1220 : vector<16xf32>
        %parallel_loop3A_1229 = arith.addf %parallel_loop3A_1209, %parallel_loop3A_1227 : vector<16xf32>
        %parallel_loop3A_1230 = arith.addf %parallel_loop3A_1190, %parallel_loop3A_1228 : vector<16xf32>
        %parallel_loop3A_1231 = arith.addf %parallel_loop3A_1191, %parallel_loop3A_1229 : vector<16xf32>
        %parallel_loop3A_1232 = arith.addf %parallel_loop3A_1152, %parallel_loop3A_1230 : vector<16xf32>
        %parallel_loop3A_1233 = arith.addf %parallel_loop3A_1153, %parallel_loop3A_1231 : vector<16xf32>
        %parallel_loop3A_1234 = arith.addf %parallel_loop3A_1074, %parallel_loop3A_1232 : vector<16xf32>
        %parallel_loop3A_1235 = arith.addf %parallel_loop3A_1075, %parallel_loop3A_1233 : vector<16xf32>
        %parallel_loop3A_1236 = arith.index_cast %select_n3A_184 : i32 to index
        %parallel_loop3A_1237 = arith.index_cast %parallel_loop3A_597 : i32 to index
        %parallel_loop3A_1238 = arith.constant 512 : index
        %parallel_loop3A_1239 = tpu.vector_load %arg9[%parallel_loop3A_1236, %parallel_loop3A_1237, %parallel_loop3A_1238] {strides = array<i32>} : memref<4x16x768xf32, #tpu.memory_space<vmem>>, vector<1x1x16xf32>,
        %parallel_loop3A_1240 = vector.shape_cast %parallel_loop3A_1239 : vector<1x1x16xf32> to vector<16xf32>
        %parallel_loop3A_1241 = arith.addi %mul3A_201, %parallel_loop3A_597 : i32
        %parallel_loop3A_1242 = arith.index_cast %parallel_loop3A_1241 : i32 to index
        %parallel_loop3A_1243 = arith.constant 512 : index
        %parallel_loop3A_1244 = tpu.vector_load %arg10[%parallel_loop3A_1242, %parallel_loop3A_1243] {strides = array<i32>} : memref<64x768xf32, #tpu.memory_space<vmem>>, vector<1x16xf32>,
        %parallel_loop3A_1245 = vector.shape_cast %parallel_loop3A_1244 : vector<1x16xf32> to vector<16xf32>
        %parallel_loop3A_1246 = arith.addf %parallel_loop3A_1240, %parallel_loop3A_1245 : vector<16xf32>
        %parallel_loop3A_1247 = arith.index_cast %select_n3A_184 : i32 to index
        %parallel_loop3A_1248 = arith.index_cast %parallel_loop3A_597 : i32 to index
        %parallel_loop3A_1249 = arith.constant 512 : index
        %parallel_loop3A_1250 = tpu.vector_load %arg9[%parallel_loop3A_1247, %parallel_loop3A_1248, %parallel_loop3A_1249] {strides = array<i32>} : memref<4x16x768xf32, #tpu.memory_space<vmem>>, vector<1x1x16xf32>,
        %parallel_loop3A_1251 = vector.shape_cast %parallel_loop3A_1250 : vector<1x1x16xf32> to vector<16xf32>
        %parallel_loop3A_1252 = vector.shape_cast %parallel_loop3A_1246 : vector<16xf32> to vector<1x1x16xf32>
        tpu.vector_store %arg9[%parallel_loop3A_1247, %parallel_loop3A_1248, %parallel_loop3A_1249], %parallel_loop3A_1252 {strides = array<i32>} : memref<4x16x768xf32, #tpu.memory_space<vmem>>, vector<1x1x16xf32>,
        %parallel_loop3A_1253 = arith.mulf %parallel_loop3A_1246, %parallel_loop3A_1246 : vector<16xf32>
        %parallel_loop3A_1254 = arith.index_cast %select_n3A_184 : i32 to index
        %parallel_loop3A_1255 = arith.index_cast %parallel_loop3A_597 : i32 to index
        %parallel_loop3A_1256 = arith.constant 528 : index
        %parallel_loop3A_1257 = tpu.vector_load %arg9[%parallel_loop3A_1254, %parallel_loop3A_1255, %parallel_loop3A_1256] {strides = array<i32>} : memref<4x16x768xf32, #tpu.memory_space<vmem>>, vector<1x1x16xf32>,
        %parallel_loop3A_1258 = vector.shape_cast %parallel_loop3A_1257 : vector<1x1x16xf32> to vector<16xf32>
        %parallel_loop3A_1259 = arith.addi %mul3A_201, %parallel_loop3A_597 : i32
        %parallel_loop3A_1260 = arith.index_cast %parallel_loop3A_1259 : i32 to index
        %parallel_loop3A_1261 = arith.constant 528 : index
        %parallel_loop3A_1262 = tpu.vector_load %arg10[%parallel_loop3A_1260, %parallel_loop3A_1261] {strides = array<i32>} : memref<64x768xf32, #tpu.memory_space<vmem>>, vector<1x16xf32>,
        %parallel_loop3A_1263 = vector.shape_cast %parallel_loop3A_1262 : vector<1x16xf32> to vector<16xf32>
        %parallel_loop3A_1264 = arith.addf %parallel_loop3A_1258, %parallel_loop3A_1263 : vector<16xf32>
        %parallel_loop3A_1265 = arith.index_cast %select_n3A_184 : i32 to index
        %parallel_loop3A_1266 = arith.index_cast %parallel_loop3A_597 : i32 to index
        %parallel_loop3A_1267 = arith.constant 528 : index
        %parallel_loop3A_1268 = tpu.vector_load %arg9[%parallel_loop3A_1265, %parallel_loop3A_1266, %parallel_loop3A_1267] {strides = array<i32>} : memref<4x16x768xf32, #tpu.memory_space<vmem>>, vector<1x1x16xf32>,
        %parallel_loop3A_1269 = vector.shape_cast %parallel_loop3A_1268 : vector<1x1x16xf32> to vector<16xf32>
        %parallel_loop3A_1270 = vector.shape_cast %parallel_loop3A_1264 : vector<16xf32> to vector<1x1x16xf32>
        tpu.vector_store %arg9[%parallel_loop3A_1265, %parallel_loop3A_1266, %parallel_loop3A_1267], %parallel_loop3A_1270 {strides = array<i32>} : memref<4x16x768xf32, #tpu.memory_space<vmem>>, vector<1x1x16xf32>,
        %parallel_loop3A_1271 = arith.mulf %parallel_loop3A_1264, %parallel_loop3A_1264 : vector<16xf32>
        %parallel_loop3A_1272 = arith.addf %parallel_loop3A_1246, %parallel_loop3A_1264 : vector<16xf32>
        %parallel_loop3A_1273 = arith.addf %parallel_loop3A_1253, %parallel_loop3A_1271 : vector<16xf32>
        %parallel_loop3A_1274 = arith.index_cast %select_n3A_184 : i32 to index
        %parallel_loop3A_1275 = arith.index_cast %parallel_loop3A_597 : i32 to index
        %parallel_loop3A_1276 = arith.constant 544 : index
        %parallel_loop3A_1277 = tpu.vector_load %arg9[%parallel_loop3A_1274, %parallel_loop3A_1275, %parallel_loop3A_1276] {strides = array<i32>} : memref<4x16x768xf32, #tpu.memory_space<vmem>>, vector<1x1x16xf32>,
        %parallel_loop3A_1278 = vector.shape_cast %parallel_loop3A_1277 : vector<1x1x16xf32> to vector<16xf32>
        %parallel_loop3A_1279 = arith.addi %mul3A_201, %parallel_loop3A_597 : i32
        %parallel_loop3A_1280 = arith.index_cast %parallel_loop3A_1279 : i32 to index
        %parallel_loop3A_1281 = arith.constant 544 : index
        %parallel_loop3A_1282 = tpu.vector_load %arg10[%parallel_loop3A_1280, %parallel_loop3A_1281] {strides = array<i32>} : memref<64x768xf32, #tpu.memory_space<vmem>>, vector<1x16xf32>,
        %parallel_loop3A_1283 = vector.shape_cast %parallel_loop3A_1282 : vector<1x16xf32> to vector<16xf32>
        %parallel_loop3A_1284 = arith.addf %parallel_loop3A_1278, %parallel_loop3A_1283 : vector<16xf32>
        %parallel_loop3A_1285 = arith.index_cast %select_n3A_184 : i32 to index
        %parallel_loop3A_1286 = arith.index_cast %parallel_loop3A_597 : i32 to index
        %parallel_loop3A_1287 = arith.constant 544 : index
        %parallel_loop3A_1288 = tpu.vector_load %arg9[%parallel_loop3A_1285, %parallel_loop3A_1286, %parallel_loop3A_1287] {strides = array<i32>} : memref<4x16x768xf32, #tpu.memory_space<vmem>>, vector<1x1x16xf32>,
        %parallel_loop3A_1289 = vector.shape_cast %parallel_loop3A_1288 : vector<1x1x16xf32> to vector<16xf32>
        %parallel_loop3A_1290 = vector.shape_cast %parallel_loop3A_1284 : vector<16xf32> to vector<1x1x16xf32>
        tpu.vector_store %arg9[%parallel_loop3A_1285, %parallel_loop3A_1286, %parallel_loop3A_1287], %parallel_loop3A_1290 {strides = array<i32>} : memref<4x16x768xf32, #tpu.memory_space<vmem>>, vector<1x1x16xf32>,
        %parallel_loop3A_1291 = arith.mulf %parallel_loop3A_1284, %parallel_loop3A_1284 : vector<16xf32>
        %parallel_loop3A_1292 = arith.index_cast %select_n3A_184 : i32 to index
        %parallel_loop3A_1293 = arith.index_cast %parallel_loop3A_597 : i32 to index
        %parallel_loop3A_1294 = arith.constant 560 : index
        %parallel_loop3A_1295 = tpu.vector_load %arg9[%parallel_loop3A_1292, %parallel_loop3A_1293, %parallel_loop3A_1294] {strides = array<i32>} : memref<4x16x768xf32, #tpu.memory_space<vmem>>, vector<1x1x16xf32>,
        %parallel_loop3A_1296 = vector.shape_cast %parallel_loop3A_1295 : vector<1x1x16xf32> to vector<16xf32>
        %parallel_loop3A_1297 = arith.addi %mul3A_201, %parallel_loop3A_597 : i32
        %parallel_loop3A_1298 = arith.index_cast %parallel_loop3A_1297 : i32 to index
        %parallel_loop3A_1299 = arith.constant 560 : index
        %parallel_loop3A_1300 = tpu.vector_load %arg10[%parallel_loop3A_1298, %parallel_loop3A_1299] {strides = array<i32>} : memref<64x768xf32, #tpu.memory_space<vmem>>, vector<1x16xf32>,
        %parallel_loop3A_1301 = vector.shape_cast %parallel_loop3A_1300 : vector<1x16xf32> to vector<16xf32>
        %parallel_loop3A_1302 = arith.addf %parallel_loop3A_1296, %parallel_loop3A_1301 : vector<16xf32>
        %parallel_loop3A_1303 = arith.index_cast %select_n3A_184 : i32 to index
        %parallel_loop3A_1304 = arith.index_cast %parallel_loop3A_597 : i32 to index
        %parallel_loop3A_1305 = arith.constant 560 : index
        %parallel_loop3A_1306 = tpu.vector_load %arg9[%parallel_loop3A_1303, %parallel_loop3A_1304, %parallel_loop3A_1305] {strides = array<i32>} : memref<4x16x768xf32, #tpu.memory_space<vmem>>, vector<1x1x16xf32>,
        %parallel_loop3A_1307 = vector.shape_cast %parallel_loop3A_1306 : vector<1x1x16xf32> to vector<16xf32>
        %parallel_loop3A_1308 = vector.shape_cast %parallel_loop3A_1302 : vector<16xf32> to vector<1x1x16xf32>
        tpu.vector_store %arg9[%parallel_loop3A_1303, %parallel_loop3A_1304, %parallel_loop3A_1305], %parallel_loop3A_1308 {strides = array<i32>} : memref<4x16x768xf32, #tpu.memory_space<vmem>>, vector<1x1x16xf32>,
        %parallel_loop3A_1309 = arith.mulf %parallel_loop3A_1302, %parallel_loop3A_1302 : vector<16xf32>
        %parallel_loop3A_1310 = arith.addf %parallel_loop3A_1284, %parallel_loop3A_1302 : vector<16xf32>
        %parallel_loop3A_1311 = arith.addf %parallel_loop3A_1291, %parallel_loop3A_1309 : vector<16xf32>
        %parallel_loop3A_1312 = arith.addf %parallel_loop3A_1272, %parallel_loop3A_1310 : vector<16xf32>
        %parallel_loop3A_1313 = arith.addf %parallel_loop3A_1273, %parallel_loop3A_1311 : vector<16xf32>
        %parallel_loop3A_1314 = arith.index_cast %select_n3A_184 : i32 to index
        %parallel_loop3A_1315 = arith.index_cast %parallel_loop3A_597 : i32 to index
        %parallel_loop3A_1316 = arith.constant 576 : index
        %parallel_loop3A_1317 = tpu.vector_load %arg9[%parallel_loop3A_1314, %parallel_loop3A_1315, %parallel_loop3A_1316] {strides = array<i32>} : memref<4x16x768xf32, #tpu.memory_space<vmem>>, vector<1x1x16xf32>,
        %parallel_loop3A_1318 = vector.shape_cast %parallel_loop3A_1317 : vector<1x1x16xf32> to vector<16xf32>
        %parallel_loop3A_1319 = arith.addi %mul3A_201, %parallel_loop3A_597 : i32
        %parallel_loop3A_1320 = arith.index_cast %parallel_loop3A_1319 : i32 to index
        %parallel_loop3A_1321 = arith.constant 576 : index
        %parallel_loop3A_1322 = tpu.vector_load %arg10[%parallel_loop3A_1320, %parallel_loop3A_1321] {strides = array<i32>} : memref<64x768xf32, #tpu.memory_space<vmem>>, vector<1x16xf32>,
        %parallel_loop3A_1323 = vector.shape_cast %parallel_loop3A_1322 : vector<1x16xf32> to vector<16xf32>
        %parallel_loop3A_1324 = arith.addf %parallel_loop3A_1318, %parallel_loop3A_1323 : vector<16xf32>
        %parallel_loop3A_1325 = arith.index_cast %select_n3A_184 : i32 to index
        %parallel_loop3A_1326 = arith.index_cast %parallel_loop3A_597 : i32 to index
        %parallel_loop3A_1327 = arith.constant 576 : index
        %parallel_loop3A_1328 = tpu.vector_load %arg9[%parallel_loop3A_1325, %parallel_loop3A_1326, %parallel_loop3A_1327] {strides = array<i32>} : memref<4x16x768xf32, #tpu.memory_space<vmem>>, vector<1x1x16xf32>,
        %parallel_loop3A_1329 = vector.shape_cast %parallel_loop3A_1328 : vector<1x1x16xf32> to vector<16xf32>
        %parallel_loop3A_1330 = vector.shape_cast %parallel_loop3A_1324 : vector<16xf32> to vector<1x1x16xf32>
        tpu.vector_store %arg9[%parallel_loop3A_1325, %parallel_loop3A_1326, %parallel_loop3A_1327], %parallel_loop3A_1330 {strides = array<i32>} : memref<4x16x768xf32, #tpu.memory_space<vmem>>, vector<1x1x16xf32>,
        %parallel_loop3A_1331 = arith.mulf %parallel_loop3A_1324, %parallel_loop3A_1324 : vector<16xf32>
        %parallel_loop3A_1332 = arith.index_cast %select_n3A_184 : i32 to index
        %parallel_loop3A_1333 = arith.index_cast %parallel_loop3A_597 : i32 to index
        %parallel_loop3A_1334 = arith.constant 592 : index
        %parallel_loop3A_1335 = tpu.vector_load %arg9[%parallel_loop3A_1332, %parallel_loop3A_1333, %parallel_loop3A_1334] {strides = array<i32>} : memref<4x16x768xf32, #tpu.memory_space<vmem>>, vector<1x1x16xf32>,
        %parallel_loop3A_1336 = vector.shape_cast %parallel_loop3A_1335 : vector<1x1x16xf32> to vector<16xf32>
        %parallel_loop3A_1337 = arith.addi %mul3A_201, %parallel_loop3A_597 : i32
        %parallel_loop3A_1338 = arith.index_cast %parallel_loop3A_1337 : i32 to index
        %parallel_loop3A_1339 = arith.constant 592 : index
        %parallel_loop3A_1340 = tpu.vector_load %arg10[%parallel_loop3A_1338, %parallel_loop3A_1339] {strides = array<i32>} : memref<64x768xf32, #tpu.memory_space<vmem>>, vector<1x16xf32>,
        %parallel_loop3A_1341 = vector.shape_cast %parallel_loop3A_1340 : vector<1x16xf32> to vector<16xf32>
        %parallel_loop3A_1342 = arith.addf %parallel_loop3A_1336, %parallel_loop3A_1341 : vector<16xf32>
        %parallel_loop3A_1343 = arith.index_cast %select_n3A_184 : i32 to index
        %parallel_loop3A_1344 = arith.index_cast %parallel_loop3A_597 : i32 to index
        %parallel_loop3A_1345 = arith.constant 592 : index
        %parallel_loop3A_1346 = tpu.vector_load %arg9[%parallel_loop3A_1343, %parallel_loop3A_1344, %parallel_loop3A_1345] {strides = array<i32>} : memref<4x16x768xf32, #tpu.memory_space<vmem>>, vector<1x1x16xf32>,
        %parallel_loop3A_1347 = vector.shape_cast %parallel_loop3A_1346 : vector<1x1x16xf32> to vector<16xf32>
        %parallel_loop3A_1348 = vector.shape_cast %parallel_loop3A_1342 : vector<16xf32> to vector<1x1x16xf32>
        tpu.vector_store %arg9[%parallel_loop3A_1343, %parallel_loop3A_1344, %parallel_loop3A_1345], %parallel_loop3A_1348 {strides = array<i32>} : memref<4x16x768xf32, #tpu.memory_space<vmem>>, vector<1x1x16xf32>,
        %parallel_loop3A_1349 = arith.mulf %parallel_loop3A_1342, %parallel_loop3A_1342 : vector<16xf32>
        %parallel_loop3A_1350 = arith.addf %parallel_loop3A_1324, %parallel_loop3A_1342 : vector<16xf32>
        %parallel_loop3A_1351 = arith.addf %parallel_loop3A_1331, %parallel_loop3A_1349 : vector<16xf32>
        %parallel_loop3A_1352 = arith.index_cast %select_n3A_184 : i32 to index
        %parallel_loop3A_1353 = arith.index_cast %parallel_loop3A_597 : i32 to index
        %parallel_loop3A_1354 = arith.constant 608 : index
        %parallel_loop3A_1355 = tpu.vector_load %arg9[%parallel_loop3A_1352, %parallel_loop3A_1353, %parallel_loop3A_1354] {strides = array<i32>} : memref<4x16x768xf32, #tpu.memory_space<vmem>>, vector<1x1x16xf32>,
        %parallel_loop3A_1356 = vector.shape_cast %parallel_loop3A_1355 : vector<1x1x16xf32> to vector<16xf32>
        %parallel_loop3A_1357 = arith.addi %mul3A_201, %parallel_loop3A_597 : i32
        %parallel_loop3A_1358 = arith.index_cast %parallel_loop3A_1357 : i32 to index
        %parallel_loop3A_1359 = arith.constant 608 : index
        %parallel_loop3A_1360 = tpu.vector_load %arg10[%parallel_loop3A_1358, %parallel_loop3A_1359] {strides = array<i32>} : memref<64x768xf32, #tpu.memory_space<vmem>>, vector<1x16xf32>,
        %parallel_loop3A_1361 = vector.shape_cast %parallel_loop3A_1360 : vector<1x16xf32> to vector<16xf32>
        %parallel_loop3A_1362 = arith.addf %parallel_loop3A_1356, %parallel_loop3A_1361 : vector<16xf32>
        %parallel_loop3A_1363 = arith.index_cast %select_n3A_184 : i32 to index
        %parallel_loop3A_1364 = arith.index_cast %parallel_loop3A_597 : i32 to index
        %parallel_loop3A_1365 = arith.constant 608 : index
        %parallel_loop3A_1366 = tpu.vector_load %arg9[%parallel_loop3A_1363, %parallel_loop3A_1364, %parallel_loop3A_1365] {strides = array<i32>} : memref<4x16x768xf32, #tpu.memory_space<vmem>>, vector<1x1x16xf32>,
        %parallel_loop3A_1367 = vector.shape_cast %parallel_loop3A_1366 : vector<1x1x16xf32> to vector<16xf32>
        %parallel_loop3A_1368 = vector.shape_cast %parallel_loop3A_1362 : vector<16xf32> to vector<1x1x16xf32>
        tpu.vector_store %arg9[%parallel_loop3A_1363, %parallel_loop3A_1364, %parallel_loop3A_1365], %parallel_loop3A_1368 {strides = array<i32>} : memref<4x16x768xf32, #tpu.memory_space<vmem>>, vector<1x1x16xf32>,
        %parallel_loop3A_1369 = arith.mulf %parallel_loop3A_1362, %parallel_loop3A_1362 : vector<16xf32>
        %parallel_loop3A_1370 = arith.index_cast %select_n3A_184 : i32 to index
        %parallel_loop3A_1371 = arith.index_cast %parallel_loop3A_597 : i32 to index
        %parallel_loop3A_1372 = arith.constant 624 : index
        %parallel_loop3A_1373 = tpu.vector_load %arg9[%parallel_loop3A_1370, %parallel_loop3A_1371, %parallel_loop3A_1372] {strides = array<i32>} : memref<4x16x768xf32, #tpu.memory_space<vmem>>, vector<1x1x16xf32>,
        %parallel_loop3A_1374 = vector.shape_cast %parallel_loop3A_1373 : vector<1x1x16xf32> to vector<16xf32>
        %parallel_loop3A_1375 = arith.addi %mul3A_201, %parallel_loop3A_597 : i32
        %parallel_loop3A_1376 = arith.index_cast %parallel_loop3A_1375 : i32 to index
        %parallel_loop3A_1377 = arith.constant 624 : index
        %parallel_loop3A_1378 = tpu.vector_load %arg10[%parallel_loop3A_1376, %parallel_loop3A_1377] {strides = array<i32>} : memref<64x768xf32, #tpu.memory_space<vmem>>, vector<1x16xf32>,
        %parallel_loop3A_1379 = vector.shape_cast %parallel_loop3A_1378 : vector<1x16xf32> to vector<16xf32>
        %parallel_loop3A_1380 = arith.addf %parallel_loop3A_1374, %parallel_loop3A_1379 : vector<16xf32>
        %parallel_loop3A_1381 = arith.index_cast %select_n3A_184 : i32 to index
        %parallel_loop3A_1382 = arith.index_cast %parallel_loop3A_597 : i32 to index
        %parallel_loop3A_1383 = arith.constant 624 : index
        %parallel_loop3A_1384 = tpu.vector_load %arg9[%parallel_loop3A_1381, %parallel_loop3A_1382, %parallel_loop3A_1383] {strides = array<i32>} : memref<4x16x768xf32, #tpu.memory_space<vmem>>, vector<1x1x16xf32>,
        %parallel_loop3A_1385 = vector.shape_cast %parallel_loop3A_1384 : vector<1x1x16xf32> to vector<16xf32>
        %parallel_loop3A_1386 = vector.shape_cast %parallel_loop3A_1380 : vector<16xf32> to vector<1x1x16xf32>
        tpu.vector_store %arg9[%parallel_loop3A_1381, %parallel_loop3A_1382, %parallel_loop3A_1383], %parallel_loop3A_1386 {strides = array<i32>} : memref<4x16x768xf32, #tpu.memory_space<vmem>>, vector<1x1x16xf32>,
        %parallel_loop3A_1387 = arith.mulf %parallel_loop3A_1380, %parallel_loop3A_1380 : vector<16xf32>
        %parallel_loop3A_1388 = arith.addf %parallel_loop3A_1362, %parallel_loop3A_1380 : vector<16xf32>
        %parallel_loop3A_1389 = arith.addf %parallel_loop3A_1369, %parallel_loop3A_1387 : vector<16xf32>
        %parallel_loop3A_1390 = arith.addf %parallel_loop3A_1350, %parallel_loop3A_1388 : vector<16xf32>
        %parallel_loop3A_1391 = arith.addf %parallel_loop3A_1351, %parallel_loop3A_1389 : vector<16xf32>
        %parallel_loop3A_1392 = arith.addf %parallel_loop3A_1312, %parallel_loop3A_1390 : vector<16xf32>
        %parallel_loop3A_1393 = arith.addf %parallel_loop3A_1313, %parallel_loop3A_1391 : vector<16xf32>
        %parallel_loop3A_1394 = arith.addf %parallel_loop3A_1234, %parallel_loop3A_1392 : vector<16xf32>
        %parallel_loop3A_1395 = arith.addf %parallel_loop3A_1235, %parallel_loop3A_1393 : vector<16xf32>
        %parallel_loop3A_1396 = arith.index_cast %select_n3A_184 : i32 to index
        %parallel_loop3A_1397 = arith.index_cast %parallel_loop3A_597 : i32 to index
        %parallel_loop3A_1398 = arith.constant 640 : index
        %parallel_loop3A_1399 = tpu.vector_load %arg9[%parallel_loop3A_1396, %parallel_loop3A_1397, %parallel_loop3A_1398] {strides = array<i32>} : memref<4x16x768xf32, #tpu.memory_space<vmem>>, vector<1x1x16xf32>,
        %parallel_loop3A_1400 = vector.shape_cast %parallel_loop3A_1399 : vector<1x1x16xf32> to vector<16xf32>
        %parallel_loop3A_1401 = arith.addi %mul3A_201, %parallel_loop3A_597 : i32
        %parallel_loop3A_1402 = arith.index_cast %parallel_loop3A_1401 : i32 to index
        %parallel_loop3A_1403 = arith.constant 640 : index
        %parallel_loop3A_1404 = tpu.vector_load %arg10[%parallel_loop3A_1402, %parallel_loop3A_1403] {strides = array<i32>} : memref<64x768xf32, #tpu.memory_space<vmem>>, vector<1x16xf32>,
        %parallel_loop3A_1405 = vector.shape_cast %parallel_loop3A_1404 : vector<1x16xf32> to vector<16xf32>
        %parallel_loop3A_1406 = arith.addf %parallel_loop3A_1400, %parallel_loop3A_1405 : vector<16xf32>
        %parallel_loop3A_1407 = arith.index_cast %select_n3A_184 : i32 to index
        %parallel_loop3A_1408 = arith.index_cast %parallel_loop3A_597 : i32 to index
        %parallel_loop3A_1409 = arith.constant 640 : index
        %parallel_loop3A_1410 = tpu.vector_load %arg9[%parallel_loop3A_1407, %parallel_loop3A_1408, %parallel_loop3A_1409] {strides = array<i32>} : memref<4x16x768xf32, #tpu.memory_space<vmem>>, vector<1x1x16xf32>,
        %parallel_loop3A_1411 = vector.shape_cast %parallel_loop3A_1410 : vector<1x1x16xf32> to vector<16xf32>
        %parallel_loop3A_1412 = vector.shape_cast %parallel_loop3A_1406 : vector<16xf32> to vector<1x1x16xf32>
        tpu.vector_store %arg9[%parallel_loop3A_1407, %parallel_loop3A_1408, %parallel_loop3A_1409], %parallel_loop3A_1412 {strides = array<i32>} : memref<4x16x768xf32, #tpu.memory_space<vmem>>, vector<1x1x16xf32>,
        %parallel_loop3A_1413 = arith.mulf %parallel_loop3A_1406, %parallel_loop3A_1406 : vector<16xf32>
        %parallel_loop3A_1414 = arith.index_cast %select_n3A_184 : i32 to index
        %parallel_loop3A_1415 = arith.index_cast %parallel_loop3A_597 : i32 to index
        %parallel_loop3A_1416 = arith.constant 656 : index
        %parallel_loop3A_1417 = tpu.vector_load %arg9[%parallel_loop3A_1414, %parallel_loop3A_1415, %parallel_loop3A_1416] {strides = array<i32>} : memref<4x16x768xf32, #tpu.memory_space<vmem>>, vector<1x1x16xf32>,
        %parallel_loop3A_1418 = vector.shape_cast %parallel_loop3A_1417 : vector<1x1x16xf32> to vector<16xf32>
        %parallel_loop3A_1419 = arith.addi %mul3A_201, %parallel_loop3A_597 : i32
        %parallel_loop3A_1420 = arith.index_cast %parallel_loop3A_1419 : i32 to index
        %parallel_loop3A_1421 = arith.constant 656 : index
        %parallel_loop3A_1422 = tpu.vector_load %arg10[%parallel_loop3A_1420, %parallel_loop3A_1421] {strides = array<i32>} : memref<64x768xf32, #tpu.memory_space<vmem>>, vector<1x16xf32>,
        %parallel_loop3A_1423 = vector.shape_cast %parallel_loop3A_1422 : vector<1x16xf32> to vector<16xf32>
        %parallel_loop3A_1424 = arith.addf %parallel_loop3A_1418, %parallel_loop3A_1423 : vector<16xf32>
        %parallel_loop3A_1425 = arith.index_cast %select_n3A_184 : i32 to index
        %parallel_loop3A_1426 = arith.index_cast %parallel_loop3A_597 : i32 to index
        %parallel_loop3A_1427 = arith.constant 656 : index
        %parallel_loop3A_1428 = tpu.vector_load %arg9[%parallel_loop3A_1425, %parallel_loop3A_1426, %parallel_loop3A_1427] {strides = array<i32>} : memref<4x16x768xf32, #tpu.memory_space<vmem>>, vector<1x1x16xf32>,
        %parallel_loop3A_1429 = vector.shape_cast %parallel_loop3A_1428 : vector<1x1x16xf32> to vector<16xf32>
        %parallel_loop3A_1430 = vector.shape_cast %parallel_loop3A_1424 : vector<16xf32> to vector<1x1x16xf32>
        tpu.vector_store %arg9[%parallel_loop3A_1425, %parallel_loop3A_1426, %parallel_loop3A_1427], %parallel_loop3A_1430 {strides = array<i32>} : memref<4x16x768xf32, #tpu.memory_space<vmem>>, vector<1x1x16xf32>,
        %parallel_loop3A_1431 = arith.mulf %parallel_loop3A_1424, %parallel_loop3A_1424 : vector<16xf32>
        %parallel_loop3A_1432 = arith.addf %parallel_loop3A_1406, %parallel_loop3A_1424 : vector<16xf32>
        %parallel_loop3A_1433 = arith.addf %parallel_loop3A_1413, %parallel_loop3A_1431 : vector<16xf32>
        %parallel_loop3A_1434 = arith.index_cast %select_n3A_184 : i32 to index
        %parallel_loop3A_1435 = arith.index_cast %parallel_loop3A_597 : i32 to index
        %parallel_loop3A_1436 = arith.constant 672 : index
        %parallel_loop3A_1437 = tpu.vector_load %arg9[%parallel_loop3A_1434, %parallel_loop3A_1435, %parallel_loop3A_1436] {strides = array<i32>} : memref<4x16x768xf32, #tpu.memory_space<vmem>>, vector<1x1x16xf32>,
        %parallel_loop3A_1438 = vector.shape_cast %parallel_loop3A_1437 : vector<1x1x16xf32> to vector<16xf32>
        %parallel_loop3A_1439 = arith.addi %mul3A_201, %parallel_loop3A_597 : i32
        %parallel_loop3A_1440 = arith.index_cast %parallel_loop3A_1439 : i32 to index
        %parallel_loop3A_1441 = arith.constant 672 : index
        %parallel_loop3A_1442 = tpu.vector_load %arg10[%parallel_loop3A_1440, %parallel_loop3A_1441] {strides = array<i32>} : memref<64x768xf32, #tpu.memory_space<vmem>>, vector<1x16xf32>,
        %parallel_loop3A_1443 = vector.shape_cast %parallel_loop3A_1442 : vector<1x16xf32> to vector<16xf32>
        %parallel_loop3A_1444 = arith.addf %parallel_loop3A_1438, %parallel_loop3A_1443 : vector<16xf32>
        %parallel_loop3A_1445 = arith.index_cast %select_n3A_184 : i32 to index
        %parallel_loop3A_1446 = arith.index_cast %parallel_loop3A_597 : i32 to index
        %parallel_loop3A_1447 = arith.constant 672 : index
        %parallel_loop3A_1448 = tpu.vector_load %arg9[%parallel_loop3A_1445, %parallel_loop3A_1446, %parallel_loop3A_1447] {strides = array<i32>} : memref<4x16x768xf32, #tpu.memory_space<vmem>>, vector<1x1x16xf32>,
        %parallel_loop3A_1449 = vector.shape_cast %parallel_loop3A_1448 : vector<1x1x16xf32> to vector<16xf32>
        %parallel_loop3A_1450 = vector.shape_cast %parallel_loop3A_1444 : vector<16xf32> to vector<1x1x16xf32>
        tpu.vector_store %arg9[%parallel_loop3A_1445, %parallel_loop3A_1446, %parallel_loop3A_1447], %parallel_loop3A_1450 {strides = array<i32>} : memref<4x16x768xf32, #tpu.memory_space<vmem>>, vector<1x1x16xf32>,
        %parallel_loop3A_1451 = arith.mulf %parallel_loop3A_1444, %parallel_loop3A_1444 : vector<16xf32>
        %parallel_loop3A_1452 = arith.index_cast %select_n3A_184 : i32 to index
        %parallel_loop3A_1453 = arith.index_cast %parallel_loop3A_597 : i32 to index
        %parallel_loop3A_1454 = arith.constant 688 : index
        %parallel_loop3A_1455 = tpu.vector_load %arg9[%parallel_loop3A_1452, %parallel_loop3A_1453, %parallel_loop3A_1454] {strides = array<i32>} : memref<4x16x768xf32, #tpu.memory_space<vmem>>, vector<1x1x16xf32>,
        %parallel_loop3A_1456 = vector.shape_cast %parallel_loop3A_1455 : vector<1x1x16xf32> to vector<16xf32>
        %parallel_loop3A_1457 = arith.addi %mul3A_201, %parallel_loop3A_597 : i32
        %parallel_loop3A_1458 = arith.index_cast %parallel_loop3A_1457 : i32 to index
        %parallel_loop3A_1459 = arith.constant 688 : index
        %parallel_loop3A_1460 = tpu.vector_load %arg10[%parallel_loop3A_1458, %parallel_loop3A_1459] {strides = array<i32>} : memref<64x768xf32, #tpu.memory_space<vmem>>, vector<1x16xf32>,
        %parallel_loop3A_1461 = vector.shape_cast %parallel_loop3A_1460 : vector<1x16xf32> to vector<16xf32>
        %parallel_loop3A_1462 = arith.addf %parallel_loop3A_1456, %parallel_loop3A_1461 : vector<16xf32>
        %parallel_loop3A_1463 = arith.index_cast %select_n3A_184 : i32 to index
        %parallel_loop3A_1464 = arith.index_cast %parallel_loop3A_597 : i32 to index
        %parallel_loop3A_1465 = arith.constant 688 : index
        %parallel_loop3A_1466 = tpu.vector_load %arg9[%parallel_loop3A_1463, %parallel_loop3A_1464, %parallel_loop3A_1465] {strides = array<i32>} : memref<4x16x768xf32, #tpu.memory_space<vmem>>, vector<1x1x16xf32>,
        %parallel_loop3A_1467 = vector.shape_cast %parallel_loop3A_1466 : vector<1x1x16xf32> to vector<16xf32>
        %parallel_loop3A_1468 = vector.shape_cast %parallel_loop3A_1462 : vector<16xf32> to vector<1x1x16xf32>
        tpu.vector_store %arg9[%parallel_loop3A_1463, %parallel_loop3A_1464, %parallel_loop3A_1465], %parallel_loop3A_1468 {strides = array<i32>} : memref<4x16x768xf32, #tpu.memory_space<vmem>>, vector<1x1x16xf32>,
        %parallel_loop3A_1469 = arith.mulf %parallel_loop3A_1462, %parallel_loop3A_1462 : vector<16xf32>
        %parallel_loop3A_1470 = arith.addf %parallel_loop3A_1444, %parallel_loop3A_1462 : vector<16xf32>
        %parallel_loop3A_1471 = arith.addf %parallel_loop3A_1451, %parallel_loop3A_1469 : vector<16xf32>
        %parallel_loop3A_1472 = arith.addf %parallel_loop3A_1432, %parallel_loop3A_1470 : vector<16xf32>
        %parallel_loop3A_1473 = arith.addf %parallel_loop3A_1433, %parallel_loop3A_1471 : vector<16xf32>
        %parallel_loop3A_1474 = arith.index_cast %select_n3A_184 : i32 to index
        %parallel_loop3A_1475 = arith.index_cast %parallel_loop3A_597 : i32 to index
        %parallel_loop3A_1476 = arith.constant 704 : index
        %parallel_loop3A_1477 = tpu.vector_load %arg9[%parallel_loop3A_1474, %parallel_loop3A_1475, %parallel_loop3A_1476] {strides = array<i32>} : memref<4x16x768xf32, #tpu.memory_space<vmem>>, vector<1x1x16xf32>,
        %parallel_loop3A_1478 = vector.shape_cast %parallel_loop3A_1477 : vector<1x1x16xf32> to vector<16xf32>
        %parallel_loop3A_1479 = arith.addi %mul3A_201, %parallel_loop3A_597 : i32
        %parallel_loop3A_1480 = arith.index_cast %parallel_loop3A_1479 : i32 to index
        %parallel_loop3A_1481 = arith.constant 704 : index
        %parallel_loop3A_1482 = tpu.vector_load %arg10[%parallel_loop3A_1480, %parallel_loop3A_1481] {strides = array<i32>} : memref<64x768xf32, #tpu.memory_space<vmem>>, vector<1x16xf32>,
        %parallel_loop3A_1483 = vector.shape_cast %parallel_loop3A_1482 : vector<1x16xf32> to vector<16xf32>
        %parallel_loop3A_1484 = arith.addf %parallel_loop3A_1478, %parallel_loop3A_1483 : vector<16xf32>
        %parallel_loop3A_1485 = arith.index_cast %select_n3A_184 : i32 to index
        %parallel_loop3A_1486 = arith.index_cast %parallel_loop3A_597 : i32 to index
        %parallel_loop3A_1487 = arith.constant 704 : index
        %parallel_loop3A_1488 = tpu.vector_load %arg9[%parallel_loop3A_1485, %parallel_loop3A_1486, %parallel_loop3A_1487] {strides = array<i32>} : memref<4x16x768xf32, #tpu.memory_space<vmem>>, vector<1x1x16xf32>,
        %parallel_loop3A_1489 = vector.shape_cast %parallel_loop3A_1488 : vector<1x1x16xf32> to vector<16xf32>
        %parallel_loop3A_1490 = vector.shape_cast %parallel_loop3A_1484 : vector<16xf32> to vector<1x1x16xf32>
        tpu.vector_store %arg9[%parallel_loop3A_1485, %parallel_loop3A_1486, %parallel_loop3A_1487], %parallel_loop3A_1490 {strides = array<i32>} : memref<4x16x768xf32, #tpu.memory_space<vmem>>, vector<1x1x16xf32>,
        %parallel_loop3A_1491 = arith.mulf %parallel_loop3A_1484, %parallel_loop3A_1484 : vector<16xf32>
        %parallel_loop3A_1492 = arith.index_cast %select_n3A_184 : i32 to index
        %parallel_loop3A_1493 = arith.index_cast %parallel_loop3A_597 : i32 to index
        %parallel_loop3A_1494 = arith.constant 720 : index
        %parallel_loop3A_1495 = tpu.vector_load %arg9[%parallel_loop3A_1492, %parallel_loop3A_1493, %parallel_loop3A_1494] {strides = array<i32>} : memref<4x16x768xf32, #tpu.memory_space<vmem>>, vector<1x1x16xf32>,
        %parallel_loop3A_1496 = vector.shape_cast %parallel_loop3A_1495 : vector<1x1x16xf32> to vector<16xf32>
        %parallel_loop3A_1497 = arith.addi %mul3A_201, %parallel_loop3A_597 : i32
        %parallel_loop3A_1498 = arith.index_cast %parallel_loop3A_1497 : i32 to index
        %parallel_loop3A_1499 = arith.constant 720 : index
        %parallel_loop3A_1500 = tpu.vector_load %arg10[%parallel_loop3A_1498, %parallel_loop3A_1499] {strides = array<i32>} : memref<64x768xf32, #tpu.memory_space<vmem>>, vector<1x16xf32>,
        %parallel_loop3A_1501 = vector.shape_cast %parallel_loop3A_1500 : vector<1x16xf32> to vector<16xf32>
        %parallel_loop3A_1502 = arith.addf %parallel_loop3A_1496, %parallel_loop3A_1501 : vector<16xf32>
        %parallel_loop3A_1503 = arith.index_cast %select_n3A_184 : i32 to index
        %parallel_loop3A_1504 = arith.index_cast %parallel_loop3A_597 : i32 to index
        %parallel_loop3A_1505 = arith.constant 720 : index
        %parallel_loop3A_1506 = tpu.vector_load %arg9[%parallel_loop3A_1503, %parallel_loop3A_1504, %parallel_loop3A_1505] {strides = array<i32>} : memref<4x16x768xf32, #tpu.memory_space<vmem>>, vector<1x1x16xf32>,
        %parallel_loop3A_1507 = vector.shape_cast %parallel_loop3A_1506 : vector<1x1x16xf32> to vector<16xf32>
        %parallel_loop3A_1508 = vector.shape_cast %parallel_loop3A_1502 : vector<16xf32> to vector<1x1x16xf32>
        tpu.vector_store %arg9[%parallel_loop3A_1503, %parallel_loop3A_1504, %parallel_loop3A_1505], %parallel_loop3A_1508 {strides = array<i32>} : memref<4x16x768xf32, #tpu.memory_space<vmem>>, vector<1x1x16xf32>,
        %parallel_loop3A_1509 = arith.mulf %parallel_loop3A_1502, %parallel_loop3A_1502 : vector<16xf32>
        %parallel_loop3A_1510 = arith.addf %parallel_loop3A_1484, %parallel_loop3A_1502 : vector<16xf32>
        %parallel_loop3A_1511 = arith.addf %parallel_loop3A_1491, %parallel_loop3A_1509 : vector<16xf32>
        %parallel_loop3A_1512 = arith.index_cast %select_n3A_184 : i32 to index
        %parallel_loop3A_1513 = arith.index_cast %parallel_loop3A_597 : i32 to index
        %parallel_loop3A_1514 = arith.constant 736 : index
        %parallel_loop3A_1515 = tpu.vector_load %arg9[%parallel_loop3A_1512, %parallel_loop3A_1513, %parallel_loop3A_1514] {strides = array<i32>} : memref<4x16x768xf32, #tpu.memory_space<vmem>>, vector<1x1x16xf32>,
        %parallel_loop3A_1516 = vector.shape_cast %parallel_loop3A_1515 : vector<1x1x16xf32> to vector<16xf32>
        %parallel_loop3A_1517 = arith.addi %mul3A_201, %parallel_loop3A_597 : i32
        %parallel_loop3A_1518 = arith.index_cast %parallel_loop3A_1517 : i32 to index
        %parallel_loop3A_1519 = arith.constant 736 : index
        %parallel_loop3A_1520 = tpu.vector_load %arg10[%parallel_loop3A_1518, %parallel_loop3A_1519] {strides = array<i32>} : memref<64x768xf32, #tpu.memory_space<vmem>>, vector<1x16xf32>,
        %parallel_loop3A_1521 = vector.shape_cast %parallel_loop3A_1520 : vector<1x16xf32> to vector<16xf32>
        %parallel_loop3A_1522 = arith.addf %parallel_loop3A_1516, %parallel_loop3A_1521 : vector<16xf32>
        %parallel_loop3A_1523 = arith.index_cast %select_n3A_184 : i32 to index
        %parallel_loop3A_1524 = arith.index_cast %parallel_loop3A_597 : i32 to index
        %parallel_loop3A_1525 = arith.constant 736 : index
        %parallel_loop3A_1526 = tpu.vector_load %arg9[%parallel_loop3A_1523, %parallel_loop3A_1524, %parallel_loop3A_1525] {strides = array<i32>} : memref<4x16x768xf32, #tpu.memory_space<vmem>>, vector<1x1x16xf32>,
        %parallel_loop3A_1527 = vector.shape_cast %parallel_loop3A_1526 : vector<1x1x16xf32> to vector<16xf32>
        %parallel_loop3A_1528 = vector.shape_cast %parallel_loop3A_1522 : vector<16xf32> to vector<1x1x16xf32>
        tpu.vector_store %arg9[%parallel_loop3A_1523, %parallel_loop3A_1524, %parallel_loop3A_1525], %parallel_loop3A_1528 {strides = array<i32>} : memref<4x16x768xf32, #tpu.memory_space<vmem>>, vector<1x1x16xf32>,
        %parallel_loop3A_1529 = arith.mulf %parallel_loop3A_1522, %parallel_loop3A_1522 : vector<16xf32>
        %parallel_loop3A_1530 = arith.index_cast %select_n3A_184 : i32 to index
        %parallel_loop3A_1531 = arith.index_cast %parallel_loop3A_597 : i32 to index
        %parallel_loop3A_1532 = arith.constant 752 : index
        %parallel_loop3A_1533 = tpu.vector_load %arg9[%parallel_loop3A_1530, %parallel_loop3A_1531, %parallel_loop3A_1532] {strides = array<i32>} : memref<4x16x768xf32, #tpu.memory_space<vmem>>, vector<1x1x16xf32>,
        %parallel_loop3A_1534 = vector.shape_cast %parallel_loop3A_1533 : vector<1x1x16xf32> to vector<16xf32>
        %parallel_loop3A_1535 = arith.addi %mul3A_201, %parallel_loop3A_597 : i32
        %parallel_loop3A_1536 = arith.index_cast %parallel_loop3A_1535 : i32 to index
        %parallel_loop3A_1537 = arith.constant 752 : index
        %parallel_loop3A_1538 = tpu.vector_load %arg10[%parallel_loop3A_1536, %parallel_loop3A_1537] {strides = array<i32>} : memref<64x768xf32, #tpu.memory_space<vmem>>, vector<1x16xf32>,
        %parallel_loop3A_1539 = vector.shape_cast %parallel_loop3A_1538 : vector<1x16xf32> to vector<16xf32>
        %parallel_loop3A_1540 = arith.addf %parallel_loop3A_1534, %parallel_loop3A_1539 : vector<16xf32>
        %parallel_loop3A_1541 = arith.index_cast %select_n3A_184 : i32 to index
        %parallel_loop3A_1542 = arith.index_cast %parallel_loop3A_597 : i32 to index
        %parallel_loop3A_1543 = arith.constant 752 : index
        %parallel_loop3A_1544 = tpu.vector_load %arg9[%parallel_loop3A_1541, %parallel_loop3A_1542, %parallel_loop3A_1543] {strides = array<i32>} : memref<4x16x768xf32, #tpu.memory_space<vmem>>, vector<1x1x16xf32>,
        %parallel_loop3A_1545 = vector.shape_cast %parallel_loop3A_1544 : vector<1x1x16xf32> to vector<16xf32>
        %parallel_loop3A_1546 = vector.shape_cast %parallel_loop3A_1540 : vector<16xf32> to vector<1x1x16xf32>
        tpu.vector_store %arg9[%parallel_loop3A_1541, %parallel_loop3A_1542, %parallel_loop3A_1543], %parallel_loop3A_1546 {strides = array<i32>} : memref<4x16x768xf32, #tpu.memory_space<vmem>>, vector<1x1x16xf32>,
        %parallel_loop3A_1547 = arith.mulf %parallel_loop3A_1540, %parallel_loop3A_1540 : vector<16xf32>
        %parallel_loop3A_1548 = arith.addf %parallel_loop3A_1522, %parallel_loop3A_1540 : vector<16xf32>
        %parallel_loop3A_1549 = arith.addf %parallel_loop3A_1529, %parallel_loop3A_1547 : vector<16xf32>
        %parallel_loop3A_1550 = arith.addf %parallel_loop3A_1510, %parallel_loop3A_1548 : vector<16xf32>
        %parallel_loop3A_1551 = arith.addf %parallel_loop3A_1511, %parallel_loop3A_1549 : vector<16xf32>
        %parallel_loop3A_1552 = arith.addf %parallel_loop3A_1472, %parallel_loop3A_1550 : vector<16xf32>
        %parallel_loop3A_1553 = arith.addf %parallel_loop3A_1473, %parallel_loop3A_1551 : vector<16xf32>
        %parallel_loop3A_1554 = arith.addf %parallel_loop3A_1394, %parallel_loop3A_1552 : vector<16xf32>
        %parallel_loop3A_1555 = arith.addf %parallel_loop3A_1395, %parallel_loop3A_1553 : vector<16xf32>
        %parallel_loop3A_1556 = vector.shape_cast %xor3A_4 : vector<16xi32> to vector<16x1xi32>
        %parallel_loop3A_1557 = vector.shape_cast %parallel_loop3A_1556 : vector<16x1xi32> to vector<16xi32>
        %parallel_loop3A_1558 = tpu.dynamic_gather %parallel_loop3A_1554[%parallel_loop3A_1557] in [0] : vector<16xf32>, vector<16xi32> -> vector<16xf32>
        %parallel_loop3A_1559 = arith.addf %parallel_loop3A_1554, %parallel_loop3A_1558 : vector<16xf32>
        %parallel_loop3A_1560 = vector.shape_cast %xor3A_8 : vector<16xi32> to vector<16x1xi32>
        %parallel_loop3A_1561 = vector.shape_cast %parallel_loop3A_1560 : vector<16x1xi32> to vector<16xi32>
        %parallel_loop3A_1562 = tpu.dynamic_gather %parallel_loop3A_1559[%parallel_loop3A_1561] in [0] : vector<16xf32>, vector<16xi32> -> vector<16xf32>
        %parallel_loop3A_1563 = arith.addf %parallel_loop3A_1559, %parallel_loop3A_1562 : vector<16xf32>
        %parallel_loop3A_1564 = vector.shape_cast %xor3A_12 : vector<16xi32> to vector<16x1xi32>
        %parallel_loop3A_1565 = vector.shape_cast %parallel_loop3A_1564 : vector<16x1xi32> to vector<16xi32>
        %parallel_loop3A_1566 = tpu.dynamic_gather %parallel_loop3A_1563[%parallel_loop3A_1565] in [0] : vector<16xf32>, vector<16xi32> -> vector<16xf32>
        %parallel_loop3A_1567 = arith.addf %parallel_loop3A_1563, %parallel_loop3A_1566 : vector<16xf32>
        %parallel_loop3A_1568 = vector.shape_cast %xor3A_16 : vector<16xi32> to vector<16x1xi32>
        %parallel_loop3A_1569 = vector.shape_cast %parallel_loop3A_1568 : vector<16x1xi32> to vector<16xi32>
        %parallel_loop3A_1570 = tpu.dynamic_gather %parallel_loop3A_1567[%parallel_loop3A_1569] in [0] : vector<16xf32>, vector<16xi32> -> vector<16xf32>
        %parallel_loop3A_1571 = arith.addf %parallel_loop3A_1567, %parallel_loop3A_1570 : vector<16xf32>
        %parallel_loop3A_1572 = arith.constant 0.00130208337 : f32
        %parallel_loop3A_1573 = vector.broadcast %parallel_loop3A_1572 : f32 to vector<16xf32>
        %parallel_loop3A_1574 = arith.mulf %parallel_loop3A_1571, %parallel_loop3A_1573 : vector<16xf32>
        %parallel_loop3A_1575 = vector.shape_cast %xor3A_4 : vector<16xi32> to vector<16x1xi32>
        %parallel_loop3A_1576 = vector.shape_cast %parallel_loop3A_1575 : vector<16x1xi32> to vector<16xi32>
        %parallel_loop3A_1577 = tpu.dynamic_gather %parallel_loop3A_1555[%parallel_loop3A_1576] in [0] : vector<16xf32>, vector<16xi32> -> vector<16xf32>
        %parallel_loop3A_1578 = arith.addf %parallel_loop3A_1555, %parallel_loop3A_1577 : vector<16xf32>
        %parallel_loop3A_1579 = vector.shape_cast %xor3A_8 : vector<16xi32> to vector<16x1xi32>
        %parallel_loop3A_1580 = vector.shape_cast %parallel_loop3A_1579 : vector<16x1xi32> to vector<16xi32>
        %parallel_loop3A_1581 = tpu.dynamic_gather %parallel_loop3A_1578[%parallel_loop3A_1580] in [0] : vector<16xf32>, vector<16xi32> -> vector<16xf32>
        %parallel_loop3A_1582 = arith.addf %parallel_loop3A_1578, %parallel_loop3A_1581 : vector<16xf32>
        %parallel_loop3A_1583 = vector.shape_cast %xor3A_12 : vector<16xi32> to vector<16x1xi32>
        %parallel_loop3A_1584 = vector.shape_cast %parallel_loop3A_1583 : vector<16x1xi32> to vector<16xi32>
        %parallel_loop3A_1585 = tpu.dynamic_gather %parallel_loop3A_1582[%parallel_loop3A_1584] in [0] : vector<16xf32>, vector<16xi32> -> vector<16xf32>
        %parallel_loop3A_1586 = arith.addf %parallel_loop3A_1582, %parallel_loop3A_1585 : vector<16xf32>
        %parallel_loop3A_1587 = vector.shape_cast %xor3A_16 : vector<16xi32> to vector<16x1xi32>
        %parallel_loop3A_1588 = vector.shape_cast %parallel_loop3A_1587 : vector<16x1xi32> to vector<16xi32>
        %parallel_loop3A_1589 = tpu.dynamic_gather %parallel_loop3A_1586[%parallel_loop3A_1588] in [0] : vector<16xf32>, vector<16xi32> -> vector<16xf32>
        %parallel_loop3A_1590 = arith.addf %parallel_loop3A_1586, %parallel_loop3A_1589 : vector<16xf32>
        %parallel_loop3A_1591 = arith.constant 0.00130208337 : f32
        %parallel_loop3A_1592 = vector.broadcast %parallel_loop3A_1591 : f32 to vector<16xf32>
        %parallel_loop3A_1593 = arith.mulf %parallel_loop3A_1590, %parallel_loop3A_1592 : vector<16xf32>
        %parallel_loop3A_1594 = arith.mulf %parallel_loop3A_1574, %parallel_loop3A_1574 : vector<16xf32>
        %parallel_loop3A_1595 = arith.subf %parallel_loop3A_1593, %parallel_loop3A_1594 : vector<16xf32>
        %parallel_loop3A_1596 = arith.constant 0.000000e+00 : f32
        %parallel_loop3A_1597 = vector.broadcast %parallel_loop3A_1596 : f32 to vector<16xf32>
        %parallel_loop3A_1598 = arith.maximumf %parallel_loop3A_1595, %parallel_loop3A_1597 : vector<16xf32>
        %parallel_loop3A_1599 = arith.index_cast %parallel_loop3A_597 : i32 to index
        %parallel_loop3A_1600 = arith.constant 0 : index
        %parallel_loop3A_1601 = tpu.vector_load %arg13[%parallel_loop3A_1599, %parallel_loop3A_1600] {strides = array<i32>} : memref<16x16xf32, #tpu.memory_space<vmem>>, vector<1x16xf32>,
        %parallel_loop3A_1602 = vector.shape_cast %parallel_loop3A_1601 : vector<1x16xf32> to vector<16xf32>
        %parallel_loop3A_1603 = vector.shape_cast %parallel_loop3A_1574 : vector<16xf32> to vector<1x16xf32>
        tpu.vector_store %arg13[%parallel_loop3A_1599, %parallel_loop3A_1600], %parallel_loop3A_1603 {strides = array<i32>} : memref<16x16xf32, #tpu.memory_space<vmem>>, vector<1x16xf32>,
        %parallel_loop3A_1604 = arith.constant 9.99999996E-13 : f32
        %parallel_loop3A_1605 = vector.broadcast %parallel_loop3A_1604 : f32 to vector<16xf32>
        %parallel_loop3A_1606 = arith.addf %parallel_loop3A_1598, %parallel_loop3A_1605 : vector<16xf32>
        %parallel_loop3A_1607 = tpu.bitcast %parallel_loop3A_1606 : vector<16xf32> -> vector<16xi32>
        %parallel_loop3A_1608 = arith.constant 1597463007 : i32
        %parallel_loop3A_1609 = vector.broadcast %parallel_loop3A_1608 : i32 to vector<16xi32>
        %parallel_loop3A_1610 = arith.constant 1 : i32
        %parallel_loop3A_1611 = vector.broadcast %parallel_loop3A_1610 : i32 to vector<16xi32>
        %parallel_loop3A_1612 = arith.shrsi %parallel_loop3A_1607, %parallel_loop3A_1611 : vector<16xi32>
        %parallel_loop3A_1613 = arith.subi %parallel_loop3A_1609, %parallel_loop3A_1612 : vector<16xi32>
        %parallel_loop3A_1614 = tpu.bitcast %parallel_loop3A_1613 : vector<16xi32> -> vector<16xf32>
        %parallel_loop3A_1615 = arith.constant 5.000000e-01 : f32
        %parallel_loop3A_1616 = vector.broadcast %parallel_loop3A_1615 : f32 to vector<16xf32>
        %parallel_loop3A_1617 = arith.mulf %parallel_loop3A_1616, %parallel_loop3A_1606 : vector<16xf32>
        %parallel_loop3A_1618 = arith.mulf %parallel_loop3A_1617, %parallel_loop3A_1614 : vector<16xf32>
        %parallel_loop3A_1619 = arith.mulf %parallel_loop3A_1618, %parallel_loop3A_1614 : vector<16xf32>
        %parallel_loop3A_1620 = arith.constant 1.500000e+00 : f32
        %parallel_loop3A_1621 = vector.broadcast %parallel_loop3A_1620 : f32 to vector<16xf32>
        %parallel_loop3A_1622 = arith.subf %parallel_loop3A_1621, %parallel_loop3A_1619 : vector<16xf32>
        %parallel_loop3A_1623 = arith.mulf %parallel_loop3A_1614, %parallel_loop3A_1622 : vector<16xf32>
        %parallel_loop3A_1624 = arith.constant 5.000000e-01 : f32
        %parallel_loop3A_1625 = vector.broadcast %parallel_loop3A_1624 : f32 to vector<16xf32>
        %parallel_loop3A_1626 = arith.mulf %parallel_loop3A_1625, %parallel_loop3A_1606 : vector<16xf32>
        %parallel_loop3A_1627 = arith.mulf %parallel_loop3A_1626, %parallel_loop3A_1623 : vector<16xf32>
        %parallel_loop3A_1628 = arith.mulf %parallel_loop3A_1627, %parallel_loop3A_1623 : vector<16xf32>
        %parallel_loop3A_1629 = arith.constant 1.500000e+00 : f32
        %parallel_loop3A_1630 = vector.broadcast %parallel_loop3A_1629 : f32 to vector<16xf32>
        %parallel_loop3A_1631 = arith.subf %parallel_loop3A_1630, %parallel_loop3A_1628 : vector<16xf32>
        %parallel_loop3A_1632 = arith.mulf %parallel_loop3A_1623, %parallel_loop3A_1631 : vector<16xf32>
        %parallel_loop3A_1633 = arith.constant 5.000000e-01 : f32
        %parallel_loop3A_1634 = vector.broadcast %parallel_loop3A_1633 : f32 to vector<16xf32>
        %parallel_loop3A_1635 = arith.mulf %parallel_loop3A_1634, %parallel_loop3A_1606 : vector<16xf32>
        %parallel_loop3A_1636 = arith.mulf %parallel_loop3A_1635, %parallel_loop3A_1632 : vector<16xf32>
        %parallel_loop3A_1637 = arith.mulf %parallel_loop3A_1636, %parallel_loop3A_1632 : vector<16xf32>
        %parallel_loop3A_1638 = arith.constant 1.500000e+00 : f32
        %parallel_loop3A_1639 = vector.broadcast %parallel_loop3A_1638 : f32 to vector<16xf32>
        %parallel_loop3A_1640 = arith.subf %parallel_loop3A_1639, %parallel_loop3A_1637 : vector<16xf32>
        %parallel_loop3A_1641 = arith.mulf %parallel_loop3A_1632, %parallel_loop3A_1640 : vector<16xf32>
        %parallel_loop3A_1642 = arith.index_cast %parallel_loop3A_597 : i32 to index
        %parallel_loop3A_1643 = arith.constant 0 : index
        %parallel_loop3A_1644 = tpu.vector_load %arg14[%parallel_loop3A_1642, %parallel_loop3A_1643] {strides = array<i32>} : memref<16x16xf32, #tpu.memory_space<vmem>>, vector<1x16xf32>,
        %parallel_loop3A_1645 = vector.shape_cast %parallel_loop3A_1644 : vector<1x16xf32> to vector<16xf32>
        %parallel_loop3A_1646 = vector.shape_cast %parallel_loop3A_1641 : vector<16xf32> to vector<1x16xf32>
        tpu.vector_store %arg14[%parallel_loop3A_1642, %parallel_loop3A_1643], %parallel_loop3A_1646 {strides = array<i32>} : memref<16x16xf32, #tpu.memory_space<vmem>>, vector<1x16xf32>,
      } {sc.loop_unroll_factor = 2 : i64, sc.parallel_access}
      %get3A = arith.constant 0 : index
      %get3A_204 = tpu.vector_load %arg11[%get3A] {strides = array<i32>} : memref<768xf32, #tpu.memory_space<vmem>>, vector<16xf32>,
      %get3A_205 = vector.shape_cast %get3A_204 : vector<16xf32> to vector<16xf32>
      %get3A_206 = arith.constant 16 : index
      %get3A_207 = tpu.vector_load %arg11[%get3A_206] {strides = array<i32>} : memref<768xf32, #tpu.memory_space<vmem>>, vector<16xf32>,
      %get3A_208 = vector.shape_cast %get3A_207 : vector<16xf32> to vector<16xf32>
      %get3A_209 = arith.constant 32 : index
      %get3A_210 = tpu.vector_load %arg11[%get3A_209] {strides = array<i32>} : memref<768xf32, #tpu.memory_space<vmem>>, vector<16xf32>,
      %get3A_211 = vector.shape_cast %get3A_210 : vector<16xf32> to vector<16xf32>
      %get3A_212 = arith.constant 48 : index
      %get3A_213 = tpu.vector_load %arg11[%get3A_212] {strides = array<i32>} : memref<768xf32, #tpu.memory_space<vmem>>, vector<16xf32>,
      %get3A_214 = vector.shape_cast %get3A_213 : vector<16xf32> to vector<16xf32>
      %get3A_215 = arith.constant 64 : index
      %get3A_216 = tpu.vector_load %arg11[%get3A_215] {strides = array<i32>} : memref<768xf32, #tpu.memory_space<vmem>>, vector<16xf32>,
      %get3A_217 = vector.shape_cast %get3A_216 : vector<16xf32> to vector<16xf32>
      %get3A_218 = arith.constant 80 : index
      %get3A_219 = tpu.vector_load %arg11[%get3A_218] {strides = array<i32>} : memref<768xf32, #tpu.memory_space<vmem>>, vector<16xf32>,
      %get3A_220 = vector.shape_cast %get3A_219 : vector<16xf32> to vector<16xf32>
      %get3A_221 = arith.constant 96 : index
      %get3A_222 = tpu.vector_load %arg11[%get3A_221] {strides = array<i32>} : memref<768xf32, #tpu.memory_space<vmem>>, vector<16xf32>,
      %get3A_223 = vector.shape_cast %get3A_222 : vector<16xf32> to vector<16xf32>
      %get3A_224 = arith.constant 112 : index
      %get3A_225 = tpu.vector_load %arg11[%get3A_224] {strides = array<i32>} : memref<768xf32, #tpu.memory_space<vmem>>, vector<16xf32>,
      %get3A_226 = vector.shape_cast %get3A_225 : vector<16xf32> to vector<16xf32>
      %get3A_227 = arith.constant 128 : index
      %get3A_228 = tpu.vector_load %arg11[%get3A_227] {strides = array<i32>} : memref<768xf32, #tpu.memory_space<vmem>>, vector<16xf32>,
      %get3A_229 = vector.shape_cast %get3A_228 : vector<16xf32> to vector<16xf32>
      %get3A_230 = arith.constant 144 : index
      %get3A_231 = tpu.vector_load %arg11[%get3A_230] {strides = array<i32>} : memref<768xf32, #tpu.memory_space<vmem>>, vector<16xf32>,
      %get3A_232 = vector.shape_cast %get3A_231 : vector<16xf32> to vector<16xf32>
      %get3A_233 = arith.constant 160 : index
      %get3A_234 = tpu.vector_load %arg11[%get3A_233] {strides = array<i32>} : memref<768xf32, #tpu.memory_space<vmem>>, vector<16xf32>,
      %get3A_235 = vector.shape_cast %get3A_234 : vector<16xf32> to vector<16xf32>
      %get3A_236 = arith.constant 176 : index
      %get3A_237 = tpu.vector_load %arg11[%get3A_236] {strides = array<i32>} : memref<768xf32, #tpu.memory_space<vmem>>, vector<16xf32>,
      %get3A_238 = vector.shape_cast %get3A_237 : vector<16xf32> to vector<16xf32>
      %get3A_239 = arith.constant 0 : index
      %get3A_240 = tpu.vector_load %arg12[%get3A_239] {strides = array<i32>} : memref<768xf32, #tpu.memory_space<vmem>>, vector<16xf32>,
      %get3A_241 = vector.shape_cast %get3A_240 : vector<16xf32> to vector<16xf32>
      %get3A_242 = arith.constant 16 : index
      %get3A_243 = tpu.vector_load %arg12[%get3A_242] {strides = array<i32>} : memref<768xf32, #tpu.memory_space<vmem>>, vector<16xf32>,
      %get3A_244 = vector.shape_cast %get3A_243 : vector<16xf32> to vector<16xf32>
      %get3A_245 = arith.constant 32 : index
      %get3A_246 = tpu.vector_load %arg12[%get3A_245] {strides = array<i32>} : memref<768xf32, #tpu.memory_space<vmem>>, vector<16xf32>,
      %get3A_247 = vector.shape_cast %get3A_246 : vector<16xf32> to vector<16xf32>
      %get3A_248 = arith.constant 48 : index
      %get3A_249 = tpu.vector_load %arg12[%get3A_248] {strides = array<i32>} : memref<768xf32, #tpu.memory_space<vmem>>, vector<16xf32>,
      %get3A_250 = vector.shape_cast %get3A_249 : vector<16xf32> to vector<16xf32>
      %get3A_251 = arith.constant 64 : index
      %get3A_252 = tpu.vector_load %arg12[%get3A_251] {strides = array<i32>} : memref<768xf32, #tpu.memory_space<vmem>>, vector<16xf32>,
      %get3A_253 = vector.shape_cast %get3A_252 : vector<16xf32> to vector<16xf32>
      %get3A_254 = arith.constant 80 : index
      %get3A_255 = tpu.vector_load %arg12[%get3A_254] {strides = array<i32>} : memref<768xf32, #tpu.memory_space<vmem>>, vector<16xf32>,
      %get3A_256 = vector.shape_cast %get3A_255 : vector<16xf32> to vector<16xf32>
      %get3A_257 = arith.constant 96 : index
      %get3A_258 = tpu.vector_load %arg12[%get3A_257] {strides = array<i32>} : memref<768xf32, #tpu.memory_space<vmem>>, vector<16xf32>,
      %get3A_259 = vector.shape_cast %get3A_258 : vector<16xf32> to vector<16xf32>
      %get3A_260 = arith.constant 112 : index
      %get3A_261 = tpu.vector_load %arg12[%get3A_260] {strides = array<i32>} : memref<768xf32, #tpu.memory_space<vmem>>, vector<16xf32>,
      %get3A_262 = vector.shape_cast %get3A_261 : vector<16xf32> to vector<16xf32>
      %get3A_263 = arith.constant 128 : index
      %get3A_264 = tpu.vector_load %arg12[%get3A_263] {strides = array<i32>} : memref<768xf32, #tpu.memory_space<vmem>>, vector<16xf32>,
      %get3A_265 = vector.shape_cast %get3A_264 : vector<16xf32> to vector<16xf32>
      %get3A_266 = arith.constant 144 : index
      %get3A_267 = tpu.vector_load %arg12[%get3A_266] {strides = array<i32>} : memref<768xf32, #tpu.memory_space<vmem>>, vector<16xf32>,
      %get3A_268 = vector.shape_cast %get3A_267 : vector<16xf32> to vector<16xf32>
      %get3A_269 = arith.constant 160 : index
      %get3A_270 = tpu.vector_load %arg12[%get3A_269] {strides = array<i32>} : memref<768xf32, #tpu.memory_space<vmem>>, vector<16xf32>,
      %get3A_271 = vector.shape_cast %get3A_270 : vector<16xf32> to vector<16xf32>
      %get3A_272 = arith.constant 176 : index
      %get3A_273 = tpu.vector_load %arg12[%get3A_272] {strides = array<i32>} : memref<768xf32, #tpu.memory_space<vmem>>, vector<16xf32>,
      %get3A_274 = vector.shape_cast %get3A_273 : vector<16xf32> to vector<16xf32>
      %parallel_loop3A_275 = arith.constant 0 : i32
      %parallel_loop3A_276 = arith.constant 16 : i32
      %parallel_loop3A_277 = arith.constant 1 : i32
      scf.for %parallel_loop3A_597 = %parallel_loop3A_275 to %parallel_loop3A_276 step %parallel_loop3A_277  : i32 {
        %parallel_loop3A_598 = arith.index_cast %parallel_loop3A_597 : i32 to index
        %parallel_loop3A_599 = arith.constant 0 : index
        %parallel_loop3A_600 = tpu.vector_load %arg13[%parallel_loop3A_598, %parallel_loop3A_599] {strides = array<i32>} : memref<16x16xf32, #tpu.memory_space<vmem>>, vector<1x16xf32>,
        %parallel_loop3A_601 = vector.shape_cast %parallel_loop3A_600 : vector<1x16xf32> to vector<16xf32>
        %parallel_loop3A_602 = arith.index_cast %parallel_loop3A_597 : i32 to index
        %parallel_loop3A_603 = arith.constant 0 : index
        %parallel_loop3A_604 = tpu.vector_load %arg14[%parallel_loop3A_602, %parallel_loop3A_603] {strides = array<i32>} : memref<16x16xf32, #tpu.memory_space<vmem>>, vector<1x16xf32>,
        %parallel_loop3A_605 = vector.shape_cast %parallel_loop3A_604 : vector<1x16xf32> to vector<16xf32>
        %parallel_loop3A_606 = arith.index_cast %select_n3A_184 : i32 to index
        %parallel_loop3A_607 = arith.index_cast %parallel_loop3A_597 : i32 to index
        %parallel_loop3A_608 = arith.constant 0 : index
        %parallel_loop3A_609 = tpu.vector_load %arg9[%parallel_loop3A_606, %parallel_loop3A_607, %parallel_loop3A_608] {strides = array<i32>} : memref<4x16x768xf32, #tpu.memory_space<vmem>>, vector<1x1x16xf32>,
        %parallel_loop3A_610 = vector.shape_cast %parallel_loop3A_609 : vector<1x1x16xf32> to vector<16xf32>
        %parallel_loop3A_611 = arith.subf %parallel_loop3A_610, %parallel_loop3A_601 : vector<16xf32>
        %parallel_loop3A_612 = arith.mulf %parallel_loop3A_611, %parallel_loop3A_605 : vector<16xf32>
        %parallel_loop3A_613 = arith.mulf %parallel_loop3A_612, %get3A_205 : vector<16xf32>
        %parallel_loop3A_614 = arith.addf %parallel_loop3A_613, %get3A_241 : vector<16xf32>
        %parallel_loop3A_615 = arith.index_cast %select_n3A_184 : i32 to index
        %parallel_loop3A_616 = arith.index_cast %parallel_loop3A_597 : i32 to index
        %parallel_loop3A_617 = arith.constant 0 : index
        %parallel_loop3A_618 = tpu.vector_load %arg9[%parallel_loop3A_615, %parallel_loop3A_616, %parallel_loop3A_617] {strides = array<i32>} : memref<4x16x768xf32, #tpu.memory_space<vmem>>, vector<1x1x16xf32>,
        %parallel_loop3A_619 = vector.shape_cast %parallel_loop3A_618 : vector<1x1x16xf32> to vector<16xf32>
        %parallel_loop3A_620 = vector.shape_cast %parallel_loop3A_614 : vector<16xf32> to vector<1x1x16xf32>
        tpu.vector_store %arg9[%parallel_loop3A_615, %parallel_loop3A_616, %parallel_loop3A_617], %parallel_loop3A_620 {strides = array<i32>} : memref<4x16x768xf32, #tpu.memory_space<vmem>>, vector<1x1x16xf32>,
        %parallel_loop3A_621 = arith.index_cast %select_n3A_184 : i32 to index
        %parallel_loop3A_622 = arith.index_cast %parallel_loop3A_597 : i32 to index
        %parallel_loop3A_623 = arith.constant 16 : index
        %parallel_loop3A_624 = tpu.vector_load %arg9[%parallel_loop3A_621, %parallel_loop3A_622, %parallel_loop3A_623] {strides = array<i32>} : memref<4x16x768xf32, #tpu.memory_space<vmem>>, vector<1x1x16xf32>,
        %parallel_loop3A_625 = vector.shape_cast %parallel_loop3A_624 : vector<1x1x16xf32> to vector<16xf32>
        %parallel_loop3A_626 = arith.subf %parallel_loop3A_625, %parallel_loop3A_601 : vector<16xf32>
        %parallel_loop3A_627 = arith.mulf %parallel_loop3A_626, %parallel_loop3A_605 : vector<16xf32>
        %parallel_loop3A_628 = arith.mulf %parallel_loop3A_627, %get3A_208 : vector<16xf32>
        %parallel_loop3A_629 = arith.addf %parallel_loop3A_628, %get3A_244 : vector<16xf32>
        %parallel_loop3A_630 = arith.index_cast %select_n3A_184 : i32 to index
        %parallel_loop3A_631 = arith.index_cast %parallel_loop3A_597 : i32 to index
        %parallel_loop3A_632 = arith.constant 16 : index
        %parallel_loop3A_633 = tpu.vector_load %arg9[%parallel_loop3A_630, %parallel_loop3A_631, %parallel_loop3A_632] {strides = array<i32>} : memref<4x16x768xf32, #tpu.memory_space<vmem>>, vector<1x1x16xf32>,
        %parallel_loop3A_634 = vector.shape_cast %parallel_loop3A_633 : vector<1x1x16xf32> to vector<16xf32>
        %parallel_loop3A_635 = vector.shape_cast %parallel_loop3A_629 : vector<16xf32> to vector<1x1x16xf32>
        tpu.vector_store %arg9[%parallel_loop3A_630, %parallel_loop3A_631, %parallel_loop3A_632], %parallel_loop3A_635 {strides = array<i32>} : memref<4x16x768xf32, #tpu.memory_space<vmem>>, vector<1x1x16xf32>,
        %parallel_loop3A_636 = arith.index_cast %select_n3A_184 : i32 to index
        %parallel_loop3A_637 = arith.index_cast %parallel_loop3A_597 : i32 to index
        %parallel_loop3A_638 = arith.constant 32 : index
        %parallel_loop3A_639 = tpu.vector_load %arg9[%parallel_loop3A_636, %parallel_loop3A_637, %parallel_loop3A_638] {strides = array<i32>} : memref<4x16x768xf32, #tpu.memory_space<vmem>>, vector<1x1x16xf32>,
        %parallel_loop3A_640 = vector.shape_cast %parallel_loop3A_639 : vector<1x1x16xf32> to vector<16xf32>
        %parallel_loop3A_641 = arith.subf %parallel_loop3A_640, %parallel_loop3A_601 : vector<16xf32>
        %parallel_loop3A_642 = arith.mulf %parallel_loop3A_641, %parallel_loop3A_605 : vector<16xf32>
        %parallel_loop3A_643 = arith.mulf %parallel_loop3A_642, %get3A_211 : vector<16xf32>
        %parallel_loop3A_644 = arith.addf %parallel_loop3A_643, %get3A_247 : vector<16xf32>
        %parallel_loop3A_645 = arith.index_cast %select_n3A_184 : i32 to index
        %parallel_loop3A_646 = arith.index_cast %parallel_loop3A_597 : i32 to index
        %parallel_loop3A_647 = arith.constant 32 : index
        %parallel_loop3A_648 = tpu.vector_load %arg9[%parallel_loop3A_645, %parallel_loop3A_646, %parallel_loop3A_647] {strides = array<i32>} : memref<4x16x768xf32, #tpu.memory_space<vmem>>, vector<1x1x16xf32>,
        %parallel_loop3A_649 = vector.shape_cast %parallel_loop3A_648 : vector<1x1x16xf32> to vector<16xf32>
        %parallel_loop3A_650 = vector.shape_cast %parallel_loop3A_644 : vector<16xf32> to vector<1x1x16xf32>
        tpu.vector_store %arg9[%parallel_loop3A_645, %parallel_loop3A_646, %parallel_loop3A_647], %parallel_loop3A_650 {strides = array<i32>} : memref<4x16x768xf32, #tpu.memory_space<vmem>>, vector<1x1x16xf32>,
        %parallel_loop3A_651 = arith.index_cast %select_n3A_184 : i32 to index
        %parallel_loop3A_652 = arith.index_cast %parallel_loop3A_597 : i32 to index
        %parallel_loop3A_653 = arith.constant 48 : index
        %parallel_loop3A_654 = tpu.vector_load %arg9[%parallel_loop3A_651, %parallel_loop3A_652, %parallel_loop3A_653] {strides = array<i32>} : memref<4x16x768xf32, #tpu.memory_space<vmem>>, vector<1x1x16xf32>,
        %parallel_loop3A_655 = vector.shape_cast %parallel_loop3A_654 : vector<1x1x16xf32> to vector<16xf32>
        %parallel_loop3A_656 = arith.subf %parallel_loop3A_655, %parallel_loop3A_601 : vector<16xf32>
        %parallel_loop3A_657 = arith.mulf %parallel_loop3A_656, %parallel_loop3A_605 : vector<16xf32>
        %parallel_loop3A_658 = arith.mulf %parallel_loop3A_657, %get3A_214 : vector<16xf32>
        %parallel_loop3A_659 = arith.addf %parallel_loop3A_658, %get3A_250 : vector<16xf32>
        %parallel_loop3A_660 = arith.index_cast %select_n3A_184 : i32 to index
        %parallel_loop3A_661 = arith.index_cast %parallel_loop3A_597 : i32 to index
        %parallel_loop3A_662 = arith.constant 48 : index
        %parallel_loop3A_663 = tpu.vector_load %arg9[%parallel_loop3A_660, %parallel_loop3A_661, %parallel_loop3A_662] {strides = array<i32>} : memref<4x16x768xf32, #tpu.memory_space<vmem>>, vector<1x1x16xf32>,
        %parallel_loop3A_664 = vector.shape_cast %parallel_loop3A_663 : vector<1x1x16xf32> to vector<16xf32>
        %parallel_loop3A_665 = vector.shape_cast %parallel_loop3A_659 : vector<16xf32> to vector<1x1x16xf32>
        tpu.vector_store %arg9[%parallel_loop3A_660, %parallel_loop3A_661, %parallel_loop3A_662], %parallel_loop3A_665 {strides = array<i32>} : memref<4x16x768xf32, #tpu.memory_space<vmem>>, vector<1x1x16xf32>,
        %parallel_loop3A_666 = arith.index_cast %select_n3A_184 : i32 to index
        %parallel_loop3A_667 = arith.index_cast %parallel_loop3A_597 : i32 to index
        %parallel_loop3A_668 = arith.constant 64 : index
        %parallel_loop3A_669 = tpu.vector_load %arg9[%parallel_loop3A_666, %parallel_loop3A_667, %parallel_loop3A_668] {strides = array<i32>} : memref<4x16x768xf32, #tpu.memory_space<vmem>>, vector<1x1x16xf32>,
        %parallel_loop3A_670 = vector.shape_cast %parallel_loop3A_669 : vector<1x1x16xf32> to vector<16xf32>
        %parallel_loop3A_671 = arith.subf %parallel_loop3A_670, %parallel_loop3A_601 : vector<16xf32>
        %parallel_loop3A_672 = arith.mulf %parallel_loop3A_671, %parallel_loop3A_605 : vector<16xf32>
        %parallel_loop3A_673 = arith.mulf %parallel_loop3A_672, %get3A_217 : vector<16xf32>
        %parallel_loop3A_674 = arith.addf %parallel_loop3A_673, %get3A_253 : vector<16xf32>
        %parallel_loop3A_675 = arith.index_cast %select_n3A_184 : i32 to index
        %parallel_loop3A_676 = arith.index_cast %parallel_loop3A_597 : i32 to index
        %parallel_loop3A_677 = arith.constant 64 : index
        %parallel_loop3A_678 = tpu.vector_load %arg9[%parallel_loop3A_675, %parallel_loop3A_676, %parallel_loop3A_677] {strides = array<i32>} : memref<4x16x768xf32, #tpu.memory_space<vmem>>, vector<1x1x16xf32>,
        %parallel_loop3A_679 = vector.shape_cast %parallel_loop3A_678 : vector<1x1x16xf32> to vector<16xf32>
        %parallel_loop3A_680 = vector.shape_cast %parallel_loop3A_674 : vector<16xf32> to vector<1x1x16xf32>
        tpu.vector_store %arg9[%parallel_loop3A_675, %parallel_loop3A_676, %parallel_loop3A_677], %parallel_loop3A_680 {strides = array<i32>} : memref<4x16x768xf32, #tpu.memory_space<vmem>>, vector<1x1x16xf32>,
        %parallel_loop3A_681 = arith.index_cast %select_n3A_184 : i32 to index
        %parallel_loop3A_682 = arith.index_cast %parallel_loop3A_597 : i32 to index
        %parallel_loop3A_683 = arith.constant 80 : index
        %parallel_loop3A_684 = tpu.vector_load %arg9[%parallel_loop3A_681, %parallel_loop3A_682, %parallel_loop3A_683] {strides = array<i32>} : memref<4x16x768xf32, #tpu.memory_space<vmem>>, vector<1x1x16xf32>,
        %parallel_loop3A_685 = vector.shape_cast %parallel_loop3A_684 : vector<1x1x16xf32> to vector<16xf32>
        %parallel_loop3A_686 = arith.subf %parallel_loop3A_685, %parallel_loop3A_601 : vector<16xf32>
        %parallel_loop3A_687 = arith.mulf %parallel_loop3A_686, %parallel_loop3A_605 : vector<16xf32>
        %parallel_loop3A_688 = arith.mulf %parallel_loop3A_687, %get3A_220 : vector<16xf32>
        %parallel_loop3A_689 = arith.addf %parallel_loop3A_688, %get3A_256 : vector<16xf32>
        %parallel_loop3A_690 = arith.index_cast %select_n3A_184 : i32 to index
        %parallel_loop3A_691 = arith.index_cast %parallel_loop3A_597 : i32 to index
        %parallel_loop3A_692 = arith.constant 80 : index
        %parallel_loop3A_693 = tpu.vector_load %arg9[%parallel_loop3A_690, %parallel_loop3A_691, %parallel_loop3A_692] {strides = array<i32>} : memref<4x16x768xf32, #tpu.memory_space<vmem>>, vector<1x1x16xf32>,
        %parallel_loop3A_694 = vector.shape_cast %parallel_loop3A_693 : vector<1x1x16xf32> to vector<16xf32>
        %parallel_loop3A_695 = vector.shape_cast %parallel_loop3A_689 : vector<16xf32> to vector<1x1x16xf32>
        tpu.vector_store %arg9[%parallel_loop3A_690, %parallel_loop3A_691, %parallel_loop3A_692], %parallel_loop3A_695 {strides = array<i32>} : memref<4x16x768xf32, #tpu.memory_space<vmem>>, vector<1x1x16xf32>,
        %parallel_loop3A_696 = arith.index_cast %select_n3A_184 : i32 to index
        %parallel_loop3A_697 = arith.index_cast %parallel_loop3A_597 : i32 to index
        %parallel_loop3A_698 = arith.constant 96 : index
        %parallel_loop3A_699 = tpu.vector_load %arg9[%parallel_loop3A_696, %parallel_loop3A_697, %parallel_loop3A_698] {strides = array<i32>} : memref<4x16x768xf32, #tpu.memory_space<vmem>>, vector<1x1x16xf32>,
        %parallel_loop3A_700 = vector.shape_cast %parallel_loop3A_699 : vector<1x1x16xf32> to vector<16xf32>
        %parallel_loop3A_701 = arith.subf %parallel_loop3A_700, %parallel_loop3A_601 : vector<16xf32>
        %parallel_loop3A_702 = arith.mulf %parallel_loop3A_701, %parallel_loop3A_605 : vector<16xf32>
        %parallel_loop3A_703 = arith.mulf %parallel_loop3A_702, %get3A_223 : vector<16xf32>
        %parallel_loop3A_704 = arith.addf %parallel_loop3A_703, %get3A_259 : vector<16xf32>
        %parallel_loop3A_705 = arith.index_cast %select_n3A_184 : i32 to index
        %parallel_loop3A_706 = arith.index_cast %parallel_loop3A_597 : i32 to index
        %parallel_loop3A_707 = arith.constant 96 : index
        %parallel_loop3A_708 = tpu.vector_load %arg9[%parallel_loop3A_705, %parallel_loop3A_706, %parallel_loop3A_707] {strides = array<i32>} : memref<4x16x768xf32, #tpu.memory_space<vmem>>, vector<1x1x16xf32>,
        %parallel_loop3A_709 = vector.shape_cast %parallel_loop3A_708 : vector<1x1x16xf32> to vector<16xf32>
        %parallel_loop3A_710 = vector.shape_cast %parallel_loop3A_704 : vector<16xf32> to vector<1x1x16xf32>
        tpu.vector_store %arg9[%parallel_loop3A_705, %parallel_loop3A_706, %parallel_loop3A_707], %parallel_loop3A_710 {strides = array<i32>} : memref<4x16x768xf32, #tpu.memory_space<vmem>>, vector<1x1x16xf32>,
        %parallel_loop3A_711 = arith.index_cast %select_n3A_184 : i32 to index
        %parallel_loop3A_712 = arith.index_cast %parallel_loop3A_597 : i32 to index
        %parallel_loop3A_713 = arith.constant 112 : index
        %parallel_loop3A_714 = tpu.vector_load %arg9[%parallel_loop3A_711, %parallel_loop3A_712, %parallel_loop3A_713] {strides = array<i32>} : memref<4x16x768xf32, #tpu.memory_space<vmem>>, vector<1x1x16xf32>,
        %parallel_loop3A_715 = vector.shape_cast %parallel_loop3A_714 : vector<1x1x16xf32> to vector<16xf32>
        %parallel_loop3A_716 = arith.subf %parallel_loop3A_715, %parallel_loop3A_601 : vector<16xf32>
        %parallel_loop3A_717 = arith.mulf %parallel_loop3A_716, %parallel_loop3A_605 : vector<16xf32>
        %parallel_loop3A_718 = arith.mulf %parallel_loop3A_717, %get3A_226 : vector<16xf32>
        %parallel_loop3A_719 = arith.addf %parallel_loop3A_718, %get3A_262 : vector<16xf32>
        %parallel_loop3A_720 = arith.index_cast %select_n3A_184 : i32 to index
        %parallel_loop3A_721 = arith.index_cast %parallel_loop3A_597 : i32 to index
        %parallel_loop3A_722 = arith.constant 112 : index
        %parallel_loop3A_723 = tpu.vector_load %arg9[%parallel_loop3A_720, %parallel_loop3A_721, %parallel_loop3A_722] {strides = array<i32>} : memref<4x16x768xf32, #tpu.memory_space<vmem>>, vector<1x1x16xf32>,
        %parallel_loop3A_724 = vector.shape_cast %parallel_loop3A_723 : vector<1x1x16xf32> to vector<16xf32>
        %parallel_loop3A_725 = vector.shape_cast %parallel_loop3A_719 : vector<16xf32> to vector<1x1x16xf32>
        tpu.vector_store %arg9[%parallel_loop3A_720, %parallel_loop3A_721, %parallel_loop3A_722], %parallel_loop3A_725 {strides = array<i32>} : memref<4x16x768xf32, #tpu.memory_space<vmem>>, vector<1x1x16xf32>,
        %parallel_loop3A_726 = arith.index_cast %select_n3A_184 : i32 to index
        %parallel_loop3A_727 = arith.index_cast %parallel_loop3A_597 : i32 to index
        %parallel_loop3A_728 = arith.constant 128 : index
        %parallel_loop3A_729 = tpu.vector_load %arg9[%parallel_loop3A_726, %parallel_loop3A_727, %parallel_loop3A_728] {strides = array<i32>} : memref<4x16x768xf32, #tpu.memory_space<vmem>>, vector<1x1x16xf32>,
        %parallel_loop3A_730 = vector.shape_cast %parallel_loop3A_729 : vector<1x1x16xf32> to vector<16xf32>
        %parallel_loop3A_731 = arith.subf %parallel_loop3A_730, %parallel_loop3A_601 : vector<16xf32>
        %parallel_loop3A_732 = arith.mulf %parallel_loop3A_731, %parallel_loop3A_605 : vector<16xf32>
        %parallel_loop3A_733 = arith.mulf %parallel_loop3A_732, %get3A_229 : vector<16xf32>
        %parallel_loop3A_734 = arith.addf %parallel_loop3A_733, %get3A_265 : vector<16xf32>
        %parallel_loop3A_735 = arith.index_cast %select_n3A_184 : i32 to index
        %parallel_loop3A_736 = arith.index_cast %parallel_loop3A_597 : i32 to index
        %parallel_loop3A_737 = arith.constant 128 : index
        %parallel_loop3A_738 = tpu.vector_load %arg9[%parallel_loop3A_735, %parallel_loop3A_736, %parallel_loop3A_737] {strides = array<i32>} : memref<4x16x768xf32, #tpu.memory_space<vmem>>, vector<1x1x16xf32>,
        %parallel_loop3A_739 = vector.shape_cast %parallel_loop3A_738 : vector<1x1x16xf32> to vector<16xf32>
        %parallel_loop3A_740 = vector.shape_cast %parallel_loop3A_734 : vector<16xf32> to vector<1x1x16xf32>
        tpu.vector_store %arg9[%parallel_loop3A_735, %parallel_loop3A_736, %parallel_loop3A_737], %parallel_loop3A_740 {strides = array<i32>} : memref<4x16x768xf32, #tpu.memory_space<vmem>>, vector<1x1x16xf32>,
        %parallel_loop3A_741 = arith.index_cast %select_n3A_184 : i32 to index
        %parallel_loop3A_742 = arith.index_cast %parallel_loop3A_597 : i32 to index
        %parallel_loop3A_743 = arith.constant 144 : index
        %parallel_loop3A_744 = tpu.vector_load %arg9[%parallel_loop3A_741, %parallel_loop3A_742, %parallel_loop3A_743] {strides = array<i32>} : memref<4x16x768xf32, #tpu.memory_space<vmem>>, vector<1x1x16xf32>,
        %parallel_loop3A_745 = vector.shape_cast %parallel_loop3A_744 : vector<1x1x16xf32> to vector<16xf32>
        %parallel_loop3A_746 = arith.subf %parallel_loop3A_745, %parallel_loop3A_601 : vector<16xf32>
        %parallel_loop3A_747 = arith.mulf %parallel_loop3A_746, %parallel_loop3A_605 : vector<16xf32>
        %parallel_loop3A_748 = arith.mulf %parallel_loop3A_747, %get3A_232 : vector<16xf32>
        %parallel_loop3A_749 = arith.addf %parallel_loop3A_748, %get3A_268 : vector<16xf32>
        %parallel_loop3A_750 = arith.index_cast %select_n3A_184 : i32 to index
        %parallel_loop3A_751 = arith.index_cast %parallel_loop3A_597 : i32 to index
        %parallel_loop3A_752 = arith.constant 144 : index
        %parallel_loop3A_753 = tpu.vector_load %arg9[%parallel_loop3A_750, %parallel_loop3A_751, %parallel_loop3A_752] {strides = array<i32>} : memref<4x16x768xf32, #tpu.memory_space<vmem>>, vector<1x1x16xf32>,
        %parallel_loop3A_754 = vector.shape_cast %parallel_loop3A_753 : vector<1x1x16xf32> to vector<16xf32>
        %parallel_loop3A_755 = vector.shape_cast %parallel_loop3A_749 : vector<16xf32> to vector<1x1x16xf32>
        tpu.vector_store %arg9[%parallel_loop3A_750, %parallel_loop3A_751, %parallel_loop3A_752], %parallel_loop3A_755 {strides = array<i32>} : memref<4x16x768xf32, #tpu.memory_space<vmem>>, vector<1x1x16xf32>,
        %parallel_loop3A_756 = arith.index_cast %select_n3A_184 : i32 to index
        %parallel_loop3A_757 = arith.index_cast %parallel_loop3A_597 : i32 to index
        %parallel_loop3A_758 = arith.constant 160 : index
        %parallel_loop3A_759 = tpu.vector_load %arg9[%parallel_loop3A_756, %parallel_loop3A_757, %parallel_loop3A_758] {strides = array<i32>} : memref<4x16x768xf32, #tpu.memory_space<vmem>>, vector<1x1x16xf32>,
        %parallel_loop3A_760 = vector.shape_cast %parallel_loop3A_759 : vector<1x1x16xf32> to vector<16xf32>
        %parallel_loop3A_761 = arith.subf %parallel_loop3A_760, %parallel_loop3A_601 : vector<16xf32>
        %parallel_loop3A_762 = arith.mulf %parallel_loop3A_761, %parallel_loop3A_605 : vector<16xf32>
        %parallel_loop3A_763 = arith.mulf %parallel_loop3A_762, %get3A_235 : vector<16xf32>
        %parallel_loop3A_764 = arith.addf %parallel_loop3A_763, %get3A_271 : vector<16xf32>
        %parallel_loop3A_765 = arith.index_cast %select_n3A_184 : i32 to index
        %parallel_loop3A_766 = arith.index_cast %parallel_loop3A_597 : i32 to index
        %parallel_loop3A_767 = arith.constant 160 : index
        %parallel_loop3A_768 = tpu.vector_load %arg9[%parallel_loop3A_765, %parallel_loop3A_766, %parallel_loop3A_767] {strides = array<i32>} : memref<4x16x768xf32, #tpu.memory_space<vmem>>, vector<1x1x16xf32>,
        %parallel_loop3A_769 = vector.shape_cast %parallel_loop3A_768 : vector<1x1x16xf32> to vector<16xf32>
        %parallel_loop3A_770 = vector.shape_cast %parallel_loop3A_764 : vector<16xf32> to vector<1x1x16xf32>
        tpu.vector_store %arg9[%parallel_loop3A_765, %parallel_loop3A_766, %parallel_loop3A_767], %parallel_loop3A_770 {strides = array<i32>} : memref<4x16x768xf32, #tpu.memory_space<vmem>>, vector<1x1x16xf32>,
        %parallel_loop3A_771 = arith.index_cast %select_n3A_184 : i32 to index
        %parallel_loop3A_772 = arith.index_cast %parallel_loop3A_597 : i32 to index
        %parallel_loop3A_773 = arith.constant 176 : index
        %parallel_loop3A_774 = tpu.vector_load %arg9[%parallel_loop3A_771, %parallel_loop3A_772, %parallel_loop3A_773] {strides = array<i32>} : memref<4x16x768xf32, #tpu.memory_space<vmem>>, vector<1x1x16xf32>,
        %parallel_loop3A_775 = vector.shape_cast %parallel_loop3A_774 : vector<1x1x16xf32> to vector<16xf32>
        %parallel_loop3A_776 = arith.subf %parallel_loop3A_775, %parallel_loop3A_601 : vector<16xf32>
        %parallel_loop3A_777 = arith.mulf %parallel_loop3A_776, %parallel_loop3A_605 : vector<16xf32>
        %parallel_loop3A_778 = arith.mulf %parallel_loop3A_777, %get3A_238 : vector<16xf32>
        %parallel_loop3A_779 = arith.addf %parallel_loop3A_778, %get3A_274 : vector<16xf32>
        %parallel_loop3A_780 = arith.index_cast %select_n3A_184 : i32 to index
        %parallel_loop3A_781 = arith.index_cast %parallel_loop3A_597 : i32 to index
        %parallel_loop3A_782 = arith.constant 176 : index
        %parallel_loop3A_783 = tpu.vector_load %arg9[%parallel_loop3A_780, %parallel_loop3A_781, %parallel_loop3A_782] {strides = array<i32>} : memref<4x16x768xf32, #tpu.memory_space<vmem>>, vector<1x1x16xf32>,
        %parallel_loop3A_784 = vector.shape_cast %parallel_loop3A_783 : vector<1x1x16xf32> to vector<16xf32>
        %parallel_loop3A_785 = vector.shape_cast %parallel_loop3A_779 : vector<16xf32> to vector<1x1x16xf32>
        tpu.vector_store %arg9[%parallel_loop3A_780, %parallel_loop3A_781, %parallel_loop3A_782], %parallel_loop3A_785 {strides = array<i32>} : memref<4x16x768xf32, #tpu.memory_space<vmem>>, vector<1x1x16xf32>,
      } {sc.loop_unroll_factor = 1 : i64, sc.parallel_access}
      %get3A_278 = arith.constant 192 : index
      %get3A_279 = tpu.vector_load %arg11[%get3A_278] {strides = array<i32>} : memref<768xf32, #tpu.memory_space<vmem>>, vector<16xf32>,
      %get3A_280 = vector.shape_cast %get3A_279 : vector<16xf32> to vector<16xf32>
      %get3A_281 = arith.constant 208 : index
      %get3A_282 = tpu.vector_load %arg11[%get3A_281] {strides = array<i32>} : memref<768xf32, #tpu.memory_space<vmem>>, vector<16xf32>,
      %get3A_283 = vector.shape_cast %get3A_282 : vector<16xf32> to vector<16xf32>
      %get3A_284 = arith.constant 224 : index
      %get3A_285 = tpu.vector_load %arg11[%get3A_284] {strides = array<i32>} : memref<768xf32, #tpu.memory_space<vmem>>, vector<16xf32>,
      %get3A_286 = vector.shape_cast %get3A_285 : vector<16xf32> to vector<16xf32>
      %get3A_287 = arith.constant 240 : index
      %get3A_288 = tpu.vector_load %arg11[%get3A_287] {strides = array<i32>} : memref<768xf32, #tpu.memory_space<vmem>>, vector<16xf32>,
      %get3A_289 = vector.shape_cast %get3A_288 : vector<16xf32> to vector<16xf32>
      %get3A_290 = arith.constant 256 : index
      %get3A_291 = tpu.vector_load %arg11[%get3A_290] {strides = array<i32>} : memref<768xf32, #tpu.memory_space<vmem>>, vector<16xf32>,
      %get3A_292 = vector.shape_cast %get3A_291 : vector<16xf32> to vector<16xf32>
      %get3A_293 = arith.constant 272 : index
      %get3A_294 = tpu.vector_load %arg11[%get3A_293] {strides = array<i32>} : memref<768xf32, #tpu.memory_space<vmem>>, vector<16xf32>,
      %get3A_295 = vector.shape_cast %get3A_294 : vector<16xf32> to vector<16xf32>
      %get3A_296 = arith.constant 288 : index
      %get3A_297 = tpu.vector_load %arg11[%get3A_296] {strides = array<i32>} : memref<768xf32, #tpu.memory_space<vmem>>, vector<16xf32>,
      %get3A_298 = vector.shape_cast %get3A_297 : vector<16xf32> to vector<16xf32>
      %get3A_299 = arith.constant 304 : index
      %get3A_300 = tpu.vector_load %arg11[%get3A_299] {strides = array<i32>} : memref<768xf32, #tpu.memory_space<vmem>>, vector<16xf32>,
      %get3A_301 = vector.shape_cast %get3A_300 : vector<16xf32> to vector<16xf32>
      %get3A_302 = arith.constant 320 : index
      %get3A_303 = tpu.vector_load %arg11[%get3A_302] {strides = array<i32>} : memref<768xf32, #tpu.memory_space<vmem>>, vector<16xf32>,
      %get3A_304 = vector.shape_cast %get3A_303 : vector<16xf32> to vector<16xf32>
      %get3A_305 = arith.constant 336 : index
      %get3A_306 = tpu.vector_load %arg11[%get3A_305] {strides = array<i32>} : memref<768xf32, #tpu.memory_space<vmem>>, vector<16xf32>,
      %get3A_307 = vector.shape_cast %get3A_306 : vector<16xf32> to vector<16xf32>
      %get3A_308 = arith.constant 352 : index
      %get3A_309 = tpu.vector_load %arg11[%get3A_308] {strides = array<i32>} : memref<768xf32, #tpu.memory_space<vmem>>, vector<16xf32>,
      %get3A_310 = vector.shape_cast %get3A_309 : vector<16xf32> to vector<16xf32>
      %get3A_311 = arith.constant 368 : index
      %get3A_312 = tpu.vector_load %arg11[%get3A_311] {strides = array<i32>} : memref<768xf32, #tpu.memory_space<vmem>>, vector<16xf32>,
      %get3A_313 = vector.shape_cast %get3A_312 : vector<16xf32> to vector<16xf32>
      %get3A_314 = arith.constant 192 : index
      %get3A_315 = tpu.vector_load %arg12[%get3A_314] {strides = array<i32>} : memref<768xf32, #tpu.memory_space<vmem>>, vector<16xf32>,
      %get3A_316 = vector.shape_cast %get3A_315 : vector<16xf32> to vector<16xf32>
      %get3A_317 = arith.constant 208 : index
      %get3A_318 = tpu.vector_load %arg12[%get3A_317] {strides = array<i32>} : memref<768xf32, #tpu.memory_space<vmem>>, vector<16xf32>,
      %get3A_319 = vector.shape_cast %get3A_318 : vector<16xf32> to vector<16xf32>
      %get3A_320 = arith.constant 224 : index
      %get3A_321 = tpu.vector_load %arg12[%get3A_320] {strides = array<i32>} : memref<768xf32, #tpu.memory_space<vmem>>, vector<16xf32>,
      %get3A_322 = vector.shape_cast %get3A_321 : vector<16xf32> to vector<16xf32>
      %get3A_323 = arith.constant 240 : index
      %get3A_324 = tpu.vector_load %arg12[%get3A_323] {strides = array<i32>} : memref<768xf32, #tpu.memory_space<vmem>>, vector<16xf32>,
      %get3A_325 = vector.shape_cast %get3A_324 : vector<16xf32> to vector<16xf32>
      %get3A_326 = arith.constant 256 : index
      %get3A_327 = tpu.vector_load %arg12[%get3A_326] {strides = array<i32>} : memref<768xf32, #tpu.memory_space<vmem>>, vector<16xf32>,
      %get3A_328 = vector.shape_cast %get3A_327 : vector<16xf32> to vector<16xf32>
      %get3A_329 = arith.constant 272 : index
      %get3A_330 = tpu.vector_load %arg12[%get3A_329] {strides = array<i32>} : memref<768xf32, #tpu.memory_space<vmem>>, vector<16xf32>,
      %get3A_331 = vector.shape_cast %get3A_330 : vector<16xf32> to vector<16xf32>
      %get3A_332 = arith.constant 288 : index
      %get3A_333 = tpu.vector_load %arg12[%get3A_332] {strides = array<i32>} : memref<768xf32, #tpu.memory_space<vmem>>, vector<16xf32>,
      %get3A_334 = vector.shape_cast %get3A_333 : vector<16xf32> to vector<16xf32>
      %get3A_335 = arith.constant 304 : index
      %get3A_336 = tpu.vector_load %arg12[%get3A_335] {strides = array<i32>} : memref<768xf32, #tpu.memory_space<vmem>>, vector<16xf32>,
      %get3A_337 = vector.shape_cast %get3A_336 : vector<16xf32> to vector<16xf32>
      %get3A_338 = arith.constant 320 : index
      %get3A_339 = tpu.vector_load %arg12[%get3A_338] {strides = array<i32>} : memref<768xf32, #tpu.memory_space<vmem>>, vector<16xf32>,
      %get3A_340 = vector.shape_cast %get3A_339 : vector<16xf32> to vector<16xf32>
      %get3A_341 = arith.constant 336 : index
      %get3A_342 = tpu.vector_load %arg12[%get3A_341] {strides = array<i32>} : memref<768xf32, #tpu.memory_space<vmem>>, vector<16xf32>,
      %get3A_343 = vector.shape_cast %get3A_342 : vector<16xf32> to vector<16xf32>
      %get3A_344 = arith.constant 352 : index
      %get3A_345 = tpu.vector_load %arg12[%get3A_344] {strides = array<i32>} : memref<768xf32, #tpu.memory_space<vmem>>, vector<16xf32>,
      %get3A_346 = vector.shape_cast %get3A_345 : vector<16xf32> to vector<16xf32>
      %get3A_347 = arith.constant 368 : index
      %get3A_348 = tpu.vector_load %arg12[%get3A_347] {strides = array<i32>} : memref<768xf32, #tpu.memory_space<vmem>>, vector<16xf32>,
      %get3A_349 = vector.shape_cast %get3A_348 : vector<16xf32> to vector<16xf32>
      %parallel_loop3A_350 = arith.constant 0 : i32
      %parallel_loop3A_351 = arith.constant 16 : i32
      %parallel_loop3A_352 = arith.constant 1 : i32
      scf.for %parallel_loop3A_597 = %parallel_loop3A_350 to %parallel_loop3A_351 step %parallel_loop3A_352  : i32 {
        %parallel_loop3A_598 = arith.index_cast %parallel_loop3A_597 : i32 to index
        %parallel_loop3A_599 = arith.constant 0 : index
        %parallel_loop3A_600 = tpu.vector_load %arg13[%parallel_loop3A_598, %parallel_loop3A_599] {strides = array<i32>} : memref<16x16xf32, #tpu.memory_space<vmem>>, vector<1x16xf32>,
        %parallel_loop3A_601 = vector.shape_cast %parallel_loop3A_600 : vector<1x16xf32> to vector<16xf32>
        %parallel_loop3A_602 = arith.index_cast %parallel_loop3A_597 : i32 to index
        %parallel_loop3A_603 = arith.constant 0 : index
        %parallel_loop3A_604 = tpu.vector_load %arg14[%parallel_loop3A_602, %parallel_loop3A_603] {strides = array<i32>} : memref<16x16xf32, #tpu.memory_space<vmem>>, vector<1x16xf32>,
        %parallel_loop3A_605 = vector.shape_cast %parallel_loop3A_604 : vector<1x16xf32> to vector<16xf32>
        %parallel_loop3A_606 = arith.index_cast %select_n3A_184 : i32 to index
        %parallel_loop3A_607 = arith.index_cast %parallel_loop3A_597 : i32 to index
        %parallel_loop3A_608 = arith.constant 192 : index
        %parallel_loop3A_609 = tpu.vector_load %arg9[%parallel_loop3A_606, %parallel_loop3A_607, %parallel_loop3A_608] {strides = array<i32>} : memref<4x16x768xf32, #tpu.memory_space<vmem>>, vector<1x1x16xf32>,
        %parallel_loop3A_610 = vector.shape_cast %parallel_loop3A_609 : vector<1x1x16xf32> to vector<16xf32>
        %parallel_loop3A_611 = arith.subf %parallel_loop3A_610, %parallel_loop3A_601 : vector<16xf32>
        %parallel_loop3A_612 = arith.mulf %parallel_loop3A_611, %parallel_loop3A_605 : vector<16xf32>
        %parallel_loop3A_613 = arith.mulf %parallel_loop3A_612, %get3A_280 : vector<16xf32>
        %parallel_loop3A_614 = arith.addf %parallel_loop3A_613, %get3A_316 : vector<16xf32>
        %parallel_loop3A_615 = arith.index_cast %select_n3A_184 : i32 to index
        %parallel_loop3A_616 = arith.index_cast %parallel_loop3A_597 : i32 to index
        %parallel_loop3A_617 = arith.constant 192 : index
        %parallel_loop3A_618 = tpu.vector_load %arg9[%parallel_loop3A_615, %parallel_loop3A_616, %parallel_loop3A_617] {strides = array<i32>} : memref<4x16x768xf32, #tpu.memory_space<vmem>>, vector<1x1x16xf32>,
        %parallel_loop3A_619 = vector.shape_cast %parallel_loop3A_618 : vector<1x1x16xf32> to vector<16xf32>
        %parallel_loop3A_620 = vector.shape_cast %parallel_loop3A_614 : vector<16xf32> to vector<1x1x16xf32>
        tpu.vector_store %arg9[%parallel_loop3A_615, %parallel_loop3A_616, %parallel_loop3A_617], %parallel_loop3A_620 {strides = array<i32>} : memref<4x16x768xf32, #tpu.memory_space<vmem>>, vector<1x1x16xf32>,
        %parallel_loop3A_621 = arith.index_cast %select_n3A_184 : i32 to index
        %parallel_loop3A_622 = arith.index_cast %parallel_loop3A_597 : i32 to index
        %parallel_loop3A_623 = arith.constant 208 : index
        %parallel_loop3A_624 = tpu.vector_load %arg9[%parallel_loop3A_621, %parallel_loop3A_622, %parallel_loop3A_623] {strides = array<i32>} : memref<4x16x768xf32, #tpu.memory_space<vmem>>, vector<1x1x16xf32>,
        %parallel_loop3A_625 = vector.shape_cast %parallel_loop3A_624 : vector<1x1x16xf32> to vector<16xf32>
        %parallel_loop3A_626 = arith.subf %parallel_loop3A_625, %parallel_loop3A_601 : vector<16xf32>
        %parallel_loop3A_627 = arith.mulf %parallel_loop3A_626, %parallel_loop3A_605 : vector<16xf32>
        %parallel_loop3A_628 = arith.mulf %parallel_loop3A_627, %get3A_283 : vector<16xf32>
        %parallel_loop3A_629 = arith.addf %parallel_loop3A_628, %get3A_319 : vector<16xf32>
        %parallel_loop3A_630 = arith.index_cast %select_n3A_184 : i32 to index
        %parallel_loop3A_631 = arith.index_cast %parallel_loop3A_597 : i32 to index
        %parallel_loop3A_632 = arith.constant 208 : index
        %parallel_loop3A_633 = tpu.vector_load %arg9[%parallel_loop3A_630, %parallel_loop3A_631, %parallel_loop3A_632] {strides = array<i32>} : memref<4x16x768xf32, #tpu.memory_space<vmem>>, vector<1x1x16xf32>,
        %parallel_loop3A_634 = vector.shape_cast %parallel_loop3A_633 : vector<1x1x16xf32> to vector<16xf32>
        %parallel_loop3A_635 = vector.shape_cast %parallel_loop3A_629 : vector<16xf32> to vector<1x1x16xf32>
        tpu.vector_store %arg9[%parallel_loop3A_630, %parallel_loop3A_631, %parallel_loop3A_632], %parallel_loop3A_635 {strides = array<i32>} : memref<4x16x768xf32, #tpu.memory_space<vmem>>, vector<1x1x16xf32>,
        %parallel_loop3A_636 = arith.index_cast %select_n3A_184 : i32 to index
        %parallel_loop3A_637 = arith.index_cast %parallel_loop3A_597 : i32 to index
        %parallel_loop3A_638 = arith.constant 224 : index
        %parallel_loop3A_639 = tpu.vector_load %arg9[%parallel_loop3A_636, %parallel_loop3A_637, %parallel_loop3A_638] {strides = array<i32>} : memref<4x16x768xf32, #tpu.memory_space<vmem>>, vector<1x1x16xf32>,
        %parallel_loop3A_640 = vector.shape_cast %parallel_loop3A_639 : vector<1x1x16xf32> to vector<16xf32>
        %parallel_loop3A_641 = arith.subf %parallel_loop3A_640, %parallel_loop3A_601 : vector<16xf32>
        %parallel_loop3A_642 = arith.mulf %parallel_loop3A_641, %parallel_loop3A_605 : vector<16xf32>
        %parallel_loop3A_643 = arith.mulf %parallel_loop3A_642, %get3A_286 : vector<16xf32>
        %parallel_loop3A_644 = arith.addf %parallel_loop3A_643, %get3A_322 : vector<16xf32>
        %parallel_loop3A_645 = arith.index_cast %select_n3A_184 : i32 to index
        %parallel_loop3A_646 = arith.index_cast %parallel_loop3A_597 : i32 to index
        %parallel_loop3A_647 = arith.constant 224 : index
        %parallel_loop3A_648 = tpu.vector_load %arg9[%parallel_loop3A_645, %parallel_loop3A_646, %parallel_loop3A_647] {strides = array<i32>} : memref<4x16x768xf32, #tpu.memory_space<vmem>>, vector<1x1x16xf32>,
        %parallel_loop3A_649 = vector.shape_cast %parallel_loop3A_648 : vector<1x1x16xf32> to vector<16xf32>
        %parallel_loop3A_650 = vector.shape_cast %parallel_loop3A_644 : vector<16xf32> to vector<1x1x16xf32>
        tpu.vector_store %arg9[%parallel_loop3A_645, %parallel_loop3A_646, %parallel_loop3A_647], %parallel_loop3A_650 {strides = array<i32>} : memref<4x16x768xf32, #tpu.memory_space<vmem>>, vector<1x1x16xf32>,
        %parallel_loop3A_651 = arith.index_cast %select_n3A_184 : i32 to index
        %parallel_loop3A_652 = arith.index_cast %parallel_loop3A_597 : i32 to index
        %parallel_loop3A_653 = arith.constant 240 : index
        %parallel_loop3A_654 = tpu.vector_load %arg9[%parallel_loop3A_651, %parallel_loop3A_652, %parallel_loop3A_653] {strides = array<i32>} : memref<4x16x768xf32, #tpu.memory_space<vmem>>, vector<1x1x16xf32>,
        %parallel_loop3A_655 = vector.shape_cast %parallel_loop3A_654 : vector<1x1x16xf32> to vector<16xf32>
        %parallel_loop3A_656 = arith.subf %parallel_loop3A_655, %parallel_loop3A_601 : vector<16xf32>
        %parallel_loop3A_657 = arith.mulf %parallel_loop3A_656, %parallel_loop3A_605 : vector<16xf32>
        %parallel_loop3A_658 = arith.mulf %parallel_loop3A_657, %get3A_289 : vector<16xf32>
        %parallel_loop3A_659 = arith.addf %parallel_loop3A_658, %get3A_325 : vector<16xf32>
        %parallel_loop3A_660 = arith.index_cast %select_n3A_184 : i32 to index
        %parallel_loop3A_661 = arith.index_cast %parallel_loop3A_597 : i32 to index
        %parallel_loop3A_662 = arith.constant 240 : index
        %parallel_loop3A_663 = tpu.vector_load %arg9[%parallel_loop3A_660, %parallel_loop3A_661, %parallel_loop3A_662] {strides = array<i32>} : memref<4x16x768xf32, #tpu.memory_space<vmem>>, vector<1x1x16xf32>,
        %parallel_loop3A_664 = vector.shape_cast %parallel_loop3A_663 : vector<1x1x16xf32> to vector<16xf32>
        %parallel_loop3A_665 = vector.shape_cast %parallel_loop3A_659 : vector<16xf32> to vector<1x1x16xf32>
        tpu.vector_store %arg9[%parallel_loop3A_660, %parallel_loop3A_661, %parallel_loop3A_662], %parallel_loop3A_665 {strides = array<i32>} : memref<4x16x768xf32, #tpu.memory_space<vmem>>, vector<1x1x16xf32>,
        %parallel_loop3A_666 = arith.index_cast %select_n3A_184 : i32 to index
        %parallel_loop3A_667 = arith.index_cast %parallel_loop3A_597 : i32 to index
        %parallel_loop3A_668 = arith.constant 256 : index
        %parallel_loop3A_669 = tpu.vector_load %arg9[%parallel_loop3A_666, %parallel_loop3A_667, %parallel_loop3A_668] {strides = array<i32>} : memref<4x16x768xf32, #tpu.memory_space<vmem>>, vector<1x1x16xf32>,
        %parallel_loop3A_670 = vector.shape_cast %parallel_loop3A_669 : vector<1x1x16xf32> to vector<16xf32>
        %parallel_loop3A_671 = arith.subf %parallel_loop3A_670, %parallel_loop3A_601 : vector<16xf32>
        %parallel_loop3A_672 = arith.mulf %parallel_loop3A_671, %parallel_loop3A_605 : vector<16xf32>
        %parallel_loop3A_673 = arith.mulf %parallel_loop3A_672, %get3A_292 : vector<16xf32>
        %parallel_loop3A_674 = arith.addf %parallel_loop3A_673, %get3A_328 : vector<16xf32>
        %parallel_loop3A_675 = arith.index_cast %select_n3A_184 : i32 to index
        %parallel_loop3A_676 = arith.index_cast %parallel_loop3A_597 : i32 to index
        %parallel_loop3A_677 = arith.constant 256 : index
        %parallel_loop3A_678 = tpu.vector_load %arg9[%parallel_loop3A_675, %parallel_loop3A_676, %parallel_loop3A_677] {strides = array<i32>} : memref<4x16x768xf32, #tpu.memory_space<vmem>>, vector<1x1x16xf32>,
        %parallel_loop3A_679 = vector.shape_cast %parallel_loop3A_678 : vector<1x1x16xf32> to vector<16xf32>
        %parallel_loop3A_680 = vector.shape_cast %parallel_loop3A_674 : vector<16xf32> to vector<1x1x16xf32>
        tpu.vector_store %arg9[%parallel_loop3A_675, %parallel_loop3A_676, %parallel_loop3A_677], %parallel_loop3A_680 {strides = array<i32>} : memref<4x16x768xf32, #tpu.memory_space<vmem>>, vector<1x1x16xf32>,
        %parallel_loop3A_681 = arith.index_cast %select_n3A_184 : i32 to index
        %parallel_loop3A_682 = arith.index_cast %parallel_loop3A_597 : i32 to index
        %parallel_loop3A_683 = arith.constant 272 : index
        %parallel_loop3A_684 = tpu.vector_load %arg9[%parallel_loop3A_681, %parallel_loop3A_682, %parallel_loop3A_683] {strides = array<i32>} : memref<4x16x768xf32, #tpu.memory_space<vmem>>, vector<1x1x16xf32>,
        %parallel_loop3A_685 = vector.shape_cast %parallel_loop3A_684 : vector<1x1x16xf32> to vector<16xf32>
        %parallel_loop3A_686 = arith.subf %parallel_loop3A_685, %parallel_loop3A_601 : vector<16xf32>
        %parallel_loop3A_687 = arith.mulf %parallel_loop3A_686, %parallel_loop3A_605 : vector<16xf32>
        %parallel_loop3A_688 = arith.mulf %parallel_loop3A_687, %get3A_295 : vector<16xf32>
        %parallel_loop3A_689 = arith.addf %parallel_loop3A_688, %get3A_331 : vector<16xf32>
        %parallel_loop3A_690 = arith.index_cast %select_n3A_184 : i32 to index
        %parallel_loop3A_691 = arith.index_cast %parallel_loop3A_597 : i32 to index
        %parallel_loop3A_692 = arith.constant 272 : index
        %parallel_loop3A_693 = tpu.vector_load %arg9[%parallel_loop3A_690, %parallel_loop3A_691, %parallel_loop3A_692] {strides = array<i32>} : memref<4x16x768xf32, #tpu.memory_space<vmem>>, vector<1x1x16xf32>,
        %parallel_loop3A_694 = vector.shape_cast %parallel_loop3A_693 : vector<1x1x16xf32> to vector<16xf32>
        %parallel_loop3A_695 = vector.shape_cast %parallel_loop3A_689 : vector<16xf32> to vector<1x1x16xf32>
        tpu.vector_store %arg9[%parallel_loop3A_690, %parallel_loop3A_691, %parallel_loop3A_692], %parallel_loop3A_695 {strides = array<i32>} : memref<4x16x768xf32, #tpu.memory_space<vmem>>, vector<1x1x16xf32>,
        %parallel_loop3A_696 = arith.index_cast %select_n3A_184 : i32 to index
        %parallel_loop3A_697 = arith.index_cast %parallel_loop3A_597 : i32 to index
        %parallel_loop3A_698 = arith.constant 288 : index
        %parallel_loop3A_699 = tpu.vector_load %arg9[%parallel_loop3A_696, %parallel_loop3A_697, %parallel_loop3A_698] {strides = array<i32>} : memref<4x16x768xf32, #tpu.memory_space<vmem>>, vector<1x1x16xf32>,
        %parallel_loop3A_700 = vector.shape_cast %parallel_loop3A_699 : vector<1x1x16xf32> to vector<16xf32>
        %parallel_loop3A_701 = arith.subf %parallel_loop3A_700, %parallel_loop3A_601 : vector<16xf32>
        %parallel_loop3A_702 = arith.mulf %parallel_loop3A_701, %parallel_loop3A_605 : vector<16xf32>
        %parallel_loop3A_703 = arith.mulf %parallel_loop3A_702, %get3A_298 : vector<16xf32>
        %parallel_loop3A_704 = arith.addf %parallel_loop3A_703, %get3A_334 : vector<16xf32>
        %parallel_loop3A_705 = arith.index_cast %select_n3A_184 : i32 to index
        %parallel_loop3A_706 = arith.index_cast %parallel_loop3A_597 : i32 to index
        %parallel_loop3A_707 = arith.constant 288 : index
        %parallel_loop3A_708 = tpu.vector_load %arg9[%parallel_loop3A_705, %parallel_loop3A_706, %parallel_loop3A_707] {strides = array<i32>} : memref<4x16x768xf32, #tpu.memory_space<vmem>>, vector<1x1x16xf32>,
        %parallel_loop3A_709 = vector.shape_cast %parallel_loop3A_708 : vector<1x1x16xf32> to vector<16xf32>
        %parallel_loop3A_710 = vector.shape_cast %parallel_loop3A_704 : vector<16xf32> to vector<1x1x16xf32>
        tpu.vector_store %arg9[%parallel_loop3A_705, %parallel_loop3A_706, %parallel_loop3A_707], %parallel_loop3A_710 {strides = array<i32>} : memref<4x16x768xf32, #tpu.memory_space<vmem>>, vector<1x1x16xf32>,
        %parallel_loop3A_711 = arith.index_cast %select_n3A_184 : i32 to index
        %parallel_loop3A_712 = arith.index_cast %parallel_loop3A_597 : i32 to index
        %parallel_loop3A_713 = arith.constant 304 : index
        %parallel_loop3A_714 = tpu.vector_load %arg9[%parallel_loop3A_711, %parallel_loop3A_712, %parallel_loop3A_713] {strides = array<i32>} : memref<4x16x768xf32, #tpu.memory_space<vmem>>, vector<1x1x16xf32>,
        %parallel_loop3A_715 = vector.shape_cast %parallel_loop3A_714 : vector<1x1x16xf32> to vector<16xf32>
        %parallel_loop3A_716 = arith.subf %parallel_loop3A_715, %parallel_loop3A_601 : vector<16xf32>
        %parallel_loop3A_717 = arith.mulf %parallel_loop3A_716, %parallel_loop3A_605 : vector<16xf32>
        %parallel_loop3A_718 = arith.mulf %parallel_loop3A_717, %get3A_301 : vector<16xf32>
        %parallel_loop3A_719 = arith.addf %parallel_loop3A_718, %get3A_337 : vector<16xf32>
        %parallel_loop3A_720 = arith.index_cast %select_n3A_184 : i32 to index
        %parallel_loop3A_721 = arith.index_cast %parallel_loop3A_597 : i32 to index
        %parallel_loop3A_722 = arith.constant 304 : index
        %parallel_loop3A_723 = tpu.vector_load %arg9[%parallel_loop3A_720, %parallel_loop3A_721, %parallel_loop3A_722] {strides = array<i32>} : memref<4x16x768xf32, #tpu.memory_space<vmem>>, vector<1x1x16xf32>,
        %parallel_loop3A_724 = vector.shape_cast %parallel_loop3A_723 : vector<1x1x16xf32> to vector<16xf32>
        %parallel_loop3A_725 = vector.shape_cast %parallel_loop3A_719 : vector<16xf32> to vector<1x1x16xf32>
        tpu.vector_store %arg9[%parallel_loop3A_720, %parallel_loop3A_721, %parallel_loop3A_722], %parallel_loop3A_725 {strides = array<i32>} : memref<4x16x768xf32, #tpu.memory_space<vmem>>, vector<1x1x16xf32>,
        %parallel_loop3A_726 = arith.index_cast %select_n3A_184 : i32 to index
        %parallel_loop3A_727 = arith.index_cast %parallel_loop3A_597 : i32 to index
        %parallel_loop3A_728 = arith.constant 320 : index
        %parallel_loop3A_729 = tpu.vector_load %arg9[%parallel_loop3A_726, %parallel_loop3A_727, %parallel_loop3A_728] {strides = array<i32>} : memref<4x16x768xf32, #tpu.memory_space<vmem>>, vector<1x1x16xf32>,
        %parallel_loop3A_730 = vector.shape_cast %parallel_loop3A_729 : vector<1x1x16xf32> to vector<16xf32>
        %parallel_loop3A_731 = arith.subf %parallel_loop3A_730, %parallel_loop3A_601 : vector<16xf32>
        %parallel_loop3A_732 = arith.mulf %parallel_loop3A_731, %parallel_loop3A_605 : vector<16xf32>
        %parallel_loop3A_733 = arith.mulf %parallel_loop3A_732, %get3A_304 : vector<16xf32>
        %parallel_loop3A_734 = arith.addf %parallel_loop3A_733, %get3A_340 : vector<16xf32>
        %parallel_loop3A_735 = arith.index_cast %select_n3A_184 : i32 to index
        %parallel_loop3A_736 = arith.index_cast %parallel_loop3A_597 : i32 to index
        %parallel_loop3A_737 = arith.constant 320 : index
        %parallel_loop3A_738 = tpu.vector_load %arg9[%parallel_loop3A_735, %parallel_loop3A_736, %parallel_loop3A_737] {strides = array<i32>} : memref<4x16x768xf32, #tpu.memory_space<vmem>>, vector<1x1x16xf32>,
        %parallel_loop3A_739 = vector.shape_cast %parallel_loop3A_738 : vector<1x1x16xf32> to vector<16xf32>
        %parallel_loop3A_740 = vector.shape_cast %parallel_loop3A_734 : vector<16xf32> to vector<1x1x16xf32>
        tpu.vector_store %arg9[%parallel_loop3A_735, %parallel_loop3A_736, %parallel_loop3A_737], %parallel_loop3A_740 {strides = array<i32>} : memref<4x16x768xf32, #tpu.memory_space<vmem>>, vector<1x1x16xf32>,
        %parallel_loop3A_741 = arith.index_cast %select_n3A_184 : i32 to index
        %parallel_loop3A_742 = arith.index_cast %parallel_loop3A_597 : i32 to index
        %parallel_loop3A_743 = arith.constant 336 : index
        %parallel_loop3A_744 = tpu.vector_load %arg9[%parallel_loop3A_741, %parallel_loop3A_742, %parallel_loop3A_743] {strides = array<i32>} : memref<4x16x768xf32, #tpu.memory_space<vmem>>, vector<1x1x16xf32>,
        %parallel_loop3A_745 = vector.shape_cast %parallel_loop3A_744 : vector<1x1x16xf32> to vector<16xf32>
        %parallel_loop3A_746 = arith.subf %parallel_loop3A_745, %parallel_loop3A_601 : vector<16xf32>
        %parallel_loop3A_747 = arith.mulf %parallel_loop3A_746, %parallel_loop3A_605 : vector<16xf32>
        %parallel_loop3A_748 = arith.mulf %parallel_loop3A_747, %get3A_307 : vector<16xf32>
        %parallel_loop3A_749 = arith.addf %parallel_loop3A_748, %get3A_343 : vector<16xf32>
        %parallel_loop3A_750 = arith.index_cast %select_n3A_184 : i32 to index
        %parallel_loop3A_751 = arith.index_cast %parallel_loop3A_597 : i32 to index
        %parallel_loop3A_752 = arith.constant 336 : index
        %parallel_loop3A_753 = tpu.vector_load %arg9[%parallel_loop3A_750, %parallel_loop3A_751, %parallel_loop3A_752] {strides = array<i32>} : memref<4x16x768xf32, #tpu.memory_space<vmem>>, vector<1x1x16xf32>,
        %parallel_loop3A_754 = vector.shape_cast %parallel_loop3A_753 : vector<1x1x16xf32> to vector<16xf32>
        %parallel_loop3A_755 = vector.shape_cast %parallel_loop3A_749 : vector<16xf32> to vector<1x1x16xf32>
        tpu.vector_store %arg9[%parallel_loop3A_750, %parallel_loop3A_751, %parallel_loop3A_752], %parallel_loop3A_755 {strides = array<i32>} : memref<4x16x768xf32, #tpu.memory_space<vmem>>, vector<1x1x16xf32>,
        %parallel_loop3A_756 = arith.index_cast %select_n3A_184 : i32 to index
        %parallel_loop3A_757 = arith.index_cast %parallel_loop3A_597 : i32 to index
        %parallel_loop3A_758 = arith.constant 352 : index
        %parallel_loop3A_759 = tpu.vector_load %arg9[%parallel_loop3A_756, %parallel_loop3A_757, %parallel_loop3A_758] {strides = array<i32>} : memref<4x16x768xf32, #tpu.memory_space<vmem>>, vector<1x1x16xf32>,
        %parallel_loop3A_760 = vector.shape_cast %parallel_loop3A_759 : vector<1x1x16xf32> to vector<16xf32>
        %parallel_loop3A_761 = arith.subf %parallel_loop3A_760, %parallel_loop3A_601 : vector<16xf32>
        %parallel_loop3A_762 = arith.mulf %parallel_loop3A_761, %parallel_loop3A_605 : vector<16xf32>
        %parallel_loop3A_763 = arith.mulf %parallel_loop3A_762, %get3A_310 : vector<16xf32>
        %parallel_loop3A_764 = arith.addf %parallel_loop3A_763, %get3A_346 : vector<16xf32>
        %parallel_loop3A_765 = arith.index_cast %select_n3A_184 : i32 to index
        %parallel_loop3A_766 = arith.index_cast %parallel_loop3A_597 : i32 to index
        %parallel_loop3A_767 = arith.constant 352 : index
        %parallel_loop3A_768 = tpu.vector_load %arg9[%parallel_loop3A_765, %parallel_loop3A_766, %parallel_loop3A_767] {strides = array<i32>} : memref<4x16x768xf32, #tpu.memory_space<vmem>>, vector<1x1x16xf32>,
        %parallel_loop3A_769 = vector.shape_cast %parallel_loop3A_768 : vector<1x1x16xf32> to vector<16xf32>
        %parallel_loop3A_770 = vector.shape_cast %parallel_loop3A_764 : vector<16xf32> to vector<1x1x16xf32>
        tpu.vector_store %arg9[%parallel_loop3A_765, %parallel_loop3A_766, %parallel_loop3A_767], %parallel_loop3A_770 {strides = array<i32>} : memref<4x16x768xf32, #tpu.memory_space<vmem>>, vector<1x1x16xf32>,
        %parallel_loop3A_771 = arith.index_cast %select_n3A_184 : i32 to index
        %parallel_loop3A_772 = arith.index_cast %parallel_loop3A_597 : i32 to index
        %parallel_loop3A_773 = arith.constant 368 : index
        %parallel_loop3A_774 = tpu.vector_load %arg9[%parallel_loop3A_771, %parallel_loop3A_772, %parallel_loop3A_773] {strides = array<i32>} : memref<4x16x768xf32, #tpu.memory_space<vmem>>, vector<1x1x16xf32>,
        %parallel_loop3A_775 = vector.shape_cast %parallel_loop3A_774 : vector<1x1x16xf32> to vector<16xf32>
        %parallel_loop3A_776 = arith.subf %parallel_loop3A_775, %parallel_loop3A_601 : vector<16xf32>
        %parallel_loop3A_777 = arith.mulf %parallel_loop3A_776, %parallel_loop3A_605 : vector<16xf32>
        %parallel_loop3A_778 = arith.mulf %parallel_loop3A_777, %get3A_313 : vector<16xf32>
        %parallel_loop3A_779 = arith.addf %parallel_loop3A_778, %get3A_349 : vector<16xf32>
        %parallel_loop3A_780 = arith.index_cast %select_n3A_184 : i32 to index
        %parallel_loop3A_781 = arith.index_cast %parallel_loop3A_597 : i32 to index
        %parallel_loop3A_782 = arith.constant 368 : index
        %parallel_loop3A_783 = tpu.vector_load %arg9[%parallel_loop3A_780, %parallel_loop3A_781, %parallel_loop3A_782] {strides = array<i32>} : memref<4x16x768xf32, #tpu.memory_space<vmem>>, vector<1x1x16xf32>,
        %parallel_loop3A_784 = vector.shape_cast %parallel_loop3A_783 : vector<1x1x16xf32> to vector<16xf32>
        %parallel_loop3A_785 = vector.shape_cast %parallel_loop3A_779 : vector<16xf32> to vector<1x1x16xf32>
        tpu.vector_store %arg9[%parallel_loop3A_780, %parallel_loop3A_781, %parallel_loop3A_782], %parallel_loop3A_785 {strides = array<i32>} : memref<4x16x768xf32, #tpu.memory_space<vmem>>, vector<1x1x16xf32>,
      } {sc.loop_unroll_factor = 1 : i64, sc.parallel_access}
      %get3A_353 = arith.constant 384 : index
      %get3A_354 = tpu.vector_load %arg11[%get3A_353] {strides = array<i32>} : memref<768xf32, #tpu.memory_space<vmem>>, vector<16xf32>,
      %get3A_355 = vector.shape_cast %get3A_354 : vector<16xf32> to vector<16xf32>
      %get3A_356 = arith.constant 400 : index
      %get3A_357 = tpu.vector_load %arg11[%get3A_356] {strides = array<i32>} : memref<768xf32, #tpu.memory_space<vmem>>, vector<16xf32>,
      %get3A_358 = vector.shape_cast %get3A_357 : vector<16xf32> to vector<16xf32>
      %get3A_359 = arith.constant 416 : index
      %get3A_360 = tpu.vector_load %arg11[%get3A_359] {strides = array<i32>} : memref<768xf32, #tpu.memory_space<vmem>>, vector<16xf32>,
      %get3A_361 = vector.shape_cast %get3A_360 : vector<16xf32> to vector<16xf32>
      %get3A_362 = arith.constant 432 : index
      %get3A_363 = tpu.vector_load %arg11[%get3A_362] {strides = array<i32>} : memref<768xf32, #tpu.memory_space<vmem>>, vector<16xf32>,
      %get3A_364 = vector.shape_cast %get3A_363 : vector<16xf32> to vector<16xf32>
      %get3A_365 = arith.constant 448 : index
      %get3A_366 = tpu.vector_load %arg11[%get3A_365] {strides = array<i32>} : memref<768xf32, #tpu.memory_space<vmem>>, vector<16xf32>,
      %get3A_367 = vector.shape_cast %get3A_366 : vector<16xf32> to vector<16xf32>
      %get3A_368 = arith.constant 464 : index
      %get3A_369 = tpu.vector_load %arg11[%get3A_368] {strides = array<i32>} : memref<768xf32, #tpu.memory_space<vmem>>, vector<16xf32>,
      %get3A_370 = vector.shape_cast %get3A_369 : vector<16xf32> to vector<16xf32>
      %get3A_371 = arith.constant 480 : index
      %get3A_372 = tpu.vector_load %arg11[%get3A_371] {strides = array<i32>} : memref<768xf32, #tpu.memory_space<vmem>>, vector<16xf32>,
      %get3A_373 = vector.shape_cast %get3A_372 : vector<16xf32> to vector<16xf32>
      %get3A_374 = arith.constant 496 : index
      %get3A_375 = tpu.vector_load %arg11[%get3A_374] {strides = array<i32>} : memref<768xf32, #tpu.memory_space<vmem>>, vector<16xf32>,
      %get3A_376 = vector.shape_cast %get3A_375 : vector<16xf32> to vector<16xf32>
      %get3A_377 = arith.constant 512 : index
      %get3A_378 = tpu.vector_load %arg11[%get3A_377] {strides = array<i32>} : memref<768xf32, #tpu.memory_space<vmem>>, vector<16xf32>,
      %get3A_379 = vector.shape_cast %get3A_378 : vector<16xf32> to vector<16xf32>
      %get3A_380 = arith.constant 528 : index
      %get3A_381 = tpu.vector_load %arg11[%get3A_380] {strides = array<i32>} : memref<768xf32, #tpu.memory_space<vmem>>, vector<16xf32>,
      %get3A_382 = vector.shape_cast %get3A_381 : vector<16xf32> to vector<16xf32>
      %get3A_383 = arith.constant 544 : index
      %get3A_384 = tpu.vector_load %arg11[%get3A_383] {strides = array<i32>} : memref<768xf32, #tpu.memory_space<vmem>>, vector<16xf32>,
      %get3A_385 = vector.shape_cast %get3A_384 : vector<16xf32> to vector<16xf32>
      %get3A_386 = arith.constant 560 : index
      %get3A_387 = tpu.vector_load %arg11[%get3A_386] {strides = array<i32>} : memref<768xf32, #tpu.memory_space<vmem>>, vector<16xf32>,
      %get3A_388 = vector.shape_cast %get3A_387 : vector<16xf32> to vector<16xf32>
      %get3A_389 = arith.constant 384 : index
      %get3A_390 = tpu.vector_load %arg12[%get3A_389] {strides = array<i32>} : memref<768xf32, #tpu.memory_space<vmem>>, vector<16xf32>,
      %get3A_391 = vector.shape_cast %get3A_390 : vector<16xf32> to vector<16xf32>
      %get3A_392 = arith.constant 400 : index
      %get3A_393 = tpu.vector_load %arg12[%get3A_392] {strides = array<i32>} : memref<768xf32, #tpu.memory_space<vmem>>, vector<16xf32>,
      %get3A_394 = vector.shape_cast %get3A_393 : vector<16xf32> to vector<16xf32>
      %get3A_395 = arith.constant 416 : index
      %get3A_396 = tpu.vector_load %arg12[%get3A_395] {strides = array<i32>} : memref<768xf32, #tpu.memory_space<vmem>>, vector<16xf32>,
      %get3A_397 = vector.shape_cast %get3A_396 : vector<16xf32> to vector<16xf32>
      %get3A_398 = arith.constant 432 : index
      %get3A_399 = tpu.vector_load %arg12[%get3A_398] {strides = array<i32>} : memref<768xf32, #tpu.memory_space<vmem>>, vector<16xf32>,
      %get3A_400 = vector.shape_cast %get3A_399 : vector<16xf32> to vector<16xf32>
      %get3A_401 = arith.constant 448 : index
      %get3A_402 = tpu.vector_load %arg12[%get3A_401] {strides = array<i32>} : memref<768xf32, #tpu.memory_space<vmem>>, vector<16xf32>,
      %get3A_403 = vector.shape_cast %get3A_402 : vector<16xf32> to vector<16xf32>
      %get3A_404 = arith.constant 464 : index
      %get3A_405 = tpu.vector_load %arg12[%get3A_404] {strides = array<i32>} : memref<768xf32, #tpu.memory_space<vmem>>, vector<16xf32>,
      %get3A_406 = vector.shape_cast %get3A_405 : vector<16xf32> to vector<16xf32>
      %get3A_407 = arith.constant 480 : index
      %get3A_408 = tpu.vector_load %arg12[%get3A_407] {strides = array<i32>} : memref<768xf32, #tpu.memory_space<vmem>>, vector<16xf32>,
      %get3A_409 = vector.shape_cast %get3A_408 : vector<16xf32> to vector<16xf32>
      %get3A_410 = arith.constant 496 : index
      %get3A_411 = tpu.vector_load %arg12[%get3A_410] {strides = array<i32>} : memref<768xf32, #tpu.memory_space<vmem>>, vector<16xf32>,
      %get3A_412 = vector.shape_cast %get3A_411 : vector<16xf32> to vector<16xf32>
      %get3A_413 = arith.constant 512 : index
      %get3A_414 = tpu.vector_load %arg12[%get3A_413] {strides = array<i32>} : memref<768xf32, #tpu.memory_space<vmem>>, vector<16xf32>,
      %get3A_415 = vector.shape_cast %get3A_414 : vector<16xf32> to vector<16xf32>
      %get3A_416 = arith.constant 528 : index
      %get3A_417 = tpu.vector_load %arg12[%get3A_416] {strides = array<i32>} : memref<768xf32, #tpu.memory_space<vmem>>, vector<16xf32>,
      %get3A_418 = vector.shape_cast %get3A_417 : vector<16xf32> to vector<16xf32>
      %get3A_419 = arith.constant 544 : index
      %get3A_420 = tpu.vector_load %arg12[%get3A_419] {strides = array<i32>} : memref<768xf32, #tpu.memory_space<vmem>>, vector<16xf32>,
      %get3A_421 = vector.shape_cast %get3A_420 : vector<16xf32> to vector<16xf32>
      %get3A_422 = arith.constant 560 : index
      %get3A_423 = tpu.vector_load %arg12[%get3A_422] {strides = array<i32>} : memref<768xf32, #tpu.memory_space<vmem>>, vector<16xf32>,
      %get3A_424 = vector.shape_cast %get3A_423 : vector<16xf32> to vector<16xf32>
      %parallel_loop3A_425 = arith.constant 0 : i32
      %parallel_loop3A_426 = arith.constant 16 : i32
      %parallel_loop3A_427 = arith.constant 1 : i32
      scf.for %parallel_loop3A_597 = %parallel_loop3A_425 to %parallel_loop3A_426 step %parallel_loop3A_427  : i32 {
        %parallel_loop3A_598 = arith.index_cast %parallel_loop3A_597 : i32 to index
        %parallel_loop3A_599 = arith.constant 0 : index
        %parallel_loop3A_600 = tpu.vector_load %arg13[%parallel_loop3A_598, %parallel_loop3A_599] {strides = array<i32>} : memref<16x16xf32, #tpu.memory_space<vmem>>, vector<1x16xf32>,
        %parallel_loop3A_601 = vector.shape_cast %parallel_loop3A_600 : vector<1x16xf32> to vector<16xf32>
        %parallel_loop3A_602 = arith.index_cast %parallel_loop3A_597 : i32 to index
        %parallel_loop3A_603 = arith.constant 0 : index
        %parallel_loop3A_604 = tpu.vector_load %arg14[%parallel_loop3A_602, %parallel_loop3A_603] {strides = array<i32>} : memref<16x16xf32, #tpu.memory_space<vmem>>, vector<1x16xf32>,
        %parallel_loop3A_605 = vector.shape_cast %parallel_loop3A_604 : vector<1x16xf32> to vector<16xf32>
        %parallel_loop3A_606 = arith.index_cast %select_n3A_184 : i32 to index
        %parallel_loop3A_607 = arith.index_cast %parallel_loop3A_597 : i32 to index
        %parallel_loop3A_608 = arith.constant 384 : index
        %parallel_loop3A_609 = tpu.vector_load %arg9[%parallel_loop3A_606, %parallel_loop3A_607, %parallel_loop3A_608] {strides = array<i32>} : memref<4x16x768xf32, #tpu.memory_space<vmem>>, vector<1x1x16xf32>,
        %parallel_loop3A_610 = vector.shape_cast %parallel_loop3A_609 : vector<1x1x16xf32> to vector<16xf32>
        %parallel_loop3A_611 = arith.subf %parallel_loop3A_610, %parallel_loop3A_601 : vector<16xf32>
        %parallel_loop3A_612 = arith.mulf %parallel_loop3A_611, %parallel_loop3A_605 : vector<16xf32>
        %parallel_loop3A_613 = arith.mulf %parallel_loop3A_612, %get3A_355 : vector<16xf32>
        %parallel_loop3A_614 = arith.addf %parallel_loop3A_613, %get3A_391 : vector<16xf32>
        %parallel_loop3A_615 = arith.index_cast %select_n3A_184 : i32 to index
        %parallel_loop3A_616 = arith.index_cast %parallel_loop3A_597 : i32 to index
        %parallel_loop3A_617 = arith.constant 384 : index
        %parallel_loop3A_618 = tpu.vector_load %arg9[%parallel_loop3A_615, %parallel_loop3A_616, %parallel_loop3A_617] {strides = array<i32>} : memref<4x16x768xf32, #tpu.memory_space<vmem>>, vector<1x1x16xf32>,
        %parallel_loop3A_619 = vector.shape_cast %parallel_loop3A_618 : vector<1x1x16xf32> to vector<16xf32>
        %parallel_loop3A_620 = vector.shape_cast %parallel_loop3A_614 : vector<16xf32> to vector<1x1x16xf32>
        tpu.vector_store %arg9[%parallel_loop3A_615, %parallel_loop3A_616, %parallel_loop3A_617], %parallel_loop3A_620 {strides = array<i32>} : memref<4x16x768xf32, #tpu.memory_space<vmem>>, vector<1x1x16xf32>,
        %parallel_loop3A_621 = arith.index_cast %select_n3A_184 : i32 to index
        %parallel_loop3A_622 = arith.index_cast %parallel_loop3A_597 : i32 to index
        %parallel_loop3A_623 = arith.constant 400 : index
        %parallel_loop3A_624 = tpu.vector_load %arg9[%parallel_loop3A_621, %parallel_loop3A_622, %parallel_loop3A_623] {strides = array<i32>} : memref<4x16x768xf32, #tpu.memory_space<vmem>>, vector<1x1x16xf32>,
        %parallel_loop3A_625 = vector.shape_cast %parallel_loop3A_624 : vector<1x1x16xf32> to vector<16xf32>
        %parallel_loop3A_626 = arith.subf %parallel_loop3A_625, %parallel_loop3A_601 : vector<16xf32>
        %parallel_loop3A_627 = arith.mulf %parallel_loop3A_626, %parallel_loop3A_605 : vector<16xf32>
        %parallel_loop3A_628 = arith.mulf %parallel_loop3A_627, %get3A_358 : vector<16xf32>
        %parallel_loop3A_629 = arith.addf %parallel_loop3A_628, %get3A_394 : vector<16xf32>
        %parallel_loop3A_630 = arith.index_cast %select_n3A_184 : i32 to index
        %parallel_loop3A_631 = arith.index_cast %parallel_loop3A_597 : i32 to index
        %parallel_loop3A_632 = arith.constant 400 : index
        %parallel_loop3A_633 = tpu.vector_load %arg9[%parallel_loop3A_630, %parallel_loop3A_631, %parallel_loop3A_632] {strides = array<i32>} : memref<4x16x768xf32, #tpu.memory_space<vmem>>, vector<1x1x16xf32>,
        %parallel_loop3A_634 = vector.shape_cast %parallel_loop3A_633 : vector<1x1x16xf32> to vector<16xf32>
        %parallel_loop3A_635 = vector.shape_cast %parallel_loop3A_629 : vector<16xf32> to vector<1x1x16xf32>
        tpu.vector_store %arg9[%parallel_loop3A_630, %parallel_loop3A_631, %parallel_loop3A_632], %parallel_loop3A_635 {strides = array<i32>} : memref<4x16x768xf32, #tpu.memory_space<vmem>>, vector<1x1x16xf32>,
        %parallel_loop3A_636 = arith.index_cast %select_n3A_184 : i32 to index
        %parallel_loop3A_637 = arith.index_cast %parallel_loop3A_597 : i32 to index
        %parallel_loop3A_638 = arith.constant 416 : index
        %parallel_loop3A_639 = tpu.vector_load %arg9[%parallel_loop3A_636, %parallel_loop3A_637, %parallel_loop3A_638] {strides = array<i32>} : memref<4x16x768xf32, #tpu.memory_space<vmem>>, vector<1x1x16xf32>,
        %parallel_loop3A_640 = vector.shape_cast %parallel_loop3A_639 : vector<1x1x16xf32> to vector<16xf32>
        %parallel_loop3A_641 = arith.subf %parallel_loop3A_640, %parallel_loop3A_601 : vector<16xf32>
        %parallel_loop3A_642 = arith.mulf %parallel_loop3A_641, %parallel_loop3A_605 : vector<16xf32>
        %parallel_loop3A_643 = arith.mulf %parallel_loop3A_642, %get3A_361 : vector<16xf32>
        %parallel_loop3A_644 = arith.addf %parallel_loop3A_643, %get3A_397 : vector<16xf32>
        %parallel_loop3A_645 = arith.index_cast %select_n3A_184 : i32 to index
        %parallel_loop3A_646 = arith.index_cast %parallel_loop3A_597 : i32 to index
        %parallel_loop3A_647 = arith.constant 416 : index
        %parallel_loop3A_648 = tpu.vector_load %arg9[%parallel_loop3A_645, %parallel_loop3A_646, %parallel_loop3A_647] {strides = array<i32>} : memref<4x16x768xf32, #tpu.memory_space<vmem>>, vector<1x1x16xf32>,
        %parallel_loop3A_649 = vector.shape_cast %parallel_loop3A_648 : vector<1x1x16xf32> to vector<16xf32>
        %parallel_loop3A_650 = vector.shape_cast %parallel_loop3A_644 : vector<16xf32> to vector<1x1x16xf32>
        tpu.vector_store %arg9[%parallel_loop3A_645, %parallel_loop3A_646, %parallel_loop3A_647], %parallel_loop3A_650 {strides = array<i32>} : memref<4x16x768xf32, #tpu.memory_space<vmem>>, vector<1x1x16xf32>,
        %parallel_loop3A_651 = arith.index_cast %select_n3A_184 : i32 to index
        %parallel_loop3A_652 = arith.index_cast %parallel_loop3A_597 : i32 to index
        %parallel_loop3A_653 = arith.constant 432 : index
        %parallel_loop3A_654 = tpu.vector_load %arg9[%parallel_loop3A_651, %parallel_loop3A_652, %parallel_loop3A_653] {strides = array<i32>} : memref<4x16x768xf32, #tpu.memory_space<vmem>>, vector<1x1x16xf32>,
        %parallel_loop3A_655 = vector.shape_cast %parallel_loop3A_654 : vector<1x1x16xf32> to vector<16xf32>
        %parallel_loop3A_656 = arith.subf %parallel_loop3A_655, %parallel_loop3A_601 : vector<16xf32>
        %parallel_loop3A_657 = arith.mulf %parallel_loop3A_656, %parallel_loop3A_605 : vector<16xf32>
        %parallel_loop3A_658 = arith.mulf %parallel_loop3A_657, %get3A_364 : vector<16xf32>
        %parallel_loop3A_659 = arith.addf %parallel_loop3A_658, %get3A_400 : vector<16xf32>
        %parallel_loop3A_660 = arith.index_cast %select_n3A_184 : i32 to index
        %parallel_loop3A_661 = arith.index_cast %parallel_loop3A_597 : i32 to index
        %parallel_loop3A_662 = arith.constant 432 : index
        %parallel_loop3A_663 = tpu.vector_load %arg9[%parallel_loop3A_660, %parallel_loop3A_661, %parallel_loop3A_662] {strides = array<i32>} : memref<4x16x768xf32, #tpu.memory_space<vmem>>, vector<1x1x16xf32>,
        %parallel_loop3A_664 = vector.shape_cast %parallel_loop3A_663 : vector<1x1x16xf32> to vector<16xf32>
        %parallel_loop3A_665 = vector.shape_cast %parallel_loop3A_659 : vector<16xf32> to vector<1x1x16xf32>
        tpu.vector_store %arg9[%parallel_loop3A_660, %parallel_loop3A_661, %parallel_loop3A_662], %parallel_loop3A_665 {strides = array<i32>} : memref<4x16x768xf32, #tpu.memory_space<vmem>>, vector<1x1x16xf32>,
        %parallel_loop3A_666 = arith.index_cast %select_n3A_184 : i32 to index
        %parallel_loop3A_667 = arith.index_cast %parallel_loop3A_597 : i32 to index
        %parallel_loop3A_668 = arith.constant 448 : index
        %parallel_loop3A_669 = tpu.vector_load %arg9[%parallel_loop3A_666, %parallel_loop3A_667, %parallel_loop3A_668] {strides = array<i32>} : memref<4x16x768xf32, #tpu.memory_space<vmem>>, vector<1x1x16xf32>,
        %parallel_loop3A_670 = vector.shape_cast %parallel_loop3A_669 : vector<1x1x16xf32> to vector<16xf32>
        %parallel_loop3A_671 = arith.subf %parallel_loop3A_670, %parallel_loop3A_601 : vector<16xf32>
        %parallel_loop3A_672 = arith.mulf %parallel_loop3A_671, %parallel_loop3A_605 : vector<16xf32>
        %parallel_loop3A_673 = arith.mulf %parallel_loop3A_672, %get3A_367 : vector<16xf32>
        %parallel_loop3A_674 = arith.addf %parallel_loop3A_673, %get3A_403 : vector<16xf32>
        %parallel_loop3A_675 = arith.index_cast %select_n3A_184 : i32 to index
        %parallel_loop3A_676 = arith.index_cast %parallel_loop3A_597 : i32 to index
        %parallel_loop3A_677 = arith.constant 448 : index
        %parallel_loop3A_678 = tpu.vector_load %arg9[%parallel_loop3A_675, %parallel_loop3A_676, %parallel_loop3A_677] {strides = array<i32>} : memref<4x16x768xf32, #tpu.memory_space<vmem>>, vector<1x1x16xf32>,
        %parallel_loop3A_679 = vector.shape_cast %parallel_loop3A_678 : vector<1x1x16xf32> to vector<16xf32>
        %parallel_loop3A_680 = vector.shape_cast %parallel_loop3A_674 : vector<16xf32> to vector<1x1x16xf32>
        tpu.vector_store %arg9[%parallel_loop3A_675, %parallel_loop3A_676, %parallel_loop3A_677], %parallel_loop3A_680 {strides = array<i32>} : memref<4x16x768xf32, #tpu.memory_space<vmem>>, vector<1x1x16xf32>,
        %parallel_loop3A_681 = arith.index_cast %select_n3A_184 : i32 to index
        %parallel_loop3A_682 = arith.index_cast %parallel_loop3A_597 : i32 to index
        %parallel_loop3A_683 = arith.constant 464 : index
        %parallel_loop3A_684 = tpu.vector_load %arg9[%parallel_loop3A_681, %parallel_loop3A_682, %parallel_loop3A_683] {strides = array<i32>} : memref<4x16x768xf32, #tpu.memory_space<vmem>>, vector<1x1x16xf32>,
        %parallel_loop3A_685 = vector.shape_cast %parallel_loop3A_684 : vector<1x1x16xf32> to vector<16xf32>
        %parallel_loop3A_686 = arith.subf %parallel_loop3A_685, %parallel_loop3A_601 : vector<16xf32>
        %parallel_loop3A_687 = arith.mulf %parallel_loop3A_686, %parallel_loop3A_605 : vector<16xf32>
        %parallel_loop3A_688 = arith.mulf %parallel_loop3A_687, %get3A_370 : vector<16xf32>
        %parallel_loop3A_689 = arith.addf %parallel_loop3A_688, %get3A_406 : vector<16xf32>
        %parallel_loop3A_690 = arith.index_cast %select_n3A_184 : i32 to index
        %parallel_loop3A_691 = arith.index_cast %parallel_loop3A_597 : i32 to index
        %parallel_loop3A_692 = arith.constant 464 : index
        %parallel_loop3A_693 = tpu.vector_load %arg9[%parallel_loop3A_690, %parallel_loop3A_691, %parallel_loop3A_692] {strides = array<i32>} : memref<4x16x768xf32, #tpu.memory_space<vmem>>, vector<1x1x16xf32>,
        %parallel_loop3A_694 = vector.shape_cast %parallel_loop3A_693 : vector<1x1x16xf32> to vector<16xf32>
        %parallel_loop3A_695 = vector.shape_cast %parallel_loop3A_689 : vector<16xf32> to vector<1x1x16xf32>
        tpu.vector_store %arg9[%parallel_loop3A_690, %parallel_loop3A_691, %parallel_loop3A_692], %parallel_loop3A_695 {strides = array<i32>} : memref<4x16x768xf32, #tpu.memory_space<vmem>>, vector<1x1x16xf32>,
        %parallel_loop3A_696 = arith.index_cast %select_n3A_184 : i32 to index
        %parallel_loop3A_697 = arith.index_cast %parallel_loop3A_597 : i32 to index
        %parallel_loop3A_698 = arith.constant 480 : index
        %parallel_loop3A_699 = tpu.vector_load %arg9[%parallel_loop3A_696, %parallel_loop3A_697, %parallel_loop3A_698] {strides = array<i32>} : memref<4x16x768xf32, #tpu.memory_space<vmem>>, vector<1x1x16xf32>,
        %parallel_loop3A_700 = vector.shape_cast %parallel_loop3A_699 : vector<1x1x16xf32> to vector<16xf32>
        %parallel_loop3A_701 = arith.subf %parallel_loop3A_700, %parallel_loop3A_601 : vector<16xf32>
        %parallel_loop3A_702 = arith.mulf %parallel_loop3A_701, %parallel_loop3A_605 : vector<16xf32>
        %parallel_loop3A_703 = arith.mulf %parallel_loop3A_702, %get3A_373 : vector<16xf32>
        %parallel_loop3A_704 = arith.addf %parallel_loop3A_703, %get3A_409 : vector<16xf32>
        %parallel_loop3A_705 = arith.index_cast %select_n3A_184 : i32 to index
        %parallel_loop3A_706 = arith.index_cast %parallel_loop3A_597 : i32 to index
        %parallel_loop3A_707 = arith.constant 480 : index
        %parallel_loop3A_708 = tpu.vector_load %arg9[%parallel_loop3A_705, %parallel_loop3A_706, %parallel_loop3A_707] {strides = array<i32>} : memref<4x16x768xf32, #tpu.memory_space<vmem>>, vector<1x1x16xf32>,
        %parallel_loop3A_709 = vector.shape_cast %parallel_loop3A_708 : vector<1x1x16xf32> to vector<16xf32>
        %parallel_loop3A_710 = vector.shape_cast %parallel_loop3A_704 : vector<16xf32> to vector<1x1x16xf32>
        tpu.vector_store %arg9[%parallel_loop3A_705, %parallel_loop3A_706, %parallel_loop3A_707], %parallel_loop3A_710 {strides = array<i32>} : memref<4x16x768xf32, #tpu.memory_space<vmem>>, vector<1x1x16xf32>,
        %parallel_loop3A_711 = arith.index_cast %select_n3A_184 : i32 to index
        %parallel_loop3A_712 = arith.index_cast %parallel_loop3A_597 : i32 to index
        %parallel_loop3A_713 = arith.constant 496 : index
        %parallel_loop3A_714 = tpu.vector_load %arg9[%parallel_loop3A_711, %parallel_loop3A_712, %parallel_loop3A_713] {strides = array<i32>} : memref<4x16x768xf32, #tpu.memory_space<vmem>>, vector<1x1x16xf32>,
        %parallel_loop3A_715 = vector.shape_cast %parallel_loop3A_714 : vector<1x1x16xf32> to vector<16xf32>
        %parallel_loop3A_716 = arith.subf %parallel_loop3A_715, %parallel_loop3A_601 : vector<16xf32>
        %parallel_loop3A_717 = arith.mulf %parallel_loop3A_716, %parallel_loop3A_605 : vector<16xf32>
        %parallel_loop3A_718 = arith.mulf %parallel_loop3A_717, %get3A_376 : vector<16xf32>
        %parallel_loop3A_719 = arith.addf %parallel_loop3A_718, %get3A_412 : vector<16xf32>
        %parallel_loop3A_720 = arith.index_cast %select_n3A_184 : i32 to index
        %parallel_loop3A_721 = arith.index_cast %parallel_loop3A_597 : i32 to index
        %parallel_loop3A_722 = arith.constant 496 : index
        %parallel_loop3A_723 = tpu.vector_load %arg9[%parallel_loop3A_720, %parallel_loop3A_721, %parallel_loop3A_722] {strides = array<i32>} : memref<4x16x768xf32, #tpu.memory_space<vmem>>, vector<1x1x16xf32>,
        %parallel_loop3A_724 = vector.shape_cast %parallel_loop3A_723 : vector<1x1x16xf32> to vector<16xf32>
        %parallel_loop3A_725 = vector.shape_cast %parallel_loop3A_719 : vector<16xf32> to vector<1x1x16xf32>
        tpu.vector_store %arg9[%parallel_loop3A_720, %parallel_loop3A_721, %parallel_loop3A_722], %parallel_loop3A_725 {strides = array<i32>} : memref<4x16x768xf32, #tpu.memory_space<vmem>>, vector<1x1x16xf32>,
        %parallel_loop3A_726 = arith.index_cast %select_n3A_184 : i32 to index
        %parallel_loop3A_727 = arith.index_cast %parallel_loop3A_597 : i32 to index
        %parallel_loop3A_728 = arith.constant 512 : index
        %parallel_loop3A_729 = tpu.vector_load %arg9[%parallel_loop3A_726, %parallel_loop3A_727, %parallel_loop3A_728] {strides = array<i32>} : memref<4x16x768xf32, #tpu.memory_space<vmem>>, vector<1x1x16xf32>,
        %parallel_loop3A_730 = vector.shape_cast %parallel_loop3A_729 : vector<1x1x16xf32> to vector<16xf32>
        %parallel_loop3A_731 = arith.subf %parallel_loop3A_730, %parallel_loop3A_601 : vector<16xf32>
        %parallel_loop3A_732 = arith.mulf %parallel_loop3A_731, %parallel_loop3A_605 : vector<16xf32>
        %parallel_loop3A_733 = arith.mulf %parallel_loop3A_732, %get3A_379 : vector<16xf32>
        %parallel_loop3A_734 = arith.addf %parallel_loop3A_733, %get3A_415 : vector<16xf32>
        %parallel_loop3A_735 = arith.index_cast %select_n3A_184 : i32 to index
        %parallel_loop3A_736 = arith.index_cast %parallel_loop3A_597 : i32 to index
        %parallel_loop3A_737 = arith.constant 512 : index
        %parallel_loop3A_738 = tpu.vector_load %arg9[%parallel_loop3A_735, %parallel_loop3A_736, %parallel_loop3A_737] {strides = array<i32>} : memref<4x16x768xf32, #tpu.memory_space<vmem>>, vector<1x1x16xf32>,
        %parallel_loop3A_739 = vector.shape_cast %parallel_loop3A_738 : vector<1x1x16xf32> to vector<16xf32>
        %parallel_loop3A_740 = vector.shape_cast %parallel_loop3A_734 : vector<16xf32> to vector<1x1x16xf32>
        tpu.vector_store %arg9[%parallel_loop3A_735, %parallel_loop3A_736, %parallel_loop3A_737], %parallel_loop3A_740 {strides = array<i32>} : memref<4x16x768xf32, #tpu.memory_space<vmem>>, vector<1x1x16xf32>,
        %parallel_loop3A_741 = arith.index_cast %select_n3A_184 : i32 to index
        %parallel_loop3A_742 = arith.index_cast %parallel_loop3A_597 : i32 to index
        %parallel_loop3A_743 = arith.constant 528 : index
        %parallel_loop3A_744 = tpu.vector_load %arg9[%parallel_loop3A_741, %parallel_loop3A_742, %parallel_loop3A_743] {strides = array<i32>} : memref<4x16x768xf32, #tpu.memory_space<vmem>>, vector<1x1x16xf32>,
        %parallel_loop3A_745 = vector.shape_cast %parallel_loop3A_744 : vector<1x1x16xf32> to vector<16xf32>
        %parallel_loop3A_746 = arith.subf %parallel_loop3A_745, %parallel_loop3A_601 : vector<16xf32>
        %parallel_loop3A_747 = arith.mulf %parallel_loop3A_746, %parallel_loop3A_605 : vector<16xf32>
        %parallel_loop3A_748 = arith.mulf %parallel_loop3A_747, %get3A_382 : vector<16xf32>
        %parallel_loop3A_749 = arith.addf %parallel_loop3A_748, %get3A_418 : vector<16xf32>
        %parallel_loop3A_750 = arith.index_cast %select_n3A_184 : i32 to index
        %parallel_loop3A_751 = arith.index_cast %parallel_loop3A_597 : i32 to index
        %parallel_loop3A_752 = arith.constant 528 : index
        %parallel_loop3A_753 = tpu.vector_load %arg9[%parallel_loop3A_750, %parallel_loop3A_751, %parallel_loop3A_752] {strides = array<i32>} : memref<4x16x768xf32, #tpu.memory_space<vmem>>, vector<1x1x16xf32>,
        %parallel_loop3A_754 = vector.shape_cast %parallel_loop3A_753 : vector<1x1x16xf32> to vector<16xf32>
        %parallel_loop3A_755 = vector.shape_cast %parallel_loop3A_749 : vector<16xf32> to vector<1x1x16xf32>
        tpu.vector_store %arg9[%parallel_loop3A_750, %parallel_loop3A_751, %parallel_loop3A_752], %parallel_loop3A_755 {strides = array<i32>} : memref<4x16x768xf32, #tpu.memory_space<vmem>>, vector<1x1x16xf32>,
        %parallel_loop3A_756 = arith.index_cast %select_n3A_184 : i32 to index
        %parallel_loop3A_757 = arith.index_cast %parallel_loop3A_597 : i32 to index
        %parallel_loop3A_758 = arith.constant 544 : index
        %parallel_loop3A_759 = tpu.vector_load %arg9[%parallel_loop3A_756, %parallel_loop3A_757, %parallel_loop3A_758] {strides = array<i32>} : memref<4x16x768xf32, #tpu.memory_space<vmem>>, vector<1x1x16xf32>,
        %parallel_loop3A_760 = vector.shape_cast %parallel_loop3A_759 : vector<1x1x16xf32> to vector<16xf32>
        %parallel_loop3A_761 = arith.subf %parallel_loop3A_760, %parallel_loop3A_601 : vector<16xf32>
        %parallel_loop3A_762 = arith.mulf %parallel_loop3A_761, %parallel_loop3A_605 : vector<16xf32>
        %parallel_loop3A_763 = arith.mulf %parallel_loop3A_762, %get3A_385 : vector<16xf32>
        %parallel_loop3A_764 = arith.addf %parallel_loop3A_763, %get3A_421 : vector<16xf32>
        %parallel_loop3A_765 = arith.index_cast %select_n3A_184 : i32 to index
        %parallel_loop3A_766 = arith.index_cast %parallel_loop3A_597 : i32 to index
        %parallel_loop3A_767 = arith.constant 544 : index
        %parallel_loop3A_768 = tpu.vector_load %arg9[%parallel_loop3A_765, %parallel_loop3A_766, %parallel_loop3A_767] {strides = array<i32>} : memref<4x16x768xf32, #tpu.memory_space<vmem>>, vector<1x1x16xf32>,
        %parallel_loop3A_769 = vector.shape_cast %parallel_loop3A_768 : vector<1x1x16xf32> to vector<16xf32>
        %parallel_loop3A_770 = vector.shape_cast %parallel_loop3A_764 : vector<16xf32> to vector<1x1x16xf32>
        tpu.vector_store %arg9[%parallel_loop3A_765, %parallel_loop3A_766, %parallel_loop3A_767], %parallel_loop3A_770 {strides = array<i32>} : memref<4x16x768xf32, #tpu.memory_space<vmem>>, vector<1x1x16xf32>,
        %parallel_loop3A_771 = arith.index_cast %select_n3A_184 : i32 to index
        %parallel_loop3A_772 = arith.index_cast %parallel_loop3A_597 : i32 to index
        %parallel_loop3A_773 = arith.constant 560 : index
        %parallel_loop3A_774 = tpu.vector_load %arg9[%parallel_loop3A_771, %parallel_loop3A_772, %parallel_loop3A_773] {strides = array<i32>} : memref<4x16x768xf32, #tpu.memory_space<vmem>>, vector<1x1x16xf32>,
        %parallel_loop3A_775 = vector.shape_cast %parallel_loop3A_774 : vector<1x1x16xf32> to vector<16xf32>
        %parallel_loop3A_776 = arith.subf %parallel_loop3A_775, %parallel_loop3A_601 : vector<16xf32>
        %parallel_loop3A_777 = arith.mulf %parallel_loop3A_776, %parallel_loop3A_605 : vector<16xf32>
        %parallel_loop3A_778 = arith.mulf %parallel_loop3A_777, %get3A_388 : vector<16xf32>
        %parallel_loop3A_779 = arith.addf %parallel_loop3A_778, %get3A_424 : vector<16xf32>
        %parallel_loop3A_780 = arith.index_cast %select_n3A_184 : i32 to index
        %parallel_loop3A_781 = arith.index_cast %parallel_loop3A_597 : i32 to index
        %parallel_loop3A_782 = arith.constant 560 : index
        %parallel_loop3A_783 = tpu.vector_load %arg9[%parallel_loop3A_780, %parallel_loop3A_781, %parallel_loop3A_782] {strides = array<i32>} : memref<4x16x768xf32, #tpu.memory_space<vmem>>, vector<1x1x16xf32>,
        %parallel_loop3A_784 = vector.shape_cast %parallel_loop3A_783 : vector<1x1x16xf32> to vector<16xf32>
        %parallel_loop3A_785 = vector.shape_cast %parallel_loop3A_779 : vector<16xf32> to vector<1x1x16xf32>
        tpu.vector_store %arg9[%parallel_loop3A_780, %parallel_loop3A_781, %parallel_loop3A_782], %parallel_loop3A_785 {strides = array<i32>} : memref<4x16x768xf32, #tpu.memory_space<vmem>>, vector<1x1x16xf32>,
      } {sc.loop_unroll_factor = 1 : i64, sc.parallel_access}
      %get3A_428 = arith.constant 576 : index
      %get3A_429 = tpu.vector_load %arg11[%get3A_428] {strides = array<i32>} : memref<768xf32, #tpu.memory_space<vmem>>, vector<16xf32>,
      %get3A_430 = vector.shape_cast %get3A_429 : vector<16xf32> to vector<16xf32>
      %get3A_431 = arith.constant 592 : index
      %get3A_432 = tpu.vector_load %arg11[%get3A_431] {strides = array<i32>} : memref<768xf32, #tpu.memory_space<vmem>>, vector<16xf32>,
      %get3A_433 = vector.shape_cast %get3A_432 : vector<16xf32> to vector<16xf32>
      %get3A_434 = arith.constant 608 : index
      %get3A_435 = tpu.vector_load %arg11[%get3A_434] {strides = array<i32>} : memref<768xf32, #tpu.memory_space<vmem>>, vector<16xf32>,
      %get3A_436 = vector.shape_cast %get3A_435 : vector<16xf32> to vector<16xf32>
      %get3A_437 = arith.constant 624 : index
      %get3A_438 = tpu.vector_load %arg11[%get3A_437] {strides = array<i32>} : memref<768xf32, #tpu.memory_space<vmem>>, vector<16xf32>,
      %get3A_439 = vector.shape_cast %get3A_438 : vector<16xf32> to vector<16xf32>
      %get3A_440 = arith.constant 640 : index
      %get3A_441 = tpu.vector_load %arg11[%get3A_440] {strides = array<i32>} : memref<768xf32, #tpu.memory_space<vmem>>, vector<16xf32>,
      %get3A_442 = vector.shape_cast %get3A_441 : vector<16xf32> to vector<16xf32>
      %get3A_443 = arith.constant 656 : index
      %get3A_444 = tpu.vector_load %arg11[%get3A_443] {strides = array<i32>} : memref<768xf32, #tpu.memory_space<vmem>>, vector<16xf32>,
      %get3A_445 = vector.shape_cast %get3A_444 : vector<16xf32> to vector<16xf32>
      %get3A_446 = arith.constant 672 : index
      %get3A_447 = tpu.vector_load %arg11[%get3A_446] {strides = array<i32>} : memref<768xf32, #tpu.memory_space<vmem>>, vector<16xf32>,
      %get3A_448 = vector.shape_cast %get3A_447 : vector<16xf32> to vector<16xf32>
      %get3A_449 = arith.constant 688 : index
      %get3A_450 = tpu.vector_load %arg11[%get3A_449] {strides = array<i32>} : memref<768xf32, #tpu.memory_space<vmem>>, vector<16xf32>,
      %get3A_451 = vector.shape_cast %get3A_450 : vector<16xf32> to vector<16xf32>
      %get3A_452 = arith.constant 704 : index
      %get3A_453 = tpu.vector_load %arg11[%get3A_452] {strides = array<i32>} : memref<768xf32, #tpu.memory_space<vmem>>, vector<16xf32>,
      %get3A_454 = vector.shape_cast %get3A_453 : vector<16xf32> to vector<16xf32>
      %get3A_455 = arith.constant 720 : index
      %get3A_456 = tpu.vector_load %arg11[%get3A_455] {strides = array<i32>} : memref<768xf32, #tpu.memory_space<vmem>>, vector<16xf32>,
      %get3A_457 = vector.shape_cast %get3A_456 : vector<16xf32> to vector<16xf32>
      %get3A_458 = arith.constant 736 : index
      %get3A_459 = tpu.vector_load %arg11[%get3A_458] {strides = array<i32>} : memref<768xf32, #tpu.memory_space<vmem>>, vector<16xf32>,
      %get3A_460 = vector.shape_cast %get3A_459 : vector<16xf32> to vector<16xf32>
      %get3A_461 = arith.constant 752 : index
      %get3A_462 = tpu.vector_load %arg11[%get3A_461] {strides = array<i32>} : memref<768xf32, #tpu.memory_space<vmem>>, vector<16xf32>,
      %get3A_463 = vector.shape_cast %get3A_462 : vector<16xf32> to vector<16xf32>
      %get3A_464 = arith.constant 576 : index
      %get3A_465 = tpu.vector_load %arg12[%get3A_464] {strides = array<i32>} : memref<768xf32, #tpu.memory_space<vmem>>, vector<16xf32>,
      %get3A_466 = vector.shape_cast %get3A_465 : vector<16xf32> to vector<16xf32>
      %get3A_467 = arith.constant 592 : index
      %get3A_468 = tpu.vector_load %arg12[%get3A_467] {strides = array<i32>} : memref<768xf32, #tpu.memory_space<vmem>>, vector<16xf32>,
      %get3A_469 = vector.shape_cast %get3A_468 : vector<16xf32> to vector<16xf32>
      %get3A_470 = arith.constant 608 : index
      %get3A_471 = tpu.vector_load %arg12[%get3A_470] {strides = array<i32>} : memref<768xf32, #tpu.memory_space<vmem>>, vector<16xf32>,
      %get3A_472 = vector.shape_cast %get3A_471 : vector<16xf32> to vector<16xf32>
      %get3A_473 = arith.constant 624 : index
      %get3A_474 = tpu.vector_load %arg12[%get3A_473] {strides = array<i32>} : memref<768xf32, #tpu.memory_space<vmem>>, vector<16xf32>,
      %get3A_475 = vector.shape_cast %get3A_474 : vector<16xf32> to vector<16xf32>
      %get3A_476 = arith.constant 640 : index
      %get3A_477 = tpu.vector_load %arg12[%get3A_476] {strides = array<i32>} : memref<768xf32, #tpu.memory_space<vmem>>, vector<16xf32>,
      %get3A_478 = vector.shape_cast %get3A_477 : vector<16xf32> to vector<16xf32>
      %get3A_479 = arith.constant 656 : index
      %get3A_480 = tpu.vector_load %arg12[%get3A_479] {strides = array<i32>} : memref<768xf32, #tpu.memory_space<vmem>>, vector<16xf32>,
      %get3A_481 = vector.shape_cast %get3A_480 : vector<16xf32> to vector<16xf32>
      %get3A_482 = arith.constant 672 : index
      %get3A_483 = tpu.vector_load %arg12[%get3A_482] {strides = array<i32>} : memref<768xf32, #tpu.memory_space<vmem>>, vector<16xf32>,
      %get3A_484 = vector.shape_cast %get3A_483 : vector<16xf32> to vector<16xf32>
      %get3A_485 = arith.constant 688 : index
      %get3A_486 = tpu.vector_load %arg12[%get3A_485] {strides = array<i32>} : memref<768xf32, #tpu.memory_space<vmem>>, vector<16xf32>,
      %get3A_487 = vector.shape_cast %get3A_486 : vector<16xf32> to vector<16xf32>
      %get3A_488 = arith.constant 704 : index
      %get3A_489 = tpu.vector_load %arg12[%get3A_488] {strides = array<i32>} : memref<768xf32, #tpu.memory_space<vmem>>, vector<16xf32>,
      %get3A_490 = vector.shape_cast %get3A_489 : vector<16xf32> to vector<16xf32>
      %get3A_491 = arith.constant 720 : index
      %get3A_492 = tpu.vector_load %arg12[%get3A_491] {strides = array<i32>} : memref<768xf32, #tpu.memory_space<vmem>>, vector<16xf32>,
      %get3A_493 = vector.shape_cast %get3A_492 : vector<16xf32> to vector<16xf32>
      %get3A_494 = arith.constant 736 : index
      %get3A_495 = tpu.vector_load %arg12[%get3A_494] {strides = array<i32>} : memref<768xf32, #tpu.memory_space<vmem>>, vector<16xf32>,
      %get3A_496 = vector.shape_cast %get3A_495 : vector<16xf32> to vector<16xf32>
      %get3A_497 = arith.constant 752 : index
      %get3A_498 = tpu.vector_load %arg12[%get3A_497] {strides = array<i32>} : memref<768xf32, #tpu.memory_space<vmem>>, vector<16xf32>,
      %get3A_499 = vector.shape_cast %get3A_498 : vector<16xf32> to vector<16xf32>
      %parallel_loop3A_500 = arith.constant 0 : i32
      %parallel_loop3A_501 = arith.constant 16 : i32
      %parallel_loop3A_502 = arith.constant 1 : i32
      scf.for %parallel_loop3A_597 = %parallel_loop3A_500 to %parallel_loop3A_501 step %parallel_loop3A_502  : i32 {
        %parallel_loop3A_598 = arith.index_cast %parallel_loop3A_597 : i32 to index
        %parallel_loop3A_599 = arith.constant 0 : index
        %parallel_loop3A_600 = tpu.vector_load %arg13[%parallel_loop3A_598, %parallel_loop3A_599] {strides = array<i32>} : memref<16x16xf32, #tpu.memory_space<vmem>>, vector<1x16xf32>,
        %parallel_loop3A_601 = vector.shape_cast %parallel_loop3A_600 : vector<1x16xf32> to vector<16xf32>
        %parallel_loop3A_602 = arith.index_cast %parallel_loop3A_597 : i32 to index
        %parallel_loop3A_603 = arith.constant 0 : index
        %parallel_loop3A_604 = tpu.vector_load %arg14[%parallel_loop3A_602, %parallel_loop3A_603] {strides = array<i32>} : memref<16x16xf32, #tpu.memory_space<vmem>>, vector<1x16xf32>,
        %parallel_loop3A_605 = vector.shape_cast %parallel_loop3A_604 : vector<1x16xf32> to vector<16xf32>
        %parallel_loop3A_606 = arith.index_cast %select_n3A_184 : i32 to index
        %parallel_loop3A_607 = arith.index_cast %parallel_loop3A_597 : i32 to index
        %parallel_loop3A_608 = arith.constant 576 : index
        %parallel_loop3A_609 = tpu.vector_load %arg9[%parallel_loop3A_606, %parallel_loop3A_607, %parallel_loop3A_608] {strides = array<i32>} : memref<4x16x768xf32, #tpu.memory_space<vmem>>, vector<1x1x16xf32>,
        %parallel_loop3A_610 = vector.shape_cast %parallel_loop3A_609 : vector<1x1x16xf32> to vector<16xf32>
        %parallel_loop3A_611 = arith.subf %parallel_loop3A_610, %parallel_loop3A_601 : vector<16xf32>
        %parallel_loop3A_612 = arith.mulf %parallel_loop3A_611, %parallel_loop3A_605 : vector<16xf32>
        %parallel_loop3A_613 = arith.mulf %parallel_loop3A_612, %get3A_430 : vector<16xf32>
        %parallel_loop3A_614 = arith.addf %parallel_loop3A_613, %get3A_466 : vector<16xf32>
        %parallel_loop3A_615 = arith.index_cast %select_n3A_184 : i32 to index
        %parallel_loop3A_616 = arith.index_cast %parallel_loop3A_597 : i32 to index
        %parallel_loop3A_617 = arith.constant 576 : index
        %parallel_loop3A_618 = tpu.vector_load %arg9[%parallel_loop3A_615, %parallel_loop3A_616, %parallel_loop3A_617] {strides = array<i32>} : memref<4x16x768xf32, #tpu.memory_space<vmem>>, vector<1x1x16xf32>,
        %parallel_loop3A_619 = vector.shape_cast %parallel_loop3A_618 : vector<1x1x16xf32> to vector<16xf32>
        %parallel_loop3A_620 = vector.shape_cast %parallel_loop3A_614 : vector<16xf32> to vector<1x1x16xf32>
        tpu.vector_store %arg9[%parallel_loop3A_615, %parallel_loop3A_616, %parallel_loop3A_617], %parallel_loop3A_620 {strides = array<i32>} : memref<4x16x768xf32, #tpu.memory_space<vmem>>, vector<1x1x16xf32>,
        %parallel_loop3A_621 = arith.index_cast %select_n3A_184 : i32 to index
        %parallel_loop3A_622 = arith.index_cast %parallel_loop3A_597 : i32 to index
        %parallel_loop3A_623 = arith.constant 592 : index
        %parallel_loop3A_624 = tpu.vector_load %arg9[%parallel_loop3A_621, %parallel_loop3A_622, %parallel_loop3A_623] {strides = array<i32>} : memref<4x16x768xf32, #tpu.memory_space<vmem>>, vector<1x1x16xf32>,
        %parallel_loop3A_625 = vector.shape_cast %parallel_loop3A_624 : vector<1x1x16xf32> to vector<16xf32>
        %parallel_loop3A_626 = arith.subf %parallel_loop3A_625, %parallel_loop3A_601 : vector<16xf32>
        %parallel_loop3A_627 = arith.mulf %parallel_loop3A_626, %parallel_loop3A_605 : vector<16xf32>
        %parallel_loop3A_628 = arith.mulf %parallel_loop3A_627, %get3A_433 : vector<16xf32>
        %parallel_loop3A_629 = arith.addf %parallel_loop3A_628, %get3A_469 : vector<16xf32>
        %parallel_loop3A_630 = arith.index_cast %select_n3A_184 : i32 to index
        %parallel_loop3A_631 = arith.index_cast %parallel_loop3A_597 : i32 to index
        %parallel_loop3A_632 = arith.constant 592 : index
        %parallel_loop3A_633 = tpu.vector_load %arg9[%parallel_loop3A_630, %parallel_loop3A_631, %parallel_loop3A_632] {strides = array<i32>} : memref<4x16x768xf32, #tpu.memory_space<vmem>>, vector<1x1x16xf32>,
        %parallel_loop3A_634 = vector.shape_cast %parallel_loop3A_633 : vector<1x1x16xf32> to vector<16xf32>
        %parallel_loop3A_635 = vector.shape_cast %parallel_loop3A_629 : vector<16xf32> to vector<1x1x16xf32>
        tpu.vector_store %arg9[%parallel_loop3A_630, %parallel_loop3A_631, %parallel_loop3A_632], %parallel_loop3A_635 {strides = array<i32>} : memref<4x16x768xf32, #tpu.memory_space<vmem>>, vector<1x1x16xf32>,
        %parallel_loop3A_636 = arith.index_cast %select_n3A_184 : i32 to index
        %parallel_loop3A_637 = arith.index_cast %parallel_loop3A_597 : i32 to index
        %parallel_loop3A_638 = arith.constant 608 : index
        %parallel_loop3A_639 = tpu.vector_load %arg9[%parallel_loop3A_636, %parallel_loop3A_637, %parallel_loop3A_638] {strides = array<i32>} : memref<4x16x768xf32, #tpu.memory_space<vmem>>, vector<1x1x16xf32>,
        %parallel_loop3A_640 = vector.shape_cast %parallel_loop3A_639 : vector<1x1x16xf32> to vector<16xf32>
        %parallel_loop3A_641 = arith.subf %parallel_loop3A_640, %parallel_loop3A_601 : vector<16xf32>
        %parallel_loop3A_642 = arith.mulf %parallel_loop3A_641, %parallel_loop3A_605 : vector<16xf32>
        %parallel_loop3A_643 = arith.mulf %parallel_loop3A_642, %get3A_436 : vector<16xf32>
        %parallel_loop3A_644 = arith.addf %parallel_loop3A_643, %get3A_472 : vector<16xf32>
        %parallel_loop3A_645 = arith.index_cast %select_n3A_184 : i32 to index
        %parallel_loop3A_646 = arith.index_cast %parallel_loop3A_597 : i32 to index
        %parallel_loop3A_647 = arith.constant 608 : index
        %parallel_loop3A_648 = tpu.vector_load %arg9[%parallel_loop3A_645, %parallel_loop3A_646, %parallel_loop3A_647] {strides = array<i32>} : memref<4x16x768xf32, #tpu.memory_space<vmem>>, vector<1x1x16xf32>,
        %parallel_loop3A_649 = vector.shape_cast %parallel_loop3A_648 : vector<1x1x16xf32> to vector<16xf32>
        %parallel_loop3A_650 = vector.shape_cast %parallel_loop3A_644 : vector<16xf32> to vector<1x1x16xf32>
        tpu.vector_store %arg9[%parallel_loop3A_645, %parallel_loop3A_646, %parallel_loop3A_647], %parallel_loop3A_650 {strides = array<i32>} : memref<4x16x768xf32, #tpu.memory_space<vmem>>, vector<1x1x16xf32>,
        %parallel_loop3A_651 = arith.index_cast %select_n3A_184 : i32 to index
        %parallel_loop3A_652 = arith.index_cast %parallel_loop3A_597 : i32 to index
        %parallel_loop3A_653 = arith.constant 624 : index
        %parallel_loop3A_654 = tpu.vector_load %arg9[%parallel_loop3A_651, %parallel_loop3A_652, %parallel_loop3A_653] {strides = array<i32>} : memref<4x16x768xf32, #tpu.memory_space<vmem>>, vector<1x1x16xf32>,
        %parallel_loop3A_655 = vector.shape_cast %parallel_loop3A_654 : vector<1x1x16xf32> to vector<16xf32>
        %parallel_loop3A_656 = arith.subf %parallel_loop3A_655, %parallel_loop3A_601 : vector<16xf32>
        %parallel_loop3A_657 = arith.mulf %parallel_loop3A_656, %parallel_loop3A_605 : vector<16xf32>
        %parallel_loop3A_658 = arith.mulf %parallel_loop3A_657, %get3A_439 : vector<16xf32>
        %parallel_loop3A_659 = arith.addf %parallel_loop3A_658, %get3A_475 : vector<16xf32>
        %parallel_loop3A_660 = arith.index_cast %select_n3A_184 : i32 to index
        %parallel_loop3A_661 = arith.index_cast %parallel_loop3A_597 : i32 to index
        %parallel_loop3A_662 = arith.constant 624 : index
        %parallel_loop3A_663 = tpu.vector_load %arg9[%parallel_loop3A_660, %parallel_loop3A_661, %parallel_loop3A_662] {strides = array<i32>} : memref<4x16x768xf32, #tpu.memory_space<vmem>>, vector<1x1x16xf32>,
        %parallel_loop3A_664 = vector.shape_cast %parallel_loop3A_663 : vector<1x1x16xf32> to vector<16xf32>
        %parallel_loop3A_665 = vector.shape_cast %parallel_loop3A_659 : vector<16xf32> to vector<1x1x16xf32>
        tpu.vector_store %arg9[%parallel_loop3A_660, %parallel_loop3A_661, %parallel_loop3A_662], %parallel_loop3A_665 {strides = array<i32>} : memref<4x16x768xf32, #tpu.memory_space<vmem>>, vector<1x1x16xf32>,
        %parallel_loop3A_666 = arith.index_cast %select_n3A_184 : i32 to index
        %parallel_loop3A_667 = arith.index_cast %parallel_loop3A_597 : i32 to index
        %parallel_loop3A_668 = arith.constant 640 : index
        %parallel_loop3A_669 = tpu.vector_load %arg9[%parallel_loop3A_666, %parallel_loop3A_667, %parallel_loop3A_668] {strides = array<i32>} : memref<4x16x768xf32, #tpu.memory_space<vmem>>, vector<1x1x16xf32>,
        %parallel_loop3A_670 = vector.shape_cast %parallel_loop3A_669 : vector<1x1x16xf32> to vector<16xf32>
        %parallel_loop3A_671 = arith.subf %parallel_loop3A_670, %parallel_loop3A_601 : vector<16xf32>
        %parallel_loop3A_672 = arith.mulf %parallel_loop3A_671, %parallel_loop3A_605 : vector<16xf32>
        %parallel_loop3A_673 = arith.mulf %parallel_loop3A_672, %get3A_442 : vector<16xf32>
        %parallel_loop3A_674 = arith.addf %parallel_loop3A_673, %get3A_478 : vector<16xf32>
        %parallel_loop3A_675 = arith.index_cast %select_n3A_184 : i32 to index
        %parallel_loop3A_676 = arith.index_cast %parallel_loop3A_597 : i32 to index
        %parallel_loop3A_677 = arith.constant 640 : index
        %parallel_loop3A_678 = tpu.vector_load %arg9[%parallel_loop3A_675, %parallel_loop3A_676, %parallel_loop3A_677] {strides = array<i32>} : memref<4x16x768xf32, #tpu.memory_space<vmem>>, vector<1x1x16xf32>,
        %parallel_loop3A_679 = vector.shape_cast %parallel_loop3A_678 : vector<1x1x16xf32> to vector<16xf32>
        %parallel_loop3A_680 = vector.shape_cast %parallel_loop3A_674 : vector<16xf32> to vector<1x1x16xf32>
        tpu.vector_store %arg9[%parallel_loop3A_675, %parallel_loop3A_676, %parallel_loop3A_677], %parallel_loop3A_680 {strides = array<i32>} : memref<4x16x768xf32, #tpu.memory_space<vmem>>, vector<1x1x16xf32>,
        %parallel_loop3A_681 = arith.index_cast %select_n3A_184 : i32 to index
        %parallel_loop3A_682 = arith.index_cast %parallel_loop3A_597 : i32 to index
        %parallel_loop3A_683 = arith.constant 656 : index
        %parallel_loop3A_684 = tpu.vector_load %arg9[%parallel_loop3A_681, %parallel_loop3A_682, %parallel_loop3A_683] {strides = array<i32>} : memref<4x16x768xf32, #tpu.memory_space<vmem>>, vector<1x1x16xf32>,
        %parallel_loop3A_685 = vector.shape_cast %parallel_loop3A_684 : vector<1x1x16xf32> to vector<16xf32>
        %parallel_loop3A_686 = arith.subf %parallel_loop3A_685, %parallel_loop3A_601 : vector<16xf32>
        %parallel_loop3A_687 = arith.mulf %parallel_loop3A_686, %parallel_loop3A_605 : vector<16xf32>
        %parallel_loop3A_688 = arith.mulf %parallel_loop3A_687, %get3A_445 : vector<16xf32>
        %parallel_loop3A_689 = arith.addf %parallel_loop3A_688, %get3A_481 : vector<16xf32>
        %parallel_loop3A_690 = arith.index_cast %select_n3A_184 : i32 to index
        %parallel_loop3A_691 = arith.index_cast %parallel_loop3A_597 : i32 to index
        %parallel_loop3A_692 = arith.constant 656 : index
        %parallel_loop3A_693 = tpu.vector_load %arg9[%parallel_loop3A_690, %parallel_loop3A_691, %parallel_loop3A_692] {strides = array<i32>} : memref<4x16x768xf32, #tpu.memory_space<vmem>>, vector<1x1x16xf32>,
        %parallel_loop3A_694 = vector.shape_cast %parallel_loop3A_693 : vector<1x1x16xf32> to vector<16xf32>
        %parallel_loop3A_695 = vector.shape_cast %parallel_loop3A_689 : vector<16xf32> to vector<1x1x16xf32>
        tpu.vector_store %arg9[%parallel_loop3A_690, %parallel_loop3A_691, %parallel_loop3A_692], %parallel_loop3A_695 {strides = array<i32>} : memref<4x16x768xf32, #tpu.memory_space<vmem>>, vector<1x1x16xf32>,
        %parallel_loop3A_696 = arith.index_cast %select_n3A_184 : i32 to index
        %parallel_loop3A_697 = arith.index_cast %parallel_loop3A_597 : i32 to index
        %parallel_loop3A_698 = arith.constant 672 : index
        %parallel_loop3A_699 = tpu.vector_load %arg9[%parallel_loop3A_696, %parallel_loop3A_697, %parallel_loop3A_698] {strides = array<i32>} : memref<4x16x768xf32, #tpu.memory_space<vmem>>, vector<1x1x16xf32>,
        %parallel_loop3A_700 = vector.shape_cast %parallel_loop3A_699 : vector<1x1x16xf32> to vector<16xf32>
        %parallel_loop3A_701 = arith.subf %parallel_loop3A_700, %parallel_loop3A_601 : vector<16xf32>
        %parallel_loop3A_702 = arith.mulf %parallel_loop3A_701, %parallel_loop3A_605 : vector<16xf32>
        %parallel_loop3A_703 = arith.mulf %parallel_loop3A_702, %get3A_448 : vector<16xf32>
        %parallel_loop3A_704 = arith.addf %parallel_loop3A_703, %get3A_484 : vector<16xf32>
        %parallel_loop3A_705 = arith.index_cast %select_n3A_184 : i32 to index
        %parallel_loop3A_706 = arith.index_cast %parallel_loop3A_597 : i32 to index
        %parallel_loop3A_707 = arith.constant 672 : index
        %parallel_loop3A_708 = tpu.vector_load %arg9[%parallel_loop3A_705, %parallel_loop3A_706, %parallel_loop3A_707] {strides = array<i32>} : memref<4x16x768xf32, #tpu.memory_space<vmem>>, vector<1x1x16xf32>,
        %parallel_loop3A_709 = vector.shape_cast %parallel_loop3A_708 : vector<1x1x16xf32> to vector<16xf32>
        %parallel_loop3A_710 = vector.shape_cast %parallel_loop3A_704 : vector<16xf32> to vector<1x1x16xf32>
        tpu.vector_store %arg9[%parallel_loop3A_705, %parallel_loop3A_706, %parallel_loop3A_707], %parallel_loop3A_710 {strides = array<i32>} : memref<4x16x768xf32, #tpu.memory_space<vmem>>, vector<1x1x16xf32>,
        %parallel_loop3A_711 = arith.index_cast %select_n3A_184 : i32 to index
        %parallel_loop3A_712 = arith.index_cast %parallel_loop3A_597 : i32 to index
        %parallel_loop3A_713 = arith.constant 688 : index
        %parallel_loop3A_714 = tpu.vector_load %arg9[%parallel_loop3A_711, %parallel_loop3A_712, %parallel_loop3A_713] {strides = array<i32>} : memref<4x16x768xf32, #tpu.memory_space<vmem>>, vector<1x1x16xf32>,
        %parallel_loop3A_715 = vector.shape_cast %parallel_loop3A_714 : vector<1x1x16xf32> to vector<16xf32>
        %parallel_loop3A_716 = arith.subf %parallel_loop3A_715, %parallel_loop3A_601 : vector<16xf32>
        %parallel_loop3A_717 = arith.mulf %parallel_loop3A_716, %parallel_loop3A_605 : vector<16xf32>
        %parallel_loop3A_718 = arith.mulf %parallel_loop3A_717, %get3A_451 : vector<16xf32>
        %parallel_loop3A_719 = arith.addf %parallel_loop3A_718, %get3A_487 : vector<16xf32>
        %parallel_loop3A_720 = arith.index_cast %select_n3A_184 : i32 to index
        %parallel_loop3A_721 = arith.index_cast %parallel_loop3A_597 : i32 to index
        %parallel_loop3A_722 = arith.constant 688 : index
        %parallel_loop3A_723 = tpu.vector_load %arg9[%parallel_loop3A_720, %parallel_loop3A_721, %parallel_loop3A_722] {strides = array<i32>} : memref<4x16x768xf32, #tpu.memory_space<vmem>>, vector<1x1x16xf32>,
        %parallel_loop3A_724 = vector.shape_cast %parallel_loop3A_723 : vector<1x1x16xf32> to vector<16xf32>
        %parallel_loop3A_725 = vector.shape_cast %parallel_loop3A_719 : vector<16xf32> to vector<1x1x16xf32>
        tpu.vector_store %arg9[%parallel_loop3A_720, %parallel_loop3A_721, %parallel_loop3A_722], %parallel_loop3A_725 {strides = array<i32>} : memref<4x16x768xf32, #tpu.memory_space<vmem>>, vector<1x1x16xf32>,
        %parallel_loop3A_726 = arith.index_cast %select_n3A_184 : i32 to index
        %parallel_loop3A_727 = arith.index_cast %parallel_loop3A_597 : i32 to index
        %parallel_loop3A_728 = arith.constant 704 : index
        %parallel_loop3A_729 = tpu.vector_load %arg9[%parallel_loop3A_726, %parallel_loop3A_727, %parallel_loop3A_728] {strides = array<i32>} : memref<4x16x768xf32, #tpu.memory_space<vmem>>, vector<1x1x16xf32>,
        %parallel_loop3A_730 = vector.shape_cast %parallel_loop3A_729 : vector<1x1x16xf32> to vector<16xf32>
        %parallel_loop3A_731 = arith.subf %parallel_loop3A_730, %parallel_loop3A_601 : vector<16xf32>
        %parallel_loop3A_732 = arith.mulf %parallel_loop3A_731, %parallel_loop3A_605 : vector<16xf32>
        %parallel_loop3A_733 = arith.mulf %parallel_loop3A_732, %get3A_454 : vector<16xf32>
        %parallel_loop3A_734 = arith.addf %parallel_loop3A_733, %get3A_490 : vector<16xf32>
        %parallel_loop3A_735 = arith.index_cast %select_n3A_184 : i32 to index
        %parallel_loop3A_736 = arith.index_cast %parallel_loop3A_597 : i32 to index
        %parallel_loop3A_737 = arith.constant 704 : index
        %parallel_loop3A_738 = tpu.vector_load %arg9[%parallel_loop3A_735, %parallel_loop3A_736, %parallel_loop3A_737] {strides = array<i32>} : memref<4x16x768xf32, #tpu.memory_space<vmem>>, vector<1x1x16xf32>,
        %parallel_loop3A_739 = vector.shape_cast %parallel_loop3A_738 : vector<1x1x16xf32> to vector<16xf32>
        %parallel_loop3A_740 = vector.shape_cast %parallel_loop3A_734 : vector<16xf32> to vector<1x1x16xf32>
        tpu.vector_store %arg9[%parallel_loop3A_735, %parallel_loop3A_736, %parallel_loop3A_737], %parallel_loop3A_740 {strides = array<i32>} : memref<4x16x768xf32, #tpu.memory_space<vmem>>, vector<1x1x16xf32>,
        %parallel_loop3A_741 = arith.index_cast %select_n3A_184 : i32 to index
        %parallel_loop3A_742 = arith.index_cast %parallel_loop3A_597 : i32 to index
        %parallel_loop3A_743 = arith.constant 720 : index
        %parallel_loop3A_744 = tpu.vector_load %arg9[%parallel_loop3A_741, %parallel_loop3A_742, %parallel_loop3A_743] {strides = array<i32>} : memref<4x16x768xf32, #tpu.memory_space<vmem>>, vector<1x1x16xf32>,
        %parallel_loop3A_745 = vector.shape_cast %parallel_loop3A_744 : vector<1x1x16xf32> to vector<16xf32>
        %parallel_loop3A_746 = arith.subf %parallel_loop3A_745, %parallel_loop3A_601 : vector<16xf32>
        %parallel_loop3A_747 = arith.mulf %parallel_loop3A_746, %parallel_loop3A_605 : vector<16xf32>
        %parallel_loop3A_748 = arith.mulf %parallel_loop3A_747, %get3A_457 : vector<16xf32>
        %parallel_loop3A_749 = arith.addf %parallel_loop3A_748, %get3A_493 : vector<16xf32>
        %parallel_loop3A_750 = arith.index_cast %select_n3A_184 : i32 to index
        %parallel_loop3A_751 = arith.index_cast %parallel_loop3A_597 : i32 to index
        %parallel_loop3A_752 = arith.constant 720 : index
        %parallel_loop3A_753 = tpu.vector_load %arg9[%parallel_loop3A_750, %parallel_loop3A_751, %parallel_loop3A_752] {strides = array<i32>} : memref<4x16x768xf32, #tpu.memory_space<vmem>>, vector<1x1x16xf32>,
        %parallel_loop3A_754 = vector.shape_cast %parallel_loop3A_753 : vector<1x1x16xf32> to vector<16xf32>
        %parallel_loop3A_755 = vector.shape_cast %parallel_loop3A_749 : vector<16xf32> to vector<1x1x16xf32>
        tpu.vector_store %arg9[%parallel_loop3A_750, %parallel_loop3A_751, %parallel_loop3A_752], %parallel_loop3A_755 {strides = array<i32>} : memref<4x16x768xf32, #tpu.memory_space<vmem>>, vector<1x1x16xf32>,
        %parallel_loop3A_756 = arith.index_cast %select_n3A_184 : i32 to index
        %parallel_loop3A_757 = arith.index_cast %parallel_loop3A_597 : i32 to index
        %parallel_loop3A_758 = arith.constant 736 : index
        %parallel_loop3A_759 = tpu.vector_load %arg9[%parallel_loop3A_756, %parallel_loop3A_757, %parallel_loop3A_758] {strides = array<i32>} : memref<4x16x768xf32, #tpu.memory_space<vmem>>, vector<1x1x16xf32>,
        %parallel_loop3A_760 = vector.shape_cast %parallel_loop3A_759 : vector<1x1x16xf32> to vector<16xf32>
        %parallel_loop3A_761 = arith.subf %parallel_loop3A_760, %parallel_loop3A_601 : vector<16xf32>
        %parallel_loop3A_762 = arith.mulf %parallel_loop3A_761, %parallel_loop3A_605 : vector<16xf32>
        %parallel_loop3A_763 = arith.mulf %parallel_loop3A_762, %get3A_460 : vector<16xf32>
        %parallel_loop3A_764 = arith.addf %parallel_loop3A_763, %get3A_496 : vector<16xf32>
        %parallel_loop3A_765 = arith.index_cast %select_n3A_184 : i32 to index
        %parallel_loop3A_766 = arith.index_cast %parallel_loop3A_597 : i32 to index
        %parallel_loop3A_767 = arith.constant 736 : index
        %parallel_loop3A_768 = tpu.vector_load %arg9[%parallel_loop3A_765, %parallel_loop3A_766, %parallel_loop3A_767] {strides = array<i32>} : memref<4x16x768xf32, #tpu.memory_space<vmem>>, vector<1x1x16xf32>,
        %parallel_loop3A_769 = vector.shape_cast %parallel_loop3A_768 : vector<1x1x16xf32> to vector<16xf32>
        %parallel_loop3A_770 = vector.shape_cast %parallel_loop3A_764 : vector<16xf32> to vector<1x1x16xf32>
        tpu.vector_store %arg9[%parallel_loop3A_765, %parallel_loop3A_766, %parallel_loop3A_767], %parallel_loop3A_770 {strides = array<i32>} : memref<4x16x768xf32, #tpu.memory_space<vmem>>, vector<1x1x16xf32>,
        %parallel_loop3A_771 = arith.index_cast %select_n3A_184 : i32 to index
        %parallel_loop3A_772 = arith.index_cast %parallel_loop3A_597 : i32 to index
        %parallel_loop3A_773 = arith.constant 752 : index
        %parallel_loop3A_774 = tpu.vector_load %arg9[%parallel_loop3A_771, %parallel_loop3A_772, %parallel_loop3A_773] {strides = array<i32>} : memref<4x16x768xf32, #tpu.memory_space<vmem>>, vector<1x1x16xf32>,
        %parallel_loop3A_775 = vector.shape_cast %parallel_loop3A_774 : vector<1x1x16xf32> to vector<16xf32>
        %parallel_loop3A_776 = arith.subf %parallel_loop3A_775, %parallel_loop3A_601 : vector<16xf32>
        %parallel_loop3A_777 = arith.mulf %parallel_loop3A_776, %parallel_loop3A_605 : vector<16xf32>
        %parallel_loop3A_778 = arith.mulf %parallel_loop3A_777, %get3A_463 : vector<16xf32>
        %parallel_loop3A_779 = arith.addf %parallel_loop3A_778, %get3A_499 : vector<16xf32>
        %parallel_loop3A_780 = arith.index_cast %select_n3A_184 : i32 to index
        %parallel_loop3A_781 = arith.index_cast %parallel_loop3A_597 : i32 to index
        %parallel_loop3A_782 = arith.constant 752 : index
        %parallel_loop3A_783 = tpu.vector_load %arg9[%parallel_loop3A_780, %parallel_loop3A_781, %parallel_loop3A_782] {strides = array<i32>} : memref<4x16x768xf32, #tpu.memory_space<vmem>>, vector<1x1x16xf32>,
        %parallel_loop3A_784 = vector.shape_cast %parallel_loop3A_783 : vector<1x1x16xf32> to vector<16xf32>
        %parallel_loop3A_785 = vector.shape_cast %parallel_loop3A_779 : vector<16xf32> to vector<1x1x16xf32>
        tpu.vector_store %arg9[%parallel_loop3A_780, %parallel_loop3A_781, %parallel_loop3A_782], %parallel_loop3A_785 {strides = array<i32>} : memref<4x16x768xf32, #tpu.memory_space<vmem>>, vector<1x1x16xf32>,
      } {sc.loop_unroll_factor = 1 : i64, sc.parallel_access}
      %mul3A_503 = arith.constant 2048 : i32
      %mul3A_504 = arith.muli %select_n3A, %mul3A_503 : i32
      %add3A_505 = arith.addi %mul3A_504, %mul3A_2 : i32
      %mul3A_506 = arith.constant 16 : i32
      %mul3A_507 = arith.muli %select_n3A_168, %mul3A_506 : i32
      %add3A_508 = arith.addi %add3A_505, %mul3A_507 : i32
      %dma_start3A_509 = arith.constant 0 : i32
      %dma_start3A_510 = arith.constant 0 : i32
      %dma_start3A_511 = tpu.memref_slice %arg9[%select_n3A_184, %dma_start3A_509, %dma_start3A_510] : memref<4x16x768xf32, #tpu.memory_space<vmem>> -> memref<1x16x768xf32, #tpu.memory_space<vmem>>
      %dma_start3A_512 = tpu.memref_squeeze %dma_start3A_511 : memref<1x16x768xf32, #tpu.memory_space<vmem>> -> memref<16x768xf32, #tpu.memory_space<vmem>>
      %dma_start3A_513 = arith.constant 0 : i32
      %dma_start3A_514 = tpu.memref_slice %arg7[%add3A_508, %dma_start3A_513] : memref<8192x768xf32, #tpu.memory_space<hbm>> -> memref<16x768xf32, #tpu.memory_space<hbm>>
      %dma_start3A_515 = tpu.memref_slice %arg16[%select_n3A_184] : memref<4x!tpu.dma_semaphore, #tpu.memory_space<semaphore_mem>> -> memref<1x!tpu.dma_semaphore, #tpu.memory_space<semaphore_mem>>
      %dma_start3A_516 = tpu.memref_squeeze %dma_start3A_515 : memref<1x!tpu.dma_semaphore, #tpu.memory_space<semaphore_mem>> -> memref<!tpu.dma_semaphore, #tpu.memory_space<semaphore_mem>>
      %dma_start3A_517 = arith.constant 0 : i32
      %dma_start3A_518 = tpu.memref_slice %arg7[%add3A_508, %dma_start3A_517] : memref<8192x768xf32, #tpu.memory_space<hbm>> -> memref<16x768xf32, #tpu.memory_space<hbm>>
      %dma_start3A_519 = arith.constant 0 : i32
      %dma_start3A_520 = arith.constant 0 : i32
      %dma_start3A_521 = tpu.memref_slice %arg9[%select_n3A_184, %dma_start3A_519, %dma_start3A_520] : memref<4x16x768xf32, #tpu.memory_space<vmem>> -> memref<1x16x768xf32, #tpu.memory_space<vmem>>
      %dma_start3A_522 = tpu.memref_squeeze %dma_start3A_521 : memref<1x16x768xf32, #tpu.memory_space<vmem>> -> memref<16x768xf32, #tpu.memory_space<vmem>>
      tpu.enqueue_dma source(%dma_start3A_522 : memref<16x768xf32, #tpu.memory_space<vmem>>) target(%dma_start3A_518 : memref<16x768xf32, #tpu.memory_space<hbm>>) target_semaphore(%dma_start3A_516 : memref<!tpu.dma_semaphore, #tpu.memory_space<semaphore_mem>>)
      %add3A_523 = arith.constant 2 : i32
      %add3A_524 = arith.addi %scan3A_137, %add3A_523 : i32
      %jit3A_525 = arith.constant 4 : i32
      %div3A_526 = arith.divsi %add3A_524, %jit3A_525 : i32
      %sign3A_527 = arith.constant 0 : i32
      %sign3A_528 = arith.cmpi sgt, %add3A_524, %sign3A_527 : i32
      %sign3A_529 = arith.extui %sign3A_528 : i1 to i32
      %sign3A_530 = arith.constant 0 : i32
      %sign3A_531 = arith.cmpi slt, %add3A_524, %sign3A_530 : i32
      %sign3A_532 = arith.extui %sign3A_531 : i1 to i32
      %sign3A_533 = arith.subi %sign3A_529, %sign3A_532 : i32
      %sign3A_534 = arith.constant 0 : i32
      %sign3A_535 = arith.cmpi sgt, %jit3A_525, %sign3A_534 : i32
      %sign3A_536 = arith.extui %sign3A_535 : i1 to i32
      %sign3A_537 = arith.constant 0 : i32
      %sign3A_538 = arith.cmpi slt, %jit3A_525, %sign3A_537 : i32
      %sign3A_539 = arith.extui %sign3A_538 : i1 to i32
      %sign3A_540 = arith.subi %sign3A_536, %sign3A_539 : i32
      %ne3A_541 = arith.cmpi ne, %sign3A_533, %sign3A_540 : i32
      %rem3A_542 = arith.remsi %add3A_524, %jit3A_525 : i32
      %ne3A_543 = arith.constant 0 : i32
      %ne3A_544 = arith.cmpi ne, %rem3A_542, %ne3A_543 : i32
      %and3A_545 = arith.andi %ne3A_541, %ne3A_544 : i1
      %sub3A_546 = arith.constant 1 : i32
      %sub3A_547 = arith.subi %div3A_526, %sub3A_546 : i32
      %select_n3A_548 = arith.select %and3A_545, %sub3A_547, %div3A_526 : i32
      %jit3A_549 = arith.constant 4 : i32
      %eq3A_550 = arith.constant 0 : i32
      %eq3A_551 = arith.cmpi eq, %jit3A_549, %eq3A_550 : i32
      %jit3A_552 = arith.constant 1 : i32
      %select_n3A_553 = arith.select %eq3A_551, %jit3A_552, %jit3A_549 : i32
      %rem3A_554 = arith.remsi %add3A_524, %select_n3A_553 : i32
      %ne3A_555 = arith.constant 0 : i32
      %ne3A_556 = arith.cmpi ne, %rem3A_554, %ne3A_555 : i32
      %lt3A_557 = arith.constant 0 : i32
      %lt3A_558 = arith.cmpi slt, %rem3A_554, %lt3A_557 : i32
      %lt3A_559 = arith.constant 0 : i32
      %lt3A_560 = arith.cmpi slt, %select_n3A_553, %lt3A_559 : i32
      %ne3A_561 = arith.xori %lt3A_558, %lt3A_560 : i1
      %and3A_562 = arith.andi %ne3A_561, %ne3A_556 : i1
      %add3A_563 = arith.addi %rem3A_554, %select_n3A_553 : i32
      %select_n3A_564 = arith.select %and3A_562, %add3A_563, %rem3A_554 : i32
      %jit3A_565 = arith.constant 4 : i32
      %eq3A_566 = arith.constant 0 : i32
      %eq3A_567 = arith.cmpi eq, %jit3A_565, %eq3A_566 : i32
      %jit3A_568 = arith.constant 1 : i32
      %select_n3A_569 = arith.select %eq3A_567, %jit3A_568, %jit3A_565 : i32
      %rem3A_570 = arith.remsi %add3A_524, %select_n3A_569 : i32
      %ne3A_571 = arith.constant 0 : i32
      %ne3A_572 = arith.cmpi ne, %rem3A_570, %ne3A_571 : i32
      %lt3A_573 = arith.constant 0 : i32
      %lt3A_574 = arith.cmpi slt, %rem3A_570, %lt3A_573 : i32
      %lt3A_575 = arith.constant 0 : i32
      %lt3A_576 = arith.cmpi slt, %select_n3A_569, %lt3A_575 : i32
      %ne3A_577 = arith.xori %lt3A_574, %lt3A_576 : i1
      %and3A_578 = arith.andi %ne3A_577, %ne3A_572 : i1
      %add3A_579 = arith.addi %rem3A_570, %select_n3A_569 : i32
      %select_n3A_580 = arith.select %and3A_578, %add3A_579, %rem3A_570 : i32
      %lt3A_581 = arith.constant 16 : i32
      %lt3A_582 = arith.cmpi slt, %add3A_524, %lt3A_581 : i32
      %ge3A = arith.constant 2 : i32
      %ge3A_583 = arith.cmpi sge, %scan3A_137, %ge3A : i32
      %and3A_584 = arith.andi %lt3A_582, %ge3A_583 : i1
      %convert_element_type3A_585 = arith.extui %and3A_584 : i1 to i32
      %cond3A_586 = arith.constant 0 : i32
      %cond3A_587 = arith.cmpi ne, %convert_element_type3A_585, %cond3A_586 : i32
      scf.if %cond3A_587 {
        %mul3A_597 = arith.constant 16 : i32
        %mul3A_598 = arith.muli %select_n3A_564, %mul3A_597 : i32
        %dma_wait3A_599 = arith.constant 0 : i32
        %dma_wait3A_600 = arith.constant 0 : i32
        %dma_wait3A_601 = tpu.memref_slice %arg9[%select_n3A_580, %dma_wait3A_599, %dma_wait3A_600] : memref<4x16x768xf32, #tpu.memory_space<vmem>> -> memref<1x16x768xf32, #tpu.memory_space<vmem>>
        %dma_wait3A_602 = tpu.memref_squeeze %dma_wait3A_601 : memref<1x16x768xf32, #tpu.memory_space<vmem>> -> memref<16x768xf32, #tpu.memory_space<vmem>>
        %dma_wait3A_603 = arith.constant 0 : i32
        %dma_wait3A_604 = tpu.memref_slice %arg7[%mul3A_598, %dma_wait3A_603] : memref<8192x768xf32, #tpu.memory_space<hbm>> -> memref<16x768xf32, #tpu.memory_space<hbm>>
        %dma_wait3A_605 = tpu.memref_slice %arg16[%select_n3A_580] : memref<4x!tpu.dma_semaphore, #tpu.memory_space<semaphore_mem>> -> memref<1x!tpu.dma_semaphore, #tpu.memory_space<semaphore_mem>>
        %dma_wait3A_606 = tpu.memref_squeeze %dma_wait3A_605 : memref<1x!tpu.dma_semaphore, #tpu.memory_space<semaphore_mem>> -> memref<!tpu.dma_semaphore, #tpu.memory_space<semaphore_mem>>
        %dma_wait3A_607 = arith.constant 0 : i32
        %dma_wait3A_608 = tpu.memref_slice %arg7[%mul3A_598, %dma_wait3A_607] : memref<8192x768xf32, #tpu.memory_space<hbm>> -> memref<16x768xf32, #tpu.memory_space<hbm>>
        %dma_wait3A_609 = arith.constant 0 : i32
        %dma_wait3A_610 = arith.constant 0 : i32
        %dma_wait3A_611 = tpu.memref_slice %arg9[%select_n3A_580, %dma_wait3A_609, %dma_wait3A_610] : memref<4x16x768xf32, #tpu.memory_space<vmem>> -> memref<1x16x768xf32, #tpu.memory_space<vmem>>
        %dma_wait3A_612 = tpu.memref_squeeze %dma_wait3A_611 : memref<1x16x768xf32, #tpu.memory_space<vmem>> -> memref<16x768xf32, #tpu.memory_space<vmem>>
        tpu.wait_dma2 semaphore(%dma_wait3A_606 : memref<!tpu.dma_semaphore, #tpu.memory_space<semaphore_mem>>) src(%dma_wait3A_612 : memref<16x768xf32, #tpu.memory_space<vmem>>) dst(%dma_wait3A_608 : memref<16x768xf32, #tpu.memory_space<hbm>>)
        %dma_start3A_613 = arith.constant 0 : i32
        %dma_start3A_614 = arith.constant 0 : i32
        %dma_start3A_615 = tpu.memref_slice %arg9[%select_n3A_580, %dma_start3A_613, %dma_start3A_614] : memref<4x16x768xf32, #tpu.memory_space<vmem>> -> memref<1x16x768xf32, #tpu.memory_space<vmem>>
        %dma_start3A_616 = tpu.memref_squeeze %dma_start3A_615 : memref<1x16x768xf32, #tpu.memory_space<vmem>> -> memref<16x768xf32, #tpu.memory_space<vmem>>
        %dma_start3A_617 = arith.constant 0 : i32
        %dma_start3A_618 = tpu.memref_slice %arg8[%select_n3A_548, %select_n3A_564, %dma_start3A_617] : memref<4x4x16xi32, #tpu.memory_space<vmem>> -> memref<1x1x16xi32, #tpu.memory_space<vmem>>
        %dma_start3A_619 = tpu.memref_squeeze %dma_start3A_618 : memref<1x1x16xi32, #tpu.memory_space<vmem>> -> memref<16xi32, #tpu.memory_space<vmem>>
        %dma_start3A_620 = arith.constant 0 : i32
        %dma_start3A_621 = arith.constant 0 : i32
        %dma_start3A_622 = tpu.memref_slice %arg3[%dma_start3A_620, %dma_start3A_621] : memref<100000x768xf32, #tpu.memory_space<hbm>> -> memref<100000x768xf32, #tpu.memory_space<hbm>>
        %dma_start3A_623 = tpu.memref_slice %arg15[%select_n3A_580] : memref<4x!tpu.dma_semaphore, #tpu.memory_space<semaphore_mem>> -> memref<1x!tpu.dma_semaphore, #tpu.memory_space<semaphore_mem>>
        %dma_start3A_624 = tpu.memref_squeeze %dma_start3A_623 : memref<1x!tpu.dma_semaphore, #tpu.memory_space<semaphore_mem>> -> memref<!tpu.dma_semaphore, #tpu.memory_space<semaphore_mem>>
        tpu.enqueue_indirect_dma source(%dma_start3A_622 : memref<100000x768xf32, #tpu.memory_space<hbm>>) target(%dma_start3A_616 : memref<16x768xf32, #tpu.memory_space<vmem>>) offsets(%dma_start3A_619 : memref<16xi32, #tpu.memory_space<vmem>>) semaphore(%dma_start3A_624 : memref<!tpu.dma_semaphore, #tpu.memory_space<semaphore_mem>>)
      } else {
      }
      %lt3A_588 = arith.constant 16 : i32
      %lt3A_589 = arith.cmpi slt, %add3A_524, %lt3A_588 : i32
      %lt3A_590 = arith.constant 2 : i32
      %lt3A_591 = arith.cmpi slt, %scan3A_137, %lt3A_590 : i32
      %and3A_592 = arith.andi %lt3A_589, %lt3A_591 : i1
      %convert_element_type3A_593 = arith.extui %and3A_592 : i1 to i32
      %cond3A_594 = arith.constant 0 : i32
      %cond3A_595 = arith.cmpi ne, %convert_element_type3A_593, %cond3A_594 : i32
      scf.if %cond3A_595 {
        %dma_start3A_597 = arith.constant 0 : i32
        %dma_start3A_598 = arith.constant 0 : i32
        %dma_start3A_599 = tpu.memref_slice %arg9[%select_n3A_580, %dma_start3A_597, %dma_start3A_598] : memref<4x16x768xf32, #tpu.memory_space<vmem>> -> memref<1x16x768xf32, #tpu.memory_space<vmem>>
        %dma_start3A_600 = tpu.memref_squeeze %dma_start3A_599 : memref<1x16x768xf32, #tpu.memory_space<vmem>> -> memref<16x768xf32, #tpu.memory_space<vmem>>
        %dma_start3A_601 = arith.constant 0 : i32
        %dma_start3A_602 = tpu.memref_slice %arg8[%select_n3A_548, %select_n3A_564, %dma_start3A_601] : memref<4x4x16xi32, #tpu.memory_space<vmem>> -> memref<1x1x16xi32, #tpu.memory_space<vmem>>
        %dma_start3A_603 = tpu.memref_squeeze %dma_start3A_602 : memref<1x1x16xi32, #tpu.memory_space<vmem>> -> memref<16xi32, #tpu.memory_space<vmem>>
        %dma_start3A_604 = arith.constant 0 : i32
        %dma_start3A_605 = arith.constant 0 : i32
        %dma_start3A_606 = tpu.memref_slice %arg3[%dma_start3A_604, %dma_start3A_605] : memref<100000x768xf32, #tpu.memory_space<hbm>> -> memref<100000x768xf32, #tpu.memory_space<hbm>>
        %dma_start3A_607 = tpu.memref_slice %arg15[%select_n3A_580] : memref<4x!tpu.dma_semaphore, #tpu.memory_space<semaphore_mem>> -> memref<1x!tpu.dma_semaphore, #tpu.memory_space<semaphore_mem>>
        %dma_start3A_608 = tpu.memref_squeeze %dma_start3A_607 : memref<1x!tpu.dma_semaphore, #tpu.memory_space<semaphore_mem>> -> memref<!tpu.dma_semaphore, #tpu.memory_space<semaphore_mem>>
        tpu.enqueue_indirect_dma source(%dma_start3A_606 : memref<100000x768xf32, #tpu.memory_space<hbm>>) target(%dma_start3A_600 : memref<16x768xf32, #tpu.memory_space<vmem>>) offsets(%dma_start3A_603 : memref<16xi32, #tpu.memory_space<vmem>>) semaphore(%dma_start3A_608 : memref<!tpu.dma_semaphore, #tpu.memory_space<semaphore_mem>>)
      } else {
      }
      %scan3A_596 = arith.constant 0 : i32
      scf.yield %scan3A_596 : i32
    }
    %scan3A_65 = arith.constant 16 : i32
    %dma_wait3A = arith.constant 0 : i32
    %dma_wait3A_66 = arith.constant 0 : i32
    %dma_wait3A_67 = arith.constant 0 : i32
    %dma_wait3A_68 = arith.constant 0 : i32
    %dma_wait3A_69 = tpu.memref_slice %arg9[%dma_wait3A, %dma_wait3A_67, %dma_wait3A_68] : memref<4x16x768xf32, #tpu.memory_space<vmem>> -> memref<1x16x768xf32, #tpu.memory_space<vmem>>
    %dma_wait3A_70 = tpu.memref_squeeze %dma_wait3A_69 : memref<1x16x768xf32, #tpu.memory_space<vmem>> -> memref<16x768xf32, #tpu.memory_space<vmem>>
    %dma_wait3A_71 = arith.constant 0 : i32
    %dma_wait3A_72 = arith.constant 0 : i32
    %dma_wait3A_73 = tpu.memref_slice %arg7[%dma_wait3A_71, %dma_wait3A_72] : memref<8192x768xf32, #tpu.memory_space<hbm>> -> memref<16x768xf32, #tpu.memory_space<hbm>>
    %dma_wait3A_74 = tpu.memref_slice %arg16[%dma_wait3A_66] : memref<4x!tpu.dma_semaphore, #tpu.memory_space<semaphore_mem>> -> memref<1x!tpu.dma_semaphore, #tpu.memory_space<semaphore_mem>>
    %dma_wait3A_75 = tpu.memref_squeeze %dma_wait3A_74 : memref<1x!tpu.dma_semaphore, #tpu.memory_space<semaphore_mem>> -> memref<!tpu.dma_semaphore, #tpu.memory_space<semaphore_mem>>
    %dma_wait3A_76 = arith.constant 0 : i32
    %dma_wait3A_77 = arith.constant 0 : i32
    %dma_wait3A_78 = tpu.memref_slice %arg7[%dma_wait3A_76, %dma_wait3A_77] : memref<8192x768xf32, #tpu.memory_space<hbm>> -> memref<16x768xf32, #tpu.memory_space<hbm>>
    %dma_wait3A_79 = arith.constant 0 : i32
    %dma_wait3A_80 = arith.constant 0 : i32
    %dma_wait3A_81 = tpu.memref_slice %arg9[%dma_wait3A, %dma_wait3A_79, %dma_wait3A_80] : memref<4x16x768xf32, #tpu.memory_space<vmem>> -> memref<1x16x768xf32, #tpu.memory_space<vmem>>
    %dma_wait3A_82 = tpu.memref_squeeze %dma_wait3A_81 : memref<1x16x768xf32, #tpu.memory_space<vmem>> -> memref<16x768xf32, #tpu.memory_space<vmem>>
    tpu.wait_dma2 semaphore(%dma_wait3A_75 : memref<!tpu.dma_semaphore, #tpu.memory_space<semaphore_mem>>) src(%dma_wait3A_82 : memref<16x768xf32, #tpu.memory_space<vmem>>) dst(%dma_wait3A_78 : memref<16x768xf32, #tpu.memory_space<hbm>>)
    %dma_wait3A_83 = arith.constant 1 : i32
    %dma_wait3A_84 = arith.constant 1 : i32
    %dma_wait3A_85 = arith.constant 0 : i32
    %dma_wait3A_86 = arith.constant 0 : i32
    %dma_wait3A_87 = tpu.memref_slice %arg9[%dma_wait3A_83, %dma_wait3A_85, %dma_wait3A_86] : memref<4x16x768xf32, #tpu.memory_space<vmem>> -> memref<1x16x768xf32, #tpu.memory_space<vmem>>
    %dma_wait3A_88 = tpu.memref_squeeze %dma_wait3A_87 : memref<1x16x768xf32, #tpu.memory_space<vmem>> -> memref<16x768xf32, #tpu.memory_space<vmem>>
    %dma_wait3A_89 = arith.constant 0 : i32
    %dma_wait3A_90 = arith.constant 0 : i32
    %dma_wait3A_91 = tpu.memref_slice %arg7[%dma_wait3A_89, %dma_wait3A_90] : memref<8192x768xf32, #tpu.memory_space<hbm>> -> memref<16x768xf32, #tpu.memory_space<hbm>>
    %dma_wait3A_92 = tpu.memref_slice %arg16[%dma_wait3A_84] : memref<4x!tpu.dma_semaphore, #tpu.memory_space<semaphore_mem>> -> memref<1x!tpu.dma_semaphore, #tpu.memory_space<semaphore_mem>>
    %dma_wait3A_93 = tpu.memref_squeeze %dma_wait3A_92 : memref<1x!tpu.dma_semaphore, #tpu.memory_space<semaphore_mem>> -> memref<!tpu.dma_semaphore, #tpu.memory_space<semaphore_mem>>
    %dma_wait3A_94 = arith.constant 0 : i32
    %dma_wait3A_95 = arith.constant 0 : i32
    %dma_wait3A_96 = tpu.memref_slice %arg7[%dma_wait3A_94, %dma_wait3A_95] : memref<8192x768xf32, #tpu.memory_space<hbm>> -> memref<16x768xf32, #tpu.memory_space<hbm>>
    %dma_wait3A_97 = arith.constant 0 : i32
    %dma_wait3A_98 = arith.constant 0 : i32
    %dma_wait3A_99 = tpu.memref_slice %arg9[%dma_wait3A_83, %dma_wait3A_97, %dma_wait3A_98] : memref<4x16x768xf32, #tpu.memory_space<vmem>> -> memref<1x16x768xf32, #tpu.memory_space<vmem>>
    %dma_wait3A_100 = tpu.memref_squeeze %dma_wait3A_99 : memref<1x16x768xf32, #tpu.memory_space<vmem>> -> memref<16x768xf32, #tpu.memory_space<vmem>>
    tpu.wait_dma2 semaphore(%dma_wait3A_93 : memref<!tpu.dma_semaphore, #tpu.memory_space<semaphore_mem>>) src(%dma_wait3A_100 : memref<16x768xf32, #tpu.memory_space<vmem>>) dst(%dma_wait3A_96 : memref<16x768xf32, #tpu.memory_space<hbm>>)
    %dma_wait3A_101 = arith.constant 2 : i32
    %dma_wait3A_102 = arith.constant 2 : i32
    %dma_wait3A_103 = arith.constant 0 : i32
    %dma_wait3A_104 = arith.constant 0 : i32
    %dma_wait3A_105 = tpu.memref_slice %arg9[%dma_wait3A_101, %dma_wait3A_103, %dma_wait3A_104] : memref<4x16x768xf32, #tpu.memory_space<vmem>> -> memref<1x16x768xf32, #tpu.memory_space<vmem>>
    %dma_wait3A_106 = tpu.memref_squeeze %dma_wait3A_105 : memref<1x16x768xf32, #tpu.memory_space<vmem>> -> memref<16x768xf32, #tpu.memory_space<vmem>>
    %dma_wait3A_107 = arith.constant 0 : i32
    %dma_wait3A_108 = arith.constant 0 : i32
    %dma_wait3A_109 = tpu.memref_slice %arg7[%dma_wait3A_107, %dma_wait3A_108] : memref<8192x768xf32, #tpu.memory_space<hbm>> -> memref<16x768xf32, #tpu.memory_space<hbm>>
    %dma_wait3A_110 = tpu.memref_slice %arg16[%dma_wait3A_102] : memref<4x!tpu.dma_semaphore, #tpu.memory_space<semaphore_mem>> -> memref<1x!tpu.dma_semaphore, #tpu.memory_space<semaphore_mem>>
    %dma_wait3A_111 = tpu.memref_squeeze %dma_wait3A_110 : memref<1x!tpu.dma_semaphore, #tpu.memory_space<semaphore_mem>> -> memref<!tpu.dma_semaphore, #tpu.memory_space<semaphore_mem>>
    %dma_wait3A_112 = arith.constant 0 : i32
    %dma_wait3A_113 = arith.constant 0 : i32
    %dma_wait3A_114 = tpu.memref_slice %arg7[%dma_wait3A_112, %dma_wait3A_113] : memref<8192x768xf32, #tpu.memory_space<hbm>> -> memref<16x768xf32, #tpu.memory_space<hbm>>
    %dma_wait3A_115 = arith.constant 0 : i32
    %dma_wait3A_116 = arith.constant 0 : i32
    %dma_wait3A_117 = tpu.memref_slice %arg9[%dma_wait3A_101, %dma_wait3A_115, %dma_wait3A_116] : memref<4x16x768xf32, #tpu.memory_space<vmem>> -> memref<1x16x768xf32, #tpu.memory_space<vmem>>
    %dma_wait3A_118 = tpu.memref_squeeze %dma_wait3A_117 : memref<1x16x768xf32, #tpu.memory_space<vmem>> -> memref<16x768xf32, #tpu.memory_space<vmem>>
    tpu.wait_dma2 semaphore(%dma_wait3A_111 : memref<!tpu.dma_semaphore, #tpu.memory_space<semaphore_mem>>) src(%dma_wait3A_118 : memref<16x768xf32, #tpu.memory_space<vmem>>) dst(%dma_wait3A_114 : memref<16x768xf32, #tpu.memory_space<hbm>>)
    %dma_wait3A_119 = arith.constant 3 : i32
    %dma_wait3A_120 = arith.constant 3 : i32
    %dma_wait3A_121 = arith.constant 0 : i32
    %dma_wait3A_122 = arith.constant 0 : i32
    %dma_wait3A_123 = tpu.memref_slice %arg9[%dma_wait3A_119, %dma_wait3A_121, %dma_wait3A_122] : memref<4x16x768xf32, #tpu.memory_space<vmem>> -> memref<1x16x768xf32, #tpu.memory_space<vmem>>
    %dma_wait3A_124 = tpu.memref_squeeze %dma_wait3A_123 : memref<1x16x768xf32, #tpu.memory_space<vmem>> -> memref<16x768xf32, #tpu.memory_space<vmem>>
    %dma_wait3A_125 = arith.constant 0 : i32
    %dma_wait3A_126 = arith.constant 0 : i32
    %dma_wait3A_127 = tpu.memref_slice %arg7[%dma_wait3A_125, %dma_wait3A_126] : memref<8192x768xf32, #tpu.memory_space<hbm>> -> memref<16x768xf32, #tpu.memory_space<hbm>>
    %dma_wait3A_128 = tpu.memref_slice %arg16[%dma_wait3A_120] : memref<4x!tpu.dma_semaphore, #tpu.memory_space<semaphore_mem>> -> memref<1x!tpu.dma_semaphore, #tpu.memory_space<semaphore_mem>>
    %dma_wait3A_129 = tpu.memref_squeeze %dma_wait3A_128 : memref<1x!tpu.dma_semaphore, #tpu.memory_space<semaphore_mem>> -> memref<!tpu.dma_semaphore, #tpu.memory_space<semaphore_mem>>
    %dma_wait3A_130 = arith.constant 0 : i32
    %dma_wait3A_131 = arith.constant 0 : i32
    %dma_wait3A_132 = tpu.memref_slice %arg7[%dma_wait3A_130, %dma_wait3A_131] : memref<8192x768xf32, #tpu.memory_space<hbm>> -> memref<16x768xf32, #tpu.memory_space<hbm>>
    %dma_wait3A_133 = arith.constant 0 : i32
    %dma_wait3A_134 = arith.constant 0 : i32
    %dma_wait3A_135 = tpu.memref_slice %arg9[%dma_wait3A_119, %dma_wait3A_133, %dma_wait3A_134] : memref<4x16x768xf32, #tpu.memory_space<vmem>> -> memref<1x16x768xf32, #tpu.memory_space<vmem>>
    %dma_wait3A_136 = tpu.memref_squeeze %dma_wait3A_135 : memref<1x16x768xf32, #tpu.memory_space<vmem>> -> memref<16x768xf32, #tpu.memory_space<vmem>>
    tpu.wait_dma2 semaphore(%dma_wait3A_129 : memref<!tpu.dma_semaphore, #tpu.memory_space<semaphore_mem>>) src(%dma_wait3A_136 : memref<16x768xf32, #tpu.memory_space<vmem>>) dst(%dma_wait3A_132 : memref<16x768xf32, #tpu.memory_space<hbm>>)
    return
  }
}

</mosaic_0001>

<sc_bundles>
// kernel: kernel.3.cloned.1.call-start
scs
__scs_entry_jumppad:
0x0: {  	(pc) =	sbr.rel $0x88, $3  }
0x1: {  	(tag) =	ssettag $0x0;
	lr =	simm.s32 $0x1  }
0x2: {  	[smem:$0x3F9C] =	sst lr;
	_ =	strace $0xD0000000  }
0x3: {  	_ = 	snop  }
0x4: {  	_ = 	snop  }
0x5: {  	_ = 	snop  }
0x6: {  	_ = 	snop  }
0x7: {  	_ = 	snop  }
__scs_overlays_trampoline_lowered:
0x8: {  	[smem:$0x3FAB] =	sst s0  }
0x9: {  	[smem:$0x3FAC] =	sst s1  }
0xa: {  	[smem:$0x3FAD] =	sst s2  }
0xb: {  	[smem:$0x3FAE] =	sst s3  }
0xc: {  	[smem:$0x3FAF] =	sst s4  }
0xd: {  	[smem:$0x3FB0] =	sst s5  }
0xe: {  	[smem:$0x3FB1] =	sst s6  }
0xf: {  	[smem:$0x3FB2] =	sst s7  }
0x10: {  	[smem:$0x3FB3] =	sst s8  }
0x11: {  	[smem:$0x3FB4] =	sst s9;
	s0 =	simm.s32 @!p0 $0x0  }
0x12: {  	s1 =	sld [smem:$0x3F9A];
	s0 =	simm.s32 @p0 $0x1  }
0x13: {  	[smem:$0x3FB5] =	sst s0;
	s0 =	simm.s32 @!p1 $0x0  }
0x14: {  	s2 =	sld [smem:$0x3F99];
	s0 =	simm.s32 @p1 $0x1  }
0x15: {  	[smem:$0x3FB6] =	sst s0;
	s0 =	simm.s32 @!p2 $0x0  }
0x16: {  	s3 =	sld [smem:$0x3FDB];
	s0 =	simm.s32 @p2 $0x1  }
0x17: {  	s4 =	simm.s32 $0x1BF5;
	[smem:$0x3FB8] =	sst s0  }
0x18: {  	s0 =	sld [smem:$0x3F9B];
	_ =	swait.ge [sflag:s4], $0x0  }
0x19: {  	s7 =	sld [smem:$0x3F9C]  }
0x1a: {  	s8 =	sadd.s32 $0xFFFFE003, lr  }
0x1b: {  	s9 =	sadd.s32 $0xFFFFFEF7, lr;
	s5 =	simm.s32 $0xFFFFFFFF;
	p2 =	slt.u32 s8, $0xFFFFF086  }
0x1c: {  	p1 =	slt.u32 s9, $0xF7A;
	s5 =	simm.s32 @!p2 $0x0  }
0x1d: {  	s5 =	simm.s32 @p1 $0x1;
	p0 =	seq.s32 s7, s2  }
0x1e: {  	s7 =	smul.u32 @!p0 $0xF7A, s2;
	p2 =	seq.s32 @!p0 s5, $0x0  }
0x1f: {  	s9 =	smul.u32 $0xF7A, s1;
	s8 =	simm.s32 @!p0 $0x1BF5;
	p2 =	por !p2, p0  }
0x20: {  	[sflag:s8] =	ssyncset.s32 @!p0 $0xFFFFF086;
	s6 =	sadd.s32 @!p0 s3, s7;
	s7 =	simm.s32 @!p0 $0x108  }
0x21: {  	s3 =	sadd.s32 s3, s9;
	s6 =	sadd.s32 @!p0 $0x88, s6;
	s7 =	simm.s32 @p2 $0x1082  }
0x22: {  	[simem:s7], [sflag:s8] =	dma.local @!p0 [hbm:s6], $0xF7A  }
0x23: {  	s9 =	sor.u32 $0xD0000000, s2;
	s6 =	simm.s32 $0x108;
	_ =	swait.ge @!p0 [sflag:s8], $0x0  }
0x24: {  	s3 =	sadd.s32 $0x88, s3;
	s6 =	simm.s32 @!p1 $0x1082;
	[sflag:s4] =	ssyncset.s32 $0xFFFFF086  }
0x25: {  	[simem:s6], [sflag:s4] =	dma.local [hbm:s3], $0xF7A  }
0x26: {  	[smem:$0x3F9C] =	sst s1;
	(tag) =	ssettag s2;
	_ =	strace s9  }
0x27: {  	s1 =	sld [smem:$0x3FAC]  }
0x28: {  	s2 =	sld [smem:$0x3FAD]  }
0x29: {  	s4 =	sld [smem:$0x3FAF]  }
0x2a: {  	p0 =	seq.s32 s5, $0x0;
	s5 =	sld [smem:$0x3FB0]  }
0x2b: {  	s6 =	sld [smem:$0x3FB1]  }
0x2c: {  	s7 =	sld [smem:$0x3FB2]  }
0x2d: {  	s3 =	simm.s32 $0x108;
	s8 =	sld [smem:$0x3FB3]  }
0x2e: {  	s3 =	simm.s32 @!p0 $0x1082;
	s9 =	sld [smem:$0x3FB4]  }
0x2f: {  	lr =	sadd.s32 s0, s3;
	s0 =	sld [smem:$0x3FAB]  }
0x30: {  	s3 =	sld [smem:$0x3FAE]  }
0x31: {  	[smem:$0x3FB7] =	sst s10  }
0x32: {  	s10 =	sld [smem:$0x3FB5];
	_ =	sdelay $0x3  }
0x33: {  	p0 =	seq.s32 s10, $0x1;
	s10 =	sld [smem:$0x3FB7];
	_ =	sdelay $0x3  }
0x34: {  	[smem:$0x3FB7] =	sst s10  }
0x35: {  	s10 =	sld [smem:$0x3FB6];
	_ =	sdelay $0x3  }
0x36: {  	p1 =	seq.s32 s10, $0x1;
	s10 =	sld [smem:$0x3FB7];
	_ =	sdelay $0x3  }
0x37: {  	[smem:$0x3FB7] =	sst s10  }
0x38: {  	s10 =	sld [smem:$0x3FB8]  }
0x39: {  	_ = 	snop;
	(pc) =	sbr.ind lr, $3  }
0x3a: {  	_ = 	snop  }
0x3b: {  	_ = 	snop  }
0x3c: {  	p2 =	seq.s32 s10, $0x1;
	s10 =	sld [smem:$0x3FB7]  }
0x3d: {  	_ =	shalt  }
0x3e: {  	_ =	shalt  }
0x3f: {  	_ =	shalt  }
0x40: {  	_ =	shalt  }
0x41: {  	_ =	shalt  }
0x42: {  	_ =	shalt  }
0x43: {  	_ =	shalt  }
0x44: {  	_ =	shalt  }
0x45: {  	_ =	shalt  }
0x46: {  	_ =	shalt  }
0x47: {  	_ =	shalt  }
0x48: {  	_ =	shalt  }
0x49: {  	_ =	shalt  }
0x4a: {  	_ =	shalt  }
0x4b: {  	_ =	shalt  }
0x4c: {  	_ =	shalt  }
0x4d: {  	_ =	shalt  }
0x4e: {  	_ =	shalt  }
0x4f: {  	_ =	shalt  }
0x50: {  	_ =	shalt  }
0x51: {  	_ =	shalt  }
0x52: {  	_ =	shalt  }
0x53: {  	_ =	shalt  }
0x54: {  	_ =	shalt  }
0x55: {  	_ =	shalt  }
0x56: {  	_ =	shalt  }
0x57: {  	_ =	shalt  }
0x58: {  	_ =	shalt  }
0x59: {  	_ =	shalt  }
0x5a: {  	_ =	shalt  }
0x5b: {  	_ =	shalt  }
0x5c: {  	_ =	shalt  }
0x5d: {  	_ =	shalt  }
0x5e: {  	_ =	shalt  }
0x5f: {  	_ =	shalt  }
0x60: {  	_ =	shalt  }
0x61: {  	_ =	shalt  }
0x62: {  	_ =	shalt  }
0x63: {  	_ =	shalt  }
0x64: {  	_ =	shalt  }
0x65: {  	_ =	shalt  }
0x66: {  	_ =	shalt  }
0x67: {  	_ =	shalt  }
0x68: {  	_ =	shalt  }
0x69: {  	_ =	shalt  }
0x6a: {  	_ =	shalt  }
0x6b: {  	_ =	shalt  }
0x6c: {  	_ =	shalt  }
0x6d: {  	_ =	shalt  }
0x6e: {  	_ =	shalt  }
0x6f: {  	_ =	shalt  }
0x70: {  	_ =	shalt  }
0x71: {  	_ =	shalt  }
0x72: {  	_ =	shalt  }
0x73: {  	_ =	shalt  }
0x74: {  	_ =	shalt  }
0x75: {  	_ =	shalt  }
0x76: {  	_ =	shalt  }
0x77: {  	_ =	shalt  }
0x78: {  	_ =	shalt  }
0x79: {  	_ =	shalt  }
0x7a: {  	_ =	shalt  }
0x7b: {  	_ =	shalt  }
0x7c: {  	_ =	shalt  }
0x7d: {  	_ =	shalt  }
0x7e: {  	_ =	shalt  }
0x7f: {  	_ =	shalt  }
0x80: {  	_ =	shalt  }
0x81: {  	_ =	shalt  }
0x82: {  	_ =	shalt  }
0x83: {  	_ =	shalt  }
0x84: {  	_ =	shalt  }
0x85: {  	_ =	shalt  }
0x86: {  	_ =	shalt  }
0x87: {  	_ =	shalt  }
.Lfunc_end0:
.L_simem_size_0:
called_computation_lowered:
.L_overlay_start_0:
0x88: {  	s2 =	sld [smem:$0x3FD9]  }
0x89: {  	s3 =	sld [smem:$0x3FFE];
	_ =	sdelay $0x1  }
0x8a: {  	s1 =	srdreg.scid  }
0x8b: {  	s0 =	sand.u32 $0x1, s1  }
0x8c: {  	s17 =	sshll.u32 s0, $0xA;
	s2 =	sadd.s32 s3, s2  }
0x8d: {  	s2 =	sadd.s32 s2, s17  }
0x8e: {  	[smem:$0x3FC3] =	sst s2  }
0x8f: {  	_ = 	snop  }
0x90: {  	s2 =	sld [smem:$0x3FC8]  }
0x91: {  	s18 =	sld [smem:$0x3FC7]  }
0x92: {  	s4 =	sld [smem:$0x3FC6]  }
0x93: {  	s5 =	sld [smem:$0x3FC5]  }
0x94: {  	s6 =	sld [smem:$0x3FD0];
	(tm) =	ssettm $0x1  }
0x95: {  	s7 =	sld [smem:$0x3FFB];
	_ =	sdelay $0x3  }
0x96: {  	_ =	strace s7  }
0x97: {  	s7 =	sld [smem:$0x3FFC];
	_ =	sdelay $0x3  }
0x98: {  	_ =	strace s7  }
0x99: {  	s7 =	sld [smem:$0x3FFD];
	_ =	sdelay $0x3  }
0x9a: {  	_ =	strace s7  }
0x9b: {  	_ =	strace $0x8FFFFFFF  }
0x9c: {  	s19 =	sld [smem:$0x3FDB];
	_ =	sdelay $0x1  }
0x9d: {  	s8 =	simm.s32 $_scs_section_size  }
0x9e: {  	s9 =	simm.s32 $_size__tile_overlayer_lowered;
	s10 =	simm.s32 $_tile_overlayer_lowered  }
0x9f: {  	s22 =	simm.s32 $0x1BFF;
	s21 =	sshll.u32 s10, $0x1;
	s7 =	sadd.s32 s8, s19  }
0xa0: {  	s11 =	simm.s32 $0x0;
	s20 =	sshll.u32 s9, $0x1;
	s9 =	sadd.s32 s21, s7  }
0xa1: {  	[timem:s11], [sflag:s22] =	dma.local [hbm:s9], s20  }
0xa2: {  	_ =	swait.ge [sflag:s22], s20  }
0xa3: {  	s8 =	ssub.s32 $0x0, s20;
	[sflag:s22] =	ssyncset.done $0x0  }
0xa4: {  	[sflag:s22] =	ssyncadd.s32 s8;
	_ =	sdelay $0x1  }
0xa5: {  	s23 =	simm.s32 $0x1B8B  }
0xa6: {  	_ =	swait.ge [sflag:s23], $0x1  }
0xa7: {  	[sflag:s23] =	ssyncset.done $0x0  }
0xa8: {  	s25 =	simm.s32 $0x1B8E;
	s24 =	sld [smem:$0x3FFE];
	[sflag:s23] =	ssyncadd.s32 $0xFFFFFFFF  }
0xa9: {  	s26 =	simm.s32 $execute0_lowered;
	[smem:$0x3FD2] =	sst s25  }
0xaa: {  	s9 =	sshll.u32 s26, $0x1;
	_ =	strace $0x80000046;
	[dreg:$0x1] =	wrdreg $0xFFFFFFFF  }
0xab: {  	s28 =	simm.s32 $_size_execute0_lowered;
	s7 =	sadd.s32 s7, s9;
	[dreg:$0x0] =	wrdreg $0x0  }
0xac: {  	s9 =	sshll.u32 s28, $0x1;
	[dreg:$0x2] =	wrdreg s7  }
0xad: {  	[dreg:$0x3] =	wrdreg s9  }
0xae: {  	[dreg:$0x4] =	wrdreg $0xC0  }
0xaf: {  	_ =	task [dreg:s11], $0x5FFFF  }
0xb0: {  	[dreg:$0x1] =	wrdreg $0xFFFFFFFF  }
0xb1: {  	[dreg:$0x0] =	wrdreg $0x60  }
0xb2: {  	[dreg:$0x2] =	wrdreg s24  }
0xb3: {  	[dreg:$0x3] =	wrdreg s2  }
0xb4: {  	[dreg:$0x4] =	wrdreg s18  }
0xb5: {  	[dreg:$0x5] =	wrdreg s4  }
0xb6: {  	[dreg:$0x6] =	wrdreg s5  }
0xb7: {  	[dreg:$0x7] =	wrdreg s6  }
0xb8: {  	[dreg:$0x8] =	wrdreg $0x9  }
0xb9: {  	_ =	task.clear_ibuf [dreg:s11], $0x9FFFF;
	_ =	strace $0x90000046  }
0xba: {  	s29 =	simm.s32 $0x9;
	_ =	strace $0x80000048  }
0xbb: {  	_ =	swait.ge [sflag:s29], $0x1  }
0xbc: {  	[sflag:s29] =	ssyncadd.s32 $0xFFFFFFFF  }
0xbd: {  	_ =	strace $0x90000048  }
0xbe: {  	_ =	sfence  }
0xbf: {  	s30 =	sld [smem:$0x0];
	_ =	sdelay $0x2  }
0xc0: {  	s31 =	sshll.u32 s1, $0xD;
	s1 =	sshrl.u32 s1, $0x2  }
0xc1: {  	s3 =	sand.u32 $0x4000, s31;
	s1 =	sadd.s32 s1, s30  }
0xc2: {  	s0 =	sor.u32 s3, s0;
	s1 =	sshll.u32 s1, $0x11  }
0xc3: {  	s0 =	sor.u32 s1, s0  }
0xc4: {  	s0 =	sadd.s32 $0x8F2B, s0  }
0xc5: {  	[sflag:s0] =	ssyncadd.remote.s32 $0x1  }
0xc6: {  	_ =	sfence.sel $0xFFFF  }
0xc7: {  	[dreg:$0x0] =	wrdreg $0xFFFFFFFF;
	(pc) =	sbr.abs _section_cstart, $3  }
0xc8: {  	[dreg:$0x1] =	wrdreg $0xFFFFFFFF  }
0xc9: {  	_ =	task.clear_ibuf [dreg:s11], $0x2FFFF;
	_ =	strace $0x9FFFFFFF  }
0xca: {  	(tm) =	ssettm $0x7FFFFFFF  }
0xcb: {  	_ =	shalt  }
tec
execute0_lowered:
.L_overlay_start_1:
0x0: {  	(tag) =	ssettag $0x1  }
0x1: {  	v0 =	vimm.s32 $0xBA98FEDC;
	v1 =	vimm.s32 $0x76543210  }
0x2: {  	v2 =	vimm.s32 $0xFEDCBA98;
	v3 =	vimm.s32 $0x32107654;
	v4 =	vimm.s32 $0xDCFE98BA  }
0x3: {  	s0 =	rddreg [dreg:$0x0];
	v5 =	vimm.s32 $0x54761032;
	v6 =	vimm.s32 $0xEFCDAB89;
	v7 =	vimm.s32 $0x67452301  }
0x4: {  	s6 =	rddreg [dreg:$0x1];
	v60 =	vlaneseq.u32;
	v0 =	vunpack.c.l.s4.s8 v0;
	v1 =	vunpack.c.l.s4.s8 v1  }
0x5: {  	s1 =	rddreg [dreg:$0x2];
	v3 =	vunpack.c.l.s4.s8 v3;
	v4 =	vunpack.c.l.s4.s8 v4;
	v5 =	vunpack.c.l.s4.s8 v5  }
0x6: {  	s2 =	srdreg.scid;
	s3 =	stileid.u32;
	v6 =	vunpack.c.l.s4.s8 v6;
	v7 =	vunpack.c.l.s4.s8 v7;
	v2 =	vunpack.c.l.s4.s8 v2  }
0x7: {  	s4 =	simm.s32 $0x0;
	s2 =	sand.u32 $0x1, s2;
	s3 =	sshll.u32 s3, $0x1;
	v61 =	vshrl.u32 v60, $0x3;
	v62 =	vand.u32 $0x7, v60;
	v63 =	vor.u32 $0x8, v60  }
0x8: {  	[smem:$0x7FF] =	sst s4;
	s28 =	sadd.s32 $0x100, s6;
	s29 =	sadd.s32 $0x200, s6;
	v0 =	vunpack.c.0.s8.s32 v0;
	v3 =	vunpack.c.0.s8.s32 v3;
	v4 =	vunpack.c.0.s8.s32 v4  }
0x9: {  	s3 =	sor.u32 s2, s3;
	_ =	strace $0x80000047;
	[dreg:$0xb] =	wrdreg s28;
	v5 =	vunpack.c.0.s8.s32 v5;
	v58 =	vunpack.c.0.s8.s32 v6;
	v59 =	vunpack.c.0.s8.s32 v7  }
0xa: {  	s2 =	ssub.s32 $0x2, s2;
	[dreg:$0xc] =	wrdreg s29;
	s22 =	sshll.u32 s3, $0x8;
	v2 =	vunpack.c.0.s8.s32 v2;
	v1 =	vunpack.c.0.s8.s32 v1;
	v0 =	vcombine.low v3, v0  }
0xb: {  	[tilespmem:$0x1FF90] =	vst v62;
	s5 =	smul.u32 $0xC000, s3;
	s23 =	sshrl.u32 s2, $0x1;
	s24 =	sshll.u32 s3, $0x6;
	v4 =	vcombine.low v5, v4;
	v3 =	vcombine.low v59, v58;
	v5 =	vmul.u32 $0x8, v61  }
0xc: {  	[tilespmem:$0x1FFB0] =	vst v63;
	s3 =	smul.u32 $0x1800, s3;
	s0 =	sadd.s32 s22, s0;
	s2 =	ssub.s32 s2, s23;
	v2 =	vand.u32 $0xF, v2  }
.Ltmp0:
0xd: {  	[dreg:$0x9] =	wrdreg s24;
	s0 =	sadd.s32 $0x400, s0;
	v48 =	vcombine.low v2, v1;
	[tilespmem:$0x1FFA0] =	vst v5;
	v49 =	vand.u32 $0xF, v3;
	(pc) =	sbr.rel .LBB2_1-.Ltmp0, $4  }
0xe: {  	s25 =	sshrl.u32 s5, $0x3;
	s30 =	sadd.s32 s1, s3;
	[dreg:$0xa] =	wrdreg s0;
	[tilespmem:$0x1FFC0] =	vst v49  }
0xf: {  	s31 =	smax.u32 s2, $0x1;
	s26 =	sadd.s32 s1, s25;
	[dreg:$0xe] =	wrdreg s30;
	v50 =	vand.u32 $0xF, v0;
	[tilespmem:$0x1FFD0] =	vst v48  }
0x10: {  	[dreg:$0xf] =	wrdreg s31;
	s0 =	sadd.s32 $0xC00, s26;
	v51 =	vand.u32 $0xF, v4;
	[tilespmem:$0x1FFE0] =	vst v50  }
0x11: {  	vm0 =	vmmov $0xffff;
	s2 =	simm.s32 $0x0;
	[dreg:$0xd] =	wrdreg s0;
	[tilespmem:$0x1FFF0] =	vst v51  }
.LBB2_17:
0x12: {  	s0 =	simm.s32 $0x5  }
0x13: {  	_ =	swait.ge [sflag:s0], $0x3000  }
0x14: {  	[sflag:s0] =	ssyncset.done $0x0  }
0x15: {  	s29 =	simm.s32 $0x6;
	[sflag:s0] =	ssyncadd.s32 $0xFFFFD000  }
0x16: {  	_ =	swait.ge [sflag:s29], $0x3000  }
0x17: {  	[sflag:s29] =	ssyncset.done $0x0  }
0x18: {  	s30 =	simm.s32 $0x7;
	[sflag:s29] =	ssyncadd.s32 $0xFFFFD000  }
0x19: {  	_ =	swait.ge [sflag:s30], $0x3000  }
0x1a: {  	[sflag:s30] =	ssyncset.done $0x0  }
0x1b: {  	s1 =	simm.s32 $0x8;
	[sflag:s30] =	ssyncadd.s32 $0xFFFFD000  }
0x1c: {  	_ =	swait.ge [sflag:s1], $0x3000  }
0x1d: {  	s2 =	rddreg [dreg:$0x10]  }
0x1e: {  	s31 =	rddreg [dreg:$0xf];
	s2 =	sadd.s32 $0x1, s2  }
0x1f: {  	p0 =	sne.s32 s2, s31  }
.Ltmp1:
0x20: {  	_ = 	snop;
	(pc) =	sbr.rel @!p0 .LBB2_18-.Ltmp1, $3  }
0x21: {  	_ =	sdelay $0x1  }
0x22: {  	[sflag:s1] =	ssyncset.done $0x0  }
0x23: {  	[sflag:s1] =	ssyncadd.s32 $0xFFFFD000  }
.LBB2_1:
0x24: {  	[dreg:$0x10] =	wrdreg s2  }
0x25: {  	s1 =	simm.s32 $0x0;
	s0 =	rddreg [dreg:$0xa];
	s4 =	simm.s32 $0xA  }
0x26: {  	[tilespmem:s1], [sflag:$0xA] =	stream.linear.gather [hbm4b:s0+s1], $0x800, $0x38;
	[tilespmem:$0x19E00] =	vst v63  }
0x27: {  	_ =	swait.ge [sflag:s4], $0x800  }
0x28: {  	[sflag:s4] =	ssyncset.done $0x0  }
0x29: {  	[sflag:s4] =	ssyncadd.s32 $0xFFFFF800  }
0x2a: {  	v0 =	vld [tilespmem:$0x0];
	_ =	sdelay $0x3  }
0x2b: {  	v2 =	vld [tilespmem:$0x1FF90]  }
0x2c: {  	v1 =	vshrl.u32 v0, $0x3  }
0x2d: {  	v3 =	vld [tilespmem:$0x1FFA0];
	v1 =	vmul.u32 $0x30, v1  }
0x2e: {  	v0 =	vand.u32 $0x7, v0  }
0x2f: {  	v0 =	vor.u32 v0, v1  }
0x30: {  	v1 =	vperm.xlane v0, v2  }
0x31: {  	v4 =	vld [tilespmem:$0x1FFB0]  }
0x32: {  	v1 =	vadd.s32 v3, v1;
	_ =	sdelay $0x3  }
0x33: {  	s11 =	simm.s32 $0x800;
	s10 =	rddreg [dreg:$0x1];
	v0 =	vperm.xlane v0, v4  }
0x34: {  	[tilespmem:s11], [sflag:$0x1] =	stream.indirect_vreg.gather [hbm4b:s10+s1], $0x80, v1, vm0, $0xb8;
	[tilespmem:$0x19E00] =	vst v63  }
0x35: {  	s3 =	simm.s32 $0x1000;
	s12 =	rddreg [dreg:$0xb];
	v0 =	vadd.s32 v3, v0  }
0x36: {  	[tilespmem:s3], [sflag:$0x1] =	stream.indirect_vreg.gather [hbm4b:s12+s1], $0x80, v1, vm0, $0xb8;
	[tilespmem:$0x19E00] =	vst v63  }
0x37: {  	s5 =	simm.s32 $0x1800;
	s13 =	rddreg [dreg:$0xc]  }
0x38: {  	[tilespmem:s5], [sflag:$0x1] =	stream.indirect_vreg.gather [hbm4b:s13+s1], $0x80, v1, vm0, $0xb8;
	[tilespmem:$0x19E00] =	vst v63  }
0x39: {  	s14 =	simm.s32 $0x2000  }
0x3a: {  	[tilespmem:s14], [sflag:$0x1] =	stream.indirect_vreg.gather [hbm4b:s10+s1], $0x80, v0, vm0, $0xb8;
	[tilespmem:$0x19E00] =	vst v63  }
0x3b: {  	s15 =	simm.s32 $0x2800  }
0x3c: {  	[tilespmem:s15], [sflag:$0x1] =	stream.indirect_vreg.gather [hbm4b:s12+s1], $0x80, v0, vm0, $0xb8;
	[tilespmem:$0x19E00] =	vst v63  }
0x3d: {  	s16 =	simm.s32 $0x3000  }
0x3e: {  	[tilespmem:s16], [sflag:$0x1] =	stream.indirect_vreg.gather [hbm4b:s13+s1], $0x80, v0, vm0, $0xb8;
	[tilespmem:$0x19E00] =	vst v63  }
0x3f: {  	v0 =	vld [tilespmem:$0x80];
	_ =	sdelay $0x4  }
0x40: {  	v63 =	vshrl.u32 v0, $0x3  }
0x41: {  	v1 =	vmul.u32 $0x30, v63  }
0x42: {  	v0 =	vand.u32 $0x7, v0  }
0x43: {  	v0 =	vor.u32 v0, v1  }
0x44: {  	v1 =	vperm.xlane v0, v2;
	_ =	sdelay $0x1  }
0x45: {  	v1 =	vadd.s32 v3, v1;
	_ =	sdelay $0x3  }
0x46: {  	s17 =	simm.s32 $0x3800;
	v0 =	vperm.xlane v0, v4  }
0x47: {  	[tilespmem:s17], [sflag:$0x2] =	stream.indirect_vreg.gather [hbm4b:s10+s1], $0x80, v1, vm0, $0xb8;
	[tilespmem:$0x19E00] =	vst v63  }
0x48: {  	s18 =	simm.s32 $0x4000;
	v0 =	vadd.s32 v3, v0  }
0x49: {  	[tilespmem:s18], [sflag:$0x2] =	stream.indirect_vreg.gather [hbm4b:s12+s1], $0x80, v1, vm0, $0xb8;
	[tilespmem:$0x19E00] =	vst v63  }
0x4a: {  	s19 =	simm.s32 $0x4800  }
0x4b: {  	[tilespmem:s19], [sflag:$0x2] =	stream.indirect_vreg.gather [hbm4b:s13+s1], $0x80, v1, vm0, $0xb8;
	[tilespmem:$0x19E00] =	vst v63  }
0x4c: {  	s20 =	simm.s32 $0x5000  }
0x4d: {  	[tilespmem:s20], [sflag:$0x2] =	stream.indirect_vreg.gather [hbm4b:s10+s1], $0x80, v0, vm0, $0xb8;
	[tilespmem:$0x19E00] =	vst v63  }
0x4e: {  	s21 =	simm.s32 $0x5800  }
0x4f: {  	[tilespmem:s21], [sflag:$0x2] =	stream.indirect_vreg.gather [hbm4b:s12+s1], $0x80, v0, vm0, $0xb8;
	[tilespmem:$0x19E00] =	vst v63  }
0x50: {  	s22 =	simm.s32 $0x6000  }
0x51: {  	[tilespmem:s22], [sflag:$0x2] =	stream.indirect_vreg.gather [hbm4b:s13+s1], $0x80, v0, vm0, $0xb8;
	[tilespmem:$0x19E00] =	vst v63  }
0x52: {  	s24 =	simm.s32 $0x12800;
	s23 =	rddreg [dreg:$0xd]  }
0x53: {  	[tilespmem:s24], [sflag:$0x9] =	stream.linear.gather [hbm4b:s23+s1], $0x6000, $0x38;
	[tilespmem:$0x19E00] =	vst v63  }
0x54: {  	s26 =	simm.s32 $0xC800;
	s25 =	rddreg [dreg:$0xe]  }
0x55: {  	[tilespmem:s26], [sflag:$0xA] =	stream.linear.gather [hbm4b:s25+s1], $0x6000, $0x38;
	[tilespmem:$0x19E00] =	vst v63  }
0x56: {  	_ =	swait.ge [sflag:s4], $0x6000  }
0x57: {  	[sflag:s4] =	ssyncset.done $0x0  }
0x58: {  	[sflag:s4] =	ssyncadd.s32 $0xFFFFA000  }
0x59: {  	s29 =	simm.s32 $0x18800;
	s28 =	rddreg [dreg:$0x3]  }
0x5a: {  	[tilespmem:s29], [sflag:$0xA] =	stream.linear.gather [hbm4b:s28+s1], $0x300, $0x38;
	[tilespmem:$0x19E00] =	vst v63  }
0x5b: {  	_ =	swait.ge [sflag:s4], $0x300  }
0x5c: {  	[sflag:s4] =	ssyncset.done $0x0  }
0x5d: {  	[sflag:s4] =	ssyncadd.s32 $0xFFFFFD00  }
.Ltmp2:
0x5e: {  	s31 =	simm.s32 $0x18B00;
	s30 =	rddreg [dreg:$0x4];
	(pc) =	sbr.rel .LBB2_2-.Ltmp2, $4  }
0x5f: {  	[tilespmem:s31], [sflag:$0xA] =	stream.linear.gather [hbm4b:s30+s1], $0x300, $0x38;
	[tilespmem:$0x19E00] =	vst v63  }
0x60: {  	_ =	swait.ge [sflag:s4], $0x300  }
0x61: {  	[sflag:s4] =	ssyncset.done $0x0  }
0x62: {  	s7 =	simm.s32 $0x0;
	s0 =	simm.s32 $0x0;
	[sflag:s4] =	ssyncadd.s32 $0xFFFFFD00  }
.LBB2_13:
0x63: {  	s2 =	sadd.s32 $0x5, s0  }
0x64: {  	_ =	swait.ge [sflag:s2], $0x3000  }
0x65: {  	s1 =	sshll.u32 s1, $0x7;
	[sflag:s2] =	ssyncset.done $0x0  }
0x66: {  	[sflag:s2] =	ssyncadd.s32 $0xFFFFD000;
	s2 =	sand.u32 $0xE00, s1;
	s1 =	smov.u32 s0  }
.LBB2_15:
0x67: {  	s1 =	sshll.u32 s1, $0x7  }
0x68: {  	s1 =	sand.u32 $0x3FFFFF80, s1  }
0x69: {  	s1 =	sadd.s32 s1, s2  }
0x6a: {  	v0 =	vld [tilespmem:s1+$0x0];
	_ =	sdelay $0x3  }
0x6b: {  	v63 =	vld [tilespmem:$0x1FF90]  }
0x6c: {  	v1 =	vshrl.u32 v0, $0x3  }
0x6d: {  	v2 =	vld [tilespmem:$0x1FFA0];
	v1 =	vmul.u32 $0x30, v1  }
0x6e: {  	v0 =	vand.u32 $0x7, v0  }
0x6f: {  	v0 =	vor.u32 v0, v1  }
0x70: {  	v1 =	vperm.xlane v0, v63  }
0x71: {  	v3 =	vld [tilespmem:$0x1FFB0]  }
0x72: {  	v1 =	vadd.s32 v2, v1  }
0x73: {  	s24 =	smul.u32 $0xC000, s0;
	_ =	sdelay $0x1  }
0x74: {  	s26 =	sadd.s32 $0x1, s0;
	s1 =	sshrl.u32 s24, $0x2  }
0x75: {  	s3 =	rddreg [dreg:$0x1];
	s4 =	simm.s32 $0x0;
	s25 =	sor.u32 $0x800, s1;
	v0 =	vperm.xlane v0, v3  }
0x76: {  	[tilespmem:s25], [sflag:s26] =	stream.indirect_vreg.gather [hbm4b:s3+s4], $0x80, v1, vm0, $0xb8;
	[tilespmem:$0x19E00] =	vst v63  }
0x77: {  	s5 =	rddreg [dreg:$0xb];
	s28 =	sadd.s32 $0x1000, s1;
	v0 =	vadd.s32 v2, v0  }
0x78: {  	[tilespmem:s28], [sflag:s26] =	stream.indirect_vreg.gather [hbm4b:s5+s4], $0x80, v1, vm0, $0xb8;
	[tilespmem:$0x19E00] =	vst v63  }
0x79: {  	s6 =	rddreg [dreg:$0xc];
	s29 =	sadd.s32 $0x1800, s1  }
0x7a: {  	[tilespmem:s29], [sflag:s26] =	stream.indirect_vreg.gather [hbm4b:s6+s4], $0x80, v1, vm0, $0xb8;
	[tilespmem:$0x19E00] =	vst v63  }
0x7b: {  	s30 =	sadd.s32 $0x2000, s1  }
0x7c: {  	[tilespmem:s30], [sflag:s26] =	stream.indirect_vreg.gather [hbm4b:s3+s4], $0x80, v0, vm0, $0xb8;
	[tilespmem:$0x19E00] =	vst v63  }
0x7d: {  	s31 =	sadd.s32 $0x2800, s1  }
0x7e: {  	[tilespmem:s31], [sflag:s26] =	stream.indirect_vreg.gather [hbm4b:s5+s4], $0x80, v0, vm0, $0xb8;
	[tilespmem:$0x19E00] =	vst v63  }
0x7f: {  	s1 =	sadd.s32 $0x3000, s1  }
0x80: {  	[tilespmem:s1], [sflag:s26] =	stream.indirect_vreg.gather [hbm4b:s6+s4], $0x80, v0, vm0, $0xb8;
	[tilespmem:$0x19E00] =	vst v63  }
.LBB2_16:
0x81: {  	s7 =	sadd.s32 $0x1, s7  }
0x82: {  	p0 =	sne.s32 s7, $0x10  }
.Ltmp3:
0x83: {  	_ = 	snop;
	(pc) =	sbr.rel @!p0 .LBB2_17-.Ltmp3, $3  }
0x84: {  	_ =	sdelay $0x1  }
0x85: {  	s0 =	rddreg [dreg:$0x11]  }
0x86: {  	s0 =	sadd.s32 $0x1, s0  }
.LBB2_2:
0x87: {  	s16 =	sand.u32 $0x3, s0  }
0x88: {  	[dreg:$0x11] =	wrdreg s0;
	s15 =	sand.u32 $0x3, s7;
	s0 =	sshll.u32 s16, $0x4  }
0x89: {  	s17 =	sadd.s32 $0x1, s15;
	[dreg:$0x7] =	wrdreg s0  }
0x8a: {  	_ =	swait.ge [sflag:s17], $0x3000  }
0x8b: {  	p0 =	sne.s32 s7, $0x2;
	s2 =	simm.s32 $0x0;
	[sflag:s17] =	ssyncset.done $0x0  }
0x8c: {  	s0 =	simm.s32 @!p0 $0x9;
	[dreg:$0x12] =	wrdreg s7;
	[sflag:s17] =	ssyncadd.s32 $0xFFFFD000  }
0x8d: {  	s2 =	smul.u32 $0x6000, s2;
	_ =	swait.ge @!p0 [sflag:s0], $0x6000  }
0x8e: {  	s16 =	smul.u32 $0x3000, s15;
	s1 =	rddreg [dreg:$0x7]  }
0x8f: {  	s2 =	sshra.s32 s2, $0x2;
	s1 =	sadd.s32 $0x0, s1  }
0x90: {  	s18 =	simm.s32 $0x0;
	s9 =	sadd.s32 s16, s2;
	s1 =	sshrl.u32 s1, $0x3  }
0x91: {  	s2 =	sand.u32 $0x300, s18;
	s3 =	sadd.s32 $0x800, s9;
	s1 =	smul.u32 $0x6000, s1  }
0x92: {  	s19 =	simm.s32 $0x80;
	s20 =	sadd.s32 s2, s3;
	[sflag:s0] =	ssyncset.done @!p0 $0x0  }
0x93: {  	[sflag:s0] =	ssyncadd.s32 @!p0 $0xFFFFA000;
	s0 =	sand.u32 $0x380, s19;
	s4 =	sshra.s32 s1, $0x2  }
0x94: {  	v0 =	vld [tilespmem:s20+$0x0];
	s3 =	sadd.s32 s0, s3;
	s6 =	sadd.s32 $0xC800, s4  }
0x95: {  	v2 =	vld [tilespmem:s3+$0x0];
	s5 =	sor.u32 s2, s6  }
0x96: {  	s6 =	sor.u32 s0, s6;
	v1 =	vld [tilespmem:s5+$0x0]  }
0x97: {  	v3 =	vld [tilespmem:s6+$0x0];
	_ =	sdelay $0x3  }
0x98: {  	v0 =	vadd.f32 v1, v0  }
0x99: {  	v3 =	vadd.f32 v3, v2  }
0x9a: {  	[tilespmem:$0x1FEE0] =	vst v0  }
0x9b: {  	[tilespmem:$0x1FDF0] =	vst v3  }
0x9c: {  	[tilespmem:s20+$0x0] =	vst v0;
	v0 =	vld [tilespmem:s20+$0x10]  }
0x9d: {  	v2 =	vld [tilespmem:s3+$0x10]  }
0x9e: {  	[tilespmem:s3+$0x0] =	vst v3;
	v1 =	vld [tilespmem:s5+$0x10]  }
0x9f: {  	v3 =	vld [tilespmem:s6+$0x10];
	_ =	sdelay $0x3  }
0xa0: {  	v0 =	vadd.f32 v1, v0  }
0xa1: {  	v3 =	vadd.f32 v3, v2  }
0xa2: {  	[tilespmem:$0x1FEF0] =	vst v0  }
0xa3: {  	[tilespmem:$0x1FDE0] =	vst v3  }
0xa4: {  	[tilespmem:s20+$0x10] =	vst v0;
	v0 =	vld [tilespmem:s20+$0x20]  }
0xa5: {  	v1 =	vld [tilespmem:s5+$0x20]  }
0xa6: {  	v2 =	vld [tilespmem:s3+$0x20];
	[tilespmem:s3+$0x10] =	vst v3  }
0xa7: {  	v4 =	vld [tilespmem:s6+$0x20];
	_ =	sdelay $0x2  }
0xa8: {  	v25 =	vadd.f32 v1, v0;
	_ =	sdelay $0x1  }
0xa9: {  	v0 =	vld [tilespmem:s20+$0x30];
	v6 =	vadd.f32 v4, v2;
	[tilespmem:s20+$0x20] =	vst v25  }
0xaa: {  	v1 =	vld [tilespmem:s5+$0x30]  }
0xab: {  	v2 =	vld [tilespmem:s3+$0x30];
	[tilespmem:s3+$0x20] =	vst v6  }
0xac: {  	v4 =	vld [tilespmem:s6+$0x30];
	_ =	sdelay $0x2  }
0xad: {  	v13 =	vadd.f32 v1, v0;
	_ =	sdelay $0x1  }
0xae: {  	v22 =	vadd.f32 v4, v2;
	v0 =	vld [tilespmem:s20+$0x40];
	[tilespmem:s20+$0x30] =	vst v13  }
0xaf: {  	v1 =	vld [tilespmem:s5+$0x40]  }
0xb0: {  	v2 =	vld [tilespmem:s3+$0x40];
	[tilespmem:s3+$0x30] =	vst v22  }
0xb1: {  	v4 =	vld [tilespmem:s6+$0x40];
	_ =	sdelay $0x2  }
0xb2: {  	v10 =	vadd.f32 v1, v0;
	_ =	sdelay $0x1  }
0xb3: {  	v0 =	vld [tilespmem:s20+$0x50];
	v46 =	vadd.f32 v4, v2;
	[tilespmem:s20+$0x40] =	vst v10  }
0xb4: {  	v1 =	vld [tilespmem:s5+$0x50]  }
0xb5: {  	v2 =	vld [tilespmem:s3+$0x50];
	[tilespmem:s3+$0x40] =	vst v46  }
0xb6: {  	v4 =	vld [tilespmem:s6+$0x50];
	_ =	sdelay $0x2  }
0xb7: {  	v23 =	vadd.f32 v1, v0;
	_ =	sdelay $0x1  }
0xb8: {  	v49 =	vadd.f32 v4, v2;
	v0 =	vld [tilespmem:s20+$0x60];
	[tilespmem:s20+$0x50] =	vst v23  }
0xb9: {  	v1 =	vld [tilespmem:s5+$0x60]  }
0xba: {  	v2 =	vld [tilespmem:s3+$0x60];
	[tilespmem:s3+$0x50] =	vst v49  }
0xbb: {  	v4 =	vld [tilespmem:s6+$0x60];
	_ =	sdelay $0x2  }
0xbc: {  	v16 =	vadd.f32 v1, v0;
	_ =	sdelay $0x1  }
0xbd: {  	v43 =	vadd.f32 v4, v2;
	v0 =	vld [tilespmem:s20+$0x70];
	[tilespmem:s20+$0x60] =	vst v16  }
0xbe: {  	v1 =	vld [tilespmem:s5+$0x70]  }
0xbf: {  	v2 =	vld [tilespmem:s3+$0x70];
	[tilespmem:s3+$0x60] =	vst v43  }
0xc0: {  	v4 =	vld [tilespmem:s6+$0x70];
	_ =	sdelay $0x2  }
0xc1: {  	v39 =	vadd.f32 v1, v0;
	_ =	sdelay $0x1  }
0xc2: {  	v0 =	vld [tilespmem:s20+$0x400];
	v52 =	vadd.f32 v4, v2;
	[tilespmem:s20+$0x70] =	vst v39  }
0xc3: {  	v1 =	vld [tilespmem:s5+$0x400]  }
0xc4: {  	v2 =	vld [tilespmem:s3+$0x400];
	[tilespmem:s3+$0x70] =	vst v52  }
0xc5: {  	v4 =	vld [tilespmem:s6+$0x400];
	_ =	sdelay $0x2  }
0xc6: {  	v24 =	vadd.f32 v1, v0;
	_ =	sdelay $0x1  }
0xc7: {  	v17 =	vadd.f32 v4, v2;
	v0 =	vld [tilespmem:s20+$0x410];
	[tilespmem:s20+$0x400] =	vst v24  }
0xc8: {  	v1 =	vld [tilespmem:s5+$0x410]  }
0xc9: {  	v2 =	vld [tilespmem:s3+$0x410];
	[tilespmem:s3+$0x400] =	vst v17  }
0xca: {  	v4 =	vld [tilespmem:s6+$0x410];
	_ =	sdelay $0x2  }
0xcb: {  	v47 =	vadd.f32 v1, v0;
	_ =	sdelay $0x1  }
0xcc: {  	v18 =	vadd.f32 v4, v2;
	v0 =	vld [tilespmem:s20+$0x420];
	[tilespmem:s20+$0x410] =	vst v47  }
0xcd: {  	v1 =	vld [tilespmem:s5+$0x420]  }
0xce: {  	v2 =	vld [tilespmem:s3+$0x420];
	[tilespmem:s3+$0x410] =	vst v18  }
0xcf: {  	v4 =	vld [tilespmem:s6+$0x420];
	_ =	sdelay $0x2  }
0xd0: {  	v28 =	vadd.f32 v1, v0;
	_ =	sdelay $0x1  }
0xd1: {  	v55 =	vadd.f32 v4, v2;
	v0 =	vld [tilespmem:s20+$0x430];
	[tilespmem:s20+$0x420] =	vst v28  }
0xd2: {  	v1 =	vld [tilespmem:s5+$0x430]  }
0xd3: {  	v2 =	vld [tilespmem:s3+$0x430];
	[tilespmem:s3+$0x420] =	vst v55  }
0xd4: {  	v4 =	vld [tilespmem:s6+$0x430];
	_ =	sdelay $0x2  }
0xd5: {  	v56 =	vadd.f32 v1, v0;
	_ =	sdelay $0x1  }
0xd6: {  	v0 =	vld [tilespmem:s20+$0x440];
	v60 =	vadd.f32 v4, v2;
	[tilespmem:s20+$0x430] =	vst v56  }
0xd7: {  	v1 =	vld [tilespmem:s5+$0x440]  }
0xd8: {  	v2 =	vld [tilespmem:s3+$0x440];
	[tilespmem:s3+$0x430] =	vst v60  }
0xd9: {  	v4 =	vld [tilespmem:s6+$0x440];
	_ =	sdelay $0x2  }
0xda: {  	v54 =	vadd.f32 v1, v0;
	_ =	sdelay $0x1  }
0xdb: {  	v44 =	vadd.f32 v4, v2;
	v0 =	vld [tilespmem:s20+$0x450];
	[tilespmem:s20+$0x440] =	vst v54  }
0xdc: {  	v1 =	vld [tilespmem:s5+$0x450]  }
0xdd: {  	v2 =	vld [tilespmem:s3+$0x450];
	[tilespmem:s3+$0x440] =	vst v44  }
0xde: {  	v4 =	vld [tilespmem:s6+$0x450];
	_ =	sdelay $0x2  }
0xdf: {  	v58 =	vadd.f32 v1, v0;
	_ =	sdelay $0x1  }
0xe0: {  	v12 =	vadd.f32 v4, v2;
	v0 =	vld [tilespmem:s20+$0x460];
	[tilespmem:s20+$0x450] =	vst v58  }
0xe1: {  	v1 =	vld [tilespmem:s5+$0x460]  }
0xe2: {  	v2 =	vld [tilespmem:s3+$0x460];
	[tilespmem:s3+$0x450] =	vst v12  }
0xe3: {  	v4 =	vld [tilespmem:s6+$0x460];
	_ =	sdelay $0x2  }
0xe4: {  	v31 =	vadd.f32 v1, v0;
	_ =	sdelay $0x1  }
0xe5: {  	v50 =	vadd.f32 v4, v2;
	v0 =	vld [tilespmem:s20+$0x470];
	[tilespmem:s20+$0x460] =	vst v31  }
0xe6: {  	v1 =	vld [tilespmem:s5+$0x470]  }
0xe7: {  	v2 =	vld [tilespmem:s3+$0x470];
	[tilespmem:s3+$0x460] =	vst v50  }
0xe8: {  	v4 =	vld [tilespmem:s6+$0x470];
	_ =	sdelay $0x2  }
0xe9: {  	s21 =	sadd.s32 $0x1000, s9;
	v42 =	vadd.f32 v1, v0  }
0xea: {  	s12 =	sadd.s32 s0, s21  }
0xeb: {  	s11 =	sadd.s32 s2, s21;
	s22 =	sadd.s32 $0xD000, s4;
	v57 =	vadd.f32 v4, v2;
	v0 =	vld [tilespmem:s12+$0x0];
	[tilespmem:s20+$0x470] =	vst v42  }
0xec: {  	s23 =	sor.u32 s2, s22;
	v1 =	vld [tilespmem:s11+$0x0]  }
0xed: {  	s24 =	sor.u32 s0, s22;
	[tilespmem:s3+$0x470] =	vst v57;
	v2 =	vld [tilespmem:s23+$0x0]  }
0xee: {  	v4 =	vld [tilespmem:s24+$0x0];
	_ =	sdelay $0x4  }
0xef: {  	v33 =	vadd.f32 v2, v1;
	v2 =	vadd.f32 v4, v0;
	_ =	sdelay $0x1  }
0xf0: {  	[tilespmem:$0x1FD90] =	vst v2  }
0xf1: {  	v0 =	vld [tilespmem:s12+$0x10];
	[tilespmem:s12+$0x0] =	vst v2  }
0xf2: {  	v7 =	vld [tilespmem:s24+$0x10];
	_ =	sdelay $0x2  }
0xf3: {  	[tilespmem:s11+$0x0] =	vst v33;
	v1 =	vld [tilespmem:s11+$0x10]  }
0xf4: {  	v4 =	vld [tilespmem:s23+$0x10]  }
0xf5: {  	v2 =	vadd.f32 v7, v0;
	_ =	sdelay $0x1  }
0xf6: {  	[tilespmem:$0x1FD80] =	vst v2  }
0xf7: {  	v0 =	vld [tilespmem:s12+$0x20];
	[tilespmem:s12+$0x10] =	vst v2  }
0xf8: {  	v29 =	vadd.f32 v4, v1;
	v7 =	vld [tilespmem:s24+$0x20];
	_ =	sdelay $0x1  }
0xf9: {  	[tilespmem:s11+$0x10] =	vst v29;
	v1 =	vld [tilespmem:s11+$0x20]  }
0xfa: {  	v4 =	vld [tilespmem:s23+$0x20];
	_ =	sdelay $0x1  }
0xfb: {  	v37 =	vadd.f32 v7, v0;
	_ =	sdelay $0x1  }
0xfc: {  	v0 =	vld [tilespmem:s12+$0x30];
	[tilespmem:s12+$0x20] =	vst v37  }
0xfd: {  	v26 =	vadd.f32 v4, v1;
	v7 =	vld [tilespmem:s24+$0x30];
	_ =	sdelay $0x1  }
0xfe: {  	v1 =	vld [tilespmem:s11+$0x30];
	[tilespmem:s11+$0x20] =	vst v26  }
0xff: {  	v4 =	vld [tilespmem:s23+$0x30];
	_ =	sdelay $0x1  }
0x100: {  	v45 =	vadd.f32 v7, v0;
	_ =	sdelay $0x1  }
0x101: {  	v0 =	vld [tilespmem:s12+$0x40];
	[tilespmem:s12+$0x30] =	vst v45  }
0x102: {  	v40 =	vadd.f32 v4, v1;
	v7 =	vld [tilespmem:s24+$0x40];
	_ =	sdelay $0x1  }
0x103: {  	v1 =	vld [tilespmem:s11+$0x40];
	[tilespmem:s11+$0x30] =	vst v40  }
0x104: {  	v4 =	vld [tilespmem:s23+$0x40];
	_ =	sdelay $0x1  }
0x105: {  	v2 =	vadd.f32 v7, v0;
	_ =	sdelay $0x1  }
0x106: {  	[tilespmem:$0x1FDB0] =	vst v2  }
0x107: {  	v30 =	vadd.f32 v4, v1;
	v0 =	vld [tilespmem:s12+$0x50]  }
0x108: {  	v1 =	vld [tilespmem:s11+$0x50];
	[tilespmem:s12+$0x40] =	vst v2  }
0x109: {  	[tilespmem:s11+$0x40] =	vst v30;
	v7 =	vld [tilespmem:s24+$0x50]  }
0x10a: {  	v4 =	vld [tilespmem:s23+$0x50];
	_ =	sdelay $0x3  }
0x10b: {  	v2 =	vadd.f32 v7, v0  }
0x10c: {  	v41 =	vadd.f32 v4, v1  }
0x10d: {  	[tilespmem:$0x1FDA0] =	vst v2  }
0x10e: {  	[tilespmem:s11+$0x50] =	vst v41;
	v1 =	vld [tilespmem:s11+$0x60]  }
0x10f: {  	v4 =	vld [tilespmem:s23+$0x60];
	_ =	sdelay $0x2  }
0x110: {  	v0 =	vld [tilespmem:s12+$0x60];
	[tilespmem:s12+$0x50] =	vst v2  }
0x111: {  	v7 =	vld [tilespmem:s24+$0x60]  }
0x112: {  	s8 =	simm.s32 $0x0;
	v2 =	vadd.f32 v4, v1  }
0x113: {  	s7 =	smul.u32 $0x6000, s8;
	s25 =	rddreg [dreg:$0x7]  }
0x114: {  	s28 =	simm.s32 $0x180;
	s3 =	sadd.s32 $0x2, s25;
	[tilespmem:$0x1FDD0] =	vst v2  }
0x115: {  	s26 =	sadd.s32 $0x1400, s9;
	s7 =	sshra.s32 s7, $0x2;
	s3 =	sshrl.u32 s3, $0x3;
	[tilespmem:s11+$0x60] =	vst v2;
	v4 =	vld [tilespmem:s11+$0x70]  }
0x116: {  	s10 =	sadd.s32 s0, s26;
	s25 =	sadd.s32 s16, s7;
	s3 =	smul.u32 $0x6000, s3;
	v27 =	vadd.f32 v7, v0;
	v7 =	vld [tilespmem:s23+$0x70]  }
0x117: {  	s13 =	simm.s32 $0x100;
	s22 =	sand.u32 $0x380, s28;
	s8 =	sadd.s32 $0x800, s25;
	v1 =	vld [tilespmem:s10+$0x0]  }
0x118: {  	s1 =	sadd.s32 s22, s8;
	s3 =	sshra.s32 s3, $0x2;
	v0 =	vld [tilespmem:s12+$0x70];
	s23 =	sand.u32 $0x300, s13  }
0x119: {  	v21 =	vld [tilespmem:s1+$0x0];
	s13 =	sadd.s32 $0xC800, s3;
	s5 =	sadd.s32 s23, s8  }
0x11a: {  	s7 =	sor.u32 s23, s13;
	v8 =	vld [tilespmem:s5+$0x0]  }
0x11b: {  	[tilespmem:s12+$0x60] =	vst v27;
	v19 =	vld [tilespmem:s7+$0x0];
	v2 =	vadd.f32 v7, v4  }
0x11c: {  	s6 =	sadd.s32 s2, s26;
	v14 =	vld [tilespmem:s24+$0x70]  }
0x11d: {  	v20 =	vld [tilespmem:s6+$0x10];
	s8 =	sor.u32 s22, s13;
	[tilespmem:$0x1FDC0] =	vst v2  }
0x11e: {  	v4 =	vld [tilespmem:s8+$0x0];
	_ =	sdelay $0x1  }
0x11f: {  	v7 =	vld [tilespmem:s6+$0x0];
	[tilespmem:s11+$0x70] =	vst v2;
	v2 =	vadd.f32 v19, v8;
	_ =	sdelay $0x1  }
0x120: {  	s14 =	sadd.s32 $0xD400, s4;
	[tilespmem:$0x1FF20] =	vst v2  }
0x121: {  	s17 =	sor.u32 s2, s14;
	[tilespmem:s5+$0x0] =	vst v2;
	v2 =	vadd.f32 v4, v21  }
0x122: {  	v19 =	vld [tilespmem:s17+$0x0]  }
0x123: {  	v35 =	vld [tilespmem:s5+$0x10];
	[tilespmem:$0x1FF00] =	vst v2  }
0x124: {  	v4 =	vld [tilespmem:s7+$0x10];
	_ =	sdelay $0x1  }
0x125: {  	v62 =	vadd.f32 v14, v0;
	v0 =	vld [tilespmem:s1+$0x10];
	[tilespmem:s1+$0x0] =	vst v2  }
0x126: {  	v14 =	vld [tilespmem:s8+$0x10]  }
0x127: {  	v51 =	vadd.f32 v19, v7  }
0x128: {  	[tilespmem:s12+$0x70] =	vst v62;
	v2 =	vadd.f32 v4, v35  }
0x129: {  	s18 =	sor.u32 s0, s14;
	[tilespmem:s6+$0x0] =	vst v51  }
0x12a: {  	v7 =	vld [tilespmem:s18+$0x0];
	[tilespmem:$0x1FF30] =	vst v2  }
0x12b: {  	[tilespmem:s5+$0x10] =	vst v2;
	v2 =	vadd.f32 v14, v0  }
0x12c: {  	v4 =	vld [tilespmem:s17+$0x10]  }
0x12d: {  	v19 =	vld [tilespmem:s5+$0x20];
	[tilespmem:$0x1FF10] =	vst v2  }
0x12e: {  	v0 =	vld [tilespmem:s7+$0x20];
	_ =	sdelay $0x2  }
0x12f: {  	v36 =	vadd.f32 v7, v1;
	v14 =	vld [tilespmem:s10+$0x10]  }
0x130: {  	v1 =	vld [tilespmem:s1+$0x20];
	[tilespmem:s1+$0x10] =	vst v2;
	v59 =	vadd.f32 v4, v20  }
0x131: {  	[tilespmem:s10+$0x0] =	vst v36;
	v7 =	vld [tilespmem:s8+$0x20];
	v2 =	vadd.f32 v0, v19  }
0x132: {  	v4 =	vld [tilespmem:s18+$0x10];
	[tilespmem:s6+$0x10] =	vst v59  }
0x133: {  	v20 =	vld [tilespmem:s6+$0x20];
	[tilespmem:$0x1FE80] =	vst v2  }
0x134: {  	v0 =	vld [tilespmem:s17+$0x20]  }
0x135: {  	v53 =	vld [tilespmem:s5+$0x30];
	[tilespmem:s5+$0x20] =	vst v2  }
0x136: {  	v21 =	vadd.f32 v7, v1;
	v1 =	vld [tilespmem:s7+$0x30];
	_ =	sdelay $0x3  }
0x137: {  	v48 =	vadd.f32 v4, v14;
	v4 =	vld [tilespmem:s1+$0x30];
	[tilespmem:s1+$0x20] =	vst v21  }
0x138: {  	v61 =	vadd.f32 v0, v20;
	v0 =	vld [tilespmem:s8+$0x30];
	v2 =	vadd.f32 v1, v53  }
0x139: {  	v7 =	vld [tilespmem:s10+$0x20];
	[tilespmem:s10+$0x10] =	vst v48  }
0x13a: {  	v14 =	vld [tilespmem:s18+$0x20];
	[tilespmem:$0x1FE70] =	vst v2  }
0x13b: {  	v63 =	vmul.f32 v6, v6;
	v35 =	vmul.f32 v22, v22;
	v1 =	vld [tilespmem:s6+$0x30]  }
0x13c: {  	v3 =	vld [tilespmem:s5+$0x40]  }
0x13d: {  	[tilespmem:s6+$0x20] =	vst v61;
	v9 =	vld [tilespmem:s5+$0x50];
	v38 =	vadd.f32 v0, v4;
	v0 =	vadd.f32 v35, v63  }
0x13e: {  	[tilespmem:s5+$0x30] =	vst v2;
	v53 =	vld [tilespmem:s17+$0x30]  }
0x13f: {  	v2 =	vld [tilespmem:s7+$0x40];
	[tilespmem:$0x1FE20] =	vst v0;
	v0 =	vadd.f32 v22, v6;
	_ =	sdelay $0x1  }
0x140: {  	v5 =	vld [tilespmem:s10+$0x30];
	[tilespmem:$0x1FEB0] =	vst v0  }
0x141: {  	[tilespmem:s1+$0x30] =	vst v38;
	v6 =	vld [tilespmem:s1+$0x40]  }
0x142: {  	v15 =	vadd.f32 v53, v1;
	v1 =	vld [tilespmem:s8+$0x40]  }
0x143: {  	v63 =	vadd.f32 v14, v7  }
0x144: {  	v7 =	vmul.f32 v49, v49;
	v14 =	vadd.f32 v49, v46;
	v46 =	vmul.f32 v46, v46  }
0x145: {  	s19 =	sadd.s32 $0x1C00, s9;
	v34 =	vmul.f32 v10, v10;
	v10 =	vadd.f32 v23, v10;
	v23 =	vmul.f32 v23, v23;
	[tilespmem:s10+$0x20] =	vst v63  }
0x146: {  	s21 =	sadd.s32 s0, s19;
	v7 =	vadd.f32 v7, v46;
	v0 =	vld [tilespmem:s18+$0x30]  }
0x147: {  	v46 =	vadd.f32 v23, v34;
	v34 =	vadd.f32 v1, v6;
	v1 =	vld [tilespmem:s21+$0x70]  }
0x148: {  	v49 =	vadd.f32 v2, v3;
	v2 =	vmul.f32 v43, v43;
	v3 =	vmul.f32 v52, v52  }
0x149: {  	v23 =	vadd.f32 v52, v43  }
0x14a: {  	v4 =	vld [tilespmem:s6+$0x40];
	[tilespmem:s6+$0x30] =	vst v15;
	v2 =	vadd.f32 v3, v2  }
0x14b: {  	[tilespmem:s5+$0x40] =	vst v49;
	v3 =	vld [tilespmem:s17+$0x40];
	v11 =	vadd.f32 v0, v5;
	v0 =	vadd.f32 v23, v14  }
0x14c: {  	v43 =	vld [tilespmem:s7+$0x50];
	v53 =	vadd.f32 v2, v7;
	v7 =	vadd.f32 v39, v16;
	[tilespmem:$0x1FD50] =	vst v1  }
0x14d: {  	v5 =	vld [tilespmem:s10+$0x40];
	[tilespmem:$0x1FEC0] =	vst v0  }
0x14e: {  	v2 =	vmul.f32 v16, v16;
	v1 =	vmul.f32 v39, v39;
	v0 =	vadd.f32 v7, v10;
	[tilespmem:s1+$0x40] =	vst v34  }
0x14f: {  	v14 =	vld [tilespmem:s1+$0x50];
	[tilespmem:s10+$0x30] =	vst v11  }
0x150: {  	v1 =	vadd.f32 v1, v2;
	v2 =	vld [tilespmem:s8+$0x50];
	[tilespmem:$0x1FF80] =	vst v0;
	v0 =	vadd.f32 v13, v25  }
0x151: {  	v52 =	vadd.f32 v3, v4;
	v32 =	vadd.f32 v43, v9  }
0x152: {  	v3 =	vmul.f32 v13, v13;
	v9 =	vmul.f32 v25, v25;
	v7 =	vld [tilespmem:s18+$0x40];
	[tilespmem:$0x1FF60] =	vst v0;
	v0 =	vadd.f32 v1, v46  }
0x153: {  	[tilespmem:s6+$0x40] =	vst v52;
	v10 =	vld [tilespmem:s6+$0x50]  }
0x154: {  	v43 =	vld [tilespmem:s17+$0x50];
	[tilespmem:$0x1FD60] =	vst v0;
	v0 =	vadd.f32 v3, v9;
	_ =	sdelay $0x1  }
0x155: {  	[tilespmem:$0x1FF70] =	vst v0  }
0x156: {  	v13 =	vadd.f32 v47, v24;
	[tilespmem:s5+$0x50] =	vst v32;
	v1 =	vld [tilespmem:s5+$0x60]  }
0x157: {  	v25 =	vadd.f32 v56, v28;
	v16 =	vadd.f32 v2, v14;
	v2 =	vld [tilespmem:s7+$0x60]  }
0x158: {  	v39 =	vadd.f32 v7, v5  }
0x159: {  	v24 =	vmul.f32 v24, v24;
	v13 =	vadd.f32 v25, v13;
	v5 =	vmul.f32 v47, v47  }
0x15a: {  	v35 =	vmul.f32 v60, v60;
	v25 =	vadd.f32 v60, v55;
	v14 =	vld [tilespmem:s10+$0x50];
	[tilespmem:s10+$0x40] =	vst v39;
	v60 =	vadd.f32 v43, v10  }
0x15b: {  	v10 =	vmul.f32 v28, v28;
	v28 =	vmul.f32 v56, v56;
	v56 =	vadd.f32 v5, v24;
	v5 =	vld [tilespmem:s18+$0x50]  }
0x15c: {  	v0 =	vadd.f32 v2, v1  }
0x15d: {  	v7 =	vmul.f32 v55, v55;
	[tilespmem:s1+$0x50] =	vst v16;
	v55 =	vld [tilespmem:s1+$0x60]  }
0x15e: {  	v43 =	vld [tilespmem:s8+$0x60];
	[tilespmem:$0x1FE40] =	vst v0  }
0x15f: {  	v6 =	vadd.f32 v58, v54;
	v1 =	vld [tilespmem:s6+$0x60]  }
0x160: {  	v47 =	vmul.f32 v58, v58;
	v24 =	vmul.f32 v54, v54;
	v54 =	vadd.f32 v5, v14;
	[tilespmem:s6+$0x50] =	vst v60;
	v5 =	vld [tilespmem:s5+$0x70]  }
0x161: {  	v7 =	vadd.f32 v35, v7;
	v35 =	vmul.f32 v18, v18;
	v18 =	vadd.f32 v18, v17;
	[tilespmem:s5+$0x60] =	vst v0;
	v58 =	vld [tilespmem:s17+$0x60]  }
0x162: {  	v47 =	vadd.f32 v47, v24;
	v24 =	vmul.f32 v44, v44;
	v14 =	vadd.f32 v12, v44;
	v44 =	vld [tilespmem:s7+$0x70]  }
0x163: {  	v17 =	vmul.f32 v17, v17;
	v18 =	vadd.f32 v25, v18  }
0x164: {  	v25 =	vadd.f32 v57, v50;
	v8 =	vadd.f32 v43, v55;
	v4 =	vld [tilespmem:s10+$0x60]  }
0x165: {  	v46 =	vmul.f32 v57, v57;
	v17 =	vadd.f32 v35, v17;
	v12 =	vmul.f32 v12, v12;
	v3 =	vld [tilespmem:s1+$0x70]  }
0x166: {  	[tilespmem:s1+$0x60] =	vst v8;
	v2 =	vld [tilespmem:s6+$0x70];
	v14 =	vadd.f32 v25, v14;
	v58 =	vadd.f32 v58, v1;
	v1 =	vmul.f32 v50, v50  }
0x167: {  	[tilespmem:s10+$0x50] =	vst v54;
	v12 =	vadd.f32 v12, v24;
	v0 =	vld [tilespmem:s8+$0x70];
	v44 =	vadd.f32 v44, v5  }
0x168: {  	v35 =	vld [tilespmem:s18+$0x60];
	v5 =	vadd.f32 v14, v18;
	v1 =	vadd.f32 v46, v1;
	[tilespmem:s6+$0x60] =	vst v58  }
0x169: {  	v7 =	vadd.f32 v7, v17;
	v17 =	vld [tilespmem:s17+$0x70]  }
0x16a: {  	v14 =	vmul.f32 v31, v31;
	v1 =	vadd.f32 v1, v12;
	v12 =	vld [tilespmem:s5+$0x400];
	[tilespmem:$0x1FED0] =	vst v5;
	v5 =	vmul.f32 v42, v42  }
0x16b: {  	v10 =	vadd.f32 v28, v10  }
0x16c: {  	s26 =	sadd.s32 s2, s19;
	v50 =	vadd.f32 v0, v3;
	v3 =	vadd.f32 v5, v14  }
0x16d: {  	v10 =	vadd.f32 v10, v56;
	v18 =	vadd.f32 v42, v31;
	v24 =	vld [tilespmem:s26+$0x70];
	[tilespmem:s5+$0x70] =	vst v44  }
0x16e: {  	v31 =	vadd.f32 v35, v4;
	[tilespmem:s1+$0x70] =	vst v50;
	v4 =	vld [tilespmem:s7+$0x400];
	v3 =	vadd.f32 v3, v47  }
0x16f: {  	v25 =	vld [tilespmem:s8+$0x400];
	v9 =	vadd.f32 v17, v2  }
0x170: {  	[tilespmem:s10+$0x60] =	vst v31;
	v2 =	vld [tilespmem:s1+$0x400];
	v3 =	vadd.f32 v3, v10  }
0x171: {  	s20 =	sadd.s32 $0x1800, s9;
	v0 =	vld [tilespmem:s10+$0x70];
	[tilespmem:s6+$0x70] =	vst v9  }
0x172: {  	s14 =	sadd.s32 $0xD800, s4;
	s24 =	sadd.s32 s2, s20;
	v6 =	vadd.f32 v18, v6;
	v57 =	vld [tilespmem:s18+$0x70];
	[tilespmem:$0x1FD70] =	vst v3  }
0x173: {  	s12 =	sor.u32 s2, s14;
	v3 =	vld [tilespmem:s24+$0x0]  }
0x174: {  	v17 =	vadd.f32 v6, v13;
	v43 =	vadd.f32 v4, v12;
	v4 =	vld [tilespmem:s12+$0x0]  }
0x175: {  	v13 =	vmul.f32 v45, v45;
	v10 =	vmul.f32 v37, v37;
	v46 =	vadd.f32 v25, v2  }
0x176: {  	v35 =	vadd.f32 v1, v7;
	[tilespmem:s5+$0x400] =	vst v43  }
0x177: {  	v1 =	vmul.f32 v26, v26;
	v7 =	vmul.f32 v40, v40;
	v10 =	vadd.f32 v13, v10;
	v13 =	vld [tilespmem:s5+$0x410];
	[tilespmem:s1+$0x400] =	vst v46  }
0x178: {  	v5 =	vld [tilespmem:$0x1FD90]  }
0x179: {  	v1 =	vadd.f32 v7, v1;
	v56 =	vadd.f32 v4, v3;
	v4 =	vld [tilespmem:$0x1FD80]  }
0x17a: {  	s13 =	sadd.s32 s0, s20;
	v12 =	vadd.f32 v45, v37;
	v45 =	vadd.f32 v57, v0;
	v0 =	vld [tilespmem:s7+$0x410]  }
0x17b: {  	v6 =	vmul.f32 v29, v29;
	v7 =	vadd.f32 v29, v33;
	v29 =	vmul.f32 v33, v33;
	v33 =	vld [tilespmem:s13+$0x0]  }
0x17c: {  	v37 =	vadd.f32 v40, v26;
	v2 =	vld [tilespmem:s1+$0x410]  }
0x17d: {  	s17 =	sor.u32 s0, s14;
	v47 =	vadd.f32 v41, v30;
	v6 =	vadd.f32 v6, v29;
	v29 =	vld [tilespmem:s8+$0x410];
	[tilespmem:s10+$0x70] =	vst v45  }
0x17e: {  	v57 =	vadd.f32 v37, v7;
	v7 =	vld [tilespmem:s17+$0x0];
	[tilespmem:s24+$0x0] =	vst v56;
	v25 =	vmul.f32 v5, v5;
	v3 =	vmul.f32 v4, v4  }
0x17f: {  	v55 =	vmul.f32 v41, v41;
	v41 =	vadd.f32 v0, v13;
	v0 =	vld [tilespmem:$0x1FDB0];
	v4 =	vadd.f32 v4, v5  }
0x180: {  	v3 =	vadd.f32 v3, v25;
	v25 =	vld [tilespmem:s24+$0x10]  }
0x181: {  	v4 =	vadd.f32 v12, v4;
	v12 =	vld [tilespmem:$0x1FDA0];
	[tilespmem:s5+$0x410] =	vst v41  }
0x182: {  	v18 =	vld [tilespmem:$0x1FDC0]  }
0x183: {  	v14 =	vld [tilespmem:$0x1FDD0]  }
0x184: {  	v3 =	vadd.f32 v10, v3;
	v10 =	vld [tilespmem:s12+$0x10]  }
0x185: {  	v22 =	vadd.f32 v59, v51;
	v30 =	vmul.f32 v30, v30;
	v40 =	vadd.f32 v29, v2;
	v2 =	vld [tilespmem:s13+$0x10]  }
0x186: {  	v26 =	vmul.f32 v62, v62;
	v13 =	vadd.f32 v62, v27;
	v29 =	vld [tilespmem:s1+$0x420];
	v5 =	vadd.f32 v1, v6  }
0x187: {  	v27 =	vmul.f32 v27, v27;
	v6 =	vadd.f32 v55, v30;
	v42 =	vadd.f32 v7, v33;
	v33 =	vld [tilespmem:s5+$0x420]  }
0x188: {  	v37 =	vmul.f32 v0, v0;
	[tilespmem:s1+$0x410] =	vst v40;
	v1 =	vmul.f32 v12, v12;
	v12 =	vadd.f32 v12, v0;
	v0 =	vld [tilespmem:s7+$0x420]  }
0x189: {  	[tilespmem:s13+$0x0] =	vst v42;
	v7 =	vmul.f32 v18, v18;
	v30 =	vmul.f32 v14, v14;
	v55 =	vadd.f32 v10, v25;
	v10 =	vld [tilespmem:s8+$0x420]  }
0x18a: {  	v12 =	vadd.f32 v13, v12;
	v25 =	vadd.f32 v26, v27;
	v26 =	vld [tilespmem:s17+$0x10]  }
0x18b: {  	v1 =	vadd.f32 v1, v37;
	v7 =	vadd.f32 v7, v30  }
0x18c: {  	v27 =	vld [tilespmem:s24+$0x20];
	v62 =	vadd.f32 v12, v4;
	[tilespmem:s24+$0x10] =	vst v55;
	v4 =	vmul.f32 v59, v59;
	v12 =	vmul.f32 v51, v51  }
0x18d: {  	v1 =	vadd.f32 v25, v1;
	v25 =	vld [tilespmem:s12+$0x20];
	v13 =	vadd.f32 v0, v33  }
0x18e: {  	v4 =	vadd.f32 v4, v12;
	v51 =	vadd.f32 v10, v29;
	v10 =	vld [tilespmem:s1+$0x430]  }
0x18f: {  	v12 =	vmul.f32 v61, v61;
	v37 =	vadd.f32 v26, v2;
	[tilespmem:s5+$0x420] =	vst v13;
	v26 =	vmul.f32 v15, v15;
	v29 =	vld [tilespmem:s5+$0x430]  }
0x190: {  	v6 =	vadd.f32 v7, v6;
	v19 =	vadd.f32 v1, v3;
	v1 =	vld [tilespmem:s7+$0x430];
	[tilespmem:s1+$0x420] =	vst v51  }
0x191: {  	v61 =	vadd.f32 v15, v61;
	v12 =	vadd.f32 v26, v12;
	v15 =	vld [tilespmem:s8+$0x430]  }
0x192: {  	v26 =	vadd.f32 v6, v5;
	v59 =	vadd.f32 v25, v27  }
0x193: {  	v25 =	vmul.f32 v63, v63;
	v63 =	vadd.f32 v11, v63;
	v11 =	vmul.f32 v11, v11  }
0x194: {  	v0 =	vld [tilespmem:s13+$0x20];
	[tilespmem:s13+$0x10] =	vst v37;
	v6 =	vadd.f32 v18, v14;
	v14 =	vadd.f32 v48, v36  }
0x195: {  	v33 =	vld [tilespmem:s17+$0x20];
	v23 =	vadd.f32 v11, v25;
	v25 =	vmul.f32 v36, v36;
	v36 =	vadd.f32 v1, v29  }
0x196: {  	[tilespmem:s24+$0x20] =	vst v59;
	v10 =	vadd.f32 v15, v10  }
0x197: {  	v5 =	vld [tilespmem:s24+$0x30];
	v27 =	vmul.f32 v48, v48;
	[tilespmem:s5+$0x430] =	vst v36  }
0x198: {  	v28 =	vadd.f32 v12, v4;
	v6 =	vadd.f32 v6, v47;
	v12 =	vld [tilespmem:s12+$0x30];
	[tilespmem:s1+$0x430] =	vst v10  }
0x199: {  	v20 =	vadd.f32 v27, v25;
	v1 =	vld [tilespmem:$0x1FDE0]  }
0x19a: {  	v27 =	vadd.f32 v6, v57;
	v57 =	vadd.f32 v33, v0;
	v0 =	vld [tilespmem:$0x1FDF0];
	_ =	sdelay $0x1  }
0x19b: {  	v3 =	vld [tilespmem:s13+$0x30]  }
0x19c: {  	v2 =	vld [tilespmem:s1+$0x440];
	v6 =	vmul.f32 v21, v21;
	v12 =	vadd.f32 v12, v5;
	v5 =	vmul.f32 v38, v38  }
0x19d: {  	v48 =	vld [tilespmem:s5+$0x440]  }
0x19e: {  	v30 =	vld [tilespmem:s21+$0x60];
	v47 =	vadd.f32 v1, v0;
	v33 =	vmul.f32 v0, v0;
	v0 =	vadd.f32 v5, v6  }
0x19f: {  	v4 =	vadd.f32 v38, v21;
	v25 =	vld [tilespmem:s7+$0x440];
	[tilespmem:s13+$0x20] =	vst v57  }
0x1a0: {  	v29 =	vmul.f32 v1, v1;
	v1 =	vld [tilespmem:s8+$0x440];
	[tilespmem:$0x1FE00] =	vst v0  }
0x1a1: {  	v0 =	vld [tilespmem:s17+$0x30];
	[tilespmem:$0x1FE10] =	vst v4  }
0x1a2: {  	v5 =	vmul.f32 v49, v49;
	v6 =	vmul.f32 v32, v32;
	[tilespmem:s24+$0x30] =	vst v12;
	v38 =	vld [tilespmem:s24+$0x40]  }
0x1a3: {  	v4 =	vld [tilespmem:$0x1FE20]  }
0x1a4: {  	v21 =	vadd.f32 v32, v49;
	v49 =	vadd.f32 v6, v5;
	v5 =	vld [tilespmem:s12+$0x40];
	_ =	sdelay $0x1  }
0x1a5: {  	v29 =	vadd.f32 v29, v33;
	v7 =	vadd.f32 v1, v2;
	_ =	sdelay $0x1  }
0x1a6: {  	v33 =	vadd.f32 v25, v48;
	v32 =	vld [tilespmem:s13+$0x40];
	[tilespmem:s1+$0x440] =	vst v7;
	v6 =	vadd.f32 v4, v29  }
0x1a7: {  	v25 =	vmul.f32 v16, v16;
	v16 =	vadd.f32 v16, v34;
	v2 =	vld [tilespmem:s8+$0x450];
	v11 =	vadd.f32 v5, v38  }
0x1a8: {  	v29 =	vmul.f32 v34, v34;
	v4 =	vld [tilespmem:s1+$0x450];
	v34 =	vadd.f32 v53, v6;
	v6 =	vadd.f32 v0, v3  }
0x1a9: {  	[tilespmem:s5+$0x440] =	vst v33;
	v38 =	vmul.f32 v60, v60;
	v60 =	vadd.f32 v60, v52;
	v52 =	vmul.f32 v52, v52;
	v3 =	vld [tilespmem:s5+$0x450]  }
0x1aa: {  	v5 =	vmul.f32 v8, v8;
	v53 =	vadd.f32 v25, v29;
	v25 =	vmul.f32 v50, v50;
	v29 =	vld [tilespmem:s7+$0x450];
	[tilespmem:s13+$0x30] =	vst v6  }
0x1ab: {  	v22 =	vadd.f32 v61, v22;
	v0 =	vmul.f32 v58, v58;
	v38 =	vadd.f32 v38, v52;
	v1 =	vld [tilespmem:s17+$0x40]  }
0x1ac: {  	v52 =	vld [tilespmem:s13+$0x50];
	v5 =	vadd.f32 v25, v5;
	v25 =	vmul.f32 v9, v9;
	v9 =	vadd.f32 v9, v58  }
0x1ad: {  	[tilespmem:s24+$0x40] =	vst v11;
	v34 =	vadd.f32 v35, v34;
	v58 =	vld [tilespmem:s24+$0x50];
	v35 =	vadd.f32 v2, v4  }
0x1ae: {  	v0 =	vadd.f32 v25, v0;
	v25 =	vld [tilespmem:s12+$0x50];
	v9 =	vadd.f32 v9, v60  }
0x1af: {  	v2 =	vld [tilespmem:s1+$0x460];
	v3 =	vadd.f32 v29, v3;
	[tilespmem:s1+$0x450] =	vst v35  }
0x1b0: {  	v29 =	vadd.f32 v9, v22;
	v22 =	vld [tilespmem:s8+$0x460];
	v32 =	vadd.f32 v1, v32  }
0x1b1: {  	v61 =	vadd.f32 v45, v31;
	[tilespmem:s5+$0x450] =	vst v3;
	v1 =	vld [tilespmem:s5+$0x460]  }
0x1b2: {  	v4 =	vadd.f32 v19, v34;
	v19 =	vadd.f32 v0, v38;
	v0 =	vld [tilespmem:s7+$0x460];
	[tilespmem:s13+$0x40] =	vst v32  }
0x1b3: {  	v31 =	vmul.f32 v31, v31;
	v45 =	vmul.f32 v45, v45;
	v25 =	vadd.f32 v25, v58;
	v58 =	vld [tilespmem:s17+$0x50]  }
0x1b4: {  	v34 =	vmul.f32 v54, v54;
	v38 =	vmul.f32 v39, v39  }
0x1b5: {  	v31 =	vadd.f32 v45, v31;
	v9 =	vadd.f32 v54, v39  }
0x1b6: {  	v34 =	vadd.f32 v34, v38;
	v22 =	vadd.f32 v22, v2  }
0x1b7: {  	[tilespmem:s24+$0x50] =	vst v25;
	v0 =	vadd.f32 v0, v1;
	v1 =	vadd.f32 v23, v20  }
0x1b8: {  	v60 =	vld [tilespmem:s24+$0x60];
	v23 =	vadd.f32 v31, v34;
	[tilespmem:s1+$0x460] =	vst v22;
	v34 =	vadd.f32 v58, v52  }
0x1b9: {  	v14 =	vadd.f32 v63, v14;
	v9 =	vadd.f32 v61, v9;
	v61 =	vld [tilespmem:s12+$0x60];
	[tilespmem:s5+$0x460] =	vst v0  }
0x1ba: {  	v63 =	vld [tilespmem:s13+$0x60];
	[tilespmem:s13+$0x50] =	vst v34  }
0x1bb: {  	v2 =	vadd.f32 v9, v14;
	v14 =	vadd.f32 v50, v8;
	v8 =	vld [tilespmem:$0x1FE40]  }
0x1bc: {  	v20 =	vld [tilespmem:s1+$0x470]  }
0x1bd: {  	v5 =	vadd.f32 v5, v53;
	v1 =	vadd.f32 v23, v1;
	v23 =	vld [tilespmem:s8+$0x470]  }
0x1be: {  	v52 =	vld [tilespmem:s5+$0x470];
	v38 =	vadd.f32 v61, v60  }
0x1bf: {  	v9 =	vld [tilespmem:s7+$0x470];
	v1 =	vadd.f32 v1, v4;
	v4 =	vadd.f32 v14, v16;
	[tilespmem:$0x1FE30] =	vst v5  }
0x1c0: {  	v31 =	vadd.f32 v19, v28;
	v28 =	vmul.f32 v44, v44;
	v5 =	vld [tilespmem:s17+$0x60];
	[tilespmem:s24+$0x60] =	vst v38;
	v44 =	vadd.f32 v44, v8  }
0x1c1: {  	v60 =	vld [tilespmem:s24+$0x70];
	[tilespmem:$0x1FE50] =	vst v4  }
0x1c2: {  	v4 =	vld [tilespmem:s12+$0x70];
	v14 =	vadd.f32 v44, v21  }
0x1c3: {  	v58 =	vmul.f32 v8, v8;
	v8 =	vld [tilespmem:$0x1FE80]  }
0x1c4: {  	[tilespmem:$0x1FE60] =	vst v14;
	v14 =	vld [tilespmem:$0x1FE70];
	_ =	sdelay $0x4  }
0x1c5: {  	v61 =	vmul.f32 v8, v8;
	v21 =	vmul.f32 v14, v14;
	v14 =	vadd.f32 v14, v8;
	_ =	sdelay $0x1  }
0x1c6: {  	[tilespmem:$0x1FE90] =	vst v14;
	v14 =	vadd.f32 v21, v61;
	_ =	sdelay $0x1  }
0x1c7: {  	s18 =	sadd.s32 $0x1000, s25;
	v9 =	vadd.f32 v9, v52;
	[tilespmem:$0x1FEA0] =	vst v14  }
0x1c8: {  	s9 =	sadd.s32 s22, s18;
	v28 =	vadd.f32 v28, v58;
	v21 =	vadd.f32 v23, v20;
	v23 =	vld [tilespmem:s13+$0x70]  }
0x1c9: {  	s19 =	sadd.s32 $0xD000, s3;
	s10 =	sadd.s32 s23, s18;
	v39 =	vadd.f32 v4, v60;
	v4 =	vadd.f32 v41, v43;
	[tilespmem:s5+$0x470] =	vst v9;
	v44 =	vld [tilespmem:s9+$0x0]  }
0x1ca: {  	s7 =	sor.u32 s23, s19;
	v28 =	vadd.f32 v28, v49;
	v20 =	vadd.f32 v5, v63;
	v45 =	vld [tilespmem:s10+$0x0]  }
0x1cb: {  	v49 =	vadd.f32 v10, v51;
	v5 =	vadd.f32 v36, v13;
	v63 =	vmul.f32 v51, v51;
	[tilespmem:s1+$0x470] =	vst v21;
	s5 =	sor.u32 s22, s19;
	v51 =	vld [tilespmem:s7+$0x0]  }
0x1cc: {  	v58 =	vmul.f32 v10, v10;
	[tilespmem:s13+$0x60] =	vst v20;
	v52 =	vld [tilespmem:s5+$0x0]  }
0x1cd: {  	s4 =	sadd.s32 $0xDC00, s4;
	v10 =	vadd.f32 v5, v4;
	v4 =	vmul.f32 v59, v59;
	v5 =	vmul.f32 v12, v12;
	[tilespmem:s24+$0x70] =	vst v39;
	v50 =	vld [tilespmem:s17+$0x70]  }
0x1ce: {  	v48 =	vadd.f32 v58, v63;
	s1 =	sor.u32 s2, s4;
	v60 =	vld [tilespmem:s26+$0x0]  }
0x1cf: {  	v53 =	vadd.f32 v5, v4;
	v4 =	vmul.f32 v57, v57;
	v5 =	vmul.f32 v6, v6;
	v63 =	vld [tilespmem:s1+$0x0]  }
0x1d0: {  	v61 =	vmul.f32 v43, v43  }
0x1d1: {  	v43 =	vmul.f32 v40, v40;
	v12 =	vadd.f32 v12, v59;
	v58 =	vadd.f32 v5, v4;
	v4 =	vld [tilespmem:$0x1FEB0]  }
0x1d2: {  	v57 =	vadd.f32 v6, v57;
	v6 =	vmul.f32 v41, v41;
	v5 =	vmul.f32 v13, v13  }
0x1d3: {  	v13 =	vmul.f32 v36, v36;
	v45 =	vadd.f32 v51, v45;
	v44 =	vadd.f32 v52, v44  }
0x1d4: {  	v23 =	vadd.f32 v50, v23;
	v41 =	vadd.f32 v63, v60;
	v60 =	vmul.f32 v33, v33  }
0x1d5: {  	v36 =	vld [tilespmem:s10+$0x10];
	v51 =	vadd.f32 v3, v33;
	v3 =	vmul.f32 v3, v3;
	v50 =	vadd.f32 v35, v7  }
0x1d6: {  	v63 =	vmul.f32 v46, v46;
	v59 =	vadd.f32 v4, v47;
	v4 =	vadd.f32 v6, v61;
	v6 =	vld [tilespmem:$0x1FEC0];
	[tilespmem:s10+$0x0] =	vst v45  }
0x1d7: {  	v7 =	vmul.f32 v7, v7;
	v47 =	vadd.f32 v3, v60;
	v60 =	vmul.f32 v35, v35;
	v61 =	vld [tilespmem:s7+$0x10]  }
0x1d8: {  	v40 =	vadd.f32 v40, v46;
	v5 =	vadd.f32 v13, v5;
	v13 =	vld [tilespmem:s9+$0x10]  }
0x1d9: {  	v46 =	vld [tilespmem:s21+$0x0];
	[tilespmem:s9+$0x0] =	vst v44;
	v3 =	vadd.f32 v43, v63;
	v7 =	vadd.f32 v60, v7  }
0x1da: {  	s2 =	sor.u32 s0, s4;
	[tilespmem:s13+$0x70] =	vst v23;
	v54 =	vld [tilespmem:s5+$0x10];
	v60 =	vmul.f32 v22, v22;
	v22 =	vadd.f32 v21, v22;
	v21 =	vmul.f32 v21, v21  }
0x1db: {  	v40 =	vadd.f32 v49, v40;
	v43 =	vld [tilespmem:s2+$0x0];
	v48 =	vadd.f32 v48, v3  }
0x1dc: {  	v49 =	vld [tilespmem:s26+$0x10];
	v21 =	vadd.f32 v21, v60;
	v60 =	vmul.f32 v38, v38;
	v3 =	vadd.f32 v61, v36  }
0x1dd: {  	[tilespmem:s26+$0x0] =	vst v41;
	v63 =	vld [tilespmem:s10+$0x20];
	v61 =	vmul.f32 v37, v37;
	v37 =	vadd.f32 v37, v42;
	v42 =	vmul.f32 v42, v42  }
0x1de: {  	v38 =	vadd.f32 v39, v38;
	v39 =	vmul.f32 v39, v39;
	v6 =	vadd.f32 v6, v59;
	v36 =	vld [tilespmem:s1+$0x10]  }
0x1df: {  	v59 =	vmul.f32 v32, v32;
	v33 =	vadd.f32 v54, v13;
	[tilespmem:s10+$0x10] =	vst v3;
	v35 =	vadd.f32 v61, v42;
	v42 =	vld [tilespmem:s9+$0x20]  }
0x1e0: {  	v32 =	vadd.f32 v34, v32;
	v34 =	vmul.f32 v34, v34;
	v46 =	vadd.f32 v43, v46;
	v8 =	vld [tilespmem:$0x1FED0]  }
0x1e1: {  	v39 =	vadd.f32 v39, v60;
	v60 =	vadd.f32 v23, v20;
	v13 =	vld [tilespmem:s7+$0x20];
	[tilespmem:s9+$0x10] =	vst v33  }
0x1e2: {  	v43 =	vmul.f32 v55, v55;
	v34 =	vadd.f32 v34, v59;
	v54 =	vadd.f32 v58, v35;
	v35 =	vld [tilespmem:s5+$0x20]  }
0x1e3: {  	v61 =	vadd.f32 v55, v56;
	v55 =	vmul.f32 v25, v25;
	v25 =	vadd.f32 v25, v11  }
0x1e4: {  	v56 =	vmul.f32 v56, v56;
	v37 =	vadd.f32 v57, v37;
	v32 =	vadd.f32 v60, v32;
	v58 =	vld [tilespmem:s26+$0x20]  }
0x1e5: {  	v11 =	vmul.f32 v11, v11;
	[tilespmem:s21+$0x0] =	vst v46;
	v52 =	vadd.f32 v8, v6;
	v6 =	vadd.f32 v36, v49;
	v49 =	vld [tilespmem:s21+$0x10]  }
0x1e6: {  	v43 =	vadd.f32 v43, v56;
	v36 =	vld [tilespmem:s2+$0x10];
	v13 =	vadd.f32 v13, v63  }
0x1e7: {  	v20 =	vmul.f32 v20, v20;
	v11 =	vadd.f32 v55, v11;
	v55 =	vld [tilespmem:s10+$0x30];
	v56 =	vadd.f32 v35, v42;
	[tilespmem:s26+$0x10] =	vst v6  }
0x1e8: {  	v23 =	vmul.f32 v23, v23;
	v12 =	vadd.f32 v12, v61;
	v25 =	vadd.f32 v38, v25;
	[tilespmem:s10+$0x20] =	vst v13;
	v59 =	vld [tilespmem:s1+$0x20]  }
0x1e9: {  	v11 =	vadd.f32 v39, v11;
	v42 =	vadd.f32 v53, v43;
	v63 =	vld [tilespmem:s7+$0x30];
	[tilespmem:s9+$0x20] =	vst v56  }
0x1ea: {  	v43 =	vadd.f32 v25, v12;
	v12 =	vadd.f32 v23, v20;
	v61 =	vld [tilespmem:s5+$0x30]  }
0x1eb: {  	v52 =	vadd.f32 v62, v52;
	v38 =	vadd.f32 v36, v49;
	v36 =	vld [tilespmem:s9+$0x30]  }
0x1ec: {  	v42 =	vadd.f32 v11, v42;
	v11 =	vadd.f32 v12, v34;
	v12 =	vld [tilespmem:s10+$0x40]  }
0x1ed: {  	v23 =	vadd.f32 v32, v37;
	v49 =	vld [tilespmem:s21+$0x20];
	[tilespmem:s21+$0x10] =	vst v38;
	v39 =	vadd.f32 v59, v58  }
0x1ee: {  	v2 =	vadd.f32 v2, v52;
	v62 =	vld [tilespmem:s2+$0x20];
	v55 =	vadd.f32 v63, v55  }
0x1ef: {  	v11 =	vadd.f32 v11, v54;
	v63 =	vld [tilespmem:s26+$0x30];
	[tilespmem:s26+$0x20] =	vst v39  }
0x1f0: {  	v35 =	vadd.f32 v23, v2;
	[tilespmem:s10+$0x30] =	vst v55;
	v2 =	vadd.f32 v61, v36;
	v20 =	vld [tilespmem:s1+$0x30]  }
0x1f1: {  	v25 =	vld [tilespmem:s7+$0x40]  }
0x1f2: {  	v59 =	vld [tilespmem:s9+$0x40];
	v36 =	vadd.f32 v11, v1;
	v1 =	vmul.f32 v0, v0;
	v0 =	vadd.f32 v9, v0;
	[tilespmem:s9+$0x30] =	vst v2  }
0x1f3: {  	v7 =	vadd.f32 v21, v7;
	v11 =	vld [tilespmem:s5+$0x40]  }
0x1f4: {  	v21 =	vld [tilespmem:s26+$0x40];
	v0 =	vadd.f32 v0, v51;
	v34 =	vadd.f32 v62, v49  }
0x1f5: {  	v53 =	vld [tilespmem:s21+$0x30];
	v20 =	vadd.f32 v20, v63  }
0x1f6: {  	v37 =	vadd.f32 v0, v10;
	v0 =	vld [tilespmem:s10+$0x50];
	[tilespmem:s21+$0x20] =	vst v34;
	v63 =	vadd.f32 v25, v12  }
0x1f7: {  	v4 =	vadd.f32 v5, v4;
	v22 =	vadd.f32 v22, v50;
	v52 =	vmul.f32 v9, v9;
	v9 =	vld [tilespmem:s2+$0x30];
	[tilespmem:s26+$0x30] =	vst v20  }
0x1f8: {  	v32 =	vadd.f32 v7, v48;
	[tilespmem:s10+$0x40] =	vst v63;
	v49 =	vadd.f32 v11, v59;
	v7 =	vld [tilespmem:s1+$0x40]  }
0x1f9: {  	v5 =	vmul.f32 v46, v46;
	v23 =	vadd.f32 v22, v40;
	v22 =	vmul.f32 v38, v38;
	v11 =	vld [tilespmem:s7+$0x50]  }
0x1fa: {  	v12 =	vld [tilespmem:s9+$0x50];
	[tilespmem:s9+$0x40] =	vst v49  }
0x1fb: {  	v5 =	vadd.f32 v22, v5;
	v22 =	vld [tilespmem:s5+$0x50]  }
0x1fc: {  	v9 =	vadd.f32 v9, v53  }
0x1fd: {  	v62 =	vadd.f32 v7, v21  }
0x1fe: {  	[tilespmem:s21+$0x30] =	vst v9;
	v0 =	vadd.f32 v11, v0  }
0x1ff: {  	v10 =	vadd.f32 v38, v46;
	v25 =	vld [tilespmem:s21+$0x40];
	v53 =	vadd.f32 v2, v56;
	[tilespmem:s26+$0x40] =	vst v62  }
0x200: {  	v7 =	vmul.f32 v56, v56;
	v21 =	vmul.f32 v2, v2;
	v2 =	vld [tilespmem:s2+$0x40];
	v46 =	vadd.f32 v22, v12;
	[tilespmem:s10+$0x50] =	vst v0  }
0x201: {  	v60 =	vadd.f32 v20, v39;
	v15 =	vld [tilespmem:$0x1FEE0]  }
0x202: {  	v20 =	vmul.f32 v20, v20;
	v59 =	vadd.f32 v21, v7;
	v7 =	vmul.f32 v39, v39;
	v14 =	vld [tilespmem:$0x1FEF0];
	[tilespmem:s9+$0x50] =	vst v46  }
0x203: {  	v8 =	vld [tilespmem:$0x1FF00]  }
0x204: {  	v58 =	vadd.f32 v20, v7;
	v7 =	vld [tilespmem:$0x1FF10]  }
0x205: {  	v21 =	vmul.f32 v9, v9  }
0x206: {  	v1 =	vadd.f32 v52, v1  }
0x207: {  	v11 =	vmul.f32 v34, v34  }
0x208: {  	v1 =	vadd.f32 v1, v47;
	v51 =	vadd.f32 v2, v25;
	v2 =	vld [tilespmem:$0x1FF20]  }
0x209: {  	v11 =	vadd.f32 v21, v11;
	v21 =	vmov v8;
	v22 =	vadd.f32 v7, v8;
	v8 =	vld [tilespmem:$0x1FF30]  }
0x20a: {  	v38 =	vadd.f32 v1, v4;
	v1 =	vmul.f32 v13, v13;
	v4 =	vmul.f32 v55, v55  }
0x20b: {  	v61 =	vld [tilespmem:s10+$0x60]  }
0x20c: {  	v1 =	vadd.f32 v4, v1;
	v4 =	vadd.f32 v55, v13;
	v13 =	vld [tilespmem:s26+$0x50]  }
0x20d: {  	v9 =	vadd.f32 v9, v34;
	v54 =	vld [tilespmem:s1+$0x50]  }
0x20e: {  	v12 =	vld [tilespmem:s9+$0x60];
	v20 =	vmov v2;
	v2 =	vadd.f32 v8, v2  }
0x20f: {  	v48 =	vadd.f32 v9, v10;
	v9 =	vld [tilespmem:s7+$0x60]  }
0x210: {  	v47 =	vadd.f32 v11, v5;
	v5 =	vld [tilespmem:s5+$0x60];
	[tilespmem:$0x1FF40] =	vst v2;
	v2 =	vmul.f32 v8, v8;
	_ =	sdelay $0x1  }
0x211: {  	v13 =	vadd.f32 v54, v13;
	v25 =	vmul.f32 v7, v7;
	v7 =	vld [tilespmem:s21+$0x50];
	[tilespmem:$0x1FF50] =	vst v2  }
0x212: {  	[tilespmem:s21+$0x40] =	vst v51  }
0x213: {  	v2 =	vld [tilespmem:$0x1FF60];
	[tilespmem:s26+$0x50] =	vst v13  }
0x214: {  	v8 =	vld [tilespmem:$0x1FF70]  }
0x215: {  	v55 =	vadd.f32 v14, v15;
	v14 =	vmul.f32 v14, v14;
	v10 =	vmul.f32 v15, v15  }
0x216: {  	v54 =	vadd.f32 v5, v12;
	v5 =	vld [tilespmem:$0x1FF80]  }
0x217: {  	s20 =	sor.u32 $0x800, s16;
	v40 =	vadd.f32 v9, v61;
	v10 =	vadd.f32 v14, v10;
	v9 =	vld [tilespmem:s2+$0x50];
	[dreg:$0x8] =	wrdreg s16  }
0x218: {  	v50 =	vadd.f32 v33, v44;
	[dreg:$0x14] =	wrdreg s20  }
0x219: {  	s24 =	sshll.u32 s15, $0x4;
	v11 =	vadd.f32 v2, v55;
	v55 =	vadd.f32 v8, v10;
	v10 =	vld [tilespmem:s26+$0x60];
	[dreg:$0x13] =	wrdreg s15  }
0x21a: {  	s13 =	sadd.s32 $0x1400, s25;
	v57 =	vmul.f32 v6, v6;
	v52 =	vadd.f32 v6, v41;
	v6 =	vmul.f32 v0, v0;
	[dreg:$0x15] =	wrdreg s24  }
0x21b: {  	s29 =	simm.s32 $0x18E80;
	v39 =	vadd.f32 v0, v63;
	v56 =	vmul.f32 v46, v46;
	s20 =	sadd.s32 s22, s13;
	v12 =	vadd.f32 v5, v11;
	v11 =	vld [tilespmem:s1+$0x60]  }
0x21c: {  	s30 =	simm.s32 $0x19680;
	s31 =	sadd.s32 $0xDC00, s3;
	s11 =	sadd.s32 $0x1C00, s25;
	v0 =	vadd.f32 v46, v49;
	v61 =	vmul.f32 v33, v33;
	v33 =	vadd.f32 v13, v62;
	v34 =	vld [tilespmem:s20+$0x0]  }
0x21d: {  	s8 =	sadd.s32 $0xD800, s3;
	s12 =	sadd.s32 $0xD400, s3;
	s4 =	simm.s32 $0x4;
	v2 =	vmul.f32 v3, v3;
	v3 =	vadd.f32 v3, v45;
	v5 =	vmul.f32 v13, v13;
	v13 =	vld [tilespmem:s9+$0x70]  }
.LBB2_3:
0x21e: {  	v46 =	vld [tilespmem:s10+$0x70]  }
0x21f: {  	v8 =	vld [tilespmem:$0x1FD60]  }
0x220: {  	[tilespmem:s10+$0x60] =	vst v40;
	v16 =	vld [tilespmem:$0x1FFD0]  }
0x221: {  	v45 =	vmul.f32 v45, v45;
	[tilespmem:s9+$0x60] =	vst v54;
	v14 =	vld [tilespmem:s7+$0x70]  }
0x222: {  	v15 =	vld [tilespmem:s5+$0x70];
	v7 =	vadd.f32 v9, v7  }
0x223: {  	s3 =	sshrl.u32 s4, $0x3;
	s6 =	rddreg [dreg:$0x7];
	v10 =	vadd.f32 v11, v10;
	v11 =	vadd.f32 v2, v45;
	v2 =	vld [tilespmem:$0x1FD70]  }
0x224: {  	s14 =	smov.u32 s4;
	s0 =	sadd.s32 $0x2, s4;
	s3 =	smul.u32 $0x6000, s3;
	v12 =	vadd.f32 v17, v12;
	v17 =	vld [tilespmem:$0x1FFE0];
	v55 =	vadd.f32 v8, v55;
	v8 =	vmov v37;
	[tilespmem:s21+$0x50] =	vst v7  }
0x225: {  	p0 =	slt.u32 s4, $0xE;
	s28 =	sadd.s32 $0x100, s28;
	v18 =	vmul.f32 v63, v63;
	s19 =	sadd.s32 s14, s6;
	[tilespmem:$0x1FD40] =	vst v8;
	v8 =	vld [tilespmem:$0x1FD50]  }
0x226: {  	s24 =	rddreg [dreg:$0x8];
	v52 =	vadd.f32 v60, v52;
	s4 =	sshrl.u32 s19, $0x3;
	s3 =	sshra.s32 s3, $0x2;
	v12 =	vadd.f32 v27, v12;
	[tilespmem:s26+$0x60] =	vst v10;
	v63 =	vld [tilespmem:s2+$0x60]  }
0x227: {  	s6 =	sadd.s32 s23, s13;
	s14 =	smul.u32 $0x6000, s4;
	s16 =	sadd.s32 s24, s3;
	v27 =	vadd.f32 v1, v11;
	v11 =	vadd.f32 v6, v18;
	v1 =	vmov v38;
	v6 =	vld [tilespmem:s1+$0x70]  }
0x228: {  	s7 =	sadd.s32 $0xFFFFFF80, s28;
	s3 =	sand.u32 $0x380, s28;
	s13 =	sadd.s32 $0x800, s16;
	v13 =	vadd.f32 v15, v13;
	v18 =	vld [tilespmem:$0x1FFF0];
	[tilespmem:$0x1FD70] =	vst v1;
	v45 =	vadd.f32 v2, v55;
	v2 =	vmov v28  }
0x229: {  	s4 =	sand.u32 $0x300, s7;
	s14 =	sshra.s32 s14, $0x2;
	s15 =	sadd.s32 s3, s13;
	v1 =	vadd.f32 v14, v46;
	v14 =	vld [tilespmem:s6+$0x0];
	[tilespmem:$0x1FD60] =	vst v2;
	v2 =	vadd.f32 v4, v3;
	v4 =	vmul.f32 v44, v44  }
0x22a: {  	s7 =	sadd.s32 s4, s13;
	s24 =	sadd.s32 $0xC800, s14;
	v37 =	vld [tilespmem:s15+$0x0];
	v12 =	vadd.f32 v29, v12;
	v15 =	vadd.f32 v26, v45  }
0x22b: {  	v29 =	vld [tilespmem:s7+$0x400];
	[tilespmem:s10+$0x70] =	vst v1;
	s10 =	sor.u32 s4, s24;
	v4 =	vadd.f32 v61, v4;
	v45 =	vadd.f32 v63, v30  }
0x22c: {  	[tilespmem:s9+$0x70] =	vst v13;
	v46 =	vadd.f32 v13, v54;
	v61 =	vmul.f32 v41, v41;
	v63 =	vld [tilespmem:s10+$0x0];
	v6 =	vadd.f32 v6, v24  }
0x22d: {  	s9 =	sor.u32 s3, s24;
	v15 =	vadd.f32 v31, v15;
	v31 =	vmul.f32 v62, v62;
	v26 =	vadd.f32 v59, v4;
	v4 =	vld [tilespmem:s7+$0x0];
	[tilespmem:s21+$0x60] =	vst v45  }
0x22e: {  	v38 =	vadd.f32 v57, v61;
	v57 =	vmul.f32 v10, v10;
	v59 =	vmul.f32 v6, v6;
	v24 =	vld [tilespmem:s9+$0x0]  }
0x22f: {  	v28 =	vld [tilespmem:s15+$0x10];
	v30 =	vadd.f32 v53, v50;
	v10 =	vadd.f32 v6, v10  }
0x230: {  	v3 =	vld [tilespmem:s6+$0x10];
	[tilespmem:s26+$0x70] =	vst v6;
	s26 =	sor.u32 s23, s12;
	v5 =	vadd.f32 v5, v31;
	v50 =	vadd.f32 v59, v57  }
0x231: {  	v60 =	vld [tilespmem:s26+$0x0];
	v10 =	vadd.f32 v10, v33;
	v61 =	vadd.f32 v58, v38  }
0x232: {  	v41 =	vld [tilespmem:s15+$0x20];
	v5 =	vadd.f32 v50, v5;
	v33 =	vadd.f32 v63, v4  }
0x233: {  	v62 =	vadd.f32 v43, v12;
	v43 =	vld [tilespmem:s20+$0x10];
	v4 =	vadd.f32 v24, v37  }
0x234: {  	v15 =	vadd.f32 v42, v15;
	v24 =	vld [tilespmem:s7+$0x10];
	v5 =	vadd.f32 v5, v61;
	[tilespmem:s7+$0x0] =	vst v33  }
0x235: {  	v13 =	vmul.f32 v13, v13;
	v0 =	vadd.f32 v46, v0;
	v10 =	vadd.f32 v10, v52;
	v63 =	vld [tilespmem:s10+$0x10];
	[tilespmem:s15+$0x0] =	vst v4  }
0x236: {  	s24 =	sor.u32 s22, s12;
	v12 =	vadd.f32 v60, v14;
	v14 =	vmul.f32 v54, v54;
	v15 =	vadd.f32 v5, v15;
	v53 =	vld [tilespmem:s9+$0x10]  }
0x237: {  	v44 =	vmul.f32 v1, v1;
	v52 =	vmul.f32 v40, v40;
	v10 =	vadd.f32 v10, v62;
	v58 =	vld [tilespmem:s24+$0x0]  }
0x238: {  	v37 =	vadd.f32 v0, v30;
	v13 =	vadd.f32 v13, v14;
	v14 =	vld [tilespmem:s2+$0x70];
	v0 =	vperm.xlane v15, v16  }
0x239: {  	v6 =	vld [tilespmem:s7+$0x30];
	[tilespmem:s6+$0x0] =	vst v12;
	v5 =	vperm.xlane v10, v16  }
0x23a: {  	v44 =	vadd.f32 v44, v52;
	v59 =	vld [tilespmem:s26+$0x10];
	v0 =	vadd.f32 v0, v15  }
0x23b: {  	v9 =	vmul.f32 v7, v7;
	v31 =	vld [tilespmem:s7+$0x50];
	v30 =	vadd.f32 v63, v24;
	v24 =	vadd.f32 v10, v5  }
0x23c: {  	v57 =	vmul.f32 v49, v49;
	v15 =	vld [tilespmem:s7+$0x20];
	v10 =	vadd.f32 v44, v11;
	v5 =	vadd.f32 v53, v28  }
0x23d: {  	v11 =	vadd.f32 v58, v34;
	v14 =	vadd.f32 v14, v8;
	v8 =	vld [tilespmem:$0x1FFC0];
	[tilespmem:s7+$0x10] =	vst v30;
	v28 =	vperm.xlane v24, v17  }
0x23e: {  	v7 =	vadd.f32 v7, v51;
	v49 =	vadd.f32 v56, v57;
	v61 =	vmul.f32 v51, v51;
	v34 =	vld [tilespmem:s10+$0x20];
	[tilespmem:s15+$0x10] =	vst v5  }
0x23f: {  	v60 =	vperm.xlane v0, v17;
	v46 =	vadd.f32 v59, v3;
	v62 =	vld [tilespmem:s9+$0x20];
	[tilespmem:s20+$0x0] =	vst v11;
	v3 =	vadd.f32 v24, v28  }
0x240: {  	v13 =	vadd.f32 v13, v49;
	v24 =	vmul.f32 v45, v45;
	v28 =	vmul.f32 v14, v14;
	v63 =	vld [tilespmem:s24+$0x10]  }
0x241: {  	v57 =	vld [tilespmem:s6+$0x20];
	v44 =	vadd.f32 v9, v61;
	v0 =	vadd.f32 v60, v0;
	[tilespmem:s6+$0x10] =	vst v46;
	v58 =	vperm.xlane v3, v18  }
0x242: {  	v59 =	vld [tilespmem:s26+$0x20];
	[tilespmem:s21+$0x70] =	vst v14;
	v14 =	vadd.f32 v14, v45;
	v61 =	vadd.f32 v28, v24  }
0x243: {  	v38 =	vld [tilespmem:s7+$0x440];
	v60 =	vperm.xlane v0, v18;
	v28 =	vadd.f32 v34, v15;
	v3 =	vadd.f32 v3, v58  }
0x244: {  	v42 =	vmul.f32 v46, v46;
	v7 =	vadd.f32 v14, v7;
	v14 =	vld [tilespmem:s20+$0x20];
	v45 =	vadd.f32 v62, v41  }
0x245: {  	v0 =	vadd.f32 v60, v0;
	v15 =	vld [tilespmem:s15+$0x30];
	[tilespmem:s7+$0x20] =	vst v28;
	v41 =	vadd.f32 v63, v43;
	v62 =	vperm.xlane v3, v8  }
0x246: {  	v44 =	vadd.f32 v61, v44;
	v58 =	vmul.f32 v12, v12;
	v7 =	vadd.f32 v7, v48;
	v63 =	vld [tilespmem:s10+$0x30];
	[tilespmem:s15+$0x20] =	vst v45  }
0x247: {  	v49 =	vadd.f32 v59, v57;
	v57 =	vperm.xlane v0, v8;
	v56 =	vld [tilespmem:s9+$0x30];
	[tilespmem:s20+$0x10] =	vst v41;
	v43 =	vadd.f32 v3, v62  }
0x248: {  	v9 =	vmul.f32 v11, v11;
	v3 =	vadd.f32 v41, v11;
	v11 =	vadd.f32 v44, v47;
	v59 =	vld [tilespmem:s24+$0x20]  }
0x249: {  	v60 =	vld [tilespmem:s6+$0x30];
	v42 =	vadd.f32 v42, v58;
	[tilespmem:s6+$0x20] =	vst v49;
	v61 =	vadd.f32 v57, v0;
	v43 =	vmul.f32 $1.302083370e-03, v43  }
0x24a: {  	v7 =	vadd.f32 v7, v35;
	v62 =	vld [tilespmem:s26+$0x30];
	v36 =	vadd.f32 v11, v36  }
0x24b: {  	v50 =	vld [tilespmem:s20+$0x30];
	v0 =	vadd.f32 v63, v6;
	v6 =	vmul.f32 $1.302083370e-03, v61;
	v63 =	vmul.f32 v43, v43  }
0x24c: {  	v57 =	vperm.xlane v7, v16;
	[tilespmem:s29+$0xFFFFFF80] =	vst v43;
	v58 =	vperm.xlane v36, v16;
	v11 =	vadd.f32 v56, v15;
	v15 =	vld [tilespmem:s15+$0x40]  }
0x24d: {  	v51 =	vmul.f32 v49, v49;
	v52 =	vld [tilespmem:s7+$0x40];
	[tilespmem:s7+$0x30] =	vst v0;
	v14 =	vadd.f32 v59, v14;
	v59 =	vsub.f32 v6, v63  }
0x24e: {  	v54 =	vmul.f32 v41, v41;
	v7 =	vadd.f32 v7, v57;
	v36 =	vadd.f32 v58, v36;
	v47 =	vld [tilespmem:s10+$0x40];
	[tilespmem:s15+$0x30] =	vst v11  }
0x24f: {  	v6 =	vadd.f32 v46, v12;
	v12 =	vadd.f32 v62, v60;
	v43 =	vld [tilespmem:s9+$0x40];
	[tilespmem:s20+$0x20] =	vst v14;
	v60 =	vmax.f32 v59, $0.0e+00  }
0x250: {  	v62 =	vperm.xlane v7, v17;
	v63 =	vperm.xlane v36, v17;
	v44 =	vld [tilespmem:s24+$0x30];
	v61 =	vadd.f32 $9.999999960e-13, v60  }
0x251: {  	v41 =	vadd.f32 v13, v26;
	[tilespmem:s6+$0x30] =	vst v12;
	v35 =	vadd.f32 v12, v49;
	v60 =	vmul.f32 v12, v12;
	v12 =	vld [tilespmem:s6+$0x40]  }
0x252: {  	s21 =	sadd.s32 s22, s11;
	v7 =	vadd.f32 v7, v62;
	v13 =	vld [tilespmem:s26+$0x40];
	v36 =	vadd.f32 v63, v36;
	v26 =	vshra.s32 v61, $0x1  }
0x253: {  	v16 =	vld [tilespmem:s21+$0x70];
	v48 =	vadd.f32 v47, v52;
	v49 =	vsub.s32 $0x5F3759DF, v26;
	v52 =	vmul.f32 $5.000000000e-01, v61  }
0x254: {  	v46 =	vld [tilespmem:s15+$0x50];
	v26 =	vperm.xlane v7, v18;
	v61 =	vperm.xlane v36, v18;
	v47 =	vadd.f32 v43, v15  }
0x255: {  	v1 =	vadd.f32 v1, v40;
	v15 =	vld [tilespmem:s20+$0x40];
	[tilespmem:s7+$0x40] =	vst v48;
	v44 =	vadd.f32 v44, v50  }
0x256: {  	v62 =	vmul.f32 v49, v52;
	v57 =	vadd.f32 v7, v26;
	v43 =	vadd.f32 v61, v36;
	v55 =	vld [tilespmem:s10+$0x50];
	[tilespmem:s15+$0x40] =	vst v47  }
0x257: {  	v56 =	vmul.f32 v14, v14;
	v12 =	vadd.f32 v13, v12;
	v26 =	vadd.f32 v10, v27;
	v63 =	vld [tilespmem:s9+$0x50]  }
0x258: {  	v10 =	vld [tilespmem:s6+$0x50];
	[tilespmem:s20+$0x30] =	vst v44;
	v7 =	vadd.f32 v44, v14;
	v13 =	vmul.f32 v49, v62;
	v14 =	vmul.f32 v44, v44  }
0x259: {  	v51 =	vadd.f32 v60, v51;
	v61 =	vperm.xlane v57, v8;
	[tilespmem:s6+$0x40] =	vst v12;
	v44 =	vadd.f32 v54, v9;
	v60 =	vld [tilespmem:s24+$0x40]  }
0x25a: {  	v27 =	vperm.xlane v43, v8;
	v62 =	vld [tilespmem:s26+$0x50];
	v13 =	vsub.f32 $1.500000000e+00, v13;
	v36 =	vadd.f32 v14, v56  }
0x25b: {  	v40 =	vld [tilespmem:s7+$0x60];
	v14 =	vadd.f32 v57, v61;
	v55 =	vadd.f32 v55, v31  }
0x25c: {  	v54 =	vld [tilespmem:s7+$0x70];
	v27 =	vadd.f32 v27, v43;
	v43 =	vadd.f32 v63, v46  }
0x25d: {  	v13 =	vmul.f32 v49, v13;
	v46 =	vld [tilespmem:s15+$0x60];
	[tilespmem:s7+$0x50] =	vst v55  }
0x25e: {  	v1 =	vadd.f32 v1, v39;
	v14 =	vmul.f32 $1.302083370e-03, v14;
	v31 =	vadd.f32 v60, v15;
	v15 =	vld [tilespmem:s10+$0x60];
	[tilespmem:s15+$0x50] =	vst v43  }
0x25f: {  	v53 =	vmul.f32 v11, v11;
	v9 =	vmul.f32 v13, v52;
	v10 =	vadd.f32 v62, v10;
	v61 =	vld [tilespmem:s9+$0x60]  }
0x260: {  	v42 =	vadd.f32 v51, v42;
	v8 =	vmovc v4;
	v56 =	vld [tilespmem:s20+$0x50];
	v63 =	vmul.f32 $1.302083370e-03, v27;
	v60 =	vmul.f32 v14, v14;
	[tilespmem:s20+$0x40] =	vst v31  }
0x261: {  	v4 =	vadd.f32 v5, v8;
	v27 =	vadd.f32 v1, v2;
	v9 =	vmul.f32 v9, v13;
	[tilespmem:s6+$0x50] =	vst v10;
	v2 =	vld [tilespmem:s24+$0x50]  }
0x262: {  	v1 =	vsub.f32 v63, v60;
	v58 =	vadd.f32 v10, v12;
	[tilespmem:s29+$0x0] =	vst v14;
	v14 =	vmul.f32 v10, v10;
	v10 =	vld [tilespmem:s6+$0x60]  }
0x263: {  	v59 =	vmul.f32 v21, v21;
	v49 =	vld [tilespmem:s26+$0x60];
	v9 =	vsub.f32 $1.500000000e+00, v9;
	v40 =	vadd.f32 v15, v40  }
0x264: {  	v21 =	vmovc v8;
	v8 =	vld [tilespmem:$0x1FE00];
	v62 =	vmul.f32 v45, v45;
	v1 =	vmax.f32 v1, $0.0e+00;
	v46 =	vadd.f32 v61, v46  }
0x265: {  	v13 =	vmul.f32 v9, v13;
	v9 =	vadd.f32 $9.999999960e-13, v1;
	v1 =	vadd.f32 v11, v45;
	v45 =	vld [tilespmem:s15+$0x70];
	[tilespmem:s7+$0x60] =	vst v40  }
0x266: {  	v51 =	vmul.f32 v48, v48;
	v39 =	vadd.f32 v53, v62;
	v2 =	vadd.f32 v2, v56;
	v57 =	vld [tilespmem:s10+$0x70];
	[tilespmem:s15+$0x60] =	vst v46  }
0x267: {  	v11 =	vshra.s32 v9, $0x1;
	v56 =	vmul.f32 $5.000000000e-01, v9;
	v9 =	vmul.f32 v13, v52;
	v60 =	vld [tilespmem:s9+$0x70]  }
0x268: {  	v53 =	vmul.f32 v55, v55;
	v15 =	vld [tilespmem:s20+$0x60];
	v61 =	vadd.f32 v49, v10;
	v52 =	vsub.s32 $0x5F3759DF, v11  }
0x269: {  	v11 =	vadd.f32 v55, v48;
	v48 =	vld [tilespmem:s6+$0x70];
	[tilespmem:s20+$0x50] =	vst v2;
	v49 =	vmul.f32 v52, v56;
	v63 =	vmul.f32 v9, v13  }
0x26a: {  	v24 =	vmul.f32 v5, v5;
	v10 =	vadd.f32 v53, v51;
	v55 =	vadd.f32 v25, v59;
	[tilespmem:s6+$0x60] =	vst v61;
	v5 =	vld [tilespmem:s24+$0x60]  }
0x26b: {  	v53 =	vld [tilespmem:s26+$0x70];
	s26 =	sadd.s32 s23, s11;
	v51 =	vmul.f32 v52, v49;
	v63 =	vsub.f32 $1.500000000e+00, v63;
	v49 =	vadd.f32 v57, v54  }
0x26c: {  	v25 =	vmovc v24;
	v24 =	vld [tilespmem:s26+$0x70];
	v54 =	vadd.f32 v60, v45;
	v60 =	vadd.f32 v8, v55;
	v8 =	vmov v39  }
0x26d: {  	v50 =	vmul.f32 v43, v43;
	v43 =	vadd.f32 v43, v47;
	[tilespmem:$0x1FE00] =	vst v8;
	v8 =	vld [tilespmem:$0x1FE30]  }
0x26e: {  	v51 =	vsub.f32 $1.500000000e+00, v51;
	v13 =	vmul.f32 v63, v13;
	v63 =	vmul.f32 v47, v47;
	v47 =	vld [tilespmem:s15+$0x400]  }
0x26f: {  	s17 =	sadd.s32 $0x1C00, s16;
	v12 =	vmul.f32 v12, v12;
	v55 =	vld [tilespmem:s20+$0x70];
	[tilespmem:s7+$0x70] =	vst v49  }
0x270: {  	s13 =	sadd.s32 $0x1400, s16;
	s11 =	smov.u32 s17;
	s17 =	sadd.s32 $0x1800, s25;
	v15 =	vadd.f32 v5, v15;
	v5 =	vmul.f32 v52, v51;
	v51 =	vld [tilespmem:s10+$0x400];
	[tilespmem:s15+$0x70] =	vst v54  }
0x271: {  	s1 =	sadd.s32 $0x1000, s16;
	v6 =	vadd.f32 v35, v6;
	v12 =	vadd.f32 v14, v12;
	s25 =	smov.u32 s16;
	s16 =	sadd.s32 s23, s17;
	[tilespmem:s30+$0xFFFFFF80] =	vst v13;
	v45 =	vld [tilespmem:s9+$0x400]  }
0x272: {  	v52 =	vmul.f32 v46, v46;
	v59 =	vld [tilespmem:s16+$0x0];
	v19 =	vadd.f32 v8, v60;
	v60 =	vadd.f32 v53, v48  }
0x273: {  	s19 =	sadd.s32 $0xD400, s14;
	v50 =	vadd.f32 v50, v63;
	v57 =	vmul.f32 v54, v54;
	[tilespmem:s20+$0x60] =	vst v15;
	v63 =	vmul.f32 v5, v56;
	v18 =	vld [tilespmem:s16+$0x60]  }
0x274: {  	s12 =	smov.u32 s19;
	s19 =	sor.u32 s23, s8;
	v62 =	vadd.f32 v2, v31;
	v14 =	vmul.f32 v61, v61;
	v53 =	vld [tilespmem:s24+$0x70];
	v19 =	vadd.f32 v32, v19;
	[tilespmem:s6+$0x70] =	vst v60  }
0x275: {  	s2 =	sadd.s32 s22, s17;
	v52 =	vadd.f32 v57, v52;
	v39 =	vadd.f32 v51, v29;
	v32 =	vmul.f32 v63, v5;
	v48 =	vld [tilespmem:s19+$0x0]  }
0x276: {  	v13 =	vmul.f32 v60, v60;
	v57 =	vadd.f32 v60, v61;
	v60 =	vadd.f32 v41, v19;
	v19 =	vld [tilespmem:s2+$0x0]  }
0x277: {  	v29 =	vsub.f32 $1.500000000e+00, v32;
	v32 =	vadd.f32 v45, v47;
	v41 =	vld [tilespmem:s15+$0x410]  }
0x278: {  	[tilespmem:s7+$0x400] =	vst v39;
	v13 =	vadd.f32 v13, v14;
	v14 =	vld [tilespmem:s7+$0x410];
	v57 =	vadd.f32 v57, v58  }
0x279: {  	v2 =	vmul.f32 v2, v2;
	v63 =	vmul.f32 v31, v31;
	v58 =	vadd.f32 v53, v55;
	v53 =	vld [tilespmem:s10+$0x410]  }
0x27a: {  	v51 =	vmul.f32 v29, v5;
	[tilespmem:s15+$0x400] =	vst v32;
	v12 =	vadd.f32 v13, v12;
	v29 =	vadd.f32 v57, v6;
	v57 =	vld [tilespmem:s16+$0x10]  }
0x27b: {  	s24 =	sor.u32 s22, s8;
	v13 =	vmul.f32 v15, v15;
	v35 =	vld [tilespmem:s9+$0x410];
	[tilespmem:s20+$0x70] =	vst v58;
	v15 =	vadd.f32 v58, v15;
	v5 =	vadd.f32 v48, v59  }
0x27c: {  	v3 =	vadd.f32 v7, v3;
	v6 =	vmul.f32 v58, v58;
	v31 =	vadd.f32 v12, v42;
	v12 =	vld [tilespmem:s24+$0x0]  }
0x27d: {  	v59 =	vadd.f32 v2, v63;
	v63 =	vld [tilespmem:s7+$0x420];
	v7 =	vadd.f32 v15, v62;
	[tilespmem:s16+$0x0] =	vst v5  }
0x27e: {  	v15 =	vmul.f32 v51, v56;
	v6 =	vadd.f32 v6, v13;
	v13 =	vadd.f32 v53, v14;
	v58 =	vld [tilespmem:s19+$0x10]  }
0x27f: {  	v62 =	vadd.f32 v36, v44;
	v2 =	vadd.f32 v7, v3;
	v7 =	vld [tilespmem:s2+$0x10]  }
0x280: {  	v3 =	vmul.f32 v15, v51;
	v15 =	vld [tilespmem:s15+$0x420];
	v6 =	vadd.f32 v6, v59;
	v14 =	vadd.f32 v35, v41;
	[tilespmem:s7+$0x410] =	vst v13  }
0x281: {  	v41 =	vadd.f32 v12, v19;
	v12 =	vld [tilespmem:s10+$0x420]  }
0x282: {  	v59 =	vld [tilespmem:s16+$0x20];
	v3 =	vsub.f32 $1.500000000e+00, v3;
	v6 =	vadd.f32 v6, v62;
	[tilespmem:s15+$0x410] =	vst v14  }
0x283: {  	v44 =	vmul.f32 v14, v14;
	v42 =	vadd.f32 v14, v32;
	v14 =	vld [tilespmem:s9+$0x420];
	[tilespmem:s2+$0x0] =	vst v41;
	v56 =	vadd.f32 v58, v57  }
0x284: {  	v46 =	vadd.f32 v54, v46;
	v57 =	vld [tilespmem:s24+$0x10];
	v58 =	vmul.f32 v3, v51  }
0x285: {  	v19 =	vld [tilespmem:$0x1FE10];
	v3 =	vadd.f32 v6, v60;
	v6 =	vmul.f32 v40, v40;
	v40 =	vadd.f32 v49, v40;
	[tilespmem:s16+$0x10] =	vst v56  }
0x286: {  	v61 =	vmul.f32 v49, v49;
	v49 =	vadd.f32 v12, v63;
	v60 =	vld [tilespmem:s19+$0x20]  }
0x287: {  	v48 =	vadd.f32 v46, v43;
	[tilespmem:s30+$0x0] =	vst v58;
	v46 =	vadd.f32 v40, v11;
	v11 =	vld [tilespmem:s7+$0x430]  }
0x288: {  	v6 =	vadd.f32 v61, v6;
	v12 =	vld [tilespmem:s2+$0x20];
	v14 =	vadd.f32 v14, v15;
	[tilespmem:s7+$0x420] =	vst v49  }
0x289: {  	v9 =	vmul.f32 v0, v0;
	v40 =	vadd.f32 v0, v28;
	v7 =	vadd.f32 v57, v7;
	v0 =	vld [tilespmem:s10+$0x430]  }
0x28a: {  	v15 =	vld [tilespmem:s15+$0x430];
	[tilespmem:s15+$0x420] =	vst v14  }
0x28b: {  	v62 =	vmul.f32 v28, v28;
	v28 =	vadd.f32 v6, v10;
	v10 =	vld [tilespmem:s9+$0x430];
	[tilespmem:s2+$0x10] =	vst v7;
	v63 =	vadd.f32 v60, v59  }
0x28c: {  	v45 =	vmul.f32 v13, v13;
	v43 =	vmul.f32 v7, v7;
	v6 =	vadd.f32 v7, v41;
	v7 =	vld [tilespmem:s24+$0x20]  }
0x28d: {  	v13 =	vadd.f32 v13, v39;
	v39 =	vmul.f32 v39, v39;
	v54 =	vadd.f32 v9, v62;
	v9 =	vld [tilespmem:s16+$0x30];
	[tilespmem:s16+$0x20] =	vst v63  }
0x28e: {  	v1 =	vmov v1;
	v11 =	vadd.f32 v0, v11;
	v58 =	vld [tilespmem:s19+$0x30]  }
0x28f: {  	[tilespmem:$0x1FE10] =	vst v1;
	v1 =	vadd.f32 v45, v39;
	v39 =	vld [tilespmem:s7+$0x470]  }
0x290: {  	v8 =	vadd.f32 v52, v50;
	v51 =	vld [tilespmem:s15+$0x440];
	v0 =	vadd.f32 v10, v15;
	[tilespmem:s7+$0x430] =	vst v11  }
0x291: {  	v15 =	vadd.f32 v11, v49;
	v7 =	vadd.f32 v7, v12;
	v52 =	vld [tilespmem:s10+$0x440]  }
0x292: {  	v10 =	vld [tilespmem:s2+$0x30];
	v12 =	vmul.f32 v14, v14;
	[tilespmem:s15+$0x430] =	vst v0;
	v14 =	vadd.f32 v0, v14  }
0x293: {  	v59 =	vmul.f32 v0, v0;
	v0 =	vadd.f32 v15, v13;
	v13 =	vld [tilespmem:s9+$0x440];
	[tilespmem:s2+$0x20] =	vst v7;
	v9 =	vadd.f32 v58, v9  }
0x294: {  	v60 =	vld [tilespmem:s24+$0x30]  }
0x295: {  	v15 =	vadd.f32 v59, v12;
	[tilespmem:s16+$0x30] =	vst v9;
	v62 =	vmul.f32 v9, v9;
	v12 =	vadd.f32 v9, v63;
	v9 =	vld [tilespmem:s16+$0x40]  }
0x296: {  	v61 =	vmul.f32 v63, v63;
	v52 =	vadd.f32 v52, v38;
	v63 =	vld [tilespmem:s19+$0x40]  }
0x297: {  	v35 =	vmul.f32 v56, v56;
	v36 =	vadd.f32 v56, v5;
	v56 =	vld [tilespmem:s7+$0x450]  }
0x298: {  	v53 =	vld [tilespmem:s2+$0x40];
	v13 =	vadd.f32 v13, v51;
	[tilespmem:s7+$0x440] =	vst v52  }
0x299: {  	v10 =	vadd.f32 v60, v10;
	v57 =	vld [tilespmem:s10+$0x450]  }
0x29a: {  	v51 =	vld [tilespmem:s15+$0x450];
	[tilespmem:s15+$0x440] =	vst v13  }
0x29b: {  	v59 =	vld [tilespmem:s9+$0x450];
	[tilespmem:s2+$0x30] =	vst v10;
	v50 =	vadd.f32 v63, v9  }
0x29c: {  	v47 =	vadd.f32 v10, v7;
	v9 =	vmul.f32 v10, v10;
	v10 =	vld [tilespmem:s24+$0x40]  }
0x29d: {  	v60 =	vld [tilespmem:s16+$0x50];
	[tilespmem:s16+$0x40] =	vst v50  }
0x29e: {  	v38 =	vadd.f32 v62, v61;
	v56 =	vadd.f32 v57, v56;
	v61 =	vld [tilespmem:s19+$0x50]  }
0x29f: {  	v62 =	vld [tilespmem:s7+$0x460]  }
0x2a0: {  	v57 =	vld [tilespmem:s2+$0x50];
	v51 =	vadd.f32 v59, v51;
	[tilespmem:s7+$0x450] =	vst v56  }
0x2a1: {  	[tilespmem:$0x1FD50] =	vst v16;
	v53 =	vadd.f32 v10, v53;
	v10 =	vld [tilespmem:s10+$0x460]  }
0x2a2: {  	v34 =	vmul.f32 v30, v30;
	v59 =	vld [tilespmem:s15+$0x460];
	[tilespmem:s15+$0x450] =	vst v51  }
0x2a3: {  	v55 =	vadd.f32 v30, v33;
	v32 =	vmul.f32 v32, v32;
	v63 =	vld [tilespmem:s9+$0x460];
	[tilespmem:s2+$0x40] =	vst v53;
	v60 =	vadd.f32 v61, v60  }
0x2a4: {  	v19 =	vadd.f32 v19, v22;
	v22 =	vmovc v4;
	v5 =	vmul.f32 v5, v5;
	v4 =	vmul.f32 v49, v49;
	v16 =	vld [tilespmem:s24+$0x50]  }
0x2a5: {  	v32 =	vadd.f32 v44, v32;
	v30 =	vld [tilespmem:s21+$0x60];
	v41 =	vmul.f32 v41, v41;
	v11 =	vmul.f32 v11, v11;
	[tilespmem:s16+$0x50] =	vst v60  }
0x2a6: {  	[tilespmem:$0x1FE30] =	vst v8;
	v5 =	vadd.f32 v35, v5;
	v10 =	vadd.f32 v10, v62;
	v8 =	vld [tilespmem:s19+$0x60]  }
0x2a7: {  	v41 =	vadd.f32 v43, v41;
	v49 =	vld [tilespmem:s2+$0x60];
	v4 =	vadd.f32 v11, v4;
	v58 =	vmul.f32 v7, v7  }
0x2a8: {  	v11 =	vmul.f32 v52, v52;
	v7 =	vadd.f32 v56, v52;
	v52 =	vld [tilespmem:$0x1FE50];
	v45 =	vadd.f32 v63, v59;
	[tilespmem:s7+$0x460] =	vst v10  }
0x2a9: {  	v14 =	vadd.f32 v14, v42;
	v62 =	vmul.f32 v56, v56;
	v16 =	vadd.f32 v16, v57;
	v56 =	vld [tilespmem:s10+$0x470]  }
0x2aa: {  	v1 =	vadd.f32 v4, v1;
	v32 =	vadd.f32 v15, v32;
	v59 =	vld [tilespmem:s15+$0x470];
	[tilespmem:s15+$0x460] =	vst v45  }
0x2ab: {  	v12 =	vadd.f32 v12, v36;
	v63 =	vmov v48;
	v57 =	vld [tilespmem:s9+$0x470];
	[tilespmem:s2+$0x50] =	vst v16;
	v8 =	vadd.f32 v8, v18  }
0x2ac: {  	v5 =	vadd.f32 v38, v5;
	v6 =	vadd.f32 v47, v6;
	[tilespmem:$0x1FE50] =	vst v63;
	v44 =	vld [tilespmem:s24+$0x60]  }
0x2ad: {  	v58 =	vadd.f32 v9, v58;
	v9 =	vadd.f32 v51, v13;
	v63 =	vld [tilespmem:s16+$0x70];
	[tilespmem:s16+$0x60] =	vst v8  }
0x2ae: {  	v19 =	vadd.f32 v52, v19;
	v39 =	vadd.f32 v56, v39;
	v15 =	vld [tilespmem:s19+$0x70]  }
0x2af: {  	s5 =	sadd.s32 $0xD000, s14;
	v42 =	vld [tilespmem:s2+$0x70];
	v13 =	vmul.f32 v13, v13;
	v17 =	vmul.f32 v60, v60;
	v60 =	vadd.f32 v60, v50;
	s10 =	sadd.s32 s4, s1  }
0x2b0: {  	v61 =	vmul.f32 v53, v53;
	v19 =	vadd.f32 v23, v19;
	v23 =	vld [tilespmem:s10+$0x0];
	v56 =	vadd.f32 v57, v59;
	[tilespmem:s7+$0x470] =	vst v39;
	s7 =	sor.u32 s4, s5  }
0x2b1: {  	v11 =	vadd.f32 v62, v11;
	v62 =	vmul.f32 v51, v51;
	s9 =	sadd.s32 s3, s1;
	v49 =	vadd.f32 v44, v49;
	v43 =	vld [tilespmem:s7+$0x0]  }
0x2b2: {  	v51 =	vadd.f32 v58, v41;
	v19 =	vadd.f32 v37, v19;
	v18 =	vmul.f32 v16, v16;
	v52 =	vld [tilespmem:s9+$0x0];
	s5 =	sor.u32 s3, s5;
	[tilespmem:s15+$0x470] =	vst v56  }
0x2b3: {  	v13 =	vadd.f32 v62, v13;
	v37 =	vld [tilespmem:s5+$0x0];
	[tilespmem:s2+$0x60] =	vst v49;
	v15 =	vadd.f32 v15, v63  }
0x2b4: {  	v16 =	vadd.f32 v16, v53;
	v18 =	vadd.f32 v18, v61;
	v61 =	vmul.f32 v50, v50;
	v41 =	vld [tilespmem:s24+$0x70]  }
0x2b5: {  	s1 =	sor.u32 s23, s31;
	v62 =	vmul.f32 v8, v8;
	[tilespmem:s16+$0x70] =	vst v15;
	v63 =	vmul.f32 v15, v15;
	v8 =	vadd.f32 v15, v8;
	v15 =	vld [tilespmem:s26+$0x0]  }
0x2b6: {  	v57 =	vmul.f32 v45, v45;
	v48 =	vadd.f32 v56, v45;
	v45 =	vadd.f32 v43, v23;
	v58 =	vld [tilespmem:s1+$0x0]  }
0x2b7: {  	v17 =	vadd.f32 v17, v61;
	v61 =	vld [tilespmem:s9+$0x10];
	v23 =	vadd.f32 v63, v62  }
0x2b8: {  	v59 =	vmul.f32 v56, v56;
	v44 =	vadd.f32 v37, v52;
	v8 =	vadd.f32 v8, v60;
	[tilespmem:s10+$0x0] =	vst v45;
	v62 =	vld [tilespmem:s10+$0x10]  }
0x2b9: {  	v63 =	vld [tilespmem:s7+$0x10];
	v17 =	vadd.f32 v23, v17;
	v23 =	vadd.f32 v41, v42  }
0x2ba: {  	v53 =	vadd.f32 v59, v57;
	v59 =	vld [tilespmem:s21+$0x0];
	[tilespmem:s9+$0x0] =	vst v44;
	v43 =	vadd.f32 v8, v12  }
0x2bb: {  	v8 =	vld [tilespmem:s5+$0x10];
	v41 =	vadd.f32 v58, v15;
	[tilespmem:s2+$0x70] =	vst v23;
	v12 =	vadd.f32 v23, v49;
	s2 =	sor.u32 s22, s31  }
0x2bc: {  	v42 =	vadd.f32 v17, v5;
	v5 =	vmul.f32 v49, v49;
	v15 =	vmul.f32 v23, v23;
	v17 =	vld [tilespmem:s2+$0x0]  }
0x2bd: {  	v19 =	vadd.f32 v2, v19;
	v23 =	vld [tilespmem:s26+$0x10];
	[tilespmem:s26+$0x0] =	vst v41;
	v12 =	vadd.f32 v12, v16  }
0x2be: {  	v2 =	vadd.f32 v15, v5;
	v5 =	vadd.f32 v63, v62;
	v16 =	vld [tilespmem:s1+$0x10]  }
0x2bf: {  	v47 =	vld [tilespmem:s10+$0x20];
	v13 =	vadd.f32 v53, v13;
	v6 =	vadd.f32 v12, v6  }
0x2c0: {  	v15 =	vld [tilespmem:s9+$0x20];
	v8 =	vadd.f32 v8, v61;
	v18 =	vadd.f32 v2, v18;
	[tilespmem:s10+$0x10] =	vst v5  }
0x2c1: {  	v35 =	vadd.f32 v6, v19;
	v6 =	vadd.f32 v17, v59;
	v17 =	vld [tilespmem:s7+$0x20]  }
0x2c2: {  	v12 =	vld [tilespmem:s21+$0x10];
	[tilespmem:s9+$0x10] =	vst v8;
	v61 =	vmul.f32 v8, v8;
	v50 =	vadd.f32 v8, v44;
	v8 =	vadd.f32 v18, v51  }
0x2c3: {  	v9 =	vadd.f32 v48, v9;
	v18 =	vld [tilespmem:s5+$0x20];
	v16 =	vadd.f32 v16, v23;
	[tilespmem:s21+$0x0] =	vst v6  }
0x2c4: {  	v56 =	vmul.f32 v39, v39;
	v32 =	vadd.f32 v13, v32;
	v36 =	vadd.f32 v8, v3;
	v8 =	vld [tilespmem:s2+$0x10]  }
0x2c5: {  	v23 =	vadd.f32 v9, v14;
	v9 =	vld [tilespmem:s26+$0x20];
	v14 =	vmul.f32 v10, v10;
	v3 =	vadd.f32 v5, v45;
	[tilespmem:s26+$0x10] =	vst v16  }
0x2c6: {  	v2 =	vmul.f32 v5, v5;
	v10 =	vadd.f32 v39, v10;
	v5 =	vld [tilespmem:s1+$0x20];
	v13 =	vadd.f32 v17, v47  }
0x2c7: {  	v57 =	vmul.f32 v16, v16;
	v52 =	vadd.f32 v16, v41;
	v16 =	vld [tilespmem:s21+$0x20];
	v14 =	vadd.f32 v56, v14  }
0x2c8: {  	v7 =	vadd.f32 v10, v7;
	v10 =	vld [tilespmem:s10+$0x30];
	v15 =	vadd.f32 v18, v15;
	[tilespmem:s10+$0x20] =	vst v13  }
0x2c9: {  	v4 =	vadd.f32 v14, v11;
	v8 =	vadd.f32 v8, v12;
	v11 =	vld [tilespmem:s7+$0x30]  }
0x2ca: {  	v17 =	vld [tilespmem:s9+$0x30];
	[tilespmem:s9+$0x20] =	vst v15  }
0x2cb: {  	v37 =	vadd.f32 v7, v0;
	v12 =	vld [tilespmem:s5+$0x30];
	v5 =	vadd.f32 v5, v9;
	[tilespmem:s21+$0x10] =	vst v8  }
0x2cc: {  	v9 =	vmul.f32 v6, v6;
	v14 =	vmul.f32 v8, v8;
	v0 =	vadd.f32 v8, v6;
	v6 =	vld [tilespmem:s2+$0x20]  }
0x2cd: {  	v38 =	vadd.f32 v4, v1;
	v4 =	vld [tilespmem:s26+$0x30];
	[tilespmem:s26+$0x20] =	vst v5  }
0x2ce: {  	v7 =	vadd.f32 v14, v9;
	v8 =	vld [tilespmem:s1+$0x30];
	v9 =	vadd.f32 v11, v10  }
0x2cf: {  	v10 =	vld [tilespmem:s21+$0x30]  }
0x2d0: {  	v1 =	vadd.f32 v12, v17;
	v17 =	vld [tilespmem:s10+$0x40];
	[tilespmem:s10+$0x30] =	vst v9  }
0x2d1: {  	v12 =	vmul.f32 v13, v13;
	v14 =	vmul.f32 v9, v9;
	v6 =	vadd.f32 v6, v16;
	v16 =	vld [tilespmem:s7+$0x40]  }
0x2d2: {  	v11 =	vld [tilespmem:s9+$0x40];
	[tilespmem:s9+$0x30] =	vst v1;
	v53 =	vadd.f32 v1, v15  }
0x2d3: {  	v19 =	vmul.f32 v1, v1;
	v1 =	vadd.f32 v14, v12;
	v12 =	vld [tilespmem:s5+$0x40];
	v8 =	vadd.f32 v8, v4;
	[tilespmem:s21+$0x20] =	vst v6  }
0x2d4: {  	v4 =	vadd.f32 v9, v13;
	v9 =	vld [tilespmem:s2+$0x30]  }
0x2d5: {  	v13 =	vmul.f32 v5, v5;
	[tilespmem:s26+$0x30] =	vst v8;
	v14 =	vmul.f32 v8, v8;
	v60 =	vadd.f32 v8, v5;
	v5 =	vld [tilespmem:s26+$0x40]  }
0x2d6: {  	v8 =	vld [tilespmem:s1+$0x40];
	v63 =	vadd.f32 v16, v17  }
0x2d7: {  	v58 =	vadd.f32 v14, v13;
	v13 =	vld [tilespmem:s21+$0x40]  }
0x2d8: {  	v49 =	vadd.f32 v12, v11;
	v12 =	vld [tilespmem:s10+$0x50];
	[tilespmem:s10+$0x40] =	vst v63  }
0x2d9: {  	v9 =	vadd.f32 v9, v10;
	v10 =	vld [tilespmem:s7+$0x50]  }
0x2da: {  	v18 =	vmul.f32 v15, v15;
	v11 =	vld [tilespmem:s9+$0x50];
	[tilespmem:s9+$0x40] =	vst v49  }
0x2db: {  	v14 =	vmul.f32 v6, v6;
	v15 =	vld [tilespmem:s5+$0x50];
	v62 =	vadd.f32 v8, v5;
	[tilespmem:s21+$0x30] =	vst v9;
	v5 =	vmul.f32 v9, v9  }
0x2dc: {  	v6 =	vadd.f32 v9, v6;
	v8 =	vld [tilespmem:s2+$0x40]  }
0x2dd: {  	v5 =	vadd.f32 v5, v14  }
0x2de: {  	[tilespmem:s26+$0x40] =	vst v62;
	v48 =	vadd.f32 v6, v0;
	v0 =	vadd.f32 v10, v12  }
0x2df: {  	v14 =	vld [tilespmem:s1+$0x50]  }
0x2e0: {  	v47 =	vadd.f32 v5, v7;
	v5 =	vadd.f32 v15, v11;
	v15 =	vld [tilespmem:s10+$0x60];
	[tilespmem:s10+$0x50] =	vst v0  }
0x2e1: {  	v51 =	vadd.f32 v8, v13;
	v8 =	vld [tilespmem:s7+$0x60];
	_ =	sdelay $0x1  }
0x2e2: {  	v9 =	vld [tilespmem:s26+$0x50]  }
0x2e3: {  	v11 =	vld [tilespmem:$0x1FF50]  }
0x2e4: {  	s22 =	smov.u32 s3;
	v59 =	vadd.f32 v19, v18;
	v19 =	vmov v34  }
0x2e5: {  	s20 =	sadd.s32 s22, s13;
	v17 =	vmovc v40;
	v6 =	vmul.f32 v0, v0;
	v39 =	vadd.f32 v0, v63;
	v40 =	vadd.f32 v8, v15;
	v8 =	vld [tilespmem:$0x1FEA0]  }
0x2e6: {  	v34 =	vld [tilespmem:s20+$0x0];
	[tilespmem:s9+$0x50] =	vst v5;
	v56 =	vmul.f32 v5, v5;
	v0 =	vadd.f32 v5, v49;
	v5 =	vmul.f32 v20, v20  }
0x2e7: {  	v16 =	vld [tilespmem:$0x1FF40]  }
0x2e8: {  	v12 =	vld [tilespmem:s9+$0x60];
	v10 =	vadd.f32 v14, v9;
	v14 =	vadd.f32 v11, v5  }
0x2e9: {  	v11 =	vld [tilespmem:$0x1FE90]  }
0x2ea: {  	v18 =	vmov v55;
	v13 =	vld [tilespmem:s5+$0x60];
	v55 =	vadd.f32 v8, v14;
	v8 =	vmov v54  }
0x2eb: {  	[tilespmem:$0x1FEA0] =	vst v8;
	v8 =	vld [tilespmem:$0x1FE60]  }
0x2ec: {  	v7 =	vld [tilespmem:s21+$0x50];
	[tilespmem:s21+$0x40] =	vst v51  }
.Ltmp4:
0x2ed: {  	[tilespmem:$0x1FF40] =	vst v18;
	v9 =	vld [tilespmem:s2+$0x50];
	(pc) =	sbr.rel @p0 .LBB2_3-.Ltmp4, $4  }
0x2ee: {  	[tilespmem:$0x1FE90] =	vst v17;
	v17 =	vld [tilespmem:$0x1FD40];
	v16 =	vadd.f32 v11, v16  }
0x2ef: {  	s18 =	sadd.s32 $0xD800, s14;
	s14 =	sadd.s32 $0xDC00, s14;
	v20 =	vmov v33;
	[tilespmem:s26+$0x50] =	vst v10;
	v5 =	vmul.f32 v10, v10;
	v33 =	vadd.f32 v10, v62;
	v10 =	vld [tilespmem:s26+$0x60]  }
0x2f0: {  	s29 =	sadd.s32 $0x100, s29;
	s8 =	smov.u32 s18;
	s30 =	sadd.s32 $0x100, s30;
	[tilespmem:$0x1FF50] =	vst v19;
	v11 =	vld [tilespmem:s1+$0x60];
	v54 =	vadd.f32 v13, v12;
	v12 =	vadd.f32 v8, v16;
	v8 =	vmov v46  }
0x2f1: {  	s23 =	smov.u32 s4;
	s4 =	smov.u32 s0;
	s31 =	smov.u32 s14;
	v13 =	vld [tilespmem:s9+$0x70];
	[tilespmem:$0x1FE60] =	vst v8  }
0x2f2: {  	[tilespmem:s10+$0x60] =	vst v40;
	v8 =	vld [tilespmem:s10+$0x70]  }
0x2f3: {  	v14 =	vld [tilespmem:s7+$0x70];
	_ =	sdelay $0x4  }
0x2f4: {  	v16 =	vadd.f32 v14, v8  }
0x2f5: {  	[tilespmem:s9+$0x60] =	vst v54  }
0x2f6: {  	s4 =	sadd.s32 s23, s13;
	v15 =	vld [tilespmem:s5+$0x70];
	[tilespmem:$0x1FBD0] =	vst v16  }
0x2f7: {  	v8 =	vld [tilespmem:s4+$0x10]  }
0x2f8: {  	s3 =	sor.u32 s23, s12;
	v14 =	vld [tilespmem:s4+$0x0];
	[tilespmem:s10+$0x70] =	vst v16  }
0x2f9: {  	v16 =	vld [tilespmem:s3+$0x0];
	_ =	sdelay $0x4  }
0x2fa: {  	v14 =	vadd.f32 v16, v14  }
0x2fb: {  	v46 =	vadd.f32 v15, v13  }
0x2fc: {  	[tilespmem:$0x1FBF0] =	vst v14  }
0x2fd: {  	s6 =	sor.u32 s22, s12;
	[tilespmem:s9+$0x70] =	vst v46  }
0x2fe: {  	[tilespmem:s4+$0x0] =	vst v14;
	v13 =	vld [tilespmem:s6+$0x0]  }
0x2ff: {  	v14 =	vld [tilespmem:s3+$0x10];
	_ =	sdelay $0x3  }
0x300: {  	v15 =	vadd.f32 v13, v34  }
0x301: {  	v14 =	vadd.f32 v14, v8  }
0x302: {  	[tilespmem:$0x1FC10] =	vst v15  }
0x303: {  	v13 =	vld [tilespmem:s20+$0x10];
	[tilespmem:$0x1FBE0] =	vst v14  }
0x304: {  	[tilespmem:s20+$0x0] =	vst v15  }
0x305: {  	[tilespmem:s4+$0x10] =	vst v14;
	v14 =	vld [tilespmem:s4+$0x20]  }
0x306: {  	v8 =	vld [tilespmem:s6+$0x10]  }
0x307: {  	v15 =	vld [tilespmem:s3+$0x20];
	_ =	sdelay $0x3  }
0x308: {  	v13 =	vadd.f32 v8, v13  }
0x309: {  	v14 =	vadd.f32 v15, v14  }
0x30a: {  	[tilespmem:$0x1FC20] =	vst v13  }
0x30b: {  	v8 =	vld [tilespmem:s20+$0x20];
	[tilespmem:$0x1FC00] =	vst v14  }
0x30c: {  	[tilespmem:s20+$0x10] =	vst v13  }
0x30d: {  	v13 =	vld [tilespmem:s6+$0x20];
	_ =	sdelay $0x4  }
0x30e: {  	v13 =	vadd.f32 v13, v8  }
0x30f: {  	[tilespmem:s4+$0x20] =	vst v14;
	v14 =	vld [tilespmem:s4+$0x30]  }
0x310: {  	v15 =	vld [tilespmem:s3+$0x30];
	[tilespmem:$0x1FC30] =	vst v13  }
0x311: {  	v8 =	vld [tilespmem:s20+$0x30];
	[tilespmem:s20+$0x20] =	vst v13  }
0x312: {  	v13 =	vld [tilespmem:s6+$0x30];
	_ =	sdelay $0x3  }
0x313: {  	v34 =	vadd.f32 v15, v14  }
0x314: {  	v13 =	vadd.f32 v13, v8  }
0x315: {  	[tilespmem:s4+$0x30] =	vst v34;
	v14 =	vld [tilespmem:s4+$0x40]  }
0x316: {  	s0 =	sadd.s32 s22, s11;
	v15 =	vld [tilespmem:s3+$0x40];
	[tilespmem:$0x1FC40] =	vst v13  }
0x317: {  	v8 =	vld [tilespmem:s0+$0x70];
	_ =	sdelay $0x3  }
0x318: {  	v14 =	vadd.f32 v15, v14  }
0x319: {  	[tilespmem:$0x1FD30] =	vst v8  }
0x31a: {  	v8 =	vld [tilespmem:s20+$0x40];
	[tilespmem:$0x1FC60] =	vst v14  }
0x31b: {  	[tilespmem:s20+$0x30] =	vst v13  }
0x31c: {  	[tilespmem:s4+$0x40] =	vst v14;
	v14 =	vld [tilespmem:s4+$0x50]  }
0x31d: {  	v13 =	vld [tilespmem:s6+$0x40]  }
0x31e: {  	v15 =	vld [tilespmem:s3+$0x50];
	_ =	sdelay $0x3  }
0x31f: {  	v13 =	vadd.f32 v13, v8  }
0x320: {  	v14 =	vadd.f32 v15, v14  }
0x321: {  	[tilespmem:$0x1FC90] =	vst v13  }
0x322: {  	v8 =	vld [tilespmem:s20+$0x50];
	[tilespmem:$0x1FC50] =	vst v14  }
0x323: {  	[tilespmem:s20+$0x40] =	vst v13  }
0x324: {  	[tilespmem:s4+$0x50] =	vst v14;
	v14 =	vld [tilespmem:s4+$0x60]  }
0x325: {  	v13 =	vld [tilespmem:s6+$0x50]  }
0x326: {  	v15 =	vld [tilespmem:s3+$0x60];
	_ =	sdelay $0x3  }
0x327: {  	v13 =	vadd.f32 v13, v8  }
0x328: {  	v14 =	vadd.f32 v15, v14  }
0x329: {  	[tilespmem:$0x1FCA0] =	vst v13  }
0x32a: {  	v8 =	vld [tilespmem:s20+$0x60];
	[tilespmem:$0x1FC80] =	vst v14  }
0x32b: {  	[tilespmem:s20+$0x50] =	vst v13  }
0x32c: {  	[tilespmem:s4+$0x60] =	vst v14;
	v14 =	vld [tilespmem:s4+$0x70]  }
0x32d: {  	v13 =	vld [tilespmem:s6+$0x60]  }
0x32e: {  	v15 =	vld [tilespmem:s3+$0x70];
	_ =	sdelay $0x3  }
0x32f: {  	v13 =	vadd.f32 v13, v8  }
0x330: {  	v14 =	vadd.f32 v15, v14  }
0x331: {  	[tilespmem:$0x1FCB0] =	vst v13  }
0x332: {  	s14 =	sadd.s32 s23, s11;
	[tilespmem:$0x1FC70] =	vst v14  }
0x333: {  	[tilespmem:s20+$0x60] =	vst v13;
	v13 =	vld [tilespmem:s14+$0x70];
	_ =	sdelay $0x4  }
0x334: {  	s15 =	sadd.s32 $0x1800, s25;
	v8 =	vld [tilespmem:s20+$0x70];
	[tilespmem:$0x1FD20] =	vst v13  }
0x335: {  	s16 =	sadd.s32 s23, s15;
	[tilespmem:s4+$0x70] =	vst v14;
	v13 =	vld [tilespmem:s6+$0x70]  }
0x336: {  	s17 =	sor.u32 s23, s8;
	v14 =	vld [tilespmem:s16+$0x0]  }
0x337: {  	v15 =	vld [tilespmem:s17+$0x0];
	_ =	sdelay $0x3  }
0x338: {  	v13 =	vadd.f32 v13, v8  }
0x339: {  	v14 =	vadd.f32 v15, v14  }
0x33a: {  	s18 =	sadd.s32 s22, s15;
	[tilespmem:$0x1FCC0] =	vst v13  }
0x33b: {  	v8 =	vld [tilespmem:s18+$0x0];
	[tilespmem:$0x1FD00] =	vst v14  }
0x33c: {  	[tilespmem:s20+$0x70] =	vst v13  }
0x33d: {  	s19 =	sor.u32 s22, s8;
	[tilespmem:s16+$0x0] =	vst v14;
	v14 =	vld [tilespmem:s16+$0x10]  }
0x33e: {  	v13 =	vld [tilespmem:s19+$0x0]  }
0x33f: {  	v15 =	vld [tilespmem:s17+$0x10];
	_ =	sdelay $0x3  }
0x340: {  	v8 =	vadd.f32 v13, v8  }
0x341: {  	v14 =	vadd.f32 v15, v14  }
0x342: {  	[tilespmem:$0x1FCE0] =	vst v8  }
0x343: {  	[tilespmem:$0x1FD10] =	vst v14  }
0x344: {  	[tilespmem:s18+$0x0] =	vst v8;
	v8 =	vld [tilespmem:s18+$0x10]  }
0x345: {  	[tilespmem:s16+$0x10] =	vst v14;
	v14 =	vld [tilespmem:s16+$0x20]  }
0x346: {  	v13 =	vld [tilespmem:s19+$0x10]  }
0x347: {  	v15 =	vld [tilespmem:s17+$0x20];
	_ =	sdelay $0x3  }
0x348: {  	v8 =	vadd.f32 v13, v8  }
0x349: {  	v14 =	vadd.f32 v15, v14  }
0x34a: {  	[tilespmem:$0x1FCF0] =	vst v8  }
0x34b: {  	[tilespmem:$0x1FCD0] =	vst v14  }
0x34c: {  	[tilespmem:s18+$0x10] =	vst v8;
	v8 =	vld [tilespmem:s18+$0x20]  }
0x34d: {  	v10 =	vadd.f32 v11, v10;
	v11 =	vld [tilespmem:s16+$0x30]  }
0x34e: {  	[tilespmem:s16+$0x20] =	vst v14;
	v13 =	vld [tilespmem:s19+$0x20]  }
0x34f: {  	v16 =	vadd.f32 v9, v7;
	v14 =	vmul.f32 v45, v45;
	v7 =	vld [tilespmem:$0x1FD60]  }
0x350: {  	v15 =	vld [tilespmem:s17+$0x30];
	[tilespmem:s26+$0x60] =	vst v10  }
0x351: {  	v14 =	vadd.f32 v2, v14;
	v2 =	vld [tilespmem:$0x1FD70];
	_ =	sdelay $0x1  }
0x352: {  	v12 =	vadd.f32 v17, v12;
	v9 =	vadd.f32 v4, v3  }
0x353: {  	v17 =	vld [tilespmem:s1+$0x70];
	v7 =	vadd.f32 v7, v55;
	v18 =	vadd.f32 v13, v8  }
0x354: {  	v3 =	vadd.f32 v27, v12;
	v4 =	vmul.f32 v44, v44;
	v44 =	vadd.f32 v1, v14;
	v1 =	vld [tilespmem:s18+$0x30]  }
0x355: {  	v27 =	vadd.f32 v15, v11;
	v7 =	vadd.f32 v2, v7;
	v2 =	vld [tilespmem:s0+$0x60];
	[tilespmem:s18+$0x20] =	vst v18  }
0x356: {  	v12 =	vld [tilespmem:s19+$0x30]  }
0x357: {  	v8 =	vadd.f32 v61, v4;
	v13 =	vld [tilespmem:s16+$0x40];
	[tilespmem:s16+$0x30] =	vst v27;
	v4 =	vadd.f32 v26, v7  }
0x358: {  	v11 =	vadd.f32 v17, v24;
	v15 =	vld [tilespmem:s17+$0x40]  }
0x359: {  	v14 =	vadd.f32 v31, v4;
	v4 =	vmul.f32 v62, v62  }
0x35a: {  	v3 =	vadd.f32 v29, v3;
	v19 =	vadd.f32 v11, v10;
	v26 =	vmul.f32 v11, v11  }
0x35b: {  	[tilespmem:s21+$0x50] =	vst v16;
	v24 =	vadd.f32 v5, v4;
	v4 =	vmul.f32 v10, v10;
	v5 =	vadd.f32 v12, v1  }
0x35c: {  	v17 =	vadd.f32 v60, v52;
	v7 =	vmul.f32 v41, v41;
	v19 =	vadd.f32 v19, v33;
	v10 =	vld [tilespmem:s2+$0x60]  }
0x35d: {  	v1 =	vadd.f32 v26, v4;
	v4 =	vadd.f32 v15, v13;
	[tilespmem:s18+$0x30] =	vst v5;
	v13 =	vld [tilespmem:s18+$0x40]  }
0x35e: {  	v7 =	vadd.f32 v57, v7;
	v15 =	vld [tilespmem:s19+$0x40]  }
0x35f: {  	v3 =	vadd.f32 v43, v3;
	v12 =	vadd.f32 v19, v17;
	[tilespmem:s16+$0x40] =	vst v4  }
0x360: {  	v7 =	vadd.f32 v58, v7;
	v55 =	vld [tilespmem:$0x1FFD0]  }
0x361: {  	v3 =	vadd.f32 v12, v3;
	v12 =	vld [tilespmem:s16+$0x50];
	v1 =	vadd.f32 v1, v24  }
0x362: {  	v17 =	vadd.f32 v10, v30;
	v19 =	vld [tilespmem:s17+$0x50]  }
0x363: {  	v10 =	vmul.f32 v63, v63;
	v1 =	vadd.f32 v1, v7;
	v7 =	vadd.f32 v15, v13  }
0x364: {  	[tilespmem:s21+$0x60] =	vst v17  }
0x365: {  	v24 =	vadd.f32 v6, v10;
	v6 =	vperm.xlane v3, v55;
	[tilespmem:s18+$0x40] =	vst v7  }
0x366: {  	v29 =	vadd.f32 v53, v50;
	v14 =	vadd.f32 v42, v14;
	v53 =	vld [tilespmem:$0x1FFE0]  }
0x367: {  	v3 =	vadd.f32 v3, v6;
	v6 =	vadd.f32 v19, v12  }
0x368: {  	v10 =	vmul.f32 v46, v46;
	v1 =	vadd.f32 v1, v14;
	v13 =	vld [tilespmem:s2+$0x70];
	v15 =	vmul.f32 v54, v54  }
0x369: {  	v14 =	vadd.f32 v46, v54;
	v45 =	vld [tilespmem:$0x1FBD0];
	[tilespmem:s16+$0x50] =	vst v6  }
0x36a: {  	v26 =	vperm.xlane v1, v55;
	v15 =	vadd.f32 v10, v15;
	v10 =	vld [tilespmem:$0x1FD50]  }
0x36b: {  	v30 =	vld [tilespmem:s18+$0x50];
	v0 =	vadd.f32 v14, v0;
	v14 =	vperm.xlane v3, v53  }
0x36c: {  	v61 =	vmul.f32 v51, v51;
	v1 =	vadd.f32 v26, v1;
	v26 =	vld [tilespmem:s19+$0x50]  }
0x36d: {  	v3 =	vadd.f32 v3, v14;
	v14 =	vmul.f32 v16, v16;
	v16 =	vadd.f32 v16, v51;
	v51 =	vld [tilespmem:$0x1FFF0]  }
0x36e: {  	v31 =	vld [tilespmem:s16+$0x60];
	v19 =	vmul.f32 v40, v40;
	v12 =	vmul.f32 v45, v45  }
0x36f: {  	v10 =	vadd.f32 v13, v10;
	v13 =	vld [tilespmem:s17+$0x60]  }
0x370: {  	v19 =	vadd.f32 v12, v19;
	v12 =	vperm.xlane v1, v53;
	_ =	sdelay $0x1  }
0x371: {  	v1 =	vadd.f32 v12, v1;
	v12 =	vadd.f32 v26, v30;
	v26 =	vperm.xlane v3, v51;
	_ =	sdelay $0x1  }
0x372: {  	v57 =	vld [tilespmem:s16+$0x70];
	[tilespmem:s18+$0x50] =	vst v12;
	v3 =	vadd.f32 v3, v26;
	v26 =	vadd.f32 v13, v31  }
0x373: {  	v50 =	vld [tilespmem:s19+$0x60]  }
0x374: {  	v62 =	vmul.f32 v17, v17;
	v63 =	vmul.f32 v10, v10;
	v31 =	vld [tilespmem:s18+$0x60];
	[tilespmem:s16+$0x60] =	vst v26  }
0x375: {  	v17 =	vadd.f32 v10, v17;
	v52 =	vld [tilespmem:$0x1FFC0]  }
0x376: {  	v14 =	vadd.f32 v14, v61;
	v46 =	vperm.xlane v1, v51;
	v30 =	vadd.f32 v63, v62;
	v58 =	vld [tilespmem:s17+$0x70]  }
0x377: {  	v8 =	vadd.f32 v59, v8;
	v16 =	vadd.f32 v17, v16  }
0x378: {  	v1 =	vadd.f32 v46, v1;
	v14 =	vadd.f32 v30, v14;
	v60 =	vld [tilespmem:$0x1FBF0]  }
0x379: {  	v30 =	vadd.f32 v0, v29;
	v0 =	vadd.f32 v16, v48;
	v59 =	vld [tilespmem:$0x1FBE0]  }
0x37a: {  	v19 =	vadd.f32 v19, v24;
	v29 =	vadd.f32 v50, v31;
	v17 =	vperm.xlane v3, v52  }
0x37b: {  	v0 =	vadd.f32 v0, v35;
	v16 =	vperm.xlane v1, v52;
	v31 =	vadd.f32 v58, v57  }
0x37c: {  	v13 =	vmul.f32 v49, v49;
	v14 =	vadd.f32 v14, v47;
	[tilespmem:s18+$0x60] =	vst v29;
	v3 =	vadd.f32 v3, v17  }
0x37d: {  	v24 =	vperm.xlane v0, v55;
	v1 =	vadd.f32 v16, v1;
	v16 =	vmul.f32 v60, v60;
	[tilespmem:s16+$0x70] =	vst v31  }
0x37e: {  	v14 =	vadd.f32 v14, v36;
	v63 =	vld [tilespmem:$0x1FC00];
	v17 =	vmul.f32 $1.302083370e-03, v3;
	v3 =	vmul.f32 v59, v59  }
0x37f: {  	v62 =	vld [tilespmem:s18+$0x70];
	v13 =	vadd.f32 v56, v13  }
0x380: {  	v61 =	vperm.xlane v14, v55;
	v16 =	vadd.f32 v3, v16;
	v3 =	vadd.f32 v0, v24;
	v24 =	vld [tilespmem:s19+$0x70]  }
0x381: {  	v13 =	vadd.f32 v15, v13;
	v1 =	vmul.f32 $1.302083370e-03, v1;
	v15 =	vmul.f32 v17, v17  }
0x382: {  	v48 =	vmul.f32 v34, v34  }
0x383: {  	v0 =	vsub.f32 v1, v15;
	v1 =	vadd.f32 v61, v14;
	v14 =	vmul.f32 v63, v63  }
0x384: {  	s20 =	sor.u32 s23, s31  }
0x385: {  	v49 =	vld [tilespmem:s20+$0x0];
	v14 =	vadd.f32 v48, v14;
	v35 =	vadd.f32 v24, v62  }
0x386: {  	v15 =	vld [tilespmem:s14+$0x0]  }
0x387: {  	v14 =	vadd.f32 v14, v16;
	v16 =	vld [tilespmem:s0+$0x0];
	[tilespmem:s18+$0x70] =	vst v35  }
0x388: {  	v24 =	vmul.f32 v21, v21;
	v21 =	vld [tilespmem:$0x1FC10]  }
0x389: {  	v50 =	vld [tilespmem:$0x1FC20]  }
0x38a: {  	v13 =	vadd.f32 v13, v8;
	v8 =	vperm.xlane v1, v53;
	_ =	sdelay $0x1  }
0x38b: {  	v1 =	vadd.f32 v8, v1  }
0x38c: {  	v8 =	vadd.f32 v19, v44;
	v19 =	vadd.f32 v25, v24;
	v57 =	vld [tilespmem:$0x1FC40]  }
0x38d: {  	v24 =	vadd.f32 v49, v15;
	v15 =	vmul.f32 v21, v21;
	v25 =	vadd.f32 v50, v21;
	v21 =	vld [tilespmem:$0x1FC30];
	_ =	sdelay $0x4  }
0x38e: {  	v56 =	vmul.f32 v21, v21;
	v43 =	vadd.f32 v57, v21;
	v21 =	vld [tilespmem:$0x1FE00];
	_ =	sdelay $0x3  }
0x38f: {  	[tilespmem:s14+$0x0] =	vst v24  }
0x390: {  	v19 =	vadd.f32 v21, v19;
	v21 =	vld [tilespmem:$0x1FE30]  }
0x391: {  	s22 =	sor.u32 s22, s31  }
0x392: {  	v54 =	vld [tilespmem:s22+$0x0];
	_ =	sdelay $0x1  }
0x393: {  	v33 =	vadd.f32 v59, v60;
	v60 =	vld [tilespmem:$0x1FC50]  }
0x394: {  	v19 =	vadd.f32 v21, v19;
	v21 =	vld [tilespmem:$0x1FC60]  }
0x395: {  	v36 =	vmul.f32 v50, v50  }
0x396: {  	v59 =	vld [tilespmem:s14+$0x10];
	v16 =	vadd.f32 v54, v16  }
0x397: {  	v36 =	vadd.f32 v36, v15;
	v15 =	vld [tilespmem:s20+$0x10]  }
0x398: {  	v58 =	vadd.f32 v45, v40;
	v49 =	vld [tilespmem:$0x1FC70];
	[tilespmem:s0+$0x0] =	vst v16  }
0x399: {  	v34 =	vadd.f32 v34, v63;
	v62 =	vmul.f32 v21, v21;
	v63 =	vadd.f32 v60, v21;
	v21 =	vld [tilespmem:$0x1FC80];
	_ =	sdelay $0x1  }
0x39a: {  	v39 =	vadd.f32 v58, v39;
	v58 =	vld [tilespmem:s14+$0x20];
	v44 =	vmul.f32 v57, v57  }
0x39b: {  	v41 =	vld [tilespmem:s0+$0x10]  }
0x39c: {  	v42 =	vadd.f32 v44, v56;
	v15 =	vadd.f32 v15, v59;
	v56 =	vld [tilespmem:$0x1FCA0]  }
0x39d: {  	v61 =	vmul.f32 v60, v60;
	v44 =	vadd.f32 v49, v21;
	v54 =	vmul.f32 v21, v21;
	v21 =	vld [tilespmem:$0x1FC90]  }
0x39e: {  	v45 =	vld [tilespmem:s22+$0x10];
	[tilespmem:s14+$0x10] =	vst v15  }
0x39f: {  	v40 =	vadd.f32 v61, v62;
	v62 =	vld [tilespmem:s20+$0x20]  }
0x3a0: {  	v19 =	vadd.f32 v32, v19  }
0x3a1: {  	v60 =	vld [tilespmem:$0x1FCC0]  }
0x3a2: {  	v13 =	vadd.f32 v13, v19;
	v19 =	vadd.f32 v56, v21;
	v57 =	vmul.f32 v21, v21;
	v21 =	vld [tilespmem:$0x1FCB0]  }
0x3a3: {  	v41 =	vadd.f32 v45, v41  }
0x3a4: {  	v47 =	vperm.xlane v3, v53;
	v25 =	vadd.f32 v43, v25;
	v43 =	vadd.f32 v62, v58  }
0x3a5: {  	[tilespmem:s0+$0x10] =	vst v41  }
0x3a6: {  	v3 =	vadd.f32 v3, v47;
	[tilespmem:s14+$0x20] =	vst v43  }
0x3a7: {  	v47 =	vmul.f32 v56, v56;
	v59 =	vmul.f32 v21, v21;
	v56 =	vadd.f32 v60, v21;
	v21 =	vld [tilespmem:$0x1FCD0];
	_ =	sdelay $0x2  }
0x3a8: {  	v61 =	vmul.f32 v60, v60  }
0x3a9: {  	v9 =	vadd.f32 v39, v9;
	v50 =	vmul.f32 v49, v49;
	v39 =	vadd.f32 v44, v63;
	v62 =	vld [tilespmem:$0x1FCE0]  }
0x3aa: {  	v44 =	vadd.f32 v61, v59;
	v60 =	vmul.f32 v21, v21;
	v61 =	vadd.f32 v27, v21;
	v21 =	vld [tilespmem:$0x1FCF0]  }
0x3ab: {  	v58 =	vld [tilespmem:s22+$0x20]  }
0x3ac: {  	v32 =	vadd.f32 v50, v54;
	v63 =	vadd.f32 v47, v57;
	v57 =	vld [tilespmem:s0+$0x20]  }
0x3ad: {  	v33 =	vadd.f32 v34, v33  }
0x3ae: {  	v32 =	vadd.f32 v32, v40;
	v19 =	vadd.f32 v56, v19;
	v59 =	vld [tilespmem:s14+$0x30]  }
0x3af: {  	v34 =	vadd.f32 v44, v63;
	v40 =	vadd.f32 v21, v62;
	v63 =	vmul.f32 v21, v21;
	v21 =	vld [tilespmem:$0x1FE10]  }
0x3b0: {  	v19 =	vadd.f32 v19, v25;
	v25 =	vld [tilespmem:s20+$0x30]  }
0x3b1: {  	v33 =	vadd.f32 v39, v33;
	v39 =	vadd.f32 v58, v57;
	_ =	sdelay $0x1  }
0x3b2: {  	[tilespmem:s0+$0x20] =	vst v39  }
0x3b3: {  	v22 =	vadd.f32 v21, v22;
	v21 =	vld [tilespmem:$0x1FE50]  }
0x3b4: {  	v25 =	vadd.f32 v25, v59  }
0x3b5: {  	v48 =	vmul.f32 v18, v18;
	v49 =	vmul.f32 v5, v5;
	v5 =	vadd.f32 v5, v18;
	v18 =	vld [tilespmem:s0+$0x30]  }
0x3b6: {  	v54 =	vld [tilespmem:s22+$0x30];
	[tilespmem:s14+$0x30] =	vst v25  }
0x3b7: {  	v58 =	vld [tilespmem:$0x1FD10]  }
0x3b8: {  	v22 =	vadd.f32 v21, v22;
	v21 =	vld [tilespmem:$0x1FD00]  }
0x3b9: {  	v36 =	vadd.f32 v42, v36;
	v50 =	vmul.f32 v7, v7;
	v7 =	vadd.f32 v12, v7;
	v57 =	vld [tilespmem:s20+$0x40]  }
0x3ba: {  	v56 =	vmul.f32 v12, v12;
	v27 =	vmul.f32 v27, v27;
	v12 =	vadd.f32 v23, v22;
	v22 =	vld [tilespmem:s14+$0x40]  }
0x3bb: {  	v46 =	vmul.f32 v62, v62;
	v34 =	vadd.f32 v34, v36;
	v18 =	vadd.f32 v54, v18  }
0x3bc: {  	v27 =	vadd.f32 v27, v60;
	v60 =	vmul.f32 v26, v26;
	v26 =	vadd.f32 v31, v26  }
0x3bd: {  	[tilespmem:s0+$0x30] =	vst v18;
	v12 =	vadd.f32 v30, v12;
	v30 =	vadd.f32 v58, v21  }
0x3be: {  	v59 =	vmul.f32 v6, v6;
	v6 =	vadd.f32 v6, v4;
	v42 =	vadd.f32 v63, v46;
	v63 =	vld [tilespmem:s22+$0x40]  }
0x3bf: {  	v30 =	vadd.f32 v61, v30;
	v61 =	vmul.f32 v31, v31;
	v31 =	vld [tilespmem:s0+$0x40];
	v22 =	vadd.f32 v57, v22  }
0x3c0: {  	v14 =	vadd.f32 v32, v14  }
0x3c1: {  	v13 =	vadd.f32 v34, v13;
	v6 =	vadd.f32 v26, v6;
	v26 =	vld [tilespmem:s14+$0x50];
	[tilespmem:s14+$0x40] =	vst v22  }
0x3c2: {  	v54 =	vmul.f32 v35, v35;
	v23 =	vadd.f32 v56, v50;
	v50 =	vmul.f32 v29, v29;
	v56 =	vld [tilespmem:s20+$0x50]  }
0x3c3: {  	v34 =	vadd.f32 v49, v48;
	v29 =	vadd.f32 v35, v29  }
0x3c4: {  	v32 =	vadd.f32 v54, v50;
	v31 =	vadd.f32 v63, v31  }
0x3c5: {  	v4 =	vmul.f32 v4, v4;
	v5 =	vadd.f32 v5, v40;
	v7 =	vadd.f32 v29, v7  }
0x3c6: {  	v45 =	vmul.f32 v58, v58;
	v12 =	vadd.f32 v19, v12;
	v19 =	vadd.f32 v32, v23;
	v23 =	vld [tilespmem:s0+$0x50];
	[tilespmem:s0+$0x40] =	vst v31  }
0x3c7: {  	v62 =	vmul.f32 v21, v21;
	v5 =	vadd.f32 v7, v5;
	v7 =	vadd.f32 v56, v26;
	v26 =	vld [tilespmem:s22+$0x50]  }
0x3c8: {  	v4 =	vadd.f32 v59, v4;
	v34 =	vadd.f32 v34, v42  }
0x3c9: {  	v49 =	vadd.f32 v45, v62;
	v48 =	vadd.f32 v61, v60;
	[tilespmem:s14+$0x50] =	vst v7  }
0x3ca: {  	v58 =	vmul.f32 v20, v20;
	v19 =	vadd.f32 v19, v34;
	v20 =	vld [tilespmem:$0x1FF50]  }
0x3cb: {  	v27 =	vadd.f32 v27, v49;
	v4 =	vadd.f32 v48, v4  }
0x3cc: {  	v5 =	vadd.f32 v5, v12;
	v23 =	vadd.f32 v26, v23  }
0x3cd: {  	v6 =	vadd.f32 v6, v30;
	v27 =	vadd.f32 v4, v27;
	v4 =	vld [tilespmem:s14+$0x60]  }
0x3ce: {  	v30 =	vmul.f32 v41, v41;
	v12 =	vadd.f32 v19, v13;
	v19 =	vmul.f32 v16, v16;
	v29 =	vld [tilespmem:s20+$0x60];
	[tilespmem:s0+$0x50] =	vst v23  }
0x3cf: {  	v21 =	vadd.f32 v20, v58;
	v20 =	vld [tilespmem:$0x1FE90]  }
0x3d0: {  	v19 =	vadd.f32 v30, v19;
	v30 =	vld [tilespmem:$0x1FF40]  }
0x3d1: {  	v60 =	vld [tilespmem:$0x1FEA0]  }
0x3d2: {  	v61 =	vld [tilespmem:$0x1FE60];
	_ =	sdelay $0x2  }
0x3d3: {  	v4 =	vadd.f32 v29, v4;
	v29 =	vld [tilespmem:s22+$0x60];
	v20 =	vadd.f32 v20, v30  }
0x3d4: {  	v59 =	vmul.f32 v18, v18;
	v18 =	vadd.f32 v18, v39;
	v21 =	vadd.f32 v60, v21  }
0x3d5: {  	v16 =	vadd.f32 v41, v16;
	v20 =	vadd.f32 v61, v20  }
0x3d6: {  	v21 =	vadd.f32 v28, v21  }
0x3d7: {  	v16 =	vadd.f32 v18, v16;
	v18 =	vadd.f32 v37, v20  }
0x3d8: {  	v20 =	vadd.f32 v38, v21;
	v21 =	vadd.f32 v29, v2  }
0x3d9: {  	[tilespmem:s14+$0x60] =	vst v4  }
0x3da: {  	v28 =	vld [tilespmem:s20+$0x70];
	[tilespmem:s0+$0x60] =	vst v21  }
0x3db: {  	v2 =	vld [tilespmem:$0x1FD20];
	_ =	sdelay $0x2  }
0x3dc: {  	v13 =	vadd.f32 v15, v24  }
0x3dd: {  	v15 =	vmul.f32 v15, v15;
	v8 =	vadd.f32 v8, v20;
	v20 =	vmul.f32 v24, v24  }
0x3de: {  	v29 =	vadd.f32 v7, v22;
	v7 =	vmul.f32 v7, v7;
	v2 =	vadd.f32 v28, v2  }
0x3df: {  	v8 =	vadd.f32 v14, v8;
	v14 =	vmul.f32 v22, v22;
	v15 =	vadd.f32 v15, v20  }
0x3e0: {  	v20 =	vmul.f32 v4, v4;
	v22 =	vmul.f32 v2, v2;
	v4 =	vadd.f32 v2, v4  }
0x3e1: {  	v57 =	vmul.f32 v43, v43;
	v30 =	vmul.f32 v39, v39;
	v24 =	vld [tilespmem:s22+$0x70];
	v7 =	vadd.f32 v7, v14  }
0x3e2: {  	v26 =	vmul.f32 v25, v25;
	v14 =	vadd.f32 v22, v20;
	v22 =	vadd.f32 v4, v29;
	v4 =	vld [tilespmem:$0x1FD30]  }
0x3e3: {  	v25 =	vadd.f32 v25, v43;
	v30 =	vadd.f32 v59, v30  }
0x3e4: {  	v26 =	vadd.f32 v26, v57;
	v9 =	vadd.f32 v9, v18  }
0x3e5: {  	v13 =	vadd.f32 v25, v13;
	v19 =	vadd.f32 v30, v19  }
0x3e6: {  	v18 =	vadd.f32 v23, v31;
	v9 =	vadd.f32 v33, v9  }
0x3e7: {  	v15 =	vadd.f32 v26, v15;
	v4 =	vadd.f32 v24, v4  }
0x3e8: {  	v20 =	vmul.f32 v23, v23;
	v7 =	vadd.f32 v14, v7;
	v14 =	vmul.f32 v31, v31  }
0x3e9: {  	v23 =	vmul.f32 v21, v21;
	v24 =	vmul.f32 v4, v4;
	v21 =	vadd.f32 v4, v21  }
0x3ea: {  	v6 =	vadd.f32 v6, v9;
	v9 =	vadd.f32 v20, v14  }
0x3eb: {  	v14 =	vadd.f32 v24, v23;
	v18 =	vadd.f32 v21, v18  }
0x3ec: {  	v8 =	vadd.f32 v27, v8;
	v13 =	vadd.f32 v22, v13  }
0x3ed: {  	v9 =	vadd.f32 v14, v9;
	v14 =	vadd.f32 v18, v16  }
0x3ee: {  	v7 =	vadd.f32 v7, v15;
	v6 =	vadd.f32 v13, v6  }
0x3ef: {  	v0 =	vmax.f32 v0, $0.0e+00;
	v9 =	vadd.f32 v9, v19;
	v5 =	vadd.f32 v14, v5  }
0x3f0: {  	v13 =	vperm.xlane v3, v51;
	v7 =	vadd.f32 v7, v8;
	v8 =	vperm.xlane v6, v55  }
0x3f1: {  	v14 =	vperm.xlane v1, v51;
	v9 =	vadd.f32 v9, v12;
	v12 =	vperm.xlane v5, v55  }
0x3f2: {  	v3 =	vadd.f32 v3, v13;
	v13 =	vperm.xlane v7, v55;
	v6 =	vadd.f32 v6, v8  }
0x3f3: {  	v1 =	vadd.f32 v14, v1;
	v8 =	vperm.xlane v9, v55;
	v5 =	vadd.f32 v5, v12  }
0x3f4: {  	v7 =	vadd.f32 v13, v7;
	v13 =	vperm.xlane v6, v53;
	v12 =	vperm.xlane v3, v52  }
0x3f5: {  	v14 =	vperm.xlane v1, v52;
	v8 =	vadd.f32 v8, v9;
	v9 =	vperm.xlane v5, v53  }
0x3f6: {  	v6 =	vadd.f32 v6, v13;
	v3 =	vadd.f32 v3, v12;
	v12 =	vperm.xlane v7, v53  }
0x3f7: {  	v1 =	vadd.f32 v14, v1;
	v13 =	vperm.xlane v8, v53;
	v5 =	vadd.f32 v5, v9  }
0x3f8: {  	v3 =	vmul.f32 $1.302083370e-03, v3;
	v7 =	vadd.f32 v12, v7;
	v9 =	vperm.xlane v6, v51  }
0x3f9: {  	v1 =	vmul.f32 $1.302083370e-03, v1;
	v8 =	vadd.f32 v13, v8;
	v12 =	vperm.xlane v5, v51  }
0x3fa: {  	v13 =	vmul.f32 v3, v3;
	v14 =	vperm.xlane v7, v51;
	v6 =	vadd.f32 v6, v9  }
0x3fb: {  	v0 =	vadd.f32 $9.999999960e-13, v0;
	v9 =	vperm.xlane v8, v51;
	v5 =	vadd.f32 v5, v12  }
0x3fc: {  	v1 =	vsub.f32 v1, v13;
	v7 =	vadd.f32 v14, v7;
	v12 =	vperm.xlane v6, v52  }
0x3fd: {  	v13 =	vshra.s32 v0, $0x1;
	v8 =	vadd.f32 v9, v8;
	v9 =	vperm.xlane v5, v52  }
0x3fe: {  	v1 =	vmax.f32 v1, $0.0e+00;
	v6 =	vadd.f32 v6, v12;
	v12 =	vperm.xlane v7, v52  }
0x3ff: {  	v1 =	vadd.f32 $9.999999960e-13, v1;
	v14 =	vperm.xlane v8, v52;
	v5 =	vadd.f32 v5, v9  }
0x400: {  	v0 =	vmul.f32 $5.000000000e-01, v0;
	v6 =	vmul.f32 $1.302083370e-03, v6;
	v7 =	vadd.f32 v12, v7  }
0x401: {  	v9 =	vmul.f32 $5.000000000e-01, v1;
	v8 =	vadd.f32 v14, v8;
	v5 =	vmul.f32 $1.302083370e-03, v5  }
0x402: {  	v12 =	vsub.s32 $0x5F3759DF, v13;
	v7 =	vmul.f32 $1.302083370e-03, v7;
	v13 =	vmul.f32 v6, v6  }
0x403: {  	v1 =	vshra.s32 v1, $0x1;
	v8 =	vmul.f32 $1.302083370e-03, v8;
	v14 =	vmul.f32 v5, v5  }
0x404: {  	v15 =	vmul.f32 v12, v0;
	v1 =	vsub.s32 $0x5F3759DF, v1;
	v7 =	vsub.f32 v7, v13  }
0x405: {  	v13 =	vmul.f32 v1, v9;
	v8 =	vsub.f32 v8, v14  }
0x406: {  	v14 =	vmul.f32 v12, v15;
	v7 =	vmax.f32 v7, $0.0e+00  }
0x407: {  	v13 =	vmul.f32 v1, v13;
	v7 =	vadd.f32 $9.999999960e-13, v7;
	v8 =	vmax.f32 v8, $0.0e+00  }
0x408: {  	v14 =	vsub.f32 $1.500000000e+00, v14;
	v8 =	vadd.f32 $9.999999960e-13, v8  }
0x409: {  	v13 =	vsub.f32 $1.500000000e+00, v13;
	v15 =	vshra.s32 v7, $0x1;
	v7 =	vmul.f32 $5.000000000e-01, v7  }
0x40a: {  	v15 =	vsub.s32 $0x5F3759DF, v15;
	v16 =	vshra.s32 v8, $0x1;
	v8 =	vmul.f32 $5.000000000e-01, v8  }
0x40b: {  	v12 =	vmul.f32 v12, v14;
	v14 =	vmul.f32 v15, v7;
	v16 =	vsub.s32 $0x5F3759DF, v16  }
0x40c: {  	v1 =	vmul.f32 v1, v13;
	v13 =	vmul.f32 v16, v8  }
0x40d: {  	v18 =	vmul.f32 v12, v0;
	v14 =	vmul.f32 v15, v14  }
0x40e: {  	v19 =	vmul.f32 v1, v9;
	v13 =	vmul.f32 v16, v13  }
0x40f: {  	v18 =	vmul.f32 v18, v12;
	v14 =	vsub.f32 $1.500000000e+00, v14  }
0x410: {  	v19 =	vmul.f32 v19, v1;
	v13 =	vsub.f32 $1.500000000e+00, v13  }
0x411: {  	v18 =	vsub.f32 $1.500000000e+00, v18;
	v14 =	vmul.f32 v15, v14  }
0x412: {  	v15 =	vsub.f32 $1.500000000e+00, v19;
	v13 =	vmul.f32 v16, v13  }
0x413: {  	v12 =	vmul.f32 v18, v12;
	v16 =	vmul.f32 v14, v7  }
0x414: {  	v1 =	vmul.f32 v15, v1;
	v15 =	vmul.f32 v13, v8  }
0x415: {  	v0 =	vmul.f32 v12, v0;
	v16 =	vmul.f32 v16, v14  }
0x416: {  	v9 =	vmul.f32 v1, v9;
	v15 =	vmul.f32 v15, v13  }
0x417: {  	v0 =	vmul.f32 v0, v12;
	v16 =	vsub.f32 $1.500000000e+00, v16  }
0x418: {  	v9 =	vmul.f32 v9, v1;
	v15 =	vsub.f32 $1.500000000e+00, v15  }
0x419: {  	[tilespmem:s26+$0x70] =	vst v11;
	v0 =	vsub.f32 $1.500000000e+00, v0;
	v11 =	vmul.f32 v16, v14  }
0x41a: {  	[tilespmem:s21+$0x70] =	vst v10;
	v9 =	vsub.f32 $1.500000000e+00, v9;
	v10 =	vmul.f32 v15, v13  }
0x41b: {  	[tilespmem:s29+$0xFFFFFF80] =	vst v17;
	v0 =	vmul.f32 v0, v12;
	v7 =	vmul.f32 v11, v7  }
0x41c: {  	[tilespmem:s29+$0x0] =	vst v3;
	v1 =	vmul.f32 v9, v1;
	v3 =	vmul.f32 v10, v8  }
0x41d: {  	[tilespmem:s30+$0xFFFFFF80] =	vst v0;
	v0 =	vmul.f32 v7, v11  }
0x41e: {  	[tilespmem:s30+$0x0] =	vst v1;
	v1 =	vmul.f32 v3, v10  }
0x41f: {  	[tilespmem:s14+$0x70] =	vst v2;
	v0 =	vsub.f32 $1.500000000e+00, v0  }
0x420: {  	s23 =	sadd.s32 $0x100, s29;
	[tilespmem:s0+$0x70] =	vst v4;
	v1 =	vsub.f32 $1.500000000e+00, v1  }
0x421: {  	[tilespmem:s23+$0xFFFFFF80] =	vst v6;
	v0 =	vmul.f32 v0, v11  }
0x422: {  	s24 =	sadd.s32 $0x100, s30;
	[tilespmem:s23+$0x0] =	vst v5;
	v1 =	vmul.f32 v1, v10  }
0x423: {  	[tilespmem:s24+$0xFFFFFF80] =	vst v0  }
0x424: {  	[tilespmem:s24+$0x0] =	vst v1  }
0x425: {  	v11 =	vld [tilespmem:$0x18800]  }
0x426: {  	v4 =	vld [tilespmem:$0x18810]  }
0x427: {  	v13 =	vld [tilespmem:$0x18820]  }
0x428: {  	v0 =	vld [tilespmem:$0x18830]  }
0x429: {  	v8 =	vld [tilespmem:$0x18840]  }
0x42a: {  	v16 =	vld [tilespmem:$0x18850]  }
0x42b: {  	v1 =	vld [tilespmem:$0x18860]  }
0x42c: {  	v7 =	vld [tilespmem:$0x18870]  }
0x42d: {  	v14 =	vld [tilespmem:$0x18880]  }
0x42e: {  	v20 =	vld [tilespmem:$0x18890]  }
0x42f: {  	v19 =	vld [tilespmem:$0x188A0]  }
0x430: {  	v17 =	vld [tilespmem:$0x188B0]  }
0x431: {  	v6 =	vld [tilespmem:$0x18B00]  }
0x432: {  	v5 =	vld [tilespmem:$0x18B10]  }
0x433: {  	v12 =	vld [tilespmem:$0x18B20]  }
0x434: {  	v2 =	vld [tilespmem:$0x18B30]  }
0x435: {  	v10 =	vld [tilespmem:$0x18B40]  }
0x436: {  	v18 =	vld [tilespmem:$0x18B50]  }
0x437: {  	s25 =	simm.s32 $0x0;
	v3 =	vld [tilespmem:$0x18B60]  }
0x438: {  	s0 =	smul.u32 $0x6000, s25;
	v9 =	vld [tilespmem:$0x18B70]  }
0x439: {  	s28 =	simm.s32 $0x19600;
	v15 =	vld [tilespmem:$0x18B80]  }
0x43a: {  	s26 =	simm.s32 $0x0;
	s0 =	sshra.s32 s0, $0x2;
	v22 =	vld [tilespmem:$0x18B90];
	s8 =	rddreg [dreg:$0x14]  }
0x43b: {  	s1 =	sand.u32 $0x380, s26;
	s29 =	simm.s32 $0x18E00;
	v30 =	vld [tilespmem:s28+$0x0];
	s0 =	sadd.s32 s0, s8  }
0x43c: {  	v26 =	vld [tilespmem:s29+$0x0];
	s0 =	sadd.s32 s1, s0  }
0x43d: {  	v23 =	vld [tilespmem:s0+$0x70]  }
0x43e: {  	v24 =	vld [tilespmem:s0+$0x420]  }
0x43f: {  	v25 =	vld [tilespmem:s0+$0x410]  }
0x440: {  	v27 =	vld [tilespmem:s0+$0x60]  }
0x441: {  	v28 =	vld [tilespmem:s0+$0x430]  }
0x442: {  	v29 =	vld [tilespmem:s0+$0x50]  }
0x443: {  	v31 =	vld [tilespmem:s0+$0x0]  }
0x444: {  	s30 =	simm.s32 $0x0;
	v45 =	vld [tilespmem:s0+$0x20]  }
0x445: {  	s1 =	smul.u32 $0x6000, s30;
	v46 =	vld [tilespmem:s0+$0x10];
	v63 =	vsub.f32 v23, v26  }
0x446: {  	v62 =	vld [tilespmem:s0+$0x40];
	v27 =	vsub.f32 v27, v26;
	v25 =	vsub.f32 v25, v26  }
0x447: {  	s2 =	simm.s32 $0x80;
	v21 =	vld [tilespmem:$0x18BA0];
	s1 =	sshra.s32 s1, $0x2;
	v28 =	vsub.f32 v28, v26;
	v24 =	vsub.f32 v24, v26  }
0x448: {  	s31 =	sand.u32 $0x380, s2;
	v47 =	vld [tilespmem:s0+$0x400];
	s1 =	sadd.s32 s1, s8;
	v29 =	vsub.f32 v29, v26;
	v31 =	vsub.f32 v31, v26  }
0x449: {  	v49 =	vld [tilespmem:s0+$0x30];
	s1 =	sadd.s32 s31, s1;
	v34 =	vsub.f32 v45, v26;
	v27 =	vmul.f32 v27, v30;
	v25 =	vmul.f32 v25, v30  }
0x44a: {  	v51 =	vld [tilespmem:s1+$0x70];
	v35 =	vsub.f32 v46, v26;
	v48 =	vmul.f32 v24, v30;
	v28 =	vmul.f32 v28, v30  }
0x44b: {  	v53 =	vld [tilespmem:s1+$0x410];
	v32 =	vsub.f32 v62, v26;
	v29 =	vmul.f32 v29, v30;
	v34 =	vmul.f32 v34, v30  }
0x44c: {  	v54 =	vld [tilespmem:s1+$0x60];
	v31 =	vmul.f32 v31, v30;
	v55 =	vmul.f32 v35, v30  }
0x44d: {  	v23 =	vld [tilespmem:$0x18BB0];
	v59 =	vmul.f32 v32, v30;
	v60 =	vmul.f32 v63, v30  }
0x44e: {  	v58 =	vld [tilespmem:s1+$0x430];
	v36 =	vsub.f32 v47, v26;
	v50 =	vmul.f32 v25, v20;
	v29 =	vmul.f32 v29, v16  }
0x44f: {  	s4 =	simm.s32 $0x18E80;
	v33 =	vld [tilespmem:s1+$0x50];
	v57 =	vsub.f32 v49, v26;
	v37 =	vmul.f32 v48, v19;
	v52 =	vmul.f32 v28, v17  }
0x450: {  	s3 =	simm.s32 $0x19680;
	v25 =	vld [tilespmem:s4+$0x0];
	v39 =	vadd.f32 v50, v22;
	v56 =	vadd.f32 v29, v18;
	v29 =	vmul.f32 v36, v30  }
0x451: {  	v24 =	vld [tilespmem:s3+$0x0];
	v34 =	vmul.f32 v34, v13;
	v31 =	vmul.f32 v31, v11;
	v37 =	vadd.f32 v37, v21  }
0x452: {  	v28 =	vld [tilespmem:s1+$0x420];
	v62 =	vmul.f32 v59, v8;
	v41 =	vadd.f32 v52, v23;
	[tilespmem:s0+$0x410] =	vst v39;
	v61 =	vmul.f32 v29, v14  }
0x453: {  	v32 =	vld [tilespmem:s1+$0x0];
	v40 =	vmul.f32 v57, v30;
	v34 =	vadd.f32 v34, v12;
	v38 =	vadd.f32 v31, v6;
	[tilespmem:s0+$0x420] =	vst v37  }
0x454: {  	v27 =	vmul.f32 v27, v1;
	v31 =	vadd.f32 v62, v10;
	[tilespmem:s0+$0x50] =	vst v56;
	v37 =	vld [tilespmem:s1+$0x40];
	v63 =	vadd.f32 v61, v15  }
0x455: {  	v42 =	vmul.f32 v55, v4;
	v36 =	vld [tilespmem:s1+$0x20];
	[tilespmem:s0+$0x430] =	vst v41;
	v26 =	vsub.f32 v51, v25;
	v30 =	vsub.f32 v54, v25  }
0x456: {  	s5 =	simm.s32 $0x2;
	v35 =	vld [tilespmem:s1+$0x10];
	v29 =	vmul.f32 v60, v7;
	v41 =	vsub.f32 v53, v25;
	v39 =	vsub.f32 v58, v25;
	[tilespmem:s0+$0x400] =	vst v63  }
.LBB2_5:
0x457: {  	s6 =	sshrl.u32 s5, $0x3;
	p0 =	sne.s32 s5, $0xF;
	s5 =	sadd.s32 $0x1, s5;
	v30 =	vmul.f32 v30, v24;
	v28 =	vsub.f32 v28, v25;
	[tilespmem:s0+$0x0] =	vst v38;
	v38 =	vmul.f32 v40, v0  }
0x458: {  	v33 =	vsub.f32 v33, v25;
	s6 =	smul.u32 $0x6000, s6;
	v40 =	vmul.f32 v41, v24;
	v41 =	vadd.f32 v42, v5;
	[tilespmem:s0+$0x20] =	vst v34  }
0x459: {  	v39 =	vmul.f32 v39, v24;
	v34 =	vsub.f32 v37, v25;
	v37 =	vld [tilespmem:s1+$0x400];
	v28 =	vmul.f32 v28, v24  }
0x45a: {  	s2 =	sadd.s32 $0x80, s2;
	s3 =	sadd.s32 $0x80, s3;
	v32 =	vsub.f32 v32, v25;
	s6 =	sshra.s32 s6, $0x2;
	v36 =	vsub.f32 v36, v25;
	v42 =	vld [tilespmem:s1+$0x30];
	v40 =	vmul.f32 v40, v20;
	[tilespmem:s0+$0x10] =	vst v41  }
0x45b: {  	s4 =	sadd.s32 $0x80, s4;
	v29 =	vadd.f32 v29, v9;
	s7 =	sand.u32 $0x380, s2;
	v41 =	vld [tilespmem:s3+$0x0];
	s6 =	sadd.s32 s6, s8;
	v35 =	vsub.f32 v35, v25;
	v28 =	vmul.f32 v28, v19  }
0x45c: {  	v33 =	vmul.f32 v33, v24;
	v43 =	vld [tilespmem:s4+$0x0];
	s6 =	sadd.s32 s7, s6;
	v36 =	vmul.f32 v36, v24;
	v40 =	vadd.f32 v40, v22;
	[tilespmem:s0+$0x40] =	vst v31  }
0x45d: {  	v38 =	vadd.f32 v38, v2;
	v39 =	vmul.f32 v39, v17;
	v31 =	vld [tilespmem:s6+$0x70];
	v44 =	vadd.f32 v28, v21;
	[tilespmem:s0+$0x70] =	vst v29  }
0x45e: {  	v33 =	vmul.f32 v33, v16;
	v28 =	vld [tilespmem:s6+$0x420];
	v29 =	vmul.f32 v36, v13;
	v36 =	vsub.f32 v37, v25;
	[tilespmem:s1+$0x410] =	vst v40  }
0x45f: {  	v27 =	vadd.f32 v27, v3;
	v32 =	vmul.f32 v32, v24;
	v37 =	vadd.f32 v39, v23;
	v45 =	vld [tilespmem:s6+$0x410];
	[tilespmem:s0+$0x30] =	vst v38  }
0x460: {  	v46 =	vmul.f32 v35, v24;
	v35 =	vadd.f32 v33, v18;
	v39 =	vld [tilespmem:s6+$0x60];
	v36 =	vmul.f32 v36, v24;
	[tilespmem:s1+$0x420] =	vst v44  }
0x461: {  	v40 =	vsub.f32 v42, v25;
	v42 =	vmul.f32 v34, v24;
	v38 =	vmul.f32 v26, v24;
	v44 =	vld [tilespmem:s6+$0x430];
	[tilespmem:s0+$0x60] =	vst v27;
	s0 =	smov.u32 s1;
	s1 =	smov.u32 s6  }
.Ltmp5:
0x462: {  	v27 =	vmul.f32 v32, v11;
	v33 =	vld [tilespmem:s1+$0x50];
	v26 =	vsub.f32 v31, v43;
	[tilespmem:s0+$0x50] =	vst v35;
	v31 =	vmul.f32 v36, v14;
	(pc) =	sbr.rel @p0 .LBB2_5-.Ltmp5, $4  }
0x463: {  	v34 =	vadd.f32 v29, v12;
	v29 =	vmul.f32 v38, v7;
	v35 =	vmul.f32 v42, v8;
	v32 =	vld [tilespmem:s1+$0x0];
	[tilespmem:s0+$0x430] =	vst v37  }
0x464: {  	v25 =	vmovc v43;
	v38 =	vadd.f32 v27, v6;
	v27 =	vmul.f32 v30, v1;
	v37 =	vld [tilespmem:s1+$0x40];
	v47 =	vadd.f32 v31, v15  }
0x465: {  	v40 =	vmul.f32 v40, v24;
	v24 =	vmovc v41;
	v31 =	vadd.f32 v35, v10;
	v36 =	vld [tilespmem:s1+$0x20];
	v30 =	vsub.f32 v39, v25  }
0x466: {  	v42 =	vmul.f32 v46, v4;
	v41 =	vsub.f32 v45, v25;
	v35 =	vld [tilespmem:s1+$0x10];
	v39 =	vsub.f32 v44, v25;
	[tilespmem:s0+$0x400] =	vst v47  }
0x467: {  	v28 =	vsub.f32 v28, v25  }
0x468: {  	v43 =	vld [tilespmem:s1+$0x400];
	v40 =	vmul.f32 v40, v0;
	v33 =	vsub.f32 v33, v25;
	v41 =	vmul.f32 v41, v24  }
0x469: {  	[tilespmem:s0+$0x0] =	vst v38;
	v44 =	vadd.f32 v42, v5;
	v45 =	vmul.f32 v39, v24;
	v32 =	vsub.f32 v32, v25  }
0x46a: {  	[tilespmem:s0+$0x20] =	vst v34;
	v37 =	vsub.f32 v37, v25;
	v28 =	vmul.f32 v28, v24;
	v48 =	vadd.f32 v40, v2  }
0x46b: {  	[tilespmem:s0+$0x40] =	vst v31;
	v20 =	vmul.f32 v41, v20;
	v36 =	vsub.f32 v36, v25;
	v17 =	vmul.f32 v45, v17  }
0x46c: {  	v31 =	vld [tilespmem:s1+$0x30];
	[tilespmem:s0+$0x10] =	vst v44;
	v19 =	vmul.f32 v28, v19;
	v28 =	vadd.f32 v29, v9;
	v29 =	vmul.f32 v33, v24  }
0x46d: {  	[tilespmem:s0+$0x30] =	vst v48;
	v20 =	vadd.f32 v20, v22;
	v22 =	vsub.f32 v43, v25;
	v47 =	vmul.f32 v36, v24  }
0x46e: {  	v17 =	vadd.f32 v17, v23;
	[tilespmem:s0+$0x70] =	vst v28;
	v19 =	vadd.f32 v19, v21;
	v21 =	vmul.f32 v32, v24  }
0x46f: {  	v46 =	vsub.f32 v35, v25;
	v16 =	vmul.f32 v29, v16;
	[tilespmem:s1+$0x410] =	vst v20;
	v20 =	vmul.f32 v22, v24  }
0x470: {  	v22 =	vadd.f32 v27, v3;
	v13 =	vmul.f32 v47, v13;
	[tilespmem:s1+$0x430] =	vst v17;
	v11 =	vmul.f32 v21, v11  }
0x471: {  	v16 =	vadd.f32 v16, v18;
	[tilespmem:s1+$0x420] =	vst v19;
	v18 =	vmul.f32 v46, v24;
	v19 =	vsub.f32 v31, v25  }
0x472: {  	v14 =	vmul.f32 v20, v14;
	[tilespmem:s0+$0x60] =	vst v22;
	v20 =	vmul.f32 v37, v24;
	v6 =	vadd.f32 v11, v6  }
0x473: {  	[tilespmem:s1+$0x50] =	vst v16;
	v4 =	vmul.f32 v18, v4;
	v11 =	vadd.f32 v13, v12;
	v12 =	vmul.f32 v19, v24  }
0x474: {  	v13 =	vmul.f32 v30, v24;
	v14 =	vadd.f32 v14, v15;
	v8 =	vmul.f32 v20, v8;
	[tilespmem:s1+$0x0] =	vst v6  }
0x475: {  	v15 =	vmul.f32 v26, v24;
	v4 =	vadd.f32 v4, v5;
	v0 =	vmul.f32 v12, v0;
	[tilespmem:s1+$0x20] =	vst v11  }
0x476: {  	v1 =	vmul.f32 v13, v1;
	[tilespmem:s1+$0x400] =	vst v14;
	v5 =	vadd.f32 v8, v10  }
0x477: {  	v7 =	vmul.f32 v15, v7;
	[tilespmem:s1+$0x10] =	vst v4;
	v0 =	vadd.f32 v0, v2  }
0x478: {  	v1 =	vadd.f32 v1, v3;
	[tilespmem:s1+$0x40] =	vst v5  }
0x479: {  	v4 =	vadd.f32 v7, v9;
	[tilespmem:s1+$0x30] =	vst v0  }
0x47a: {  	[tilespmem:s1+$0x60] =	vst v1  }
0x47b: {  	[tilespmem:s1+$0x70] =	vst v4  }
0x47c: {  	v11 =	vld [tilespmem:$0x188C0]  }
0x47d: {  	v4 =	vld [tilespmem:$0x188D0]  }
0x47e: {  	v13 =	vld [tilespmem:$0x188E0]  }
0x47f: {  	v0 =	vld [tilespmem:$0x188F0]  }
0x480: {  	v8 =	vld [tilespmem:$0x18900]  }
0x481: {  	v16 =	vld [tilespmem:$0x18910]  }
0x482: {  	v1 =	vld [tilespmem:$0x18920]  }
0x483: {  	v7 =	vld [tilespmem:$0x18930]  }
0x484: {  	v14 =	vld [tilespmem:$0x18940]  }
0x485: {  	v20 =	vld [tilespmem:$0x18950]  }
0x486: {  	v19 =	vld [tilespmem:$0x18960]  }
0x487: {  	v17 =	vld [tilespmem:$0x18970]  }
0x488: {  	v6 =	vld [tilespmem:$0x18BC0]  }
0x489: {  	v5 =	vld [tilespmem:$0x18BD0]  }
0x48a: {  	v12 =	vld [tilespmem:$0x18BE0]  }
0x48b: {  	v2 =	vld [tilespmem:$0x18BF0]  }
0x48c: {  	v10 =	vld [tilespmem:$0x18C00]  }
0x48d: {  	v18 =	vld [tilespmem:$0x18C10]  }
0x48e: {  	s29 =	simm.s32 $0x0;
	v3 =	vld [tilespmem:$0x18C20]  }
0x48f: {  	s0 =	smul.u32 $0x6000, s29;
	v9 =	vld [tilespmem:$0x18C30]  }
0x490: {  	v15 =	vld [tilespmem:$0x18C40]  }
0x491: {  	s30 =	simm.s32 $0x0;
	s2 =	simm.s32 $0x19600;
	s0 =	sshra.s32 s0, $0x2;
	v22 =	vld [tilespmem:$0x18C50]  }
0x492: {  	s3 =	simm.s32 $0x18E00;
	s0 =	sadd.s32 s0, s8;
	s1 =	sand.u32 $0x380, s30;
	v31 =	vld [tilespmem:s2+$0x0]  }
0x493: {  	v26 =	vld [tilespmem:s3+$0x0];
	s0 =	sadd.s32 s1, s0  }
0x494: {  	v23 =	vld [tilespmem:s0+$0x830]  }
0x495: {  	v24 =	vld [tilespmem:s0+$0x860]  }
0x496: {  	v25 =	vld [tilespmem:s0+$0x850]  }
0x497: {  	v27 =	vld [tilespmem:s0+$0x820]  }
0x498: {  	v28 =	vld [tilespmem:s0+$0x870]  }
0x499: {  	v29 =	vld [tilespmem:s0+$0x810]  }
0x49a: {  	v30 =	vld [tilespmem:s0+$0x440]  }
0x49b: {  	s31 =	simm.s32 $0x0;
	v51 =	vld [tilespmem:s0+$0x460]  }
0x49c: {  	s1 =	smul.u32 $0x6000, s31;
	v52 =	vld [tilespmem:s0+$0x450];
	v50 =	vsub.f32 v23, v26  }
0x49d: {  	v49 =	vld [tilespmem:s0+$0x800];
	v27 =	vsub.f32 v27, v26;
	v25 =	vsub.f32 v25, v26  }
0x49e: {  	v21 =	vld [tilespmem:$0x18C60];
	s2 =	simm.s32 $0x80;
	s1 =	sshra.s32 s1, $0x2;
	v28 =	vsub.f32 v28, v26;
	v24 =	vsub.f32 v24, v26  }
0x49f: {  	v36 =	vld [tilespmem:s0+$0x840];
	s5 =	sand.u32 $0x380, s2;
	s1 =	sadd.s32 s1, s8;
	v29 =	vsub.f32 v29, v26;
	v30 =	vsub.f32 v30, v26  }
0x4a0: {  	v38 =	vld [tilespmem:s0+$0x470];
	s1 =	sadd.s32 s5, s1;
	v34 =	vsub.f32 v51, v26;
	v27 =	vmul.f32 v27, v31;
	v25 =	vmul.f32 v25, v31  }
0x4a1: {  	v55 =	vld [tilespmem:s1+$0x830];
	v35 =	vsub.f32 v52, v26;
	v53 =	vmul.f32 v24, v31;
	v28 =	vmul.f32 v28, v31  }
0x4a2: {  	v57 =	vld [tilespmem:s1+$0x850];
	v32 =	vsub.f32 v49, v26;
	v29 =	vmul.f32 v29, v31;
	v34 =	vmul.f32 v34, v31  }
0x4a3: {  	v58 =	vld [tilespmem:s1+$0x820];
	v30 =	vmul.f32 v30, v31;
	v44 =	vmul.f32 v35, v31  }
0x4a4: {  	v23 =	vld [tilespmem:$0x18C70];
	v59 =	vmul.f32 v32, v31;
	v60 =	vmul.f32 v50, v31  }
0x4a5: {  	v47 =	vld [tilespmem:s1+$0x870];
	v36 =	vsub.f32 v36, v26;
	v54 =	vmul.f32 v25, v20;
	v29 =	vmul.f32 v29, v16  }
0x4a6: {  	s4 =	simm.s32 $0x18E80;
	v33 =	vld [tilespmem:s1+$0x810];
	v46 =	vsub.f32 v38, v26;
	v37 =	vmul.f32 v53, v19;
	v56 =	vmul.f32 v28, v17  }
0x4a7: {  	s3 =	simm.s32 $0x19680;
	v25 =	vld [tilespmem:s4+$0x0];
	v39 =	vadd.f32 v54, v22;
	v45 =	vadd.f32 v29, v18;
	v29 =	vmul.f32 v36, v31  }
0x4a8: {  	v24 =	vld [tilespmem:s3+$0x0];
	v34 =	vmul.f32 v34, v13;
	v30 =	vmul.f32 v30, v11;
	v37 =	vadd.f32 v37, v21  }
0x4a9: {  	v28 =	vld [tilespmem:s1+$0x860];
	v62 =	vmul.f32 v59, v8;
	v41 =	vadd.f32 v56, v23;
	[tilespmem:s0+$0x850] =	vst v39;
	v61 =	vmul.f32 v29, v14  }
0x4aa: {  	v32 =	vld [tilespmem:s1+$0x440];
	v40 =	vmul.f32 v46, v31;
	v35 =	vadd.f32 v34, v12;
	v38 =	vadd.f32 v30, v6;
	[tilespmem:s0+$0x860] =	vst v37  }
0x4ab: {  	v27 =	vmul.f32 v27, v1;
	v31 =	vadd.f32 v62, v10;
	[tilespmem:s0+$0x810] =	vst v45;
	v37 =	vld [tilespmem:s1+$0x800];
	v63 =	vadd.f32 v61, v15  }
0x4ac: {  	v42 =	vmul.f32 v44, v4;
	v36 =	vld [tilespmem:s1+$0x460];
	[tilespmem:s0+$0x870] =	vst v41;
	v26 =	vsub.f32 v55, v25;
	v30 =	vsub.f32 v58, v25  }
0x4ad: {  	s5 =	simm.s32 $0x2;
	v34 =	vld [tilespmem:s1+$0x450];
	v29 =	vmul.f32 v60, v7;
	v41 =	vsub.f32 v57, v25;
	v39 =	vsub.f32 v47, v25;
	[tilespmem:s0+$0x840] =	vst v63  }
.LBB2_7:
0x4ae: {  	s6 =	sshrl.u32 s5, $0x3;
	p0 =	sne.s32 s5, $0xF;
	s5 =	sadd.s32 $0x1, s5;
	v30 =	vmul.f32 v30, v24;
	v28 =	vsub.f32 v28, v25;
	[tilespmem:s0+$0x440] =	vst v38;
	v38 =	vmul.f32 v40, v0  }
0x4af: {  	v33 =	vsub.f32 v33, v25;
	s6 =	smul.u32 $0x6000, s6;
	v40 =	vmul.f32 v41, v24;
	v41 =	vadd.f32 v42, v5;
	[tilespmem:s0+$0x460] =	vst v35  }
0x4b0: {  	v39 =	vmul.f32 v39, v24;
	v35 =	vsub.f32 v37, v25;
	v37 =	vld [tilespmem:s1+$0x840];
	v28 =	vmul.f32 v28, v24  }
0x4b1: {  	s2 =	sadd.s32 $0x80, s2;
	s3 =	sadd.s32 $0x80, s3;
	v32 =	vsub.f32 v32, v25;
	s6 =	sshra.s32 s6, $0x2;
	v36 =	vsub.f32 v36, v25;
	v42 =	vld [tilespmem:s1+$0x470];
	v40 =	vmul.f32 v40, v20;
	[tilespmem:s0+$0x450] =	vst v41  }
0x4b2: {  	s4 =	sadd.s32 $0x80, s4;
	v29 =	vadd.f32 v29, v9;
	s7 =	sand.u32 $0x380, s2;
	v41 =	vld [tilespmem:s3+$0x0];
	s6 =	sadd.s32 s6, s8;
	v34 =	vsub.f32 v34, v25;
	v28 =	vmul.f32 v28, v19  }
0x4b3: {  	v33 =	vmul.f32 v33, v24;
	v43 =	vld [tilespmem:s4+$0x0];
	s6 =	sadd.s32 s7, s6;
	v36 =	vmul.f32 v36, v24;
	v40 =	vadd.f32 v40, v22;
	[tilespmem:s0+$0x800] =	vst v31  }
0x4b4: {  	v38 =	vadd.f32 v38, v2;
	v39 =	vmul.f32 v39, v17;
	v31 =	vld [tilespmem:s6+$0x830];
	v44 =	vadd.f32 v28, v21;
	[tilespmem:s0+$0x830] =	vst v29  }
0x4b5: {  	v33 =	vmul.f32 v33, v16;
	v28 =	vld [tilespmem:s6+$0x860];
	v29 =	vmul.f32 v36, v13;
	v36 =	vsub.f32 v37, v25;
	[tilespmem:s1+$0x850] =	vst v40  }
0x4b6: {  	v27 =	vadd.f32 v27, v3;
	v32 =	vmul.f32 v32, v24;
	v37 =	vadd.f32 v39, v23;
	v45 =	vld [tilespmem:s6+$0x850];
	[tilespmem:s0+$0x470] =	vst v38  }
0x4b7: {  	v46 =	vmul.f32 v34, v24;
	v34 =	vadd.f32 v33, v18;
	v39 =	vld [tilespmem:s6+$0x820];
	v36 =	vmul.f32 v36, v24;
	[tilespmem:s1+$0x860] =	vst v44  }
0x4b8: {  	v40 =	vsub.f32 v42, v25;
	v42 =	vmul.f32 v35, v24;
	v38 =	vmul.f32 v26, v24;
	v44 =	vld [tilespmem:s6+$0x870];
	[tilespmem:s0+$0x820] =	vst v27;
	s0 =	smov.u32 s1;
	s1 =	smov.u32 s6  }
.Ltmp6:
0x4b9: {  	v27 =	vmul.f32 v32, v11;
	v33 =	vld [tilespmem:s1+$0x810];
	v26 =	vsub.f32 v31, v43;
	[tilespmem:s0+$0x810] =	vst v34;
	v31 =	vmul.f32 v36, v14;
	(pc) =	sbr.rel @p0 .LBB2_7-.Ltmp6, $4  }
0x4ba: {  	v35 =	vadd.f32 v29, v12;
	v29 =	vmul.f32 v38, v7;
	v34 =	vmul.f32 v42, v8;
	v32 =	vld [tilespmem:s1+$0x440];
	[tilespmem:s0+$0x870] =	vst v37  }
0x4bb: {  	v25 =	vmovc v43;
	v38 =	vadd.f32 v27, v6;
	v27 =	vmul.f32 v30, v1;
	v37 =	vld [tilespmem:s1+$0x800];
	v47 =	vadd.f32 v31, v15  }
0x4bc: {  	v40 =	vmul.f32 v40, v24;
	v24 =	vmovc v41;
	v31 =	vadd.f32 v34, v10;
	v36 =	vld [tilespmem:s1+$0x460];
	v30 =	vsub.f32 v39, v25  }
0x4bd: {  	v42 =	vmul.f32 v46, v4;
	v41 =	vsub.f32 v45, v25;
	v34 =	vld [tilespmem:s1+$0x450];
	v39 =	vsub.f32 v44, v25;
	[tilespmem:s0+$0x840] =	vst v47  }
0x4be: {  	v28 =	vsub.f32 v28, v25  }
0x4bf: {  	v43 =	vld [tilespmem:s1+$0x840];
	v40 =	vmul.f32 v40, v0;
	v33 =	vsub.f32 v33, v25;
	v41 =	vmul.f32 v41, v24  }
0x4c0: {  	[tilespmem:s0+$0x440] =	vst v38;
	v44 =	vadd.f32 v42, v5;
	v45 =	vmul.f32 v39, v24;
	v32 =	vsub.f32 v32, v25  }
0x4c1: {  	[tilespmem:s0+$0x460] =	vst v35;
	v37 =	vsub.f32 v37, v25;
	v28 =	vmul.f32 v28, v24;
	v48 =	vadd.f32 v40, v2  }
0x4c2: {  	[tilespmem:s0+$0x800] =	vst v31;
	v20 =	vmul.f32 v41, v20;
	v36 =	vsub.f32 v36, v25;
	v17 =	vmul.f32 v45, v17  }
0x4c3: {  	v31 =	vld [tilespmem:s1+$0x470];
	[tilespmem:s0+$0x450] =	vst v44;
	v19 =	vmul.f32 v28, v19;
	v28 =	vadd.f32 v29, v9;
	v29 =	vmul.f32 v33, v24  }
0x4c4: {  	[tilespmem:s0+$0x470] =	vst v48;
	v20 =	vadd.f32 v20, v22;
	v22 =	vsub.f32 v43, v25;
	v47 =	vmul.f32 v36, v24  }
0x4c5: {  	v17 =	vadd.f32 v17, v23;
	[tilespmem:s0+$0x830] =	vst v28;
	v19 =	vadd.f32 v19, v21;
	v21 =	vmul.f32 v32, v24  }
0x4c6: {  	v46 =	vsub.f32 v34, v25;
	v16 =	vmul.f32 v29, v16;
	[tilespmem:s1+$0x850] =	vst v20;
	v20 =	vmul.f32 v22, v24  }
0x4c7: {  	v22 =	vadd.f32 v27, v3;
	v13 =	vmul.f32 v47, v13;
	[tilespmem:s1+$0x870] =	vst v17;
	v11 =	vmul.f32 v21, v11  }
0x4c8: {  	v16 =	vadd.f32 v16, v18;
	[tilespmem:s1+$0x860] =	vst v19;
	v18 =	vmul.f32 v46, v24;
	v19 =	vsub.f32 v31, v25  }
0x4c9: {  	v14 =	vmul.f32 v20, v14;
	[tilespmem:s0+$0x820] =	vst v22;
	v20 =	vmul.f32 v37, v24;
	v6 =	vadd.f32 v11, v6  }
0x4ca: {  	[tilespmem:s1+$0x810] =	vst v16;
	v4 =	vmul.f32 v18, v4;
	v11 =	vadd.f32 v13, v12;
	v12 =	vmul.f32 v19, v24  }
0x4cb: {  	v13 =	vmul.f32 v30, v24;
	v14 =	vadd.f32 v14, v15;
	v8 =	vmul.f32 v20, v8;
	[tilespmem:s1+$0x440] =	vst v6  }
0x4cc: {  	v15 =	vmul.f32 v26, v24;
	v4 =	vadd.f32 v4, v5;
	v0 =	vmul.f32 v12, v0;
	[tilespmem:s1+$0x460] =	vst v11  }
0x4cd: {  	v1 =	vmul.f32 v13, v1;
	[tilespmem:s1+$0x840] =	vst v14;
	v5 =	vadd.f32 v8, v10  }
0x4ce: {  	v7 =	vmul.f32 v15, v7;
	[tilespmem:s1+$0x450] =	vst v4;
	v0 =	vadd.f32 v0, v2  }
0x4cf: {  	v1 =	vadd.f32 v1, v3;
	[tilespmem:s1+$0x800] =	vst v5  }
0x4d0: {  	v4 =	vadd.f32 v7, v9;
	[tilespmem:s1+$0x470] =	vst v0  }
0x4d1: {  	[tilespmem:s1+$0x820] =	vst v1  }
0x4d2: {  	[tilespmem:s1+$0x830] =	vst v4  }
0x4d3: {  	v11 =	vld [tilespmem:$0x18980]  }
0x4d4: {  	v4 =	vld [tilespmem:$0x18990]  }
0x4d5: {  	v13 =	vld [tilespmem:$0x189A0]  }
0x4d6: {  	v0 =	vld [tilespmem:$0x189B0]  }
0x4d7: {  	v8 =	vld [tilespmem:$0x189C0]  }
0x4d8: {  	v16 =	vld [tilespmem:$0x189D0]  }
0x4d9: {  	v1 =	vld [tilespmem:$0x189E0]  }
0x4da: {  	v7 =	vld [tilespmem:$0x189F0]  }
0x4db: {  	v14 =	vld [tilespmem:$0x18A00]  }
0x4dc: {  	v20 =	vld [tilespmem:$0x18A10]  }
0x4dd: {  	v19 =	vld [tilespmem:$0x18A20]  }
0x4de: {  	v17 =	vld [tilespmem:$0x18A30]  }
0x4df: {  	v6 =	vld [tilespmem:$0x18C80]  }
0x4e0: {  	v5 =	vld [tilespmem:$0x18C90]  }
0x4e1: {  	v12 =	vld [tilespmem:$0x18CA0]  }
0x4e2: {  	v2 =	vld [tilespmem:$0x18CB0]  }
0x4e3: {  	v10 =	vld [tilespmem:$0x18CC0]  }
0x4e4: {  	v18 =	vld [tilespmem:$0x18CD0]  }
0x4e5: {  	s29 =	simm.s32 $0x0;
	v3 =	vld [tilespmem:$0x18CE0]  }
0x4e6: {  	s0 =	smul.u32 $0x6000, s29;
	v9 =	vld [tilespmem:$0x18CF0]  }
0x4e7: {  	v15 =	vld [tilespmem:$0x18D00]  }
0x4e8: {  	s30 =	simm.s32 $0x0;
	s2 =	simm.s32 $0x19600;
	s0 =	sshra.s32 s0, $0x2;
	v22 =	vld [tilespmem:$0x18D10]  }
0x4e9: {  	s3 =	simm.s32 $0x18E00;
	s0 =	sadd.s32 s0, s8;
	s1 =	sand.u32 $0x380, s30;
	v31 =	vld [tilespmem:s2+$0x0]  }
0x4ea: {  	v26 =	vld [tilespmem:s3+$0x0];
	s0 =	sadd.s32 s1, s0  }
0x4eb: {  	v23 =	vld [tilespmem:s0+$0xC70]  }
0x4ec: {  	v24 =	vld [tilespmem:s0+$0x1020]  }
0x4ed: {  	v25 =	vld [tilespmem:s0+$0x1010]  }
0x4ee: {  	v27 =	vld [tilespmem:s0+$0xC60]  }
0x4ef: {  	v28 =	vld [tilespmem:s0+$0x1030]  }
0x4f0: {  	v29 =	vld [tilespmem:s0+$0xC50]  }
0x4f1: {  	v30 =	vld [tilespmem:s0+$0xC00]  }
0x4f2: {  	s31 =	simm.s32 $0x0;
	v51 =	vld [tilespmem:s0+$0xC20]  }
0x4f3: {  	s1 =	smul.u32 $0x6000, s31;
	v52 =	vld [tilespmem:s0+$0xC10];
	v50 =	vsub.f32 v23, v26  }
0x4f4: {  	v49 =	vld [tilespmem:s0+$0xC40];
	v27 =	vsub.f32 v27, v26;
	v25 =	vsub.f32 v25, v26  }
0x4f5: {  	v21 =	vld [tilespmem:$0x18D20];
	s2 =	simm.s32 $0x80;
	s1 =	sshra.s32 s1, $0x2;
	v28 =	vsub.f32 v28, v26;
	v24 =	vsub.f32 v24, v26  }
0x4f6: {  	v36 =	vld [tilespmem:s0+$0x1000];
	s5 =	sand.u32 $0x380, s2;
	s1 =	sadd.s32 s1, s8;
	v29 =	vsub.f32 v29, v26;
	v30 =	vsub.f32 v30, v26  }
0x4f7: {  	v38 =	vld [tilespmem:s0+$0xC30];
	s1 =	sadd.s32 s5, s1;
	v34 =	vsub.f32 v51, v26;
	v27 =	vmul.f32 v27, v31;
	v25 =	vmul.f32 v25, v31  }
0x4f8: {  	v55 =	vld [tilespmem:s1+$0xC70];
	v35 =	vsub.f32 v52, v26;
	v53 =	vmul.f32 v24, v31;
	v28 =	vmul.f32 v28, v31  }
0x4f9: {  	v57 =	vld [tilespmem:s1+$0x1010];
	v32 =	vsub.f32 v49, v26;
	v29 =	vmul.f32 v29, v31;
	v34 =	vmul.f32 v34, v31  }
0x4fa: {  	v58 =	vld [tilespmem:s1+$0xC60];
	v30 =	vmul.f32 v30, v31;
	v44 =	vmul.f32 v35, v31  }
0x4fb: {  	v23 =	vld [tilespmem:$0x18D30];
	v59 =	vmul.f32 v32, v31;
	v60 =	vmul.f32 v50, v31  }
0x4fc: {  	v47 =	vld [tilespmem:s1+$0x1030];
	v36 =	vsub.f32 v36, v26;
	v54 =	vmul.f32 v25, v20;
	v29 =	vmul.f32 v29, v16  }
0x4fd: {  	s4 =	simm.s32 $0x18E80;
	v33 =	vld [tilespmem:s1+$0xC50];
	v46 =	vsub.f32 v38, v26;
	v37 =	vmul.f32 v53, v19;
	v56 =	vmul.f32 v28, v17  }
0x4fe: {  	s3 =	simm.s32 $0x19680;
	v25 =	vld [tilespmem:s4+$0x0];
	v39 =	vadd.f32 v54, v22;
	v45 =	vadd.f32 v29, v18;
	v29 =	vmul.f32 v36, v31  }
0x4ff: {  	v24 =	vld [tilespmem:s3+$0x0];
	v34 =	vmul.f32 v34, v13;
	v30 =	vmul.f32 v30, v11;
	v37 =	vadd.f32 v37, v21  }
0x500: {  	v28 =	vld [tilespmem:s1+$0x1020];
	v62 =	vmul.f32 v59, v8;
	v41 =	vadd.f32 v56, v23;
	[tilespmem:s0+$0x1010] =	vst v39;
	v61 =	vmul.f32 v29, v14  }
0x501: {  	v32 =	vld [tilespmem:s1+$0xC00];
	v40 =	vmul.f32 v46, v31;
	v35 =	vadd.f32 v34, v12;
	v38 =	vadd.f32 v30, v6;
	[tilespmem:s0+$0x1020] =	vst v37  }
0x502: {  	v27 =	vmul.f32 v27, v1;
	v31 =	vadd.f32 v62, v10;
	[tilespmem:s0+$0xC50] =	vst v45;
	v37 =	vld [tilespmem:s1+$0xC40];
	v63 =	vadd.f32 v61, v15  }
0x503: {  	v42 =	vmul.f32 v44, v4;
	v36 =	vld [tilespmem:s1+$0xC20];
	[tilespmem:s0+$0x1030] =	vst v41;
	v26 =	vsub.f32 v55, v25;
	v30 =	vsub.f32 v58, v25  }
0x504: {  	s5 =	simm.s32 $0x2;
	v34 =	vld [tilespmem:s1+$0xC10];
	v29 =	vmul.f32 v60, v7;
	v41 =	vsub.f32 v57, v25;
	v39 =	vsub.f32 v47, v25;
	[tilespmem:s0+$0x1000] =	vst v63  }
.LBB2_9:
0x505: {  	s6 =	sshrl.u32 s5, $0x3;
	p0 =	sne.s32 s5, $0xF;
	s5 =	sadd.s32 $0x1, s5;
	v30 =	vmul.f32 v30, v24;
	v28 =	vsub.f32 v28, v25;
	[tilespmem:s0+$0xC00] =	vst v38;
	v38 =	vmul.f32 v40, v0  }
0x506: {  	v33 =	vsub.f32 v33, v25;
	s6 =	smul.u32 $0x6000, s6;
	v40 =	vmul.f32 v41, v24;
	v41 =	vadd.f32 v42, v5;
	[tilespmem:s0+$0xC20] =	vst v35  }
0x507: {  	v39 =	vmul.f32 v39, v24;
	v35 =	vsub.f32 v37, v25;
	v37 =	vld [tilespmem:s1+$0x1000];
	v28 =	vmul.f32 v28, v24  }
0x508: {  	s2 =	sadd.s32 $0x80, s2;
	s3 =	sadd.s32 $0x80, s3;
	v32 =	vsub.f32 v32, v25;
	s6 =	sshra.s32 s6, $0x2;
	v36 =	vsub.f32 v36, v25;
	v42 =	vld [tilespmem:s1+$0xC30];
	v40 =	vmul.f32 v40, v20;
	[tilespmem:s0+$0xC10] =	vst v41  }
0x509: {  	s4 =	sadd.s32 $0x80, s4;
	v29 =	vadd.f32 v29, v9;
	s7 =	sand.u32 $0x380, s2;
	v41 =	vld [tilespmem:s3+$0x0];
	s6 =	sadd.s32 s6, s8;
	v34 =	vsub.f32 v34, v25;
	v28 =	vmul.f32 v28, v19  }
0x50a: {  	v33 =	vmul.f32 v33, v24;
	v43 =	vld [tilespmem:s4+$0x0];
	s6 =	sadd.s32 s7, s6;
	v36 =	vmul.f32 v36, v24;
	v40 =	vadd.f32 v40, v22;
	[tilespmem:s0+$0xC40] =	vst v31  }
0x50b: {  	v38 =	vadd.f32 v38, v2;
	v39 =	vmul.f32 v39, v17;
	v31 =	vld [tilespmem:s6+$0xC70];
	v44 =	vadd.f32 v28, v21;
	[tilespmem:s0+$0xC70] =	vst v29  }
0x50c: {  	v33 =	vmul.f32 v33, v16;
	v28 =	vld [tilespmem:s6+$0x1020];
	v29 =	vmul.f32 v36, v13;
	v36 =	vsub.f32 v37, v25;
	[tilespmem:s1+$0x1010] =	vst v40  }
0x50d: {  	v27 =	vadd.f32 v27, v3;
	v32 =	vmul.f32 v32, v24;
	v37 =	vadd.f32 v39, v23;
	v45 =	vld [tilespmem:s6+$0x1010];
	[tilespmem:s0+$0xC30] =	vst v38  }
0x50e: {  	v46 =	vmul.f32 v34, v24;
	v34 =	vadd.f32 v33, v18;
	v39 =	vld [tilespmem:s6+$0xC60];
	v36 =	vmul.f32 v36, v24;
	[tilespmem:s1+$0x1020] =	vst v44  }
0x50f: {  	v40 =	vsub.f32 v42, v25;
	v42 =	vmul.f32 v35, v24;
	v38 =	vmul.f32 v26, v24;
	v44 =	vld [tilespmem:s6+$0x1030];
	[tilespmem:s0+$0xC60] =	vst v27;
	s0 =	smov.u32 s1;
	s1 =	smov.u32 s6  }
.Ltmp7:
0x510: {  	v27 =	vmul.f32 v32, v11;
	v33 =	vld [tilespmem:s1+$0xC50];
	v26 =	vsub.f32 v31, v43;
	[tilespmem:s0+$0xC50] =	vst v34;
	v31 =	vmul.f32 v36, v14;
	(pc) =	sbr.rel @p0 .LBB2_9-.Ltmp7, $4  }
0x511: {  	v35 =	vadd.f32 v29, v12;
	v29 =	vmul.f32 v38, v7;
	v34 =	vmul.f32 v42, v8;
	v32 =	vld [tilespmem:s1+$0xC00];
	[tilespmem:s0+$0x1030] =	vst v37  }
0x512: {  	v25 =	vmovc v43;
	v38 =	vadd.f32 v27, v6;
	v27 =	vmul.f32 v30, v1;
	v37 =	vld [tilespmem:s1+$0xC40];
	v47 =	vadd.f32 v31, v15  }
0x513: {  	v40 =	vmul.f32 v40, v24;
	v24 =	vmovc v41;
	v31 =	vadd.f32 v34, v10;
	v36 =	vld [tilespmem:s1+$0xC20];
	v30 =	vsub.f32 v39, v25  }
0x514: {  	v42 =	vmul.f32 v46, v4;
	v41 =	vsub.f32 v45, v25;
	v34 =	vld [tilespmem:s1+$0xC10];
	v39 =	vsub.f32 v44, v25;
	[tilespmem:s0+$0x1000] =	vst v47  }
0x515: {  	v28 =	vsub.f32 v28, v25  }
0x516: {  	v43 =	vld [tilespmem:s1+$0x1000];
	v40 =	vmul.f32 v40, v0;
	v33 =	vsub.f32 v33, v25;
	v41 =	vmul.f32 v41, v24  }
0x517: {  	[tilespmem:s0+$0xC00] =	vst v38;
	v44 =	vadd.f32 v42, v5;
	v45 =	vmul.f32 v39, v24;
	v32 =	vsub.f32 v32, v25  }
0x518: {  	[tilespmem:s0+$0xC20] =	vst v35;
	v37 =	vsub.f32 v37, v25;
	v28 =	vmul.f32 v28, v24;
	v48 =	vadd.f32 v40, v2  }
0x519: {  	[tilespmem:s0+$0xC40] =	vst v31;
	v20 =	vmul.f32 v41, v20;
	v36 =	vsub.f32 v36, v25;
	v17 =	vmul.f32 v45, v17  }
0x51a: {  	v31 =	vld [tilespmem:s1+$0xC30];
	[tilespmem:s0+$0xC10] =	vst v44;
	v19 =	vmul.f32 v28, v19;
	v28 =	vadd.f32 v29, v9;
	v29 =	vmul.f32 v33, v24  }
0x51b: {  	[tilespmem:s0+$0xC30] =	vst v48;
	v20 =	vadd.f32 v20, v22;
	v22 =	vsub.f32 v43, v25;
	v47 =	vmul.f32 v36, v24  }
0x51c: {  	v17 =	vadd.f32 v17, v23;
	[tilespmem:s0+$0xC70] =	vst v28;
	v19 =	vadd.f32 v19, v21;
	v21 =	vmul.f32 v32, v24  }
0x51d: {  	v46 =	vsub.f32 v34, v25;
	v16 =	vmul.f32 v29, v16;
	[tilespmem:s1+$0x1010] =	vst v20;
	v20 =	vmul.f32 v22, v24  }
0x51e: {  	v22 =	vadd.f32 v27, v3;
	v13 =	vmul.f32 v47, v13;
	[tilespmem:s1+$0x1030] =	vst v17;
	v11 =	vmul.f32 v21, v11  }
0x51f: {  	v16 =	vadd.f32 v16, v18;
	[tilespmem:s1+$0x1020] =	vst v19;
	v18 =	vmul.f32 v46, v24;
	v19 =	vsub.f32 v31, v25  }
0x520: {  	v14 =	vmul.f32 v20, v14;
	[tilespmem:s0+$0xC60] =	vst v22;
	v20 =	vmul.f32 v37, v24;
	v6 =	vadd.f32 v11, v6  }
0x521: {  	[tilespmem:s1+$0xC50] =	vst v16;
	v4 =	vmul.f32 v18, v4;
	v11 =	vadd.f32 v13, v12;
	v12 =	vmul.f32 v19, v24  }
0x522: {  	v13 =	vmul.f32 v30, v24;
	v14 =	vadd.f32 v14, v15;
	v8 =	vmul.f32 v20, v8;
	[tilespmem:s1+$0xC00] =	vst v6  }
0x523: {  	v15 =	vmul.f32 v26, v24;
	v4 =	vadd.f32 v4, v5;
	v0 =	vmul.f32 v12, v0;
	[tilespmem:s1+$0xC20] =	vst v11  }
0x524: {  	v1 =	vmul.f32 v13, v1;
	[tilespmem:s1+$0x1000] =	vst v14;
	v5 =	vadd.f32 v8, v10  }
0x525: {  	v7 =	vmul.f32 v15, v7;
	[tilespmem:s1+$0xC10] =	vst v4;
	v0 =	vadd.f32 v0, v2  }
0x526: {  	v1 =	vadd.f32 v1, v3;
	[tilespmem:s1+$0xC40] =	vst v5  }
0x527: {  	v4 =	vadd.f32 v7, v9;
	[tilespmem:s1+$0xC30] =	vst v0  }
0x528: {  	[tilespmem:s1+$0xC60] =	vst v1  }
0x529: {  	[tilespmem:s1+$0xC70] =	vst v4  }
0x52a: {  	v11 =	vld [tilespmem:$0x18A40]  }
0x52b: {  	v7 =	vld [tilespmem:$0x18A50]  }
0x52c: {  	v13 =	vld [tilespmem:$0x18A60]  }
0x52d: {  	v0 =	vld [tilespmem:$0x18A70]  }
0x52e: {  	v8 =	vld [tilespmem:$0x18A80]  }
0x52f: {  	v16 =	vld [tilespmem:$0x18A90]  }
0x530: {  	v1 =	vld [tilespmem:$0x18AA0]  }
0x531: {  	v4 =	vld [tilespmem:$0x18AB0]  }
0x532: {  	v14 =	vld [tilespmem:$0x18AC0]  }
0x533: {  	v20 =	vld [tilespmem:$0x18AD0]  }
0x534: {  	v19 =	vld [tilespmem:$0x18AE0]  }
0x535: {  	v17 =	vld [tilespmem:$0x18AF0]  }
0x536: {  	v6 =	vld [tilespmem:$0x18D40]  }
0x537: {  	v5 =	vld [tilespmem:$0x18D50]  }
0x538: {  	v12 =	vld [tilespmem:$0x18D60]  }
0x539: {  	v2 =	vld [tilespmem:$0x18D70]  }
0x53a: {  	v10 =	vld [tilespmem:$0x18D80]  }
0x53b: {  	v18 =	vld [tilespmem:$0x18D90]  }
0x53c: {  	s29 =	simm.s32 $0x0;
	v3 =	vld [tilespmem:$0x18DA0]  }
0x53d: {  	s0 =	smul.u32 $0x6000, s29;
	v9 =	vld [tilespmem:$0x18DB0]  }
0x53e: {  	v15 =	vld [tilespmem:$0x18DC0]  }
0x53f: {  	s30 =	simm.s32 $0x0;
	s2 =	simm.s32 $0x19600;
	s0 =	sshra.s32 s0, $0x2;
	v22 =	vld [tilespmem:$0x18DD0]  }
0x540: {  	s3 =	simm.s32 $0x18E00;
	s0 =	sadd.s32 s0, s8;
	s1 =	sand.u32 $0x380, s30;
	v31 =	vld [tilespmem:s2+$0x0]  }
0x541: {  	v26 =	vld [tilespmem:s3+$0x0];
	s0 =	sadd.s32 s1, s0  }
0x542: {  	v23 =	vld [tilespmem:s0+$0x1430]  }
0x543: {  	v24 =	vld [tilespmem:s0+$0x1460]  }
0x544: {  	v25 =	vld [tilespmem:s0+$0x1450]  }
0x545: {  	v27 =	vld [tilespmem:s0+$0x1420]  }
0x546: {  	v28 =	vld [tilespmem:s0+$0x1470]  }
0x547: {  	v29 =	vld [tilespmem:s0+$0x1410]  }
0x548: {  	v30 =	vld [tilespmem:s0+$0x1040]  }
0x549: {  	s31 =	simm.s32 $0x0;
	v51 =	vld [tilespmem:s0+$0x1060]  }
0x54a: {  	s1 =	smul.u32 $0x6000, s31;
	v52 =	vld [tilespmem:s0+$0x1050];
	v50 =	vsub.f32 v23, v26  }
0x54b: {  	v49 =	vld [tilespmem:s0+$0x1400];
	v27 =	vsub.f32 v27, v26;
	v25 =	vsub.f32 v25, v26  }
0x54c: {  	v21 =	vld [tilespmem:$0x18DE0];
	s2 =	simm.s32 $0x80;
	s1 =	sshra.s32 s1, $0x2;
	v28 =	vsub.f32 v28, v26;
	v24 =	vsub.f32 v24, v26  }
0x54d: {  	v36 =	vld [tilespmem:s0+$0x1440];
	s5 =	sand.u32 $0x380, s2;
	s1 =	sadd.s32 s1, s8;
	v29 =	vsub.f32 v29, v26;
	v30 =	vsub.f32 v30, v26  }
0x54e: {  	v38 =	vld [tilespmem:s0+$0x1070];
	s1 =	sadd.s32 s5, s1;
	v34 =	vsub.f32 v51, v26;
	v27 =	vmul.f32 v27, v31;
	v25 =	vmul.f32 v25, v31  }
0x54f: {  	v55 =	vld [tilespmem:s1+$0x1430];
	v35 =	vsub.f32 v52, v26;
	v53 =	vmul.f32 v24, v31;
	v28 =	vmul.f32 v28, v31  }
0x550: {  	v57 =	vld [tilespmem:s1+$0x1450];
	v32 =	vsub.f32 v49, v26;
	v29 =	vmul.f32 v29, v31;
	v34 =	vmul.f32 v34, v31  }
0x551: {  	v58 =	vld [tilespmem:s1+$0x1420];
	v30 =	vmul.f32 v30, v31;
	v44 =	vmul.f32 v35, v31  }
0x552: {  	v23 =	vld [tilespmem:$0x18DF0];
	v59 =	vmul.f32 v32, v31;
	v60 =	vmul.f32 v50, v31  }
0x553: {  	v47 =	vld [tilespmem:s1+$0x1470];
	v36 =	vsub.f32 v36, v26;
	v54 =	vmul.f32 v25, v20;
	v29 =	vmul.f32 v29, v16  }
0x554: {  	s4 =	simm.s32 $0x18E80;
	v33 =	vld [tilespmem:s1+$0x1410];
	v46 =	vsub.f32 v38, v26;
	v37 =	vmul.f32 v53, v19;
	v56 =	vmul.f32 v28, v17  }
0x555: {  	s3 =	simm.s32 $0x19680;
	v25 =	vld [tilespmem:s4+$0x0];
	v39 =	vadd.f32 v54, v22;
	v45 =	vadd.f32 v29, v18;
	v29 =	vmul.f32 v36, v31  }
0x556: {  	v24 =	vld [tilespmem:s3+$0x0];
	v34 =	vmul.f32 v34, v13;
	v30 =	vmul.f32 v30, v11;
	v37 =	vadd.f32 v37, v21  }
0x557: {  	v28 =	vld [tilespmem:s1+$0x1460];
	v62 =	vmul.f32 v59, v8;
	v41 =	vadd.f32 v56, v23;
	[tilespmem:s0+$0x1450] =	vst v39;
	v61 =	vmul.f32 v29, v14  }
0x558: {  	v32 =	vld [tilespmem:s1+$0x1040];
	v40 =	vmul.f32 v46, v31;
	v35 =	vadd.f32 v34, v12;
	v38 =	vadd.f32 v30, v6;
	[tilespmem:s0+$0x1460] =	vst v37  }
0x559: {  	v27 =	vmul.f32 v27, v1;
	v31 =	vadd.f32 v62, v10;
	[tilespmem:s0+$0x1410] =	vst v45;
	v37 =	vld [tilespmem:s1+$0x1400];
	v63 =	vadd.f32 v61, v15  }
0x55a: {  	v42 =	vmul.f32 v44, v7;
	v36 =	vld [tilespmem:s1+$0x1060];
	[tilespmem:s0+$0x1470] =	vst v41;
	v26 =	vsub.f32 v55, v25;
	v30 =	vsub.f32 v58, v25  }
0x55b: {  	s5 =	simm.s32 $0x2;
	v34 =	vld [tilespmem:s1+$0x1050];
	v29 =	vmul.f32 v60, v4;
	v41 =	vsub.f32 v57, v25;
	v39 =	vsub.f32 v47, v25;
	[tilespmem:s0+$0x1440] =	vst v63  }
.LBB2_11:
0x55c: {  	s6 =	sshrl.u32 s5, $0x3;
	p0 =	sne.s32 s5, $0xF;
	s5 =	sadd.s32 $0x1, s5;
	v30 =	vmul.f32 v30, v24;
	v28 =	vsub.f32 v28, v25;
	[tilespmem:s0+$0x1040] =	vst v38;
	v38 =	vmul.f32 v40, v0  }
0x55d: {  	v33 =	vsub.f32 v33, v25;
	s6 =	smul.u32 $0x6000, s6;
	v40 =	vmul.f32 v41, v24;
	v41 =	vadd.f32 v42, v5;
	[tilespmem:s0+$0x1060] =	vst v35  }
0x55e: {  	v39 =	vmul.f32 v39, v24;
	v35 =	vsub.f32 v37, v25;
	v37 =	vld [tilespmem:s1+$0x1440];
	v28 =	vmul.f32 v28, v24  }
0x55f: {  	s2 =	sadd.s32 $0x80, s2;
	s3 =	sadd.s32 $0x80, s3;
	v32 =	vsub.f32 v32, v25;
	s6 =	sshra.s32 s6, $0x2;
	v36 =	vsub.f32 v36, v25;
	v42 =	vld [tilespmem:s1+$0x1070];
	v40 =	vmul.f32 v40, v20;
	[tilespmem:s0+$0x1050] =	vst v41  }
0x560: {  	s4 =	sadd.s32 $0x80, s4;
	v29 =	vadd.f32 v29, v9;
	s7 =	sand.u32 $0x380, s2;
	v41 =	vld [tilespmem:s3+$0x0];
	s6 =	sadd.s32 s6, s8;
	v34 =	vsub.f32 v34, v25;
	v28 =	vmul.f32 v28, v19  }
0x561: {  	v33 =	vmul.f32 v33, v24;
	v43 =	vld [tilespmem:s4+$0x0];
	s6 =	sadd.s32 s7, s6;
	v36 =	vmul.f32 v36, v24;
	v40 =	vadd.f32 v40, v22;
	[tilespmem:s0+$0x1400] =	vst v31  }
0x562: {  	v38 =	vadd.f32 v38, v2;
	v39 =	vmul.f32 v39, v17;
	v31 =	vld [tilespmem:s6+$0x1430];
	v44 =	vadd.f32 v28, v21;
	[tilespmem:s0+$0x1430] =	vst v29  }
0x563: {  	v33 =	vmul.f32 v33, v16;
	v28 =	vld [tilespmem:s6+$0x1460];
	v29 =	vmul.f32 v36, v13;
	v36 =	vsub.f32 v37, v25;
	[tilespmem:s1+$0x1450] =	vst v40  }
0x564: {  	v27 =	vadd.f32 v27, v3;
	v32 =	vmul.f32 v32, v24;
	v37 =	vadd.f32 v39, v23;
	v45 =	vld [tilespmem:s6+$0x1450];
	[tilespmem:s0+$0x1070] =	vst v38  }
0x565: {  	v46 =	vmul.f32 v34, v24;
	v34 =	vadd.f32 v33, v18;
	v39 =	vld [tilespmem:s6+$0x1420];
	v36 =	vmul.f32 v36, v24;
	[tilespmem:s1+$0x1460] =	vst v44  }
0x566: {  	v40 =	vsub.f32 v42, v25;
	v42 =	vmul.f32 v35, v24;
	v38 =	vmul.f32 v26, v24;
	v44 =	vld [tilespmem:s6+$0x1470];
	[tilespmem:s0+$0x1420] =	vst v27;
	s0 =	smov.u32 s1;
	s1 =	smov.u32 s6  }
.Ltmp8:
0x567: {  	v27 =	vmul.f32 v32, v11;
	v33 =	vld [tilespmem:s1+$0x1410];
	v26 =	vsub.f32 v31, v43;
	[tilespmem:s0+$0x1410] =	vst v34;
	v31 =	vmul.f32 v36, v14;
	(pc) =	sbr.rel @p0 .LBB2_11-.Ltmp8, $4  }
0x568: {  	v35 =	vadd.f32 v29, v12;
	v29 =	vmul.f32 v38, v4;
	v34 =	vmul.f32 v42, v8;
	v32 =	vld [tilespmem:s1+$0x1040];
	[tilespmem:s0+$0x1470] =	vst v37  }
0x569: {  	v25 =	vmovc v43;
	v38 =	vadd.f32 v27, v6;
	v27 =	vmul.f32 v30, v1;
	v37 =	vld [tilespmem:s1+$0x1400];
	v47 =	vadd.f32 v31, v15  }
0x56a: {  	v40 =	vmul.f32 v40, v24;
	v24 =	vmovc v41;
	v31 =	vadd.f32 v34, v10;
	v36 =	vld [tilespmem:s1+$0x1060];
	v30 =	vsub.f32 v39, v25  }
0x56b: {  	v42 =	vmul.f32 v46, v7;
	v41 =	vsub.f32 v45, v25;
	v34 =	vld [tilespmem:s1+$0x1050];
	v39 =	vsub.f32 v44, v25;
	[tilespmem:s0+$0x1440] =	vst v47  }
0x56c: {  	v28 =	vsub.f32 v28, v25;
	v43 =	vld [tilespmem:s1+$0x1440]  }
0x56d: {  	v40 =	vmul.f32 v40, v0;
	v33 =	vsub.f32 v33, v25;
	v44 =	vadd.f32 v29, v9  }
0x56e: {  	[tilespmem:s0+$0x1040] =	vst v38;
	v53 =	vadd.f32 v27, v3;
	v41 =	vmul.f32 v41, v24;
	v63 =	vadd.f32 v42, v5  }
0x56f: {  	[tilespmem:s0+$0x1060] =	vst v35;
	v42 =	vmul.f32 v39, v24;
	v32 =	vsub.f32 v32, v25;
	v37 =	vsub.f32 v37, v25  }
0x570: {  	[tilespmem:s0+$0x1400] =	vst v31;
	v28 =	vmul.f32 v28, v24;
	v45 =	vmul.f32 v33, v24;
	v50 =	vadd.f32 v40, v2  }
0x571: {  	[tilespmem:s0+$0x1430] =	vst v44;
	v20 =	vmul.f32 v41, v20;
	v17 =	vmul.f32 v42, v17;
	v46 =	vsub.f32 v43, v25  }
0x572: {  	v47 =	vld [tilespmem:s1+$0x1070];
	[tilespmem:s0+$0x1420] =	vst v53;
	v36 =	vsub.f32 v36, v25;
	v52 =	vmul.f32 v32, v24;
	v19 =	vmul.f32 v28, v19  }
0x573: {  	[tilespmem:s0+$0x1050] =	vst v63;
	v48 =	vsub.f32 v34, v25;
	v20 =	vadd.f32 v20, v22;
	v51 =	vmul.f32 v46, v24  }
0x574: {  	v16 =	vmul.f32 v45, v16;
	[tilespmem:s0+$0x1070] =	vst v50;
	v56 =	vmul.f32 v37, v24;
	v17 =	vadd.f32 v17, v23  }
0x575: {  	v49 =	vmul.f32 v36, v24;
	v19 =	vadd.f32 v19, v21;
	[tilespmem:s1+$0x1450] =	vst v20;
	v14 =	vmul.f32 v51, v14  }
0x576: {  	v11 =	vmul.f32 v52, v11;
	v16 =	vadd.f32 v16, v18;
	v54 =	vmul.f32 v48, v24;
	[tilespmem:s1+$0x1470] =	vst v17  }
0x577: {  	v55 =	vsub.f32 v47, v25;
	v13 =	vmul.f32 v49, v13;
	[tilespmem:s1+$0x1460] =	vst v19;
	v14 =	vadd.f32 v14, v15  }
0x578: {  	v57 =	vmul.f32 v26, v24;
	v6 =	vadd.f32 v11, v6;
	[tilespmem:s1+$0x1410] =	vst v16;
	v7 =	vmul.f32 v54, v7  }
0x579: {  	v8 =	vmul.f32 v56, v8;
	v59 =	vmul.f32 v55, v24;
	v58 =	vadd.f32 v13, v12;
	[tilespmem:s1+$0x1440] =	vst v14  }
0x57a: {  	v60 =	vmul.f32 v30, v24;
	v4 =	vmul.f32 v57, v4;
	v61 =	vadd.f32 v7, v5;
	s7 =	rddreg [dreg:$0x12];
	[tilespmem:s1+$0x1040] =	vst v6  }
0x57b: {  	v62 =	vadd.f32 v8, v10;
	v63 =	vmul.f32 v59, v0;
	[tilespmem:s1+$0x1060] =	vst v58;
	s26 =	sshll.u32 s7, $0x9  }
0x57c: {  	v1 =	vmul.f32 v60, v1;
	v4 =	vadd.f32 v4, v9;
	s2 =	rddreg [dreg:$0x9];
	[tilespmem:s1+$0x1050] =	vst v61;
	s0 =	sand.u32 $0x1800, s26  }
0x57d: {  	v0 =	vadd.f32 v63, v2;
	s28 =	rddreg [dreg:$0x15];
	[tilespmem:s1+$0x1400] =	vst v62;
	s0 =	sor.u32 s2, s0  }
0x57e: {  	v1 =	vadd.f32 v1, v3;
	[tilespmem:s1+$0x1430] =	vst v4;
	s0 =	sor.u32 s28, s0  }
0x57f: {  	s31 =	sadd.s32 $0xFFFFFFFE, s7;
	[tilespmem:s1+$0x1070] =	vst v0;
	s0 =	sshrl.u32 s0, $0x3  }
0x580: {  	s29 =	rddreg [dreg:$0x5];
	[tilespmem:s1+$0x1420] =	vst v1;
	p0 =	sgt.u32 s31, $0xB;
	s0 =	smul.u32 $0x300, s0  }
.Ltmp9:
0x581: {  	s1 =	rddreg [dreg:$0x13];
	(pc) =	sbr.rel @!p0 .LBB2_13-.Ltmp9, $4  }
0x582: {  	s30 =	simm.s32 $0x0;
	s1 =	sadd.s32 $0x5, s1;
	s0 =	sadd.s32 s29, s0  }
0x583: {  	[hbm4b:s0+s30] =	stream.linear.scatter [tilespmem:s8], [sflag:s1], $0x3000, $0x38;
	[tilespmem:$0x19E00] =	vst v63  }
0x584: {  	s1 =	sadd.s32 $0x2, s7  }
0x585: {  	s0 =	sand.u32 $0x3, s1  }
0x586: {  	p0 =	sgt.u32 s7, $0x1  }
.Ltmp10:
0x587: {  	_ = 	snop;
	(pc) =	sbr.rel @p0 .LBB2_16-.Ltmp10, $4  }
.Ltmp11:
0x588: {  	_ = 	snop;
	(pc) =	sbr.rel @!p0 .LBB2_15-.Ltmp11, $4  }
0x589: {  	_ = 	snop  }
0x58a: {  	_ = 	snop  }
0x58b: {  	s2 =	simm.s32 $0x0  }
0x58c: {  	_ = 	snop  }
.LBB2_18:
0x58d: {  	_ =	sfence.sel $0x180000  }
0x58e: {  	[bflag:$0x0] =	sbarrier.arrive $0xFFFF  }
0x58f: {  	_ =	strace $0x90000047  }
0x590: {  	s0 =	stileid.u32;
	[bflag:$0x2] =	sbarrier.arrive $0xFFFF  }
0x591: {  	p0 =	sne.s32 s0, $0x0;
	s0 =	rddreg [dreg:$0x6]  }
0x592: {  	s0 =	sadd.s32 @!p0 $0x100000, s0  }
0x593: {  	[sflag:s0] =	ssyncadd.tile.s32 @!p0 $0x1;
	_ =	shalt  }
.Lfunc_end2:
_tile_overlayer_lowered:
.L_overlay_start_2:
0x594: {  	(tag) =	ssettag $0x2  }
0x595: {  	s0 =	rddreg [dreg:$0x0];
	s2 =	stileid.u32  }
0x596: {  	s1 =	rddreg [dreg:$0x1];
	p0 =	sne.s32 s2, $0x0  }
0x597: {  	s3 =	rddreg [dreg:$0x2];
	[bflag:$0x3] =	sbarrier.arrive $0xFFFF;
	s2 =	simm.s32 @!p0 $0x1C0A  }
0x598: {  	[timem:s3], [sflag:s2] =	dma.local @!p0 [hbm:s0], s1  }
0x599: {  	s0 =	simm.s32 @!p0 $0xA  }
0x59a: {  	_ =	swait.ge @!p0 [sflag:s0], s1  }
0x59b: {  	s1 =	ssub.s32 @!p0 $0x0, s1;
	[sflag:s0] =	ssyncset.done @!p0 $0x0  }
0x59c: {  	[sflag:s0] =	ssyncadd.s32 @!p0 s1  }
0x59d: {  	[bflag:$0x3] =	sbarrier.arrive $0xFFFF  }
0x59e: {  	_ =	shalt  }

</sc_bundles>
